<compile_context>
chip_gen: v7x
topology: tpu7x:2x2x1
jax: 0.10.2.dev20260603
libtpu: 0.0.44.dev20260713+nightly
codegen_flags: <defaults>
</compile_context>

<pallas_src>
import functools

import jax
import jax.numpy as jnp
from jax import lax
from jax.experimental import pallas as pl
from jax.experimental.pallas import tpu as pltpu
from jax.experimental.pallas import tpu_sc as plsc

B, L, TOPK, NUM_RBF, MAXREL = 4, 1024, 14, 16, 32
ROWS = 256
ROWSF = 512
NCLS = 2 * MAXREL + 2
KPAD = 512
NI = B * L * TOPK



def _topk_kernel(dist_ref, idx_ref, d_ref, gflat_ref, cflat_ref):
    f32 = jnp.float32
    Dadj = dist_ref[0]
    lane_f = jax.lax.broadcasted_iota(
        jnp.int32, (ROWS, L), 1).astype(f32)
    INF = f32(jnp.inf)

    bb = pl.program_id(0)
    r = pl.program_id(1)
    rowg = jax.lax.broadcasted_iota(jnp.int32, (ROWS, 1), 0) + r * ROWS
    base = (bb * L + rowg) * L

    for k in range(TOPK):
        m = jnp.min(Dadj, axis=1, keepdims=True)
        cand = jnp.where(Dadj == m, lane_f, f32(L))
        idx = jnp.min(cand, axis=1, keepdims=True)
        sel = lane_f == idx
        Dadj = jnp.where(sel, INF, Dadj)
        idx_i = idx.astype(jnp.int32)
        idx_ref[0, :, k] = idx_i[:, 0]
        d_ref[0, :, k] = m[:, 0]
        gflat_ref[0, :, k] = (base + idx_i)[:, 0]
        cflat_ref[0, :, k] = (bb * L + idx_i)[:, 0]


def _run_topk(dist_ca):
    grid = (B, L // ROWS)
    out3 = lambda dt: jax.ShapeDtypeStruct((B, L, TOPK), dt)
    spec3 = pl.BlockSpec((1, ROWS, TOPK), lambda b, r: (b, r, 0))
    return pl.pallas_call(
        _topk_kernel,
        grid=grid,
        in_specs=[pl.BlockSpec((1, ROWS, L), lambda b, r: (b, r, 0))],
        out_specs=[spec3, spec3, spec3, spec3],
        out_shape=[out3(jnp.int32), out3(jnp.float32),
                   out3(jnp.int32), out3(jnp.int32)],
    )(dist_ca)



def _run_sc_gather(om_f, th_f, ph_f, ch_f, gflat, cflat):
    info = plsc.get_sparse_core_info()
    NW = info.num_cores * info.num_subcores
    per_w = NI // NW
    mesh = plsc.VectorSubcoreMesh(core_axis_name="c", subcore_axis_name="s")
    fdt = jnp.float32

    @functools.partial(
        pl.kernel, mesh=mesh,
        out_type=[jax.ShapeDtypeStruct((NI,), fdt),
                  jax.ShapeDtypeStruct((NI,), fdt),
                  jax.ShapeDtypeStruct((NI,), fdt),
                  jax.ShapeDtypeStruct((NI,), jnp.int32)],
        scratch_types=[pltpu.VMEM((per_w,), jnp.int32),
                       pltpu.VMEM((per_w,), jnp.int32),
                       pltpu.VMEM((per_w,), fdt),
                       pltpu.VMEM((per_w,), fdt),
                       pltpu.VMEM((per_w,), fdt),
                       pltpu.VMEM((per_w,), jnp.int32),
                       pltpu.SemaphoreType.DMA],
    )
    def k(om_hbm, th_hbm, ph_hbm, ch_hbm, gi_hbm, ci_hbm,
          o1_hbm, o2_hbm, o3_hbm, o4_hbm,
          gi_v, ci_v, r1, r2, r3, r4, sem):
        wid = lax.axis_index("s") * info.num_cores + lax.axis_index("c")
        base = wid * per_w
        sl = pl.ds(base, per_w)
        pltpu.sync_copy(gi_hbm.at[sl], gi_v)
        pltpu.sync_copy(ci_hbm.at[sl], ci_v)
        pltpu.async_copy(om_hbm.at[gi_v], r1, sem).wait()
        pltpu.async_copy(th_hbm.at[gi_v], r2, sem).wait()
        pltpu.async_copy(ph_hbm.at[gi_v], r3, sem).wait()
        pltpu.async_copy(ch_hbm.at[ci_v], r4, sem).wait()
        pltpu.sync_copy(r1, o1_hbm.at[sl])
        pltpu.sync_copy(r2, o2_hbm.at[sl])
        pltpu.sync_copy(r3, o3_hbm.at[sl])
        pltpu.sync_copy(r4, o4_hbm.at[sl])

    return k(om_f, th_f, ph_f, ch_f, gflat, cflat)



def _feat_kernel(d_ref, om_ref, th_ref, ph_ref, cj_ref, idx_ref, ch_q_ref,
                 pe_W_ref, pe_b_ref, ee_W_ref, ln_g_ref, ln_b_ref, E_ref):
    f32 = jnp.float32

    ang = jnp.concatenate([om_ref[0], th_ref[0], ph_ref[0]], axis=1)
    cos_all = jnp.cos(ang)
    sin_all = jnp.sin(ang)
    d_nb = d_ref[0]
    cj_all = cj_ref[0]
    idx_all = idx_ref[0]

    pe_W = pe_W_ref[...]
    ee_W = ee_W_ref[...]
    t_parts = [
        jnp.dot(pe_W, ee_W[16 * n:16 * n + 16, :],
                preferred_element_type=f32)
        for n in range(7)
    ]
    t_parts.append(ee_W[112:128, :])
    t_parts.append(jnp.zeros((KPAD - 7 * NCLS - NUM_RBF, 128), f32))
    Tcat = jnp.concatenate(t_parts, axis=0)

    Wsum = (ee_W[0:16, :] + ee_W[16:32, :] + ee_W[32:48, :] + ee_W[48:64, :]
            + ee_W[64:80, :] + ee_W[80:96, :] + ee_W[96:112, :])
    bias_row = jnp.dot(pe_b_ref[...], Wsum, preferred_element_type=f32)

    r = pl.program_id(1)
    qpos = (jax.lax.broadcasted_iota(jnp.int32, (ROWSF, 1), 0)
            + r * ROWSF)
    ch_q = ch_q_ref[0]
    cls_iota = jax.lax.broadcasted_iota(jnp.int32, (ROWSF, NCLS), 1)
    D_mu = 2.0 + jax.lax.broadcasted_iota(
        jnp.int32, (1, NUM_RBF), 1).astype(f32) * (20.0 / (NUM_RBF - 1))
    D_sigma = f32((22.0 - 2.0) / NUM_RBF)
    ln_g = ln_g_ref[...]
    ln_b = ln_b_ref[...]

    for k in range(TOPK):
        e_ch = ch_q == cj_all[:, k:k + 1]
        oh_parts = []
        for n in range(7):
            if n == 0:
                val = qpos - idx_all[:, k:k + 1]
            else:
                a, fn = divmod(n - 1, 2)
                src = cos_all if fn == 0 else sin_all
                val = src[:, 14 * a + k:14 * a + k + 1].astype(jnp.int32)
            d_n = jnp.clip(val + MAXREL, 0, 2 * MAXREL)
            d_n = jnp.where(e_ch, d_n, 2 * MAXREL + 1)
            oh_parts.append((cls_iota == d_n).astype(f32))
        rbf = jnp.exp(-(((d_nb[:, k:k + 1] - D_mu) / D_sigma) ** 2))
        oh_parts.append(rbf)
        oh_parts.append(jnp.zeros((ROWSF, KPAD - 7 * NCLS - NUM_RBF), f32))
        oh = jnp.concatenate(oh_parts, axis=1)

        Ek = jnp.dot(oh, Tcat, preferred_element_type=f32) + bias_row
        mu = jnp.mean(Ek, axis=1, keepdims=True)
        xc = Ek - mu
        var = jnp.mean(xc * xc, axis=1, keepdims=True)
        Ek = xc * jax.lax.rsqrt(var + 1e-5) * ln_g + ln_b
        E_ref[0, :, k, :] = Ek


def _run_feat(d_nb, g_om, g_th, g_ph, g_cj, E_idx, ch_q,
              pe_W, pe_b2, ee_W, ln_g2, ln_b2):
    grid = (B, L // ROWSF)
    spec3 = pl.BlockSpec((1, ROWSF, TOPK), lambda b, r: (b, r, 0))
    qcol = pl.BlockSpec((1, ROWSF, 1), lambda b, r: (b, r, 0))

    def full2(s):
        return pl.BlockSpec(s, lambda b, r: (0, 0))

    return pl.pallas_call(
        _feat_kernel,
        grid=grid,
        in_specs=[spec3, spec3, spec3, spec3, spec3, spec3, qcol,
                  full2((66, 16)), full2((1, 16)), full2((128, 128)),
                  full2((1, 128)), full2((1, 128))],
        out_specs=[
            pl.BlockSpec((1, ROWSF, TOPK, 128), lambda b, r: (b, r, 0, 0)),
        ],
        out_shape=[
            jax.ShapeDtypeStruct((B, L, TOPK, 128), jnp.float32),
        ],
    )(d_nb, g_om, g_th, g_ph, g_cj, E_idx, ch_q,
      pe_W, pe_b2, ee_W, ln_g2, ln_b2)


def kernel(dist_ca, omega, theta, phi, dihedral, mask, S, chain_M,
           residue_idx, chain_encoding_all, pe_W, pe_b, ee_W, ln_g, ln_b):
    del dihedral, mask, S, chain_M, residue_idx

    E_idx, d_nb, gflat, cflat = _run_topk(dist_ca)

    g_om, g_th, g_ph, g_cj = _run_sc_gather(
        omega.reshape(B * L * L),
        theta.reshape(B * L * L),
        phi.reshape(B * L * L),
        chain_encoding_all.reshape(B * L),
        gflat.reshape(NI), cflat.reshape(NI))

    E, = _run_feat(
        d_nb,
        g_om.reshape(B, L, TOPK), g_th.reshape(B, L, TOPK),
        g_ph.reshape(B, L, TOPK), g_cj.reshape(B, L, TOPK),
        E_idx,
        chain_encoding_all.reshape(B, L, 1),
        pe_W, pe_b.reshape(1, NUM_RBF), ee_W,
        ln_g.reshape(1, 128), ln_b.reshape(1, 128))
    return (E, E_idx)

# --- scband reference (transcript-rebuilt; emitter-appended) ---
"""Pipeline reference for scband-protein-mpnn-57260503990987 (READ-ONLY COPY).

The authoritative reference and input builder live on the scoring server;
editing this copy changes nothing except your own understanding.
"""

import jax, jax.numpy as jnp
import numpy as np

B, L, TOPK, NUM_RBF, MAXREL = 4, 1024, 14, 16, 32

def setup_inputs(seed: int = 0):
    key = jax.random.key(seed)
    ks = jax.random.split(key, 10)
    dist_ca = jax.random.uniform(ks[0], (B, L, L), dtype=jnp.float32)
    omega = jax.random.normal(ks[1], (B, L, L), dtype=jnp.float32)
    theta = jax.random.normal(ks[2], (B, L, L), dtype=jnp.float32)
    phi = jax.random.normal(ks[3], (B, L, L), dtype=jnp.float32)
    dihedral = jax.random.normal(ks[4], (B, L, 3), dtype=jnp.float32)
    mask = jnp.ones((B, L, L), dtype=jnp.float32)
    S = jax.random.randint(ks[5], (B, L), 0, 21)
    chain_M = jnp.ones((B, L), dtype=jnp.float32)
    residue_idx = jnp.arange(B * L, dtype=jnp.int32).reshape(B, L)
    chain_encoding_all = jax.random.randint(ks[6], (B, L), 0, 4)
    pe_W = jax.random.normal(ks[7], (2 * MAXREL + 2, 16), dtype=jnp.float32) * 0.1
    pe_b = jnp.zeros((16,), dtype=jnp.float32)
    ee_W = jax.random.normal(ks[8], (128, 128), dtype=jnp.float32) * 0.05
    ln_g = jnp.ones((128,), dtype=jnp.float32)
    ln_b = jnp.zeros((128,), dtype=jnp.float32)
    return {"dist_ca": dist_ca, "omega": omega, "theta": theta, "phi": phi, "dihedral": dihedral, "mask": mask, "S": S, "chain_M": chain_M, "residue_idx": residue_idx, "chain_encoding_all": chain_encoding_all, "pe_W": pe_W, "pe_b": pe_b, "ee_W": ee_W, "ln_g": ln_g, "ln_b": ln_b}

def gather_edges(X, E_idx):
    # X: [B, L, L], E_idx: [B, L, K] -> [B, L, K]
    return jnp.take_along_axis(X, E_idx, axis=2)

def reference(dist_ca, omega, theta, phi, dihedral, mask, S, chain_M, residue_idx, chain_encoding_all, pe_W, pe_b, ee_W, ln_g, ln_b):
    # _dist: masked distances, smallest-k neighbors (k = min(32, 14) = 14)
    D = mask * dist_ca
    D_max = jnp.max(D, axis=-1, keepdims=True)
    D_adjust = D + (1.0 - mask) * D_max
    neg_vals, E_idx = jax.lax.top_k(-D_adjust, TOPK)
    D_neighbors = -neg_vals
    # relative position offsets and angular edge features
    offset = (residue_idx[:, :, None] - residue_idx[:, None, :]).astype(jnp.float32)
    edge_list = [offset, jnp.cos(omega), jnp.sin(omega), jnp.cos(theta), jnp.sin(theta), jnp.cos(phi), jnp.sin(phi)]
    edge_s = jnp.concatenate([gather_edges(X, E_idx) for X in edge_list], axis=0)  # [7B, L, K]
    d_chains = (chain_encoding_all[:, :, None] - chain_encoding_all[:, None, :] == 0).astype(jnp.int32)
    E_chains = gather_edges(d_chains, E_idx)
    E_chains = jnp.tile(E_chains, (7, 1, 1))  # [7B, L, K]
    # PositionalEncodings
    d = jnp.clip(edge_s.astype(jnp.int32) + MAXREL, 0, 2 * MAXREL) * E_chains + (1 - E_chains) * (2 * MAXREL + 1)
    d_onehot = jax.nn.one_hot(d, 2 * MAXREL + 2, dtype=jnp.float32)  # [7B, L, K, 66]
    E_positional = d_onehot @ pe_W + pe_b  # [7B, L, K, 16]
    # rearrange '(n b) l t c -> b l t (n c)', n=7
    Ep = E_positional.reshape(7, B, L, TOPK, 16)
    Ep = jnp.transpose(Ep, (1, 2, 3, 0, 4)).reshape(B, L, TOPK, 7 * 16)
    # RBF features
    D_mu = jnp.linspace(2.0, 22.0, NUM_RBF).reshape(1, 1, 1, -1)
    D_sigma = (22.0 - 2.0) / NUM_RBF
    RBF_all = jnp.exp(-(((D_neighbors[..., None] - D_mu) / D_sigma) ** 2))  # [B, L, K, 16]
    E = jnp.concatenate([Ep, RBF_all], axis=-1)  # [B, L, K, 128]
    E = E @ ee_W  # edge_embedding, no bias
    mu = jnp.mean(E, axis=-1, keepdims=True)
    var = jnp.var(E, axis=-1, keepdims=True)
    E = (E - mu) / jnp.sqrt(var + 1e-5) * ln_g + ln_b
    return (E, E_idx)

if __name__ == "__main__":
    import jax
    _d = setup_inputs()
    print(jax.jit(kernel)(*tuple(_d.values())))

</pallas_src>

<mosaic_0001>
#map = affine_map<(d0, d1) -> (0)>
module attributes {stable_mosaic.version = 14 : i64} {
  func.func @k(%arg0: i32, %arg1: i32, %arg2: memref<4194304xf32, #tpu.memory_space<hbm>>, %arg3: memref<4194304xf32, #tpu.memory_space<hbm>>, %arg4: memref<4194304xf32, #tpu.memory_space<hbm>>, %arg5: memref<4096xi32, #tpu.memory_space<hbm>>, %arg6: memref<57344xi32, #tpu.memory_space<hbm>>, %arg7: memref<57344xi32, #tpu.memory_space<hbm>>, %arg8: memref<57344xf32, #tpu.memory_space<hbm>>, %arg9: memref<57344xf32, #tpu.memory_space<hbm>>, %arg10: memref<57344xf32, #tpu.memory_space<hbm>>, %arg11: memref<57344xi32, #tpu.memory_space<hbm>>, %arg12: memref<1792xi32, #tpu.memory_space<vmem>>, %arg13: memref<1792xi32, #tpu.memory_space<vmem>>, %arg14: memref<1792xf32, #tpu.memory_space<vmem>>, %arg15: memref<1792xf32, #tpu.memory_space<vmem>>, %arg16: memref<1792xf32, #tpu.memory_space<vmem>>, %arg17: memref<1792xi32, #tpu.memory_space<vmem>>, %arg18: memref<!tpu.dma_semaphore, #tpu.memory_space<semaphore_mem>>) attributes {dimension_semantics = [#tpu.dimension_semantics<core_parallel>, #tpu.dimension_semantics<subcore_parallel>], iteration_bounds = array<i64: 2, 16>, scalar_prefetch = 0 : i64, scratch_operands = 7 : i64, tpu.core_type = #tpu.core_type<sc_vector_subcore>, window_params = [{transform_indices = #map}, {transform_indices = #map}, {transform_indices = #map}, {transform_indices = #map}, {transform_indices = #map}, {transform_indices = #map}, {transform_indices = #map}, {transform_indices = #map}, {transform_indices = #map}, {transform_indices = #map}]} {
    %mul3A = arith.constant 2 : i32
    %mul3A_0 = arith.muli %arg1, %mul3A : i32
    %add3A = arith.addi %mul3A_0, %arg0 : i32
    %mul3A_1 = arith.constant 1792 : i32
    %mul3A_2 = arith.muli %add3A, %mul3A_1 : i32
    "tpu.region"() ({
      %run_scoped3A = tpu.sem_alloc : memref<!tpu.dma_semaphore, #tpu.memory_space<semaphore_mem>>
      %dma_start3A_17 = tpu.memref_slice %arg6[%mul3A_2] : memref<57344xi32, #tpu.memory_space<hbm>> -> memref<1792xi32, #tpu.memory_space<hbm>>
      %dma_start3A_18 = tpu.memref_slice %arg6[%mul3A_2] : memref<57344xi32, #tpu.memory_space<hbm>> -> memref<1792xi32, #tpu.memory_space<hbm>>
      tpu.enqueue_dma source(%dma_start3A_18 : memref<1792xi32, #tpu.memory_space<hbm>>) target(%arg12 : memref<1792xi32, #tpu.memory_space<vmem>>) target_semaphore(%run_scoped3A : memref<!tpu.dma_semaphore, #tpu.memory_space<semaphore_mem>>)
      %dma_wait3A_19 = tpu.memref_slice %arg6[%mul3A_2] : memref<57344xi32, #tpu.memory_space<hbm>> -> memref<1792xi32, #tpu.memory_space<hbm>>
      %dma_wait3A_20 = tpu.memref_slice %arg6[%mul3A_2] : memref<57344xi32, #tpu.memory_space<hbm>> -> memref<1792xi32, #tpu.memory_space<hbm>>
      tpu.wait_dma2 semaphore(%run_scoped3A : memref<!tpu.dma_semaphore, #tpu.memory_space<semaphore_mem>>) src(%dma_wait3A_20 : memref<1792xi32, #tpu.memory_space<hbm>>) dst(%arg12 : memref<1792xi32, #tpu.memory_space<vmem>>)
      tpu.yield
    }) : () -> ()
    "tpu.region"() ({
      %run_scoped3A = tpu.sem_alloc : memref<!tpu.dma_semaphore, #tpu.memory_space<semaphore_mem>>
      %dma_start3A_17 = tpu.memref_slice %arg7[%mul3A_2] : memref<57344xi32, #tpu.memory_space<hbm>> -> memref<1792xi32, #tpu.memory_space<hbm>>
      %dma_start3A_18 = tpu.memref_slice %arg7[%mul3A_2] : memref<57344xi32, #tpu.memory_space<hbm>> -> memref<1792xi32, #tpu.memory_space<hbm>>
      tpu.enqueue_dma source(%dma_start3A_18 : memref<1792xi32, #tpu.memory_space<hbm>>) target(%arg13 : memref<1792xi32, #tpu.memory_space<vmem>>) target_semaphore(%run_scoped3A : memref<!tpu.dma_semaphore, #tpu.memory_space<semaphore_mem>>)
      %dma_wait3A_19 = tpu.memref_slice %arg7[%mul3A_2] : memref<57344xi32, #tpu.memory_space<hbm>> -> memref<1792xi32, #tpu.memory_space<hbm>>
      %dma_wait3A_20 = tpu.memref_slice %arg7[%mul3A_2] : memref<57344xi32, #tpu.memory_space<hbm>> -> memref<1792xi32, #tpu.memory_space<hbm>>
      tpu.wait_dma2 semaphore(%run_scoped3A : memref<!tpu.dma_semaphore, #tpu.memory_space<semaphore_mem>>) src(%dma_wait3A_20 : memref<1792xi32, #tpu.memory_space<hbm>>) dst(%arg13 : memref<1792xi32, #tpu.memory_space<vmem>>)
      tpu.yield
    }) : () -> ()
    %dma_start3A = arith.constant 0 : i32
    %dma_start3A_3 = tpu.memref_slice %arg2[%dma_start3A] : memref<4194304xf32, #tpu.memory_space<hbm>> -> memref<4194304xf32, #tpu.memory_space<hbm>>
    tpu.enqueue_indirect_dma source(%dma_start3A_3 : memref<4194304xf32, #tpu.memory_space<hbm>>) target(%arg14 : memref<1792xf32, #tpu.memory_space<vmem>>) offsets(%arg12 : memref<1792xi32, #tpu.memory_space<vmem>>) semaphore(%arg18 : memref<!tpu.dma_semaphore, #tpu.memory_space<semaphore_mem>>)
    %dma_wait3A = arith.constant 0 : i32
    %dma_wait3A_4 = tpu.memref_slice %arg2[%dma_wait3A] : memref<4194304xf32, #tpu.memory_space<hbm>> -> memref<4194304xf32, #tpu.memory_space<hbm>>
    tpu.wait_indirect_dma semaphore(%arg18 : memref<!tpu.dma_semaphore, #tpu.memory_space<semaphore_mem>>) src(%dma_wait3A_4 : memref<4194304xf32, #tpu.memory_space<hbm>>) dst(%arg14 : memref<1792xf32, #tpu.memory_space<vmem>>)
    %dma_start3A_5 = arith.constant 0 : i32
    %dma_start3A_6 = tpu.memref_slice %arg3[%dma_start3A_5] : memref<4194304xf32, #tpu.memory_space<hbm>> -> memref<4194304xf32, #tpu.memory_space<hbm>>
    tpu.enqueue_indirect_dma source(%dma_start3A_6 : memref<4194304xf32, #tpu.memory_space<hbm>>) target(%arg15 : memref<1792xf32, #tpu.memory_space<vmem>>) offsets(%arg12 : memref<1792xi32, #tpu.memory_space<vmem>>) semaphore(%arg18 : memref<!tpu.dma_semaphore, #tpu.memory_space<semaphore_mem>>)
    %dma_wait3A_7 = arith.constant 0 : i32
    %dma_wait3A_8 = tpu.memref_slice %arg3[%dma_wait3A_7] : memref<4194304xf32, #tpu.memory_space<hbm>> -> memref<4194304xf32, #tpu.memory_space<hbm>>
    tpu.wait_indirect_dma semaphore(%arg18 : memref<!tpu.dma_semaphore, #tpu.memory_space<semaphore_mem>>) src(%dma_wait3A_8 : memref<4194304xf32, #tpu.memory_space<hbm>>) dst(%arg15 : memref<1792xf32, #tpu.memory_space<vmem>>)
    %dma_start3A_9 = arith.constant 0 : i32
    %dma_start3A_10 = tpu.memref_slice %arg4[%dma_start3A_9] : memref<4194304xf32, #tpu.memory_space<hbm>> -> memref<4194304xf32, #tpu.memory_space<hbm>>
    tpu.enqueue_indirect_dma source(%dma_start3A_10 : memref<4194304xf32, #tpu.memory_space<hbm>>) target(%arg16 : memref<1792xf32, #tpu.memory_space<vmem>>) offsets(%arg12 : memref<1792xi32, #tpu.memory_space<vmem>>) semaphore(%arg18 : memref<!tpu.dma_semaphore, #tpu.memory_space<semaphore_mem>>)
    %dma_wait3A_11 = arith.constant 0 : i32
    %dma_wait3A_12 = tpu.memref_slice %arg4[%dma_wait3A_11] : memref<4194304xf32, #tpu.memory_space<hbm>> -> memref<4194304xf32, #tpu.memory_space<hbm>>
    tpu.wait_indirect_dma semaphore(%arg18 : memref<!tpu.dma_semaphore, #tpu.memory_space<semaphore_mem>>) src(%dma_wait3A_12 : memref<4194304xf32, #tpu.memory_space<hbm>>) dst(%arg16 : memref<1792xf32, #tpu.memory_space<vmem>>)
    %dma_start3A_13 = arith.constant 0 : i32
    %dma_start3A_14 = tpu.memref_slice %arg5[%dma_start3A_13] : memref<4096xi32, #tpu.memory_space<hbm>> -> memref<4096xi32, #tpu.memory_space<hbm>>
    tpu.enqueue_indirect_dma source(%dma_start3A_14 : memref<4096xi32, #tpu.memory_space<hbm>>) target(%arg17 : memref<1792xi32, #tpu.memory_space<vmem>>) offsets(%arg13 : memref<1792xi32, #tpu.memory_space<vmem>>) semaphore(%arg18 : memref<!tpu.dma_semaphore, #tpu.memory_space<semaphore_mem>>)
    %dma_wait3A_15 = arith.constant 0 : i32
    %dma_wait3A_16 = tpu.memref_slice %arg5[%dma_wait3A_15] : memref<4096xi32, #tpu.memory_space<hbm>> -> memref<4096xi32, #tpu.memory_space<hbm>>
    tpu.wait_indirect_dma semaphore(%arg18 : memref<!tpu.dma_semaphore, #tpu.memory_space<semaphore_mem>>) src(%dma_wait3A_16 : memref<4096xi32, #tpu.memory_space<hbm>>) dst(%arg17 : memref<1792xi32, #tpu.memory_space<vmem>>)
    "tpu.region"() ({
      %run_scoped3A = tpu.sem_alloc : memref<!tpu.dma_semaphore, #tpu.memory_space<semaphore_mem>>
      %dma_start3A_17 = tpu.memref_slice %arg8[%mul3A_2] : memref<57344xf32, #tpu.memory_space<hbm>> -> memref<1792xf32, #tpu.memory_space<hbm>>
      %dma_start3A_18 = tpu.memref_slice %arg8[%mul3A_2] : memref<57344xf32, #tpu.memory_space<hbm>> -> memref<1792xf32, #tpu.memory_space<hbm>>
      tpu.enqueue_dma source(%arg14 : memref<1792xf32, #tpu.memory_space<vmem>>) target(%dma_start3A_18 : memref<1792xf32, #tpu.memory_space<hbm>>) target_semaphore(%run_scoped3A : memref<!tpu.dma_semaphore, #tpu.memory_space<semaphore_mem>>)
      %dma_wait3A_19 = tpu.memref_slice %arg8[%mul3A_2] : memref<57344xf32, #tpu.memory_space<hbm>> -> memref<1792xf32, #tpu.memory_space<hbm>>
      %dma_wait3A_20 = tpu.memref_slice %arg8[%mul3A_2] : memref<57344xf32, #tpu.memory_space<hbm>> -> memref<1792xf32, #tpu.memory_space<hbm>>
      tpu.wait_dma2 semaphore(%run_scoped3A : memref<!tpu.dma_semaphore, #tpu.memory_space<semaphore_mem>>) src(%arg14 : memref<1792xf32, #tpu.memory_space<vmem>>) dst(%dma_wait3A_20 : memref<1792xf32, #tpu.memory_space<hbm>>)
      tpu.yield
    }) : () -> ()
    "tpu.region"() ({
      %run_scoped3A = tpu.sem_alloc : memref<!tpu.dma_semaphore, #tpu.memory_space<semaphore_mem>>
      %dma_start3A_17 = tpu.memref_slice %arg9[%mul3A_2] : memref<57344xf32, #tpu.memory_space<hbm>> -> memref<1792xf32, #tpu.memory_space<hbm>>
      %dma_start3A_18 = tpu.memref_slice %arg9[%mul3A_2] : memref<57344xf32, #tpu.memory_space<hbm>> -> memref<1792xf32, #tpu.memory_space<hbm>>
      tpu.enqueue_dma source(%arg15 : memref<1792xf32, #tpu.memory_space<vmem>>) target(%dma_start3A_18 : memref<1792xf32, #tpu.memory_space<hbm>>) target_semaphore(%run_scoped3A : memref<!tpu.dma_semaphore, #tpu.memory_space<semaphore_mem>>)
      %dma_wait3A_19 = tpu.memref_slice %arg9[%mul3A_2] : memref<57344xf32, #tpu.memory_space<hbm>> -> memref<1792xf32, #tpu.memory_space<hbm>>
      %dma_wait3A_20 = tpu.memref_slice %arg9[%mul3A_2] : memref<57344xf32, #tpu.memory_space<hbm>> -> memref<1792xf32, #tpu.memory_space<hbm>>
      tpu.wait_dma2 semaphore(%run_scoped3A : memref<!tpu.dma_semaphore, #tpu.memory_space<semaphore_mem>>) src(%arg15 : memref<1792xf32, #tpu.memory_space<vmem>>) dst(%dma_wait3A_20 : memref<1792xf32, #tpu.memory_space<hbm>>)
      tpu.yield
    }) : () -> ()
    "tpu.region"() ({
      %run_scoped3A = tpu.sem_alloc : memref<!tpu.dma_semaphore, #tpu.memory_space<semaphore_mem>>
      %dma_start3A_17 = tpu.memref_slice %arg10[%mul3A_2] : memref<57344xf32, #tpu.memory_space<hbm>> -> memref<1792xf32, #tpu.memory_space<hbm>>
      %dma_start3A_18 = tpu.memref_slice %arg10[%mul3A_2] : memref<57344xf32, #tpu.memory_space<hbm>> -> memref<1792xf32, #tpu.memory_space<hbm>>
      tpu.enqueue_dma source(%arg16 : memref<1792xf32, #tpu.memory_space<vmem>>) target(%dma_start3A_18 : memref<1792xf32, #tpu.memory_space<hbm>>) target_semaphore(%run_scoped3A : memref<!tpu.dma_semaphore, #tpu.memory_space<semaphore_mem>>)
      %dma_wait3A_19 = tpu.memref_slice %arg10[%mul3A_2] : memref<57344xf32, #tpu.memory_space<hbm>> -> memref<1792xf32, #tpu.memory_space<hbm>>
      %dma_wait3A_20 = tpu.memref_slice %arg10[%mul3A_2] : memref<57344xf32, #tpu.memory_space<hbm>> -> memref<1792xf32, #tpu.memory_space<hbm>>
      tpu.wait_dma2 semaphore(%run_scoped3A : memref<!tpu.dma_semaphore, #tpu.memory_space<semaphore_mem>>) src(%arg16 : memref<1792xf32, #tpu.memory_space<vmem>>) dst(%dma_wait3A_20 : memref<1792xf32, #tpu.memory_space<hbm>>)
      tpu.yield
    }) : () -> ()
    "tpu.region"() ({
      %run_scoped3A = tpu.sem_alloc : memref<!tpu.dma_semaphore, #tpu.memory_space<semaphore_mem>>
      %dma_start3A_17 = tpu.memref_slice %arg11[%mul3A_2] : memref<57344xi32, #tpu.memory_space<hbm>> -> memref<1792xi32, #tpu.memory_space<hbm>>
      %dma_start3A_18 = tpu.memref_slice %arg11[%mul3A_2] : memref<57344xi32, #tpu.memory_space<hbm>> -> memref<1792xi32, #tpu.memory_space<hbm>>
      tpu.enqueue_dma source(%arg17 : memref<1792xi32, #tpu.memory_space<vmem>>) target(%dma_start3A_18 : memref<1792xi32, #tpu.memory_space<hbm>>) target_semaphore(%run_scoped3A : memref<!tpu.dma_semaphore, #tpu.memory_space<semaphore_mem>>)
      %dma_wait3A_19 = tpu.memref_slice %arg11[%mul3A_2] : memref<57344xi32, #tpu.memory_space<hbm>> -> memref<1792xi32, #tpu.memory_space<hbm>>
      %dma_wait3A_20 = tpu.memref_slice %arg11[%mul3A_2] : memref<57344xi32, #tpu.memory_space<hbm>> -> memref<1792xi32, #tpu.memory_space<hbm>>
      tpu.wait_dma2 semaphore(%run_scoped3A : memref<!tpu.dma_semaphore, #tpu.memory_space<semaphore_mem>>) src(%arg17 : memref<1792xi32, #tpu.memory_space<vmem>>) dst(%dma_wait3A_20 : memref<1792xi32, #tpu.memory_space<hbm>>)
      tpu.yield
    }) : () -> ()
    return
  }
}

module attributes {stable_mosaic.version = 14 : i64} {
  func.func @_topk_kernel(%arg0: i32, %arg1: i32, %arg2: memref<1x256x1024xf32, #tpu.memory_space<vmem>>, %arg3: memref<1x256x14xi32, #tpu.memory_space<vmem>>, %arg4: memref<1x256x14xf32, #tpu.memory_space<vmem>>, %arg5: memref<1x256x14xi32, #tpu.memory_space<vmem>>, %arg6: memref<1x256x14xi32, #tpu.memory_space<vmem>>) attributes {dimension_semantics = [#tpu.dimension_semantics<arbitrary>, #tpu.dimension_semantics<arbitrary>], iteration_bounds = array<i64: 4, 4>, scalar_prefetch = 0 : i64, scratch_operands = 0 : i64, tpu.core_type = #tpu.core_type<tc>, window_params = [{transform_indices = @transform_0, window_bounds = array<i64: 1, 256, 1024>}, {transform_indices = @transform_1, window_bounds = array<i64: 1, 256, 14>}, {transform_indices = @transform_2, window_bounds = array<i64: 1, 256, 14>}, {transform_indices = @transform_3, window_bounds = array<i64: 1, 256, 14>}, {transform_indices = @transform_4, window_bounds = array<i64: 1, 256, 14>}]} {
    %get3A = arith.constant 0 : index
    %get3A_0 = arith.constant 0 : index
    %get3A_1 = arith.constant 0 : index
    %get3A_2 = vector.load %arg2[%get3A, %get3A_0, %get3A_1] : memref<1x256x1024xf32, #tpu.memory_space<vmem>>, vector<1x256x1024xf32>
    %get3A_3 = vector.shape_cast %get3A_2 : vector<1x256x1024xf32> to vector<256x1024xf32>
    %iota3A = tpu.iota {dimensions = array<i32: 1>} : vector<256x1024xi32>
    %convert_element_type3A = arith.sitofp %iota3A : vector<256x1024xi32> to vector<256x1024xf32>
    %iota3A_4 = tpu.iota {dimensions = array<i32: 0>} : vector<256x1xi32>
    %mul3A = arith.constant 256 : i32
    %mul3A_5 = arith.muli %arg1, %mul3A : i32
    %add3A = vector.broadcast %mul3A_5 : i32 to vector<256x1xi32>
    %add3A_6 = arith.addi %iota3A_4, %add3A : vector<256x1xi32>
    %mul3A_7 = arith.constant 1024 : i32
    %mul3A_8 = arith.muli %arg0, %mul3A_7 : i32
    %add3A_9 = vector.broadcast %mul3A_8 : i32 to vector<256x1xi32>
    %add3A_10 = arith.addi %add3A_9, %add3A_6 : vector<256x1xi32>
    %mul3A_11 = arith.constant 1024 : i32
    %mul3A_12 = vector.broadcast %mul3A_11 : i32 to vector<256x1xi32>
    %mul3A_13 = arith.muli %add3A_10, %mul3A_12 : vector<256x1xi32>
    %reduce_min3A = arith.constant dense<0x7F800000> : vector<256xf32>
    %reduce_min3A_14 = vector.multi_reduction <minimumf>, %get3A_3, %reduce_min3A [1] : vector<256x1024xf32> to vector<256xf32>
    %broadcast_in_dim3A = vector.shape_cast %reduce_min3A_14 : vector<256xf32> to vector<256x1xf32>
    %eq3A = vector.broadcast %broadcast_in_dim3A : vector<256x1xf32> to vector<256x1024xf32>
    %eq3A_15 = arith.cmpf oeq, %get3A_3, %eq3A : vector<256x1024xf32>
    %jit3A = arith.constant 1.024000e+03 : f32
    %broadcast_in_dim3A_16 = vector.broadcast %jit3A : f32 to vector<256x1024xf32>
    %select_n3A = arith.select %eq3A_15, %convert_element_type3A, %broadcast_in_dim3A_16 : vector<256x1024xi1>, vector<256x1024xf32>
    %reduce_min3A_17 = arith.constant dense<0x7F800000> : vector<256xf32>
    %reduce_min3A_18 = vector.multi_reduction <minimumf>, %select_n3A, %reduce_min3A_17 [1] : vector<256x1024xf32> to vector<256xf32>
    %broadcast_in_dim3A_19 = vector.shape_cast %reduce_min3A_18 : vector<256xf32> to vector<256x1xf32>
    %eq3A_20 = vector.broadcast %broadcast_in_dim3A_19 : vector<256x1xf32> to vector<256x1024xf32>
    %eq3A_21 = arith.cmpf oeq, %convert_element_type3A, %eq3A_20 : vector<256x1024xf32>
    %jit3A_22 = arith.constant 0x7F800000 : f32
    %broadcast_in_dim3A_23 = vector.broadcast %jit3A_22 : f32 to vector<256x1024xf32>
    %select_n3A_24 = arith.select %eq3A_21, %broadcast_in_dim3A_23, %get3A_3 : vector<256x1024xi1>, vector<256x1024xf32>
    %convert_element_type3A_25 = arith.fptosi %broadcast_in_dim3A_19 : vector<256x1xf32> to vector<256x1xi32>
    %squeeze3A = vector.shape_cast %convert_element_type3A_25 : vector<256x1xi32> to vector<256xi32>
    %swap3A = arith.constant 0 : index
    %swap3A_26 = arith.constant 0 : index
    %swap3A_27 = arith.constant 0 : index
    %swap3A_28 = vector.load %arg3[%swap3A, %swap3A_26, %swap3A_27] : memref<1x256x14xi32, #tpu.memory_space<vmem>>, vector<1x256x1xi32>
    %swap3A_29 = vector.shape_cast %swap3A_28 : vector<1x256x1xi32> to vector<256xi32>
    %swap3A_30 = vector.shape_cast %squeeze3A : vector<256xi32> to vector<1x256x1xi32>
    tpu.vector_store %arg3[%swap3A, %swap3A_26, %swap3A_27], %swap3A_30 {strides = array<i32>} : memref<1x256x14xi32, #tpu.memory_space<vmem>>, vector<1x256x1xi32>,
    %squeeze3A_31 = vector.shape_cast %broadcast_in_dim3A : vector<256x1xf32> to vector<256xf32>
    %swap3A_32 = arith.constant 0 : index
    %swap3A_33 = arith.constant 0 : index
    %swap3A_34 = arith.constant 0 : index
    %swap3A_35 = vector.load %arg4[%swap3A_32, %swap3A_33, %swap3A_34] : memref<1x256x14xf32, #tpu.memory_space<vmem>>, vector<1x256x1xf32>
    %swap3A_36 = vector.shape_cast %swap3A_35 : vector<1x256x1xf32> to vector<256xf32>
    %swap3A_37 = vector.shape_cast %squeeze3A_31 : vector<256xf32> to vector<1x256x1xf32>
    tpu.vector_store %arg4[%swap3A_32, %swap3A_33, %swap3A_34], %swap3A_37 {strides = array<i32>} : memref<1x256x14xf32, #tpu.memory_space<vmem>>, vector<1x256x1xf32>,
    %add3A_38 = arith.addi %mul3A_13, %convert_element_type3A_25 : vector<256x1xi32>
    %squeeze3A_39 = vector.shape_cast %add3A_38 : vector<256x1xi32> to vector<256xi32>
    %swap3A_40 = arith.constant 0 : index
    %swap3A_41 = arith.constant 0 : index
    %swap3A_42 = arith.constant 0 : index
    %swap3A_43 = vector.load %arg5[%swap3A_40, %swap3A_41, %swap3A_42] : memref<1x256x14xi32, #tpu.memory_space<vmem>>, vector<1x256x1xi32>
    %swap3A_44 = vector.shape_cast %swap3A_43 : vector<1x256x1xi32> to vector<256xi32>
    %swap3A_45 = vector.shape_cast %squeeze3A_39 : vector<256xi32> to vector<1x256x1xi32>
    tpu.vector_store %arg5[%swap3A_40, %swap3A_41, %swap3A_42], %swap3A_45 {strides = array<i32>} : memref<1x256x14xi32, #tpu.memory_space<vmem>>, vector<1x256x1xi32>,
    %mul3A_46 = arith.constant 1024 : i32
    %mul3A_47 = arith.muli %arg0, %mul3A_46 : i32
    %add3A_48 = vector.broadcast %mul3A_47 : i32 to vector<256x1xi32>
    %add3A_49 = arith.addi %add3A_48, %convert_element_type3A_25 : vector<256x1xi32>
    %squeeze3A_50 = vector.shape_cast %add3A_49 : vector<256x1xi32> to vector<256xi32>
    %swap3A_51 = arith.constant 0 : index
    %swap3A_52 = arith.constant 0 : index
    %swap3A_53 = arith.constant 0 : index
    %swap3A_54 = vector.load %arg6[%swap3A_51, %swap3A_52, %swap3A_53] : memref<1x256x14xi32, #tpu.memory_space<vmem>>, vector<1x256x1xi32>
    %swap3A_55 = vector.shape_cast %swap3A_54 : vector<1x256x1xi32> to vector<256xi32>
    %swap3A_56 = vector.shape_cast %squeeze3A_50 : vector<256xi32> to vector<1x256x1xi32>
    tpu.vector_store %arg6[%swap3A_51, %swap3A_52, %swap3A_53], %swap3A_56 {strides = array<i32>} : memref<1x256x14xi32, #tpu.memory_space<vmem>>, vector<1x256x1xi32>,
    %reduce_min3A_57 = arith.constant dense<0x7F800000> : vector<256xf32>
    %reduce_min3A_58 = vector.multi_reduction <minimumf>, %select_n3A_24, %reduce_min3A_57 [1] : vector<256x1024xf32> to vector<256xf32>
    %broadcast_in_dim3A_59 = vector.shape_cast %reduce_min3A_58 : vector<256xf32> to vector<256x1xf32>
    %eq3A_60 = vector.broadcast %broadcast_in_dim3A_59 : vector<256x1xf32> to vector<256x1024xf32>
    %eq3A_61 = arith.cmpf oeq, %select_n3A_24, %eq3A_60 : vector<256x1024xf32>
    %jit3A_62 = arith.constant 1.024000e+03 : f32
    %broadcast_in_dim3A_63 = vector.broadcast %jit3A_62 : f32 to vector<256x1024xf32>
    %select_n3A_64 = arith.select %eq3A_61, %convert_element_type3A, %broadcast_in_dim3A_63 : vector<256x1024xi1>, vector<256x1024xf32>
    %reduce_min3A_65 = arith.constant dense<0x7F800000> : vector<256xf32>
    %reduce_min3A_66 = vector.multi_reduction <minimumf>, %select_n3A_64, %reduce_min3A_65 [1] : vector<256x1024xf32> to vector<256xf32>
    %broadcast_in_dim3A_67 = vector.shape_cast %reduce_min3A_66 : vector<256xf32> to vector<256x1xf32>
    %eq3A_68 = vector.broadcast %broadcast_in_dim3A_67 : vector<256x1xf32> to vector<256x1024xf32>
    %eq3A_69 = arith.cmpf oeq, %convert_element_type3A, %eq3A_68 : vector<256x1024xf32>
    %jit3A_70 = arith.constant 0x7F800000 : f32
    %broadcast_in_dim3A_71 = vector.broadcast %jit3A_70 : f32 to vector<256x1024xf32>
    %select_n3A_72 = arith.select %eq3A_69, %broadcast_in_dim3A_71, %select_n3A_24 : vector<256x1024xi1>, vector<256x1024xf32>
    %convert_element_type3A_73 = arith.fptosi %broadcast_in_dim3A_67 : vector<256x1xf32> to vector<256x1xi32>
    %squeeze3A_74 = vector.shape_cast %convert_element_type3A_73 : vector<256x1xi32> to vector<256xi32>
    %swap3A_75 = arith.constant 0 : index
    %swap3A_76 = arith.constant 0 : index
    %swap3A_77 = arith.constant 1 : index
    %swap3A_78 = vector.load %arg3[%swap3A_75, %swap3A_76, %swap3A_77] : memref<1x256x14xi32, #tpu.memory_space<vmem>>, vector<1x256x1xi32>
    %swap3A_79 = vector.shape_cast %swap3A_78 : vector<1x256x1xi32> to vector<256xi32>
    %swap3A_80 = vector.shape_cast %squeeze3A_74 : vector<256xi32> to vector<1x256x1xi32>
    tpu.vector_store %arg3[%swap3A_75, %swap3A_76, %swap3A_77], %swap3A_80 {strides = array<i32>} : memref<1x256x14xi32, #tpu.memory_space<vmem>>, vector<1x256x1xi32>,
    %squeeze3A_81 = vector.shape_cast %broadcast_in_dim3A_59 : vector<256x1xf32> to vector<256xf32>
    %swap3A_82 = arith.constant 0 : index
    %swap3A_83 = arith.constant 0 : index
    %swap3A_84 = arith.constant 1 : index
    %swap3A_85 = vector.load %arg4[%swap3A_82, %swap3A_83, %swap3A_84] : memref<1x256x14xf32, #tpu.memory_space<vmem>>, vector<1x256x1xf32>
    %swap3A_86 = vector.shape_cast %swap3A_85 : vector<1x256x1xf32> to vector<256xf32>
    %swap3A_87 = vector.shape_cast %squeeze3A_81 : vector<256xf32> to vector<1x256x1xf32>
    tpu.vector_store %arg4[%swap3A_82, %swap3A_83, %swap3A_84], %swap3A_87 {strides = array<i32>} : memref<1x256x14xf32, #tpu.memory_space<vmem>>, vector<1x256x1xf32>,
    %add3A_88 = arith.addi %mul3A_13, %convert_element_type3A_73 : vector<256x1xi32>
    %squeeze3A_89 = vector.shape_cast %add3A_88 : vector<256x1xi32> to vector<256xi32>
    %swap3A_90 = arith.constant 0 : index
    %swap3A_91 = arith.constant 0 : index
    %swap3A_92 = arith.constant 1 : index
    %swap3A_93 = vector.load %arg5[%swap3A_90, %swap3A_91, %swap3A_92] : memref<1x256x14xi32, #tpu.memory_space<vmem>>, vector<1x256x1xi32>
    %swap3A_94 = vector.shape_cast %swap3A_93 : vector<1x256x1xi32> to vector<256xi32>
    %swap3A_95 = vector.shape_cast %squeeze3A_89 : vector<256xi32> to vector<1x256x1xi32>
    tpu.vector_store %arg5[%swap3A_90, %swap3A_91, %swap3A_92], %swap3A_95 {strides = array<i32>} : memref<1x256x14xi32, #tpu.memory_space<vmem>>, vector<1x256x1xi32>,
    %mul3A_96 = arith.constant 1024 : i32
    %mul3A_97 = arith.muli %arg0, %mul3A_96 : i32
    %add3A_98 = vector.broadcast %mul3A_97 : i32 to vector<256x1xi32>
    %add3A_99 = arith.addi %add3A_98, %convert_element_type3A_73 : vector<256x1xi32>
    %squeeze3A_100 = vector.shape_cast %add3A_99 : vector<256x1xi32> to vector<256xi32>
    %swap3A_101 = arith.constant 0 : index
    %swap3A_102 = arith.constant 0 : index
    %swap3A_103 = arith.constant 1 : index
    %swap3A_104 = vector.load %arg6[%swap3A_101, %swap3A_102, %swap3A_103] : memref<1x256x14xi32, #tpu.memory_space<vmem>>, vector<1x256x1xi32>
    %swap3A_105 = vector.shape_cast %swap3A_104 : vector<1x256x1xi32> to vector<256xi32>
    %swap3A_106 = vector.shape_cast %squeeze3A_100 : vector<256xi32> to vector<1x256x1xi32>
    tpu.vector_store %arg6[%swap3A_101, %swap3A_102, %swap3A_103], %swap3A_106 {strides = array<i32>} : memref<1x256x14xi32, #tpu.memory_space<vmem>>, vector<1x256x1xi32>,
    %reduce_min3A_107 = arith.constant dense<0x7F800000> : vector<256xf32>
    %reduce_min3A_108 = vector.multi_reduction <minimumf>, %select_n3A_72, %reduce_min3A_107 [1] : vector<256x1024xf32> to vector<256xf32>
    %broadcast_in_dim3A_109 = vector.shape_cast %reduce_min3A_108 : vector<256xf32> to vector<256x1xf32>
    %eq3A_110 = vector.broadcast %broadcast_in_dim3A_109 : vector<256x1xf32> to vector<256x1024xf32>
    %eq3A_111 = arith.cmpf oeq, %select_n3A_72, %eq3A_110 : vector<256x1024xf32>
    %jit3A_112 = arith.constant 1.024000e+03 : f32
    %broadcast_in_dim3A_113 = vector.broadcast %jit3A_112 : f32 to vector<256x1024xf32>
    %select_n3A_114 = arith.select %eq3A_111, %convert_element_type3A, %broadcast_in_dim3A_113 : vector<256x1024xi1>, vector<256x1024xf32>
    %reduce_min3A_115 = arith.constant dense<0x7F800000> : vector<256xf32>
    %reduce_min3A_116 = vector.multi_reduction <minimumf>, %select_n3A_114, %reduce_min3A_115 [1] : vector<256x1024xf32> to vector<256xf32>
    %broadcast_in_dim3A_117 = vector.shape_cast %reduce_min3A_116 : vector<256xf32> to vector<256x1xf32>
    %eq3A_118 = vector.broadcast %broadcast_in_dim3A_117 : vector<256x1xf32> to vector<256x1024xf32>
    %eq3A_119 = arith.cmpf oeq, %convert_element_type3A, %eq3A_118 : vector<256x1024xf32>
    %jit3A_120 = arith.constant 0x7F800000 : f32
    %broadcast_in_dim3A_121 = vector.broadcast %jit3A_120 : f32 to vector<256x1024xf32>
    %select_n3A_122 = arith.select %eq3A_119, %broadcast_in_dim3A_121, %select_n3A_72 : vector<256x1024xi1>, vector<256x1024xf32>
    %convert_element_type3A_123 = arith.fptosi %broadcast_in_dim3A_117 : vector<256x1xf32> to vector<256x1xi32>
    %squeeze3A_124 = vector.shape_cast %convert_element_type3A_123 : vector<256x1xi32> to vector<256xi32>
    %swap3A_125 = arith.constant 0 : index
    %swap3A_126 = arith.constant 0 : index
    %swap3A_127 = arith.constant 2 : index
    %swap3A_128 = vector.load %arg3[%swap3A_125, %swap3A_126, %swap3A_127] : memref<1x256x14xi32, #tpu.memory_space<vmem>>, vector<1x256x1xi32>
    %swap3A_129 = vector.shape_cast %swap3A_128 : vector<1x256x1xi32> to vector<256xi32>
    %swap3A_130 = vector.shape_cast %squeeze3A_124 : vector<256xi32> to vector<1x256x1xi32>
    tpu.vector_store %arg3[%swap3A_125, %swap3A_126, %swap3A_127], %swap3A_130 {strides = array<i32>} : memref<1x256x14xi32, #tpu.memory_space<vmem>>, vector<1x256x1xi32>,
    %squeeze3A_131 = vector.shape_cast %broadcast_in_dim3A_109 : vector<256x1xf32> to vector<256xf32>
    %swap3A_132 = arith.constant 0 : index
    %swap3A_133 = arith.constant 0 : index
    %swap3A_134 = arith.constant 2 : index
    %swap3A_135 = vector.load %arg4[%swap3A_132, %swap3A_133, %swap3A_134] : memref<1x256x14xf32, #tpu.memory_space<vmem>>, vector<1x256x1xf32>
    %swap3A_136 = vector.shape_cast %swap3A_135 : vector<1x256x1xf32> to vector<256xf32>
    %swap3A_137 = vector.shape_cast %squeeze3A_131 : vector<256xf32> to vector<1x256x1xf32>
    tpu.vector_store %arg4[%swap3A_132, %swap3A_133, %swap3A_134], %swap3A_137 {strides = array<i32>} : memref<1x256x14xf32, #tpu.memory_space<vmem>>, vector<1x256x1xf32>,
    %add3A_138 = arith.addi %mul3A_13, %convert_element_type3A_123 : vector<256x1xi32>
    %squeeze3A_139 = vector.shape_cast %add3A_138 : vector<256x1xi32> to vector<256xi32>
    %swap3A_140 = arith.constant 0 : index
    %swap3A_141 = arith.constant 0 : index
    %swap3A_142 = arith.constant 2 : index
    %swap3A_143 = vector.load %arg5[%swap3A_140, %swap3A_141, %swap3A_142] : memref<1x256x14xi32, #tpu.memory_space<vmem>>, vector<1x256x1xi32>
    %swap3A_144 = vector.shape_cast %swap3A_143 : vector<1x256x1xi32> to vector<256xi32>
    %swap3A_145 = vector.shape_cast %squeeze3A_139 : vector<256xi32> to vector<1x256x1xi32>
    tpu.vector_store %arg5[%swap3A_140, %swap3A_141, %swap3A_142], %swap3A_145 {strides = array<i32>} : memref<1x256x14xi32, #tpu.memory_space<vmem>>, vector<1x256x1xi32>,
    %mul3A_146 = arith.constant 1024 : i32
    %mul3A_147 = arith.muli %arg0, %mul3A_146 : i32
    %add3A_148 = vector.broadcast %mul3A_147 : i32 to vector<256x1xi32>
    %add3A_149 = arith.addi %add3A_148, %convert_element_type3A_123 : vector<256x1xi32>
    %squeeze3A_150 = vector.shape_cast %add3A_149 : vector<256x1xi32> to vector<256xi32>
    %swap3A_151 = arith.constant 0 : index
    %swap3A_152 = arith.constant 0 : index
    %swap3A_153 = arith.constant 2 : index
    %swap3A_154 = vector.load %arg6[%swap3A_151, %swap3A_152, %swap3A_153] : memref<1x256x14xi32, #tpu.memory_space<vmem>>, vector<1x256x1xi32>
    %swap3A_155 = vector.shape_cast %swap3A_154 : vector<1x256x1xi32> to vector<256xi32>
    %swap3A_156 = vector.shape_cast %squeeze3A_150 : vector<256xi32> to vector<1x256x1xi32>
    tpu.vector_store %arg6[%swap3A_151, %swap3A_152, %swap3A_153], %swap3A_156 {strides = array<i32>} : memref<1x256x14xi32, #tpu.memory_space<vmem>>, vector<1x256x1xi32>,
    %reduce_min3A_157 = arith.constant dense<0x7F800000> : vector<256xf32>
    %reduce_min3A_158 = vector.multi_reduction <minimumf>, %select_n3A_122, %reduce_min3A_157 [1] : vector<256x1024xf32> to vector<256xf32>
    %broadcast_in_dim3A_159 = vector.shape_cast %reduce_min3A_158 : vector<256xf32> to vector<256x1xf32>
    %eq3A_160 = vector.broadcast %broadcast_in_dim3A_159 : vector<256x1xf32> to vector<256x1024xf32>
    %eq3A_161 = arith.cmpf oeq, %select_n3A_122, %eq3A_160 : vector<256x1024xf32>
    %jit3A_162 = arith.constant 1.024000e+03 : f32
    %broadcast_in_dim3A_163 = vector.broadcast %jit3A_162 : f32 to vector<256x1024xf32>
    %select_n3A_164 = arith.select %eq3A_161, %convert_element_type3A, %broadcast_in_dim3A_163 : vector<256x1024xi1>, vector<256x1024xf32>
    %reduce_min3A_165 = arith.constant dense<0x7F800000> : vector<256xf32>
    %reduce_min3A_166 = vector.multi_reduction <minimumf>, %select_n3A_164, %reduce_min3A_165 [1] : vector<256x1024xf32> to vector<256xf32>
    %broadcast_in_dim3A_167 = vector.shape_cast %reduce_min3A_166 : vector<256xf32> to vector<256x1xf32>
    %eq3A_168 = vector.broadcast %broadcast_in_dim3A_167 : vector<256x1xf32> to vector<256x1024xf32>
    %eq3A_169 = arith.cmpf oeq, %convert_element_type3A, %eq3A_168 : vector<256x1024xf32>
    %jit3A_170 = arith.constant 0x7F800000 : f32
    %broadcast_in_dim3A_171 = vector.broadcast %jit3A_170 : f32 to vector<256x1024xf32>
    %select_n3A_172 = arith.select %eq3A_169, %broadcast_in_dim3A_171, %select_n3A_122 : vector<256x1024xi1>, vector<256x1024xf32>
    %convert_element_type3A_173 = arith.fptosi %broadcast_in_dim3A_167 : vector<256x1xf32> to vector<256x1xi32>
    %squeeze3A_174 = vector.shape_cast %convert_element_type3A_173 : vector<256x1xi32> to vector<256xi32>
    %swap3A_175 = arith.constant 0 : index
    %swap3A_176 = arith.constant 0 : index
    %swap3A_177 = arith.constant 3 : index
    %swap3A_178 = vector.load %arg3[%swap3A_175, %swap3A_176, %swap3A_177] : memref<1x256x14xi32, #tpu.memory_space<vmem>>, vector<1x256x1xi32>
    %swap3A_179 = vector.shape_cast %swap3A_178 : vector<1x256x1xi32> to vector<256xi32>
    %swap3A_180 = vector.shape_cast %squeeze3A_174 : vector<256xi32> to vector<1x256x1xi32>
    tpu.vector_store %arg3[%swap3A_175, %swap3A_176, %swap3A_177], %swap3A_180 {strides = array<i32>} : memref<1x256x14xi32, #tpu.memory_space<vmem>>, vector<1x256x1xi32>,
    %squeeze3A_181 = vector.shape_cast %broadcast_in_dim3A_159 : vector<256x1xf32> to vector<256xf32>
    %swap3A_182 = arith.constant 0 : index
    %swap3A_183 = arith.constant 0 : index
    %swap3A_184 = arith.constant 3 : index
    %swap3A_185 = vector.load %arg4[%swap3A_182, %swap3A_183, %swap3A_184] : memref<1x256x14xf32, #tpu.memory_space<vmem>>, vector<1x256x1xf32>
    %swap3A_186 = vector.shape_cast %swap3A_185 : vector<1x256x1xf32> to vector<256xf32>
    %swap3A_187 = vector.shape_cast %squeeze3A_181 : vector<256xf32> to vector<1x256x1xf32>
    tpu.vector_store %arg4[%swap3A_182, %swap3A_183, %swap3A_184], %swap3A_187 {strides = array<i32>} : memref<1x256x14xf32, #tpu.memory_space<vmem>>, vector<1x256x1xf32>,
    %add3A_188 = arith.addi %mul3A_13, %convert_element_type3A_173 : vector<256x1xi32>
    %squeeze3A_189 = vector.shape_cast %add3A_188 : vector<256x1xi32> to vector<256xi32>
    %swap3A_190 = arith.constant 0 : index
    %swap3A_191 = arith.constant 0 : index
    %swap3A_192 = arith.constant 3 : index
    %swap3A_193 = vector.load %arg5[%swap3A_190, %swap3A_191, %swap3A_192] : memref<1x256x14xi32, #tpu.memory_space<vmem>>, vector<1x256x1xi32>
    %swap3A_194 = vector.shape_cast %swap3A_193 : vector<1x256x1xi32> to vector<256xi32>
    %swap3A_195 = vector.shape_cast %squeeze3A_189 : vector<256xi32> to vector<1x256x1xi32>
    tpu.vector_store %arg5[%swap3A_190, %swap3A_191, %swap3A_192], %swap3A_195 {strides = array<i32>} : memref<1x256x14xi32, #tpu.memory_space<vmem>>, vector<1x256x1xi32>,
    %mul3A_196 = arith.constant 1024 : i32
    %mul3A_197 = arith.muli %arg0, %mul3A_196 : i32
    %add3A_198 = vector.broadcast %mul3A_197 : i32 to vector<256x1xi32>
    %add3A_199 = arith.addi %add3A_198, %convert_element_type3A_173 : vector<256x1xi32>
    %squeeze3A_200 = vector.shape_cast %add3A_199 : vector<256x1xi32> to vector<256xi32>
    %swap3A_201 = arith.constant 0 : index
    %swap3A_202 = arith.constant 0 : index
    %swap3A_203 = arith.constant 3 : index
    %swap3A_204 = vector.load %arg6[%swap3A_201, %swap3A_202, %swap3A_203] : memref<1x256x14xi32, #tpu.memory_space<vmem>>, vector<1x256x1xi32>
    %swap3A_205 = vector.shape_cast %swap3A_204 : vector<1x256x1xi32> to vector<256xi32>
    %swap3A_206 = vector.shape_cast %squeeze3A_200 : vector<256xi32> to vector<1x256x1xi32>
    tpu.vector_store %arg6[%swap3A_201, %swap3A_202, %swap3A_203], %swap3A_206 {strides = array<i32>} : memref<1x256x14xi32, #tpu.memory_space<vmem>>, vector<1x256x1xi32>,
    %reduce_min3A_207 = arith.constant dense<0x7F800000> : vector<256xf32>
    %reduce_min3A_208 = vector.multi_reduction <minimumf>, %select_n3A_172, %reduce_min3A_207 [1] : vector<256x1024xf32> to vector<256xf32>
    %broadcast_in_dim3A_209 = vector.shape_cast %reduce_min3A_208 : vector<256xf32> to vector<256x1xf32>
    %eq3A_210 = vector.broadcast %broadcast_in_dim3A_209 : vector<256x1xf32> to vector<256x1024xf32>
    %eq3A_211 = arith.cmpf oeq, %select_n3A_172, %eq3A_210 : vector<256x1024xf32>
    %jit3A_212 = arith.constant 1.024000e+03 : f32
    %broadcast_in_dim3A_213 = vector.broadcast %jit3A_212 : f32 to vector<256x1024xf32>
    %select_n3A_214 = arith.select %eq3A_211, %convert_element_type3A, %broadcast_in_dim3A_213 : vector<256x1024xi1>, vector<256x1024xf32>
    %reduce_min3A_215 = arith.constant dense<0x7F800000> : vector<256xf32>
    %reduce_min3A_216 = vector.multi_reduction <minimumf>, %select_n3A_214, %reduce_min3A_215 [1] : vector<256x1024xf32> to vector<256xf32>
    %broadcast_in_dim3A_217 = vector.shape_cast %reduce_min3A_216 : vector<256xf32> to vector<256x1xf32>
    %eq3A_218 = vector.broadcast %broadcast_in_dim3A_217 : vector<256x1xf32> to vector<256x1024xf32>
    %eq3A_219 = arith.cmpf oeq, %convert_element_type3A, %eq3A_218 : vector<256x1024xf32>
    %jit3A_220 = arith.constant 0x7F800000 : f32
    %broadcast_in_dim3A_221 = vector.broadcast %jit3A_220 : f32 to vector<256x1024xf32>
    %select_n3A_222 = arith.select %eq3A_219, %broadcast_in_dim3A_221, %select_n3A_172 : vector<256x1024xi1>, vector<256x1024xf32>
    %convert_element_type3A_223 = arith.fptosi %broadcast_in_dim3A_217 : vector<256x1xf32> to vector<256x1xi32>
    %squeeze3A_224 = vector.shape_cast %convert_element_type3A_223 : vector<256x1xi32> to vector<256xi32>
    %swap3A_225 = arith.constant 0 : index
    %swap3A_226 = arith.constant 0 : index
    %swap3A_227 = arith.constant 4 : index
    %swap3A_228 = vector.load %arg3[%swap3A_225, %swap3A_226, %swap3A_227] : memref<1x256x14xi32, #tpu.memory_space<vmem>>, vector<1x256x1xi32>
    %swap3A_229 = vector.shape_cast %swap3A_228 : vector<1x256x1xi32> to vector<256xi32>
    %swap3A_230 = vector.shape_cast %squeeze3A_224 : vector<256xi32> to vector<1x256x1xi32>
    tpu.vector_store %arg3[%swap3A_225, %swap3A_226, %swap3A_227], %swap3A_230 {strides = array<i32>} : memref<1x256x14xi32, #tpu.memory_space<vmem>>, vector<1x256x1xi32>,
    %squeeze3A_231 = vector.shape_cast %broadcast_in_dim3A_209 : vector<256x1xf32> to vector<256xf32>
    %swap3A_232 = arith.constant 0 : index
    %swap3A_233 = arith.constant 0 : index
    %swap3A_234 = arith.constant 4 : index
    %swap3A_235 = vector.load %arg4[%swap3A_232, %swap3A_233, %swap3A_234] : memref<1x256x14xf32, #tpu.memory_space<vmem>>, vector<1x256x1xf32>
    %swap3A_236 = vector.shape_cast %swap3A_235 : vector<1x256x1xf32> to vector<256xf32>
    %swap3A_237 = vector.shape_cast %squeeze3A_231 : vector<256xf32> to vector<1x256x1xf32>
    tpu.vector_store %arg4[%swap3A_232, %swap3A_233, %swap3A_234], %swap3A_237 {strides = array<i32>} : memref<1x256x14xf32, #tpu.memory_space<vmem>>, vector<1x256x1xf32>,
    %add3A_238 = arith.addi %mul3A_13, %convert_element_type3A_223 : vector<256x1xi32>
    %squeeze3A_239 = vector.shape_cast %add3A_238 : vector<256x1xi32> to vector<256xi32>
    %swap3A_240 = arith.constant 0 : index
    %swap3A_241 = arith.constant 0 : index
    %swap3A_242 = arith.constant 4 : index
    %swap3A_243 = vector.load %arg5[%swap3A_240, %swap3A_241, %swap3A_242] : memref<1x256x14xi32, #tpu.memory_space<vmem>>, vector<1x256x1xi32>
    %swap3A_244 = vector.shape_cast %swap3A_243 : vector<1x256x1xi32> to vector<256xi32>
    %swap3A_245 = vector.shape_cast %squeeze3A_239 : vector<256xi32> to vector<1x256x1xi32>
    tpu.vector_store %arg5[%swap3A_240, %swap3A_241, %swap3A_242], %swap3A_245 {strides = array<i32>} : memref<1x256x14xi32, #tpu.memory_space<vmem>>, vector<1x256x1xi32>,
    %mul3A_246 = arith.constant 1024 : i32
    %mul3A_247 = arith.muli %arg0, %mul3A_246 : i32
    %add3A_248 = vector.broadcast %mul3A_247 : i32 to vector<256x1xi32>
    %add3A_249 = arith.addi %add3A_248, %convert_element_type3A_223 : vector<256x1xi32>
    %squeeze3A_250 = vector.shape_cast %add3A_249 : vector<256x1xi32> to vector<256xi32>
    %swap3A_251 = arith.constant 0 : index
    %swap3A_252 = arith.constant 0 : index
    %swap3A_253 = arith.constant 4 : index
    %swap3A_254 = vector.load %arg6[%swap3A_251, %swap3A_252, %swap3A_253] : memref<1x256x14xi32, #tpu.memory_space<vmem>>, vector<1x256x1xi32>
    %swap3A_255 = vector.shape_cast %swap3A_254 : vector<1x256x1xi32> to vector<256xi32>
    %swap3A_256 = vector.shape_cast %squeeze3A_250 : vector<256xi32> to vector<1x256x1xi32>
    tpu.vector_store %arg6[%swap3A_251, %swap3A_252, %swap3A_253], %swap3A_256 {strides = array<i32>} : memref<1x256x14xi32, #tpu.memory_space<vmem>>, vector<1x256x1xi32>,
    %reduce_min3A_257 = arith.constant dense<0x7F800000> : vector<256xf32>
    %reduce_min3A_258 = vector.multi_reduction <minimumf>, %select_n3A_222, %reduce_min3A_257 [1] : vector<256x1024xf32> to vector<256xf32>
    %broadcast_in_dim3A_259 = vector.shape_cast %reduce_min3A_258 : vector<256xf32> to vector<256x1xf32>
    %eq3A_260 = vector.broadcast %broadcast_in_dim3A_259 : vector<256x1xf32> to vector<256x1024xf32>
    %eq3A_261 = arith.cmpf oeq, %select_n3A_222, %eq3A_260 : vector<256x1024xf32>
    %jit3A_262 = arith.constant 1.024000e+03 : f32
    %broadcast_in_dim3A_263 = vector.broadcast %jit3A_262 : f32 to vector<256x1024xf32>
    %select_n3A_264 = arith.select %eq3A_261, %convert_element_type3A, %broadcast_in_dim3A_263 : vector<256x1024xi1>, vector<256x1024xf32>
    %reduce_min3A_265 = arith.constant dense<0x7F800000> : vector<256xf32>
    %reduce_min3A_266 = vector.multi_reduction <minimumf>, %select_n3A_264, %reduce_min3A_265 [1] : vector<256x1024xf32> to vector<256xf32>
    %broadcast_in_dim3A_267 = vector.shape_cast %reduce_min3A_266 : vector<256xf32> to vector<256x1xf32>
    %eq3A_268 = vector.broadcast %broadcast_in_dim3A_267 : vector<256x1xf32> to vector<256x1024xf32>
    %eq3A_269 = arith.cmpf oeq, %convert_element_type3A, %eq3A_268 : vector<256x1024xf32>
    %jit3A_270 = arith.constant 0x7F800000 : f32
    %broadcast_in_dim3A_271 = vector.broadcast %jit3A_270 : f32 to vector<256x1024xf32>
    %select_n3A_272 = arith.select %eq3A_269, %broadcast_in_dim3A_271, %select_n3A_222 : vector<256x1024xi1>, vector<256x1024xf32>
    %convert_element_type3A_273 = arith.fptosi %broadcast_in_dim3A_267 : vector<256x1xf32> to vector<256x1xi32>
    %squeeze3A_274 = vector.shape_cast %convert_element_type3A_273 : vector<256x1xi32> to vector<256xi32>
    %swap3A_275 = arith.constant 0 : index
    %swap3A_276 = arith.constant 0 : index
    %swap3A_277 = arith.constant 5 : index
    %swap3A_278 = vector.load %arg3[%swap3A_275, %swap3A_276, %swap3A_277] : memref<1x256x14xi32, #tpu.memory_space<vmem>>, vector<1x256x1xi32>
    %swap3A_279 = vector.shape_cast %swap3A_278 : vector<1x256x1xi32> to vector<256xi32>
    %swap3A_280 = vector.shape_cast %squeeze3A_274 : vector<256xi32> to vector<1x256x1xi32>
    tpu.vector_store %arg3[%swap3A_275, %swap3A_276, %swap3A_277], %swap3A_280 {strides = array<i32>} : memref<1x256x14xi32, #tpu.memory_space<vmem>>, vector<1x256x1xi32>,
    %squeeze3A_281 = vector.shape_cast %broadcast_in_dim3A_259 : vector<256x1xf32> to vector<256xf32>
    %swap3A_282 = arith.constant 0 : index
    %swap3A_283 = arith.constant 0 : index
    %swap3A_284 = arith.constant 5 : index
    %swap3A_285 = vector.load %arg4[%swap3A_282, %swap3A_283, %swap3A_284] : memref<1x256x14xf32, #tpu.memory_space<vmem>>, vector<1x256x1xf32>
    %swap3A_286 = vector.shape_cast %swap3A_285 : vector<1x256x1xf32> to vector<256xf32>
    %swap3A_287 = vector.shape_cast %squeeze3A_281 : vector<256xf32> to vector<1x256x1xf32>
    tpu.vector_store %arg4[%swap3A_282, %swap3A_283, %swap3A_284], %swap3A_287 {strides = array<i32>} : memref<1x256x14xf32, #tpu.memory_space<vmem>>, vector<1x256x1xf32>,
    %add3A_288 = arith.addi %mul3A_13, %convert_element_type3A_273 : vector<256x1xi32>
    %squeeze3A_289 = vector.shape_cast %add3A_288 : vector<256x1xi32> to vector<256xi32>
    %swap3A_290 = arith.constant 0 : index
    %swap3A_291 = arith.constant 0 : index
    %swap3A_292 = arith.constant 5 : index
    %swap3A_293 = vector.load %arg5[%swap3A_290, %swap3A_291, %swap3A_292] : memref<1x256x14xi32, #tpu.memory_space<vmem>>, vector<1x256x1xi32>
    %swap3A_294 = vector.shape_cast %swap3A_293 : vector<1x256x1xi32> to vector<256xi32>
    %swap3A_295 = vector.shape_cast %squeeze3A_289 : vector<256xi32> to vector<1x256x1xi32>
    tpu.vector_store %arg5[%swap3A_290, %swap3A_291, %swap3A_292], %swap3A_295 {strides = array<i32>} : memref<1x256x14xi32, #tpu.memory_space<vmem>>, vector<1x256x1xi32>,
    %mul3A_296 = arith.constant 1024 : i32
    %mul3A_297 = arith.muli %arg0, %mul3A_296 : i32
    %add3A_298 = vector.broadcast %mul3A_297 : i32 to vector<256x1xi32>
    %add3A_299 = arith.addi %add3A_298, %convert_element_type3A_273 : vector<256x1xi32>
    %squeeze3A_300 = vector.shape_cast %add3A_299 : vector<256x1xi32> to vector<256xi32>
    %swap3A_301 = arith.constant 0 : index
    %swap3A_302 = arith.constant 0 : index
    %swap3A_303 = arith.constant 5 : index
    %swap3A_304 = vector.load %arg6[%swap3A_301, %swap3A_302, %swap3A_303] : memref<1x256x14xi32, #tpu.memory_space<vmem>>, vector<1x256x1xi32>
    %swap3A_305 = vector.shape_cast %swap3A_304 : vector<1x256x1xi32> to vector<256xi32>
    %swap3A_306 = vector.shape_cast %squeeze3A_300 : vector<256xi32> to vector<1x256x1xi32>
    tpu.vector_store %arg6[%swap3A_301, %swap3A_302, %swap3A_303], %swap3A_306 {strides = array<i32>} : memref<1x256x14xi32, #tpu.memory_space<vmem>>, vector<1x256x1xi32>,
    %reduce_min3A_307 = arith.constant dense<0x7F800000> : vector<256xf32>
    %reduce_min3A_308 = vector.multi_reduction <minimumf>, %select_n3A_272, %reduce_min3A_307 [1] : vector<256x1024xf32> to vector<256xf32>
    %broadcast_in_dim3A_309 = vector.shape_cast %reduce_min3A_308 : vector<256xf32> to vector<256x1xf32>
    %eq3A_310 = vector.broadcast %broadcast_in_dim3A_309 : vector<256x1xf32> to vector<256x1024xf32>
    %eq3A_311 = arith.cmpf oeq, %select_n3A_272, %eq3A_310 : vector<256x1024xf32>
    %jit3A_312 = arith.constant 1.024000e+03 : f32
    %broadcast_in_dim3A_313 = vector.broadcast %jit3A_312 : f32 to vector<256x1024xf32>
    %select_n3A_314 = arith.select %eq3A_311, %convert_element_type3A, %broadcast_in_dim3A_313 : vector<256x1024xi1>, vector<256x1024xf32>
    %reduce_min3A_315 = arith.constant dense<0x7F800000> : vector<256xf32>
    %reduce_min3A_316 = vector.multi_reduction <minimumf>, %select_n3A_314, %reduce_min3A_315 [1] : vector<256x1024xf32> to vector<256xf32>
    %broadcast_in_dim3A_317 = vector.shape_cast %reduce_min3A_316 : vector<256xf32> to vector<256x1xf32>
    %eq3A_318 = vector.broadcast %broadcast_in_dim3A_317 : vector<256x1xf32> to vector<256x1024xf32>
    %eq3A_319 = arith.cmpf oeq, %convert_element_type3A, %eq3A_318 : vector<256x1024xf32>
    %jit3A_320 = arith.constant 0x7F800000 : f32
    %broadcast_in_dim3A_321 = vector.broadcast %jit3A_320 : f32 to vector<256x1024xf32>
    %select_n3A_322 = arith.select %eq3A_319, %broadcast_in_dim3A_321, %select_n3A_272 : vector<256x1024xi1>, vector<256x1024xf32>
    %convert_element_type3A_323 = arith.fptosi %broadcast_in_dim3A_317 : vector<256x1xf32> to vector<256x1xi32>
    %squeeze3A_324 = vector.shape_cast %convert_element_type3A_323 : vector<256x1xi32> to vector<256xi32>
    %swap3A_325 = arith.constant 0 : index
    %swap3A_326 = arith.constant 0 : index
    %swap3A_327 = arith.constant 6 : index
    %swap3A_328 = vector.load %arg3[%swap3A_325, %swap3A_326, %swap3A_327] : memref<1x256x14xi32, #tpu.memory_space<vmem>>, vector<1x256x1xi32>
    %swap3A_329 = vector.shape_cast %swap3A_328 : vector<1x256x1xi32> to vector<256xi32>
    %swap3A_330 = vector.shape_cast %squeeze3A_324 : vector<256xi32> to vector<1x256x1xi32>
    tpu.vector_store %arg3[%swap3A_325, %swap3A_326, %swap3A_327], %swap3A_330 {strides = array<i32>} : memref<1x256x14xi32, #tpu.memory_space<vmem>>, vector<1x256x1xi32>,
    %squeeze3A_331 = vector.shape_cast %broadcast_in_dim3A_309 : vector<256x1xf32> to vector<256xf32>
    %swap3A_332 = arith.constant 0 : index
    %swap3A_333 = arith.constant 0 : index
    %swap3A_334 = arith.constant 6 : index
    %swap3A_335 = vector.load %arg4[%swap3A_332, %swap3A_333, %swap3A_334] : memref<1x256x14xf32, #tpu.memory_space<vmem>>, vector<1x256x1xf32>
    %swap3A_336 = vector.shape_cast %swap3A_335 : vector<1x256x1xf32> to vector<256xf32>
    %swap3A_337 = vector.shape_cast %squeeze3A_331 : vector<256xf32> to vector<1x256x1xf32>
    tpu.vector_store %arg4[%swap3A_332, %swap3A_333, %swap3A_334], %swap3A_337 {strides = array<i32>} : memref<1x256x14xf32, #tpu.memory_space<vmem>>, vector<1x256x1xf32>,
    %add3A_338 = arith.addi %mul3A_13, %convert_element_type3A_323 : vector<256x1xi32>
    %squeeze3A_339 = vector.shape_cast %add3A_338 : vector<256x1xi32> to vector<256xi32>
    %swap3A_340 = arith.constant 0 : index
    %swap3A_341 = arith.constant 0 : index
    %swap3A_342 = arith.constant 6 : index
    %swap3A_343 = vector.load %arg5[%swap3A_340, %swap3A_341, %swap3A_342] : memref<1x256x14xi32, #tpu.memory_space<vmem>>, vector<1x256x1xi32>
    %swap3A_344 = vector.shape_cast %swap3A_343 : vector<1x256x1xi32> to vector<256xi32>
    %swap3A_345 = vector.shape_cast %squeeze3A_339 : vector<256xi32> to vector<1x256x1xi32>
    tpu.vector_store %arg5[%swap3A_340, %swap3A_341, %swap3A_342], %swap3A_345 {strides = array<i32>} : memref<1x256x14xi32, #tpu.memory_space<vmem>>, vector<1x256x1xi32>,
    %mul3A_346 = arith.constant 1024 : i32
    %mul3A_347 = arith.muli %arg0, %mul3A_346 : i32
    %add3A_348 = vector.broadcast %mul3A_347 : i32 to vector<256x1xi32>
    %add3A_349 = arith.addi %add3A_348, %convert_element_type3A_323 : vector<256x1xi32>
    %squeeze3A_350 = vector.shape_cast %add3A_349 : vector<256x1xi32> to vector<256xi32>
    %swap3A_351 = arith.constant 0 : index
    %swap3A_352 = arith.constant 0 : index
    %swap3A_353 = arith.constant 6 : index
    %swap3A_354 = vector.load %arg6[%swap3A_351, %swap3A_352, %swap3A_353] : memref<1x256x14xi32, #tpu.memory_space<vmem>>, vector<1x256x1xi32>
    %swap3A_355 = vector.shape_cast %swap3A_354 : vector<1x256x1xi32> to vector<256xi32>
    %swap3A_356 = vector.shape_cast %squeeze3A_350 : vector<256xi32> to vector<1x256x1xi32>
    tpu.vector_store %arg6[%swap3A_351, %swap3A_352, %swap3A_353], %swap3A_356 {strides = array<i32>} : memref<1x256x14xi32, #tpu.memory_space<vmem>>, vector<1x256x1xi32>,
    %reduce_min3A_357 = arith.constant dense<0x7F800000> : vector<256xf32>
    %reduce_min3A_358 = vector.multi_reduction <minimumf>, %select_n3A_322, %reduce_min3A_357 [1] : vector<256x1024xf32> to vector<256xf32>
    %broadcast_in_dim3A_359 = vector.shape_cast %reduce_min3A_358 : vector<256xf32> to vector<256x1xf32>
    %eq3A_360 = vector.broadcast %broadcast_in_dim3A_359 : vector<256x1xf32> to vector<256x1024xf32>
    %eq3A_361 = arith.cmpf oeq, %select_n3A_322, %eq3A_360 : vector<256x1024xf32>
    %jit3A_362 = arith.constant 1.024000e+03 : f32
    %broadcast_in_dim3A_363 = vector.broadcast %jit3A_362 : f32 to vector<256x1024xf32>
    %select_n3A_364 = arith.select %eq3A_361, %convert_element_type3A, %broadcast_in_dim3A_363 : vector<256x1024xi1>, vector<256x1024xf32>
    %reduce_min3A_365 = arith.constant dense<0x7F800000> : vector<256xf32>
    %reduce_min3A_366 = vector.multi_reduction <minimumf>, %select_n3A_364, %reduce_min3A_365 [1] : vector<256x1024xf32> to vector<256xf32>
    %broadcast_in_dim3A_367 = vector.shape_cast %reduce_min3A_366 : vector<256xf32> to vector<256x1xf32>
    %eq3A_368 = vector.broadcast %broadcast_in_dim3A_367 : vector<256x1xf32> to vector<256x1024xf32>
    %eq3A_369 = arith.cmpf oeq, %convert_element_type3A, %eq3A_368 : vector<256x1024xf32>
    %jit3A_370 = arith.constant 0x7F800000 : f32
    %broadcast_in_dim3A_371 = vector.broadcast %jit3A_370 : f32 to vector<256x1024xf32>
    %select_n3A_372 = arith.select %eq3A_369, %broadcast_in_dim3A_371, %select_n3A_322 : vector<256x1024xi1>, vector<256x1024xf32>
    %convert_element_type3A_373 = arith.fptosi %broadcast_in_dim3A_367 : vector<256x1xf32> to vector<256x1xi32>
    %squeeze3A_374 = vector.shape_cast %convert_element_type3A_373 : vector<256x1xi32> to vector<256xi32>
    %swap3A_375 = arith.constant 0 : index
    %swap3A_376 = arith.constant 0 : index
    %swap3A_377 = arith.constant 7 : index
    %swap3A_378 = vector.load %arg3[%swap3A_375, %swap3A_376, %swap3A_377] : memref<1x256x14xi32, #tpu.memory_space<vmem>>, vector<1x256x1xi32>
    %swap3A_379 = vector.shape_cast %swap3A_378 : vector<1x256x1xi32> to vector<256xi32>
    %swap3A_380 = vector.shape_cast %squeeze3A_374 : vector<256xi32> to vector<1x256x1xi32>
    tpu.vector_store %arg3[%swap3A_375, %swap3A_376, %swap3A_377], %swap3A_380 {strides = array<i32>} : memref<1x256x14xi32, #tpu.memory_space<vmem>>, vector<1x256x1xi32>,
    %squeeze3A_381 = vector.shape_cast %broadcast_in_dim3A_359 : vector<256x1xf32> to vector<256xf32>
    %swap3A_382 = arith.constant 0 : index
    %swap3A_383 = arith.constant 0 : index
    %swap3A_384 = arith.constant 7 : index
    %swap3A_385 = vector.load %arg4[%swap3A_382, %swap3A_383, %swap3A_384] : memref<1x256x14xf32, #tpu.memory_space<vmem>>, vector<1x256x1xf32>
    %swap3A_386 = vector.shape_cast %swap3A_385 : vector<1x256x1xf32> to vector<256xf32>
    %swap3A_387 = vector.shape_cast %squeeze3A_381 : vector<256xf32> to vector<1x256x1xf32>
    tpu.vector_store %arg4[%swap3A_382, %swap3A_383, %swap3A_384], %swap3A_387 {strides = array<i32>} : memref<1x256x14xf32, #tpu.memory_space<vmem>>, vector<1x256x1xf32>,
    %add3A_388 = arith.addi %mul3A_13, %convert_element_type3A_373 : vector<256x1xi32>
    %squeeze3A_389 = vector.shape_cast %add3A_388 : vector<256x1xi32> to vector<256xi32>
    %swap3A_390 = arith.constant 0 : index
    %swap3A_391 = arith.constant 0 : index
    %swap3A_392 = arith.constant 7 : index
    %swap3A_393 = vector.load %arg5[%swap3A_390, %swap3A_391, %swap3A_392] : memref<1x256x14xi32, #tpu.memory_space<vmem>>, vector<1x256x1xi32>
    %swap3A_394 = vector.shape_cast %swap3A_393 : vector<1x256x1xi32> to vector<256xi32>
    %swap3A_395 = vector.shape_cast %squeeze3A_389 : vector<256xi32> to vector<1x256x1xi32>
    tpu.vector_store %arg5[%swap3A_390, %swap3A_391, %swap3A_392], %swap3A_395 {strides = array<i32>} : memref<1x256x14xi32, #tpu.memory_space<vmem>>, vector<1x256x1xi32>,
    %mul3A_396 = arith.constant 1024 : i32
    %mul3A_397 = arith.muli %arg0, %mul3A_396 : i32
    %add3A_398 = vector.broadcast %mul3A_397 : i32 to vector<256x1xi32>
    %add3A_399 = arith.addi %add3A_398, %convert_element_type3A_373 : vector<256x1xi32>
    %squeeze3A_400 = vector.shape_cast %add3A_399 : vector<256x1xi32> to vector<256xi32>
    %swap3A_401 = arith.constant 0 : index
    %swap3A_402 = arith.constant 0 : index
    %swap3A_403 = arith.constant 7 : index
    %swap3A_404 = vector.load %arg6[%swap3A_401, %swap3A_402, %swap3A_403] : memref<1x256x14xi32, #tpu.memory_space<vmem>>, vector<1x256x1xi32>
    %swap3A_405 = vector.shape_cast %swap3A_404 : vector<1x256x1xi32> to vector<256xi32>
    %swap3A_406 = vector.shape_cast %squeeze3A_400 : vector<256xi32> to vector<1x256x1xi32>
    tpu.vector_store %arg6[%swap3A_401, %swap3A_402, %swap3A_403], %swap3A_406 {strides = array<i32>} : memref<1x256x14xi32, #tpu.memory_space<vmem>>, vector<1x256x1xi32>,
    %reduce_min3A_407 = arith.constant dense<0x7F800000> : vector<256xf32>
    %reduce_min3A_408 = vector.multi_reduction <minimumf>, %select_n3A_372, %reduce_min3A_407 [1] : vector<256x1024xf32> to vector<256xf32>
    %broadcast_in_dim3A_409 = vector.shape_cast %reduce_min3A_408 : vector<256xf32> to vector<256x1xf32>
    %eq3A_410 = vector.broadcast %broadcast_in_dim3A_409 : vector<256x1xf32> to vector<256x1024xf32>
    %eq3A_411 = arith.cmpf oeq, %select_n3A_372, %eq3A_410 : vector<256x1024xf32>
    %jit3A_412 = arith.constant 1.024000e+03 : f32
    %broadcast_in_dim3A_413 = vector.broadcast %jit3A_412 : f32 to vector<256x1024xf32>
    %select_n3A_414 = arith.select %eq3A_411, %convert_element_type3A, %broadcast_in_dim3A_413 : vector<256x1024xi1>, vector<256x1024xf32>
    %reduce_min3A_415 = arith.constant dense<0x7F800000> : vector<256xf32>
    %reduce_min3A_416 = vector.multi_reduction <minimumf>, %select_n3A_414, %reduce_min3A_415 [1] : vector<256x1024xf32> to vector<256xf32>
    %broadcast_in_dim3A_417 = vector.shape_cast %reduce_min3A_416 : vector<256xf32> to vector<256x1xf32>
    %eq3A_418 = vector.broadcast %broadcast_in_dim3A_417 : vector<256x1xf32> to vector<256x1024xf32>
    %eq3A_419 = arith.cmpf oeq, %convert_element_type3A, %eq3A_418 : vector<256x1024xf32>
    %jit3A_420 = arith.constant 0x7F800000 : f32
    %broadcast_in_dim3A_421 = vector.broadcast %jit3A_420 : f32 to vector<256x1024xf32>
    %select_n3A_422 = arith.select %eq3A_419, %broadcast_in_dim3A_421, %select_n3A_372 : vector<256x1024xi1>, vector<256x1024xf32>
    %convert_element_type3A_423 = arith.fptosi %broadcast_in_dim3A_417 : vector<256x1xf32> to vector<256x1xi32>
    %squeeze3A_424 = vector.shape_cast %convert_element_type3A_423 : vector<256x1xi32> to vector<256xi32>
    %swap3A_425 = arith.constant 0 : index
    %swap3A_426 = arith.constant 0 : index
    %swap3A_427 = arith.constant 8 : index
    %swap3A_428 = vector.load %arg3[%swap3A_425, %swap3A_426, %swap3A_427] : memref<1x256x14xi32, #tpu.memory_space<vmem>>, vector<1x256x1xi32>
    %swap3A_429 = vector.shape_cast %swap3A_428 : vector<1x256x1xi32> to vector<256xi32>
    %swap3A_430 = vector.shape_cast %squeeze3A_424 : vector<256xi32> to vector<1x256x1xi32>
    tpu.vector_store %arg3[%swap3A_425, %swap3A_426, %swap3A_427], %swap3A_430 {strides = array<i32>} : memref<1x256x14xi32, #tpu.memory_space<vmem>>, vector<1x256x1xi32>,
    %squeeze3A_431 = vector.shape_cast %broadcast_in_dim3A_409 : vector<256x1xf32> to vector<256xf32>
    %swap3A_432 = arith.constant 0 : index
    %swap3A_433 = arith.constant 0 : index
    %swap3A_434 = arith.constant 8 : index
    %swap3A_435 = vector.load %arg4[%swap3A_432, %swap3A_433, %swap3A_434] : memref<1x256x14xf32, #tpu.memory_space<vmem>>, vector<1x256x1xf32>
    %swap3A_436 = vector.shape_cast %swap3A_435 : vector<1x256x1xf32> to vector<256xf32>
    %swap3A_437 = vector.shape_cast %squeeze3A_431 : vector<256xf32> to vector<1x256x1xf32>
    tpu.vector_store %arg4[%swap3A_432, %swap3A_433, %swap3A_434], %swap3A_437 {strides = array<i32>} : memref<1x256x14xf32, #tpu.memory_space<vmem>>, vector<1x256x1xf32>,
    %add3A_438 = arith.addi %mul3A_13, %convert_element_type3A_423 : vector<256x1xi32>
    %squeeze3A_439 = vector.shape_cast %add3A_438 : vector<256x1xi32> to vector<256xi32>
    %swap3A_440 = arith.constant 0 : index
    %swap3A_441 = arith.constant 0 : index
    %swap3A_442 = arith.constant 8 : index
    %swap3A_443 = vector.load %arg5[%swap3A_440, %swap3A_441, %swap3A_442] : memref<1x256x14xi32, #tpu.memory_space<vmem>>, vector<1x256x1xi32>
    %swap3A_444 = vector.shape_cast %swap3A_443 : vector<1x256x1xi32> to vector<256xi32>
    %swap3A_445 = vector.shape_cast %squeeze3A_439 : vector<256xi32> to vector<1x256x1xi32>
    tpu.vector_store %arg5[%swap3A_440, %swap3A_441, %swap3A_442], %swap3A_445 {strides = array<i32>} : memref<1x256x14xi32, #tpu.memory_space<vmem>>, vector<1x256x1xi32>,
    %mul3A_446 = arith.constant 1024 : i32
    %mul3A_447 = arith.muli %arg0, %mul3A_446 : i32
    %add3A_448 = vector.broadcast %mul3A_447 : i32 to vector<256x1xi32>
    %add3A_449 = arith.addi %add3A_448, %convert_element_type3A_423 : vector<256x1xi32>
    %squeeze3A_450 = vector.shape_cast %add3A_449 : vector<256x1xi32> to vector<256xi32>
    %swap3A_451 = arith.constant 0 : index
    %swap3A_452 = arith.constant 0 : index
    %swap3A_453 = arith.constant 8 : index
    %swap3A_454 = vector.load %arg6[%swap3A_451, %swap3A_452, %swap3A_453] : memref<1x256x14xi32, #tpu.memory_space<vmem>>, vector<1x256x1xi32>
    %swap3A_455 = vector.shape_cast %swap3A_454 : vector<1x256x1xi32> to vector<256xi32>
    %swap3A_456 = vector.shape_cast %squeeze3A_450 : vector<256xi32> to vector<1x256x1xi32>
    tpu.vector_store %arg6[%swap3A_451, %swap3A_452, %swap3A_453], %swap3A_456 {strides = array<i32>} : memref<1x256x14xi32, #tpu.memory_space<vmem>>, vector<1x256x1xi32>,
    %reduce_min3A_457 = arith.constant dense<0x7F800000> : vector<256xf32>
    %reduce_min3A_458 = vector.multi_reduction <minimumf>, %select_n3A_422, %reduce_min3A_457 [1] : vector<256x1024xf32> to vector<256xf32>
    %broadcast_in_dim3A_459 = vector.shape_cast %reduce_min3A_458 : vector<256xf32> to vector<256x1xf32>
    %eq3A_460 = vector.broadcast %broadcast_in_dim3A_459 : vector<256x1xf32> to vector<256x1024xf32>
    %eq3A_461 = arith.cmpf oeq, %select_n3A_422, %eq3A_460 : vector<256x1024xf32>
    %jit3A_462 = arith.constant 1.024000e+03 : f32
    %broadcast_in_dim3A_463 = vector.broadcast %jit3A_462 : f32 to vector<256x1024xf32>
    %select_n3A_464 = arith.select %eq3A_461, %convert_element_type3A, %broadcast_in_dim3A_463 : vector<256x1024xi1>, vector<256x1024xf32>
    %reduce_min3A_465 = arith.constant dense<0x7F800000> : vector<256xf32>
    %reduce_min3A_466 = vector.multi_reduction <minimumf>, %select_n3A_464, %reduce_min3A_465 [1] : vector<256x1024xf32> to vector<256xf32>
    %broadcast_in_dim3A_467 = vector.shape_cast %reduce_min3A_466 : vector<256xf32> to vector<256x1xf32>
    %eq3A_468 = vector.broadcast %broadcast_in_dim3A_467 : vector<256x1xf32> to vector<256x1024xf32>
    %eq3A_469 = arith.cmpf oeq, %convert_element_type3A, %eq3A_468 : vector<256x1024xf32>
    %jit3A_470 = arith.constant 0x7F800000 : f32
    %broadcast_in_dim3A_471 = vector.broadcast %jit3A_470 : f32 to vector<256x1024xf32>
    %select_n3A_472 = arith.select %eq3A_469, %broadcast_in_dim3A_471, %select_n3A_422 : vector<256x1024xi1>, vector<256x1024xf32>
    %convert_element_type3A_473 = arith.fptosi %broadcast_in_dim3A_467 : vector<256x1xf32> to vector<256x1xi32>
    %squeeze3A_474 = vector.shape_cast %convert_element_type3A_473 : vector<256x1xi32> to vector<256xi32>
    %swap3A_475 = arith.constant 0 : index
    %swap3A_476 = arith.constant 0 : index
    %swap3A_477 = arith.constant 9 : index
    %swap3A_478 = vector.load %arg3[%swap3A_475, %swap3A_476, %swap3A_477] : memref<1x256x14xi32, #tpu.memory_space<vmem>>, vector<1x256x1xi32>
    %swap3A_479 = vector.shape_cast %swap3A_478 : vector<1x256x1xi32> to vector<256xi32>
    %swap3A_480 = vector.shape_cast %squeeze3A_474 : vector<256xi32> to vector<1x256x1xi32>
    tpu.vector_store %arg3[%swap3A_475, %swap3A_476, %swap3A_477], %swap3A_480 {strides = array<i32>} : memref<1x256x14xi32, #tpu.memory_space<vmem>>, vector<1x256x1xi32>,
    %squeeze3A_481 = vector.shape_cast %broadcast_in_dim3A_459 : vector<256x1xf32> to vector<256xf32>
    %swap3A_482 = arith.constant 0 : index
    %swap3A_483 = arith.constant 0 : index
    %swap3A_484 = arith.constant 9 : index
    %swap3A_485 = vector.load %arg4[%swap3A_482, %swap3A_483, %swap3A_484] : memref<1x256x14xf32, #tpu.memory_space<vmem>>, vector<1x256x1xf32>
    %swap3A_486 = vector.shape_cast %swap3A_485 : vector<1x256x1xf32> to vector<256xf32>
    %swap3A_487 = vector.shape_cast %squeeze3A_481 : vector<256xf32> to vector<1x256x1xf32>
    tpu.vector_store %arg4[%swap3A_482, %swap3A_483, %swap3A_484], %swap3A_487 {strides = array<i32>} : memref<1x256x14xf32, #tpu.memory_space<vmem>>, vector<1x256x1xf32>,
    %add3A_488 = arith.addi %mul3A_13, %convert_element_type3A_473 : vector<256x1xi32>
    %squeeze3A_489 = vector.shape_cast %add3A_488 : vector<256x1xi32> to vector<256xi32>
    %swap3A_490 = arith.constant 0 : index
    %swap3A_491 = arith.constant 0 : index
    %swap3A_492 = arith.constant 9 : index
    %swap3A_493 = vector.load %arg5[%swap3A_490, %swap3A_491, %swap3A_492] : memref<1x256x14xi32, #tpu.memory_space<vmem>>, vector<1x256x1xi32>
    %swap3A_494 = vector.shape_cast %swap3A_493 : vector<1x256x1xi32> to vector<256xi32>
    %swap3A_495 = vector.shape_cast %squeeze3A_489 : vector<256xi32> to vector<1x256x1xi32>
    tpu.vector_store %arg5[%swap3A_490, %swap3A_491, %swap3A_492], %swap3A_495 {strides = array<i32>} : memref<1x256x14xi32, #tpu.memory_space<vmem>>, vector<1x256x1xi32>,
    %mul3A_496 = arith.constant 1024 : i32
    %mul3A_497 = arith.muli %arg0, %mul3A_496 : i32
    %add3A_498 = vector.broadcast %mul3A_497 : i32 to vector<256x1xi32>
    %add3A_499 = arith.addi %add3A_498, %convert_element_type3A_473 : vector<256x1xi32>
    %squeeze3A_500 = vector.shape_cast %add3A_499 : vector<256x1xi32> to vector<256xi32>
    %swap3A_501 = arith.constant 0 : index
    %swap3A_502 = arith.constant 0 : index
    %swap3A_503 = arith.constant 9 : index
    %swap3A_504 = vector.load %arg6[%swap3A_501, %swap3A_502, %swap3A_503] : memref<1x256x14xi32, #tpu.memory_space<vmem>>, vector<1x256x1xi32>
    %swap3A_505 = vector.shape_cast %swap3A_504 : vector<1x256x1xi32> to vector<256xi32>
    %swap3A_506 = vector.shape_cast %squeeze3A_500 : vector<256xi32> to vector<1x256x1xi32>
    tpu.vector_store %arg6[%swap3A_501, %swap3A_502, %swap3A_503], %swap3A_506 {strides = array<i32>} : memref<1x256x14xi32, #tpu.memory_space<vmem>>, vector<1x256x1xi32>,
    %reduce_min3A_507 = arith.constant dense<0x7F800000> : vector<256xf32>
    %reduce_min3A_508 = vector.multi_reduction <minimumf>, %select_n3A_472, %reduce_min3A_507 [1] : vector<256x1024xf32> to vector<256xf32>
    %broadcast_in_dim3A_509 = vector.shape_cast %reduce_min3A_508 : vector<256xf32> to vector<256x1xf32>
    %eq3A_510 = vector.broadcast %broadcast_in_dim3A_509 : vector<256x1xf32> to vector<256x1024xf32>
    %eq3A_511 = arith.cmpf oeq, %select_n3A_472, %eq3A_510 : vector<256x1024xf32>
    %jit3A_512 = arith.constant 1.024000e+03 : f32
    %broadcast_in_dim3A_513 = vector.broadcast %jit3A_512 : f32 to vector<256x1024xf32>
    %select_n3A_514 = arith.select %eq3A_511, %convert_element_type3A, %broadcast_in_dim3A_513 : vector<256x1024xi1>, vector<256x1024xf32>
    %reduce_min3A_515 = arith.constant dense<0x7F800000> : vector<256xf32>
    %reduce_min3A_516 = vector.multi_reduction <minimumf>, %select_n3A_514, %reduce_min3A_515 [1] : vector<256x1024xf32> to vector<256xf32>
    %broadcast_in_dim3A_517 = vector.shape_cast %reduce_min3A_516 : vector<256xf32> to vector<256x1xf32>
    %eq3A_518 = vector.broadcast %broadcast_in_dim3A_517 : vector<256x1xf32> to vector<256x1024xf32>
    %eq3A_519 = arith.cmpf oeq, %convert_element_type3A, %eq3A_518 : vector<256x1024xf32>
    %jit3A_520 = arith.constant 0x7F800000 : f32
    %broadcast_in_dim3A_521 = vector.broadcast %jit3A_520 : f32 to vector<256x1024xf32>
    %select_n3A_522 = arith.select %eq3A_519, %broadcast_in_dim3A_521, %select_n3A_472 : vector<256x1024xi1>, vector<256x1024xf32>
    %convert_element_type3A_523 = arith.fptosi %broadcast_in_dim3A_517 : vector<256x1xf32> to vector<256x1xi32>
    %squeeze3A_524 = vector.shape_cast %convert_element_type3A_523 : vector<256x1xi32> to vector<256xi32>
    %swap3A_525 = arith.constant 0 : index
    %swap3A_526 = arith.constant 0 : index
    %swap3A_527 = arith.constant 10 : index
    %swap3A_528 = vector.load %arg3[%swap3A_525, %swap3A_526, %swap3A_527] : memref<1x256x14xi32, #tpu.memory_space<vmem>>, vector<1x256x1xi32>
    %swap3A_529 = vector.shape_cast %swap3A_528 : vector<1x256x1xi32> to vector<256xi32>
    %swap3A_530 = vector.shape_cast %squeeze3A_524 : vector<256xi32> to vector<1x256x1xi32>
    tpu.vector_store %arg3[%swap3A_525, %swap3A_526, %swap3A_527], %swap3A_530 {strides = array<i32>} : memref<1x256x14xi32, #tpu.memory_space<vmem>>, vector<1x256x1xi32>,
    %squeeze3A_531 = vector.shape_cast %broadcast_in_dim3A_509 : vector<256x1xf32> to vector<256xf32>
    %swap3A_532 = arith.constant 0 : index
    %swap3A_533 = arith.constant 0 : index
    %swap3A_534 = arith.constant 10 : index
    %swap3A_535 = vector.load %arg4[%swap3A_532, %swap3A_533, %swap3A_534] : memref<1x256x14xf32, #tpu.memory_space<vmem>>, vector<1x256x1xf32>
    %swap3A_536 = vector.shape_cast %swap3A_535 : vector<1x256x1xf32> to vector<256xf32>
    %swap3A_537 = vector.shape_cast %squeeze3A_531 : vector<256xf32> to vector<1x256x1xf32>
    tpu.vector_store %arg4[%swap3A_532, %swap3A_533, %swap3A_534], %swap3A_537 {strides = array<i32>} : memref<1x256x14xf32, #tpu.memory_space<vmem>>, vector<1x256x1xf32>,
    %add3A_538 = arith.addi %mul3A_13, %convert_element_type3A_523 : vector<256x1xi32>
    %squeeze3A_539 = vector.shape_cast %add3A_538 : vector<256x1xi32> to vector<256xi32>
    %swap3A_540 = arith.constant 0 : index
    %swap3A_541 = arith.constant 0 : index
    %swap3A_542 = arith.constant 10 : index
    %swap3A_543 = vector.load %arg5[%swap3A_540, %swap3A_541, %swap3A_542] : memref<1x256x14xi32, #tpu.memory_space<vmem>>, vector<1x256x1xi32>
    %swap3A_544 = vector.shape_cast %swap3A_543 : vector<1x256x1xi32> to vector<256xi32>
    %swap3A_545 = vector.shape_cast %squeeze3A_539 : vector<256xi32> to vector<1x256x1xi32>
    tpu.vector_store %arg5[%swap3A_540, %swap3A_541, %swap3A_542], %swap3A_545 {strides = array<i32>} : memref<1x256x14xi32, #tpu.memory_space<vmem>>, vector<1x256x1xi32>,
    %mul3A_546 = arith.constant 1024 : i32
    %mul3A_547 = arith.muli %arg0, %mul3A_546 : i32
    %add3A_548 = vector.broadcast %mul3A_547 : i32 to vector<256x1xi32>
    %add3A_549 = arith.addi %add3A_548, %convert_element_type3A_523 : vector<256x1xi32>
    %squeeze3A_550 = vector.shape_cast %add3A_549 : vector<256x1xi32> to vector<256xi32>
    %swap3A_551 = arith.constant 0 : index
    %swap3A_552 = arith.constant 0 : index
    %swap3A_553 = arith.constant 10 : index
    %swap3A_554 = vector.load %arg6[%swap3A_551, %swap3A_552, %swap3A_553] : memref<1x256x14xi32, #tpu.memory_space<vmem>>, vector<1x256x1xi32>
    %swap3A_555 = vector.shape_cast %swap3A_554 : vector<1x256x1xi32> to vector<256xi32>
    %swap3A_556 = vector.shape_cast %squeeze3A_550 : vector<256xi32> to vector<1x256x1xi32>
    tpu.vector_store %arg6[%swap3A_551, %swap3A_552, %swap3A_553], %swap3A_556 {strides = array<i32>} : memref<1x256x14xi32, #tpu.memory_space<vmem>>, vector<1x256x1xi32>,
    %reduce_min3A_557 = arith.constant dense<0x7F800000> : vector<256xf32>
    %reduce_min3A_558 = vector.multi_reduction <minimumf>, %select_n3A_522, %reduce_min3A_557 [1] : vector<256x1024xf32> to vector<256xf32>
    %broadcast_in_dim3A_559 = vector.shape_cast %reduce_min3A_558 : vector<256xf32> to vector<256x1xf32>
    %eq3A_560 = vector.broadcast %broadcast_in_dim3A_559 : vector<256x1xf32> to vector<256x1024xf32>
    %eq3A_561 = arith.cmpf oeq, %select_n3A_522, %eq3A_560 : vector<256x1024xf32>
    %jit3A_562 = arith.constant 1.024000e+03 : f32
    %broadcast_in_dim3A_563 = vector.broadcast %jit3A_562 : f32 to vector<256x1024xf32>
    %select_n3A_564 = arith.select %eq3A_561, %convert_element_type3A, %broadcast_in_dim3A_563 : vector<256x1024xi1>, vector<256x1024xf32>
    %reduce_min3A_565 = arith.constant dense<0x7F800000> : vector<256xf32>
    %reduce_min3A_566 = vector.multi_reduction <minimumf>, %select_n3A_564, %reduce_min3A_565 [1] : vector<256x1024xf32> to vector<256xf32>
    %broadcast_in_dim3A_567 = vector.shape_cast %reduce_min3A_566 : vector<256xf32> to vector<256x1xf32>
    %eq3A_568 = vector.broadcast %broadcast_in_dim3A_567 : vector<256x1xf32> to vector<256x1024xf32>
    %eq3A_569 = arith.cmpf oeq, %convert_element_type3A, %eq3A_568 : vector<256x1024xf32>
    %jit3A_570 = arith.constant 0x7F800000 : f32
    %broadcast_in_dim3A_571 = vector.broadcast %jit3A_570 : f32 to vector<256x1024xf32>
    %select_n3A_572 = arith.select %eq3A_569, %broadcast_in_dim3A_571, %select_n3A_522 : vector<256x1024xi1>, vector<256x1024xf32>
    %convert_element_type3A_573 = arith.fptosi %broadcast_in_dim3A_567 : vector<256x1xf32> to vector<256x1xi32>
    %squeeze3A_574 = vector.shape_cast %convert_element_type3A_573 : vector<256x1xi32> to vector<256xi32>
    %swap3A_575 = arith.constant 0 : index
    %swap3A_576 = arith.constant 0 : index
    %swap3A_577 = arith.constant 11 : index
    %swap3A_578 = vector.load %arg3[%swap3A_575, %swap3A_576, %swap3A_577] : memref<1x256x14xi32, #tpu.memory_space<vmem>>, vector<1x256x1xi32>
    %swap3A_579 = vector.shape_cast %swap3A_578 : vector<1x256x1xi32> to vector<256xi32>
    %swap3A_580 = vector.shape_cast %squeeze3A_574 : vector<256xi32> to vector<1x256x1xi32>
    tpu.vector_store %arg3[%swap3A_575, %swap3A_576, %swap3A_577], %swap3A_580 {strides = array<i32>} : memref<1x256x14xi32, #tpu.memory_space<vmem>>, vector<1x256x1xi32>,
    %squeeze3A_581 = vector.shape_cast %broadcast_in_dim3A_559 : vector<256x1xf32> to vector<256xf32>
    %swap3A_582 = arith.constant 0 : index
    %swap3A_583 = arith.constant 0 : index
    %swap3A_584 = arith.constant 11 : index
    %swap3A_585 = vector.load %arg4[%swap3A_582, %swap3A_583, %swap3A_584] : memref<1x256x14xf32, #tpu.memory_space<vmem>>, vector<1x256x1xf32>
    %swap3A_586 = vector.shape_cast %swap3A_585 : vector<1x256x1xf32> to vector<256xf32>
    %swap3A_587 = vector.shape_cast %squeeze3A_581 : vector<256xf32> to vector<1x256x1xf32>
    tpu.vector_store %arg4[%swap3A_582, %swap3A_583, %swap3A_584], %swap3A_587 {strides = array<i32>} : memref<1x256x14xf32, #tpu.memory_space<vmem>>, vector<1x256x1xf32>,
    %add3A_588 = arith.addi %mul3A_13, %convert_element_type3A_573 : vector<256x1xi32>
    %squeeze3A_589 = vector.shape_cast %add3A_588 : vector<256x1xi32> to vector<256xi32>
    %swap3A_590 = arith.constant 0 : index
    %swap3A_591 = arith.constant 0 : index
    %swap3A_592 = arith.constant 11 : index
    %swap3A_593 = vector.load %arg5[%swap3A_590, %swap3A_591, %swap3A_592] : memref<1x256x14xi32, #tpu.memory_space<vmem>>, vector<1x256x1xi32>
    %swap3A_594 = vector.shape_cast %swap3A_593 : vector<1x256x1xi32> to vector<256xi32>
    %swap3A_595 = vector.shape_cast %squeeze3A_589 : vector<256xi32> to vector<1x256x1xi32>
    tpu.vector_store %arg5[%swap3A_590, %swap3A_591, %swap3A_592], %swap3A_595 {strides = array<i32>} : memref<1x256x14xi32, #tpu.memory_space<vmem>>, vector<1x256x1xi32>,
    %mul3A_596 = arith.constant 1024 : i32
    %mul3A_597 = arith.muli %arg0, %mul3A_596 : i32
    %add3A_598 = vector.broadcast %mul3A_597 : i32 to vector<256x1xi32>
    %add3A_599 = arith.addi %add3A_598, %convert_element_type3A_573 : vector<256x1xi32>
    %squeeze3A_600 = vector.shape_cast %add3A_599 : vector<256x1xi32> to vector<256xi32>
    %swap3A_601 = arith.constant 0 : index
    %swap3A_602 = arith.constant 0 : index
    %swap3A_603 = arith.constant 11 : index
    %swap3A_604 = vector.load %arg6[%swap3A_601, %swap3A_602, %swap3A_603] : memref<1x256x14xi32, #tpu.memory_space<vmem>>, vector<1x256x1xi32>
    %swap3A_605 = vector.shape_cast %swap3A_604 : vector<1x256x1xi32> to vector<256xi32>
    %swap3A_606 = vector.shape_cast %squeeze3A_600 : vector<256xi32> to vector<1x256x1xi32>
    tpu.vector_store %arg6[%swap3A_601, %swap3A_602, %swap3A_603], %swap3A_606 {strides = array<i32>} : memref<1x256x14xi32, #tpu.memory_space<vmem>>, vector<1x256x1xi32>,
    %reduce_min3A_607 = arith.constant dense<0x7F800000> : vector<256xf32>
    %reduce_min3A_608 = vector.multi_reduction <minimumf>, %select_n3A_572, %reduce_min3A_607 [1] : vector<256x1024xf32> to vector<256xf32>
    %broadcast_in_dim3A_609 = vector.shape_cast %reduce_min3A_608 : vector<256xf32> to vector<256x1xf32>
    %eq3A_610 = vector.broadcast %broadcast_in_dim3A_609 : vector<256x1xf32> to vector<256x1024xf32>
    %eq3A_611 = arith.cmpf oeq, %select_n3A_572, %eq3A_610 : vector<256x1024xf32>
    %jit3A_612 = arith.constant 1.024000e+03 : f32
    %broadcast_in_dim3A_613 = vector.broadcast %jit3A_612 : f32 to vector<256x1024xf32>
    %select_n3A_614 = arith.select %eq3A_611, %convert_element_type3A, %broadcast_in_dim3A_613 : vector<256x1024xi1>, vector<256x1024xf32>
    %reduce_min3A_615 = arith.constant dense<0x7F800000> : vector<256xf32>
    %reduce_min3A_616 = vector.multi_reduction <minimumf>, %select_n3A_614, %reduce_min3A_615 [1] : vector<256x1024xf32> to vector<256xf32>
    %broadcast_in_dim3A_617 = vector.shape_cast %reduce_min3A_616 : vector<256xf32> to vector<256x1xf32>
    %eq3A_618 = vector.broadcast %broadcast_in_dim3A_617 : vector<256x1xf32> to vector<256x1024xf32>
    %eq3A_619 = arith.cmpf oeq, %convert_element_type3A, %eq3A_618 : vector<256x1024xf32>
    %jit3A_620 = arith.constant 0x7F800000 : f32
    %broadcast_in_dim3A_621 = vector.broadcast %jit3A_620 : f32 to vector<256x1024xf32>
    %select_n3A_622 = arith.select %eq3A_619, %broadcast_in_dim3A_621, %select_n3A_572 : vector<256x1024xi1>, vector<256x1024xf32>
    %convert_element_type3A_623 = arith.fptosi %broadcast_in_dim3A_617 : vector<256x1xf32> to vector<256x1xi32>
    %squeeze3A_624 = vector.shape_cast %convert_element_type3A_623 : vector<256x1xi32> to vector<256xi32>
    %swap3A_625 = arith.constant 0 : index
    %swap3A_626 = arith.constant 0 : index
    %swap3A_627 = arith.constant 12 : index
    %swap3A_628 = vector.load %arg3[%swap3A_625, %swap3A_626, %swap3A_627] : memref<1x256x14xi32, #tpu.memory_space<vmem>>, vector<1x256x1xi32>
    %swap3A_629 = vector.shape_cast %swap3A_628 : vector<1x256x1xi32> to vector<256xi32>
    %swap3A_630 = vector.shape_cast %squeeze3A_624 : vector<256xi32> to vector<1x256x1xi32>
    tpu.vector_store %arg3[%swap3A_625, %swap3A_626, %swap3A_627], %swap3A_630 {strides = array<i32>} : memref<1x256x14xi32, #tpu.memory_space<vmem>>, vector<1x256x1xi32>,
    %squeeze3A_631 = vector.shape_cast %broadcast_in_dim3A_609 : vector<256x1xf32> to vector<256xf32>
    %swap3A_632 = arith.constant 0 : index
    %swap3A_633 = arith.constant 0 : index
    %swap3A_634 = arith.constant 12 : index
    %swap3A_635 = vector.load %arg4[%swap3A_632, %swap3A_633, %swap3A_634] : memref<1x256x14xf32, #tpu.memory_space<vmem>>, vector<1x256x1xf32>
    %swap3A_636 = vector.shape_cast %swap3A_635 : vector<1x256x1xf32> to vector<256xf32>
    %swap3A_637 = vector.shape_cast %squeeze3A_631 : vector<256xf32> to vector<1x256x1xf32>
    tpu.vector_store %arg4[%swap3A_632, %swap3A_633, %swap3A_634], %swap3A_637 {strides = array<i32>} : memref<1x256x14xf32, #tpu.memory_space<vmem>>, vector<1x256x1xf32>,
    %add3A_638 = arith.addi %mul3A_13, %convert_element_type3A_623 : vector<256x1xi32>
    %squeeze3A_639 = vector.shape_cast %add3A_638 : vector<256x1xi32> to vector<256xi32>
    %swap3A_640 = arith.constant 0 : index
    %swap3A_641 = arith.constant 0 : index
    %swap3A_642 = arith.constant 12 : index
    %swap3A_643 = vector.load %arg5[%swap3A_640, %swap3A_641, %swap3A_642] : memref<1x256x14xi32, #tpu.memory_space<vmem>>, vector<1x256x1xi32>
    %swap3A_644 = vector.shape_cast %swap3A_643 : vector<1x256x1xi32> to vector<256xi32>
    %swap3A_645 = vector.shape_cast %squeeze3A_639 : vector<256xi32> to vector<1x256x1xi32>
    tpu.vector_store %arg5[%swap3A_640, %swap3A_641, %swap3A_642], %swap3A_645 {strides = array<i32>} : memref<1x256x14xi32, #tpu.memory_space<vmem>>, vector<1x256x1xi32>,
    %mul3A_646 = arith.constant 1024 : i32
    %mul3A_647 = arith.muli %arg0, %mul3A_646 : i32
    %add3A_648 = vector.broadcast %mul3A_647 : i32 to vector<256x1xi32>
    %add3A_649 = arith.addi %add3A_648, %convert_element_type3A_623 : vector<256x1xi32>
    %squeeze3A_650 = vector.shape_cast %add3A_649 : vector<256x1xi32> to vector<256xi32>
    %swap3A_651 = arith.constant 0 : index
    %swap3A_652 = arith.constant 0 : index
    %swap3A_653 = arith.constant 12 : index
    %swap3A_654 = vector.load %arg6[%swap3A_651, %swap3A_652, %swap3A_653] : memref<1x256x14xi32, #tpu.memory_space<vmem>>, vector<1x256x1xi32>
    %swap3A_655 = vector.shape_cast %swap3A_654 : vector<1x256x1xi32> to vector<256xi32>
    %swap3A_656 = vector.shape_cast %squeeze3A_650 : vector<256xi32> to vector<1x256x1xi32>
    tpu.vector_store %arg6[%swap3A_651, %swap3A_652, %swap3A_653], %swap3A_656 {strides = array<i32>} : memref<1x256x14xi32, #tpu.memory_space<vmem>>, vector<1x256x1xi32>,
    %reduce_min3A_657 = arith.constant dense<0x7F800000> : vector<256xf32>
    %reduce_min3A_658 = vector.multi_reduction <minimumf>, %select_n3A_622, %reduce_min3A_657 [1] : vector<256x1024xf32> to vector<256xf32>
    %broadcast_in_dim3A_659 = vector.shape_cast %reduce_min3A_658 : vector<256xf32> to vector<256x1xf32>
    %eq3A_660 = vector.broadcast %broadcast_in_dim3A_659 : vector<256x1xf32> to vector<256x1024xf32>
    %eq3A_661 = arith.cmpf oeq, %select_n3A_622, %eq3A_660 : vector<256x1024xf32>
    %jit3A_662 = arith.constant 1.024000e+03 : f32
    %broadcast_in_dim3A_663 = vector.broadcast %jit3A_662 : f32 to vector<256x1024xf32>
    %select_n3A_664 = arith.select %eq3A_661, %convert_element_type3A, %broadcast_in_dim3A_663 : vector<256x1024xi1>, vector<256x1024xf32>
    %reduce_min3A_665 = arith.constant dense<0x7F800000> : vector<256xf32>
    %reduce_min3A_666 = vector.multi_reduction <minimumf>, %select_n3A_664, %reduce_min3A_665 [1] : vector<256x1024xf32> to vector<256xf32>
    %broadcast_in_dim3A_667 = vector.shape_cast %reduce_min3A_666 : vector<256xf32> to vector<256x1xf32>
    %convert_element_type3A_668 = arith.fptosi %broadcast_in_dim3A_667 : vector<256x1xf32> to vector<256x1xi32>
    %squeeze3A_669 = vector.shape_cast %convert_element_type3A_668 : vector<256x1xi32> to vector<256xi32>
    %swap3A_670 = arith.constant 0 : index
    %swap3A_671 = arith.constant 0 : index
    %swap3A_672 = arith.constant 13 : index
    %swap3A_673 = vector.load %arg3[%swap3A_670, %swap3A_671, %swap3A_672] : memref<1x256x14xi32, #tpu.memory_space<vmem>>, vector<1x256x1xi32>
    %swap3A_674 = vector.shape_cast %swap3A_673 : vector<1x256x1xi32> to vector<256xi32>
    %swap3A_675 = vector.shape_cast %squeeze3A_669 : vector<256xi32> to vector<1x256x1xi32>
    tpu.vector_store %arg3[%swap3A_670, %swap3A_671, %swap3A_672], %swap3A_675 {strides = array<i32>} : memref<1x256x14xi32, #tpu.memory_space<vmem>>, vector<1x256x1xi32>,
    %squeeze3A_676 = vector.shape_cast %broadcast_in_dim3A_659 : vector<256x1xf32> to vector<256xf32>
    %swap3A_677 = arith.constant 0 : index
    %swap3A_678 = arith.constant 0 : index
    %swap3A_679 = arith.constant 13 : index
    %swap3A_680 = vector.load %arg4[%swap3A_677, %swap3A_678, %swap3A_679] : memref<1x256x14xf32, #tpu.memory_space<vmem>>, vector<1x256x1xf32>
    %swap3A_681 = vector.shape_cast %swap3A_680 : vector<1x256x1xf32> to vector<256xf32>
    %swap3A_682 = vector.shape_cast %squeeze3A_676 : vector<256xf32> to vector<1x256x1xf32>
    tpu.vector_store %arg4[%swap3A_677, %swap3A_678, %swap3A_679], %swap3A_682 {strides = array<i32>} : memref<1x256x14xf32, #tpu.memory_space<vmem>>, vector<1x256x1xf32>,
    %add3A_683 = arith.addi %mul3A_13, %convert_element_type3A_668 : vector<256x1xi32>
    %squeeze3A_684 = vector.shape_cast %add3A_683 : vector<256x1xi32> to vector<256xi32>
    %swap3A_685 = arith.constant 0 : index
    %swap3A_686 = arith.constant 0 : index
    %swap3A_687 = arith.constant 13 : index
    %swap3A_688 = vector.load %arg5[%swap3A_685, %swap3A_686, %swap3A_687] : memref<1x256x14xi32, #tpu.memory_space<vmem>>, vector<1x256x1xi32>
    %swap3A_689 = vector.shape_cast %swap3A_688 : vector<1x256x1xi32> to vector<256xi32>
    %swap3A_690 = vector.shape_cast %squeeze3A_684 : vector<256xi32> to vector<1x256x1xi32>
    tpu.vector_store %arg5[%swap3A_685, %swap3A_686, %swap3A_687], %swap3A_690 {strides = array<i32>} : memref<1x256x14xi32, #tpu.memory_space<vmem>>, vector<1x256x1xi32>,
    %mul3A_691 = arith.constant 1024 : i32
    %mul3A_692 = arith.muli %arg0, %mul3A_691 : i32
    %add3A_693 = vector.broadcast %mul3A_692 : i32 to vector<256x1xi32>
    %add3A_694 = arith.addi %add3A_693, %convert_element_type3A_668 : vector<256x1xi32>
    %squeeze3A_695 = vector.shape_cast %add3A_694 : vector<256x1xi32> to vector<256xi32>
    %swap3A_696 = arith.constant 0 : index
    %swap3A_697 = arith.constant 0 : index
    %swap3A_698 = arith.constant 13 : index
    %swap3A_699 = vector.load %arg6[%swap3A_696, %swap3A_697, %swap3A_698] : memref<1x256x14xi32, #tpu.memory_space<vmem>>, vector<1x256x1xi32>
    %swap3A_700 = vector.shape_cast %swap3A_699 : vector<1x256x1xi32> to vector<256xi32>
    %swap3A_701 = vector.shape_cast %squeeze3A_695 : vector<256xi32> to vector<1x256x1xi32>
    tpu.vector_store %arg6[%swap3A_696, %swap3A_697, %swap3A_698], %swap3A_701 {strides = array<i32>} : memref<1x256x14xi32, #tpu.memory_space<vmem>>, vector<1x256x1xi32>,
    return
  }
  func.func @transform_0(%arg0: i32, %arg1: i32) -> (i32, i32, i32) {
    %c0_i32 = arith.constant 0 : i32
    %c0_i32_0 = arith.constant 0 : i32
    return %arg0, %arg1, %c0_i32 : i32, i32, i32
  }
  func.func @transform_1(%arg0: i32, %arg1: i32) -> (i32, i32, i32) {
    %c0_i32 = arith.constant 0 : i32
    %c0_i32_0 = arith.constant 0 : i32
    return %arg0, %arg1, %c0_i32 : i32, i32, i32
  }
  func.func @transform_2(%arg0: i32, %arg1: i32) -> (i32, i32, i32) {
    %c0_i32 = arith.constant 0 : i32
    %c0_i32_0 = arith.constant 0 : i32
    return %arg0, %arg1, %c0_i32 : i32, i32, i32
  }
  func.func @transform_3(%arg0: i32, %arg1: i32) -> (i32, i32, i32) {
    %c0_i32 = arith.constant 0 : i32
    %c0_i32_0 = arith.constant 0 : i32
    return %arg0, %arg1, %c0_i32 : i32, i32, i32
  }
  func.func @transform_4(%arg0: i32, %arg1: i32) -> (i32, i32, i32) {
    %c0_i32 = arith.constant 0 : i32
    %c0_i32_0 = arith.constant 0 : i32
    return %arg0, %arg1, %c0_i32 : i32, i32, i32
  }
}

module attributes {stable_mosaic.version = 14 : i64} {
  func.func @_feat_kernel(%arg0: i32, %arg1: i32, %arg2: memref<1x512x14xf32, #tpu.memory_space<vmem>>, %arg3: memref<1x512x14xf32, #tpu.memory_space<vmem>>, %arg4: memref<1x512x14xf32, #tpu.memory_space<vmem>>, %arg5: memref<1x512x14xf32, #tpu.memory_space<vmem>>, %arg6: memref<1x512x14xi32, #tpu.memory_space<vmem>>, %arg7: memref<1x512x14xi32, #tpu.memory_space<vmem>>, %arg8: memref<1x512x1xi32, #tpu.memory_space<vmem>>, %arg9: memref<66x16xf32, #tpu.memory_space<vmem>>, %arg10: memref<1x16xf32, #tpu.memory_space<vmem>>, %arg11: memref<128x128xf32, #tpu.memory_space<vmem>>, %arg12: memref<1x128xf32, #tpu.memory_space<vmem>>, %arg13: memref<1x128xf32, #tpu.memory_space<vmem>>, %arg14: memref<1x512x14x128xf32, #tpu.memory_space<vmem>>) attributes {dimension_semantics = [#tpu.dimension_semantics<arbitrary>, #tpu.dimension_semantics<arbitrary>], iteration_bounds = array<i64: 4, 2>, scalar_prefetch = 0 : i64, scratch_operands = 0 : i64, tpu.core_type = #tpu.core_type<tc>, window_params = [{transform_indices = @transform_0, window_bounds = array<i64: 1, 512, 14>}, {transform_indices = @transform_1, window_bounds = array<i64: 1, 512, 14>}, {transform_indices = @transform_2, window_bounds = array<i64: 1, 512, 14>}, {transform_indices = @transform_3, window_bounds = array<i64: 1, 512, 14>}, {transform_indices = @transform_4, window_bounds = array<i64: 1, 512, 14>}, {transform_indices = @transform_5, window_bounds = array<i64: 1, 512, 14>}, {transform_indices = @transform_6, window_bounds = array<i64: 1, 512, 1>}, {pipeline_mode = #tpu.pipeline_mode<synchronous>, transform_indices = @transform_7, window_bounds = array<i64: 66, 16>}, {pipeline_mode = #tpu.pipeline_mode<synchronous>, transform_indices = @transform_8, window_bounds = array<i64: 1, 16>}, {pipeline_mode = #tpu.pipeline_mode<synchronous>, transform_indices = @transform_9, window_bounds = array<i64: 128, 128>}, {pipeline_mode = #tpu.pipeline_mode<synchronous>, transform_indices = @transform_10, window_bounds = array<i64: 1, 128>}, {pipeline_mode = #tpu.pipeline_mode<synchronous>, transform_indices = @transform_11, window_bounds = array<i64: 1, 128>}, {transform_indices = @transform_12, window_bounds = array<i64: 1, 512, 14, 128>}]} {
    %get3A = arith.constant 0 : index
    %get3A_0 = arith.constant 0 : index
    %get3A_1 = arith.constant 0 : index
    %get3A_2 = vector.load %arg3[%get3A, %get3A_0, %get3A_1] : memref<1x512x14xf32, #tpu.memory_space<vmem>>, vector<1x512x14xf32>
    %get3A_3 = vector.shape_cast %get3A_2 : vector<1x512x14xf32> to vector<512x14xf32>
    %get3A_4 = arith.constant 0 : index
    %get3A_5 = arith.constant 0 : index
    %get3A_6 = arith.constant 0 : index
    %get3A_7 = vector.load %arg4[%get3A_4, %get3A_5, %get3A_6] : memref<1x512x14xf32, #tpu.memory_space<vmem>>, vector<1x512x14xf32>
    %get3A_8 = vector.shape_cast %get3A_7 : vector<1x512x14xf32> to vector<512x14xf32>
    %get3A_9 = arith.constant 0 : index
    %get3A_10 = arith.constant 0 : index
    %get3A_11 = arith.constant 0 : index
    %get3A_12 = vector.load %arg5[%get3A_9, %get3A_10, %get3A_11] : memref<1x512x14xf32, #tpu.memory_space<vmem>>, vector<1x512x14xf32>
    %get3A_13 = vector.shape_cast %get3A_12 : vector<1x512x14xf32> to vector<512x14xf32>
    %concatenate3A = tpu.concatenate %get3A_3, %get3A_8, %get3A_13 in 1 : vector<512x14xf32>, vector<512x14xf32>, vector<512x14xf32> -> vector<512x42xf32>
    %cos3A = math.cos %concatenate3A : vector<512x42xf32>
    %sin3A = math.sin %concatenate3A : vector<512x42xf32>
    %get3A_14 = arith.constant 0 : index
    %get3A_15 = arith.constant 0 : index
    %get3A_16 = arith.constant 0 : index
    %get3A_17 = vector.load %arg2[%get3A_14, %get3A_15, %get3A_16] : memref<1x512x14xf32, #tpu.memory_space<vmem>>, vector<1x512x14xf32>
    %get3A_18 = vector.shape_cast %get3A_17 : vector<1x512x14xf32> to vector<512x14xf32>
    %get3A_19 = arith.constant 0 : index
    %get3A_20 = arith.constant 0 : index
    %get3A_21 = arith.constant 0 : index
    %get3A_22 = vector.load %arg6[%get3A_19, %get3A_20, %get3A_21] : memref<1x512x14xi32, #tpu.memory_space<vmem>>, vector<1x512x14xi32>
    %get3A_23 = vector.shape_cast %get3A_22 : vector<1x512x14xi32> to vector<512x14xi32>
    %get3A_24 = arith.constant 0 : index
    %get3A_25 = arith.constant 0 : index
    %get3A_26 = arith.constant 0 : index
    %get3A_27 = vector.load %arg7[%get3A_24, %get3A_25, %get3A_26] : memref<1x512x14xi32, #tpu.memory_space<vmem>>, vector<1x512x14xi32>
    %get3A_28 = vector.shape_cast %get3A_27 : vector<1x512x14xi32> to vector<512x14xi32>
    %get3A_29 = arith.constant 0 : index
    %get3A_30 = arith.constant 0 : index
    %get3A_31 = vector.load %arg9[%get3A_29, %get3A_30] : memref<66x16xf32, #tpu.memory_space<vmem>>, vector<66x16xf32>
    %get3A_32 = arith.constant 0 : index
    %get3A_33 = arith.constant 0 : index
    %get3A_34 = vector.load %arg11[%get3A_32, %get3A_33] : memref<128x128xf32, #tpu.memory_space<vmem>>, vector<128x128xf32>
    %slice3A = vector.extract_strided_slice %get3A_34 {offsets = [0, 0], sizes = [16, 128], strides = [1, 1]} : vector<128x128xf32> to vector<16x128xf32>
    %dot_general3A = arith.constant dense<0.000000e+00> : vector<66x128xf32>
    %dot_general3A_35 = tpu.matmul %get3A_31, %slice3A, %dot_general3A {dimension_numbers = #tpu.dot_dimension_numbers<[1], [0], [0], [1], [0, 0, 1, 1], [], []>, transpose_lhs_hint = false} : vector<66x16xf32>, vector<16x128xf32>, vector<66x128xf32> -> vector<66x128xf32>
    %slice3A_36 = vector.extract_strided_slice %get3A_34 {offsets = [16, 0], sizes = [16, 128], strides = [1, 1]} : vector<128x128xf32> to vector<16x128xf32>
    %dot_general3A_37 = arith.constant dense<0.000000e+00> : vector<66x128xf32>
    %dot_general3A_38 = tpu.matmul %get3A_31, %slice3A_36, %dot_general3A_37 {dimension_numbers = #tpu.dot_dimension_numbers<[1], [0], [0], [1], [0, 0, 1, 1], [], []>, transpose_lhs_hint = false} : vector<66x16xf32>, vector<16x128xf32>, vector<66x128xf32> -> vector<66x128xf32>
    %slice3A_39 = vector.extract_strided_slice %get3A_34 {offsets = [32, 0], sizes = [16, 128], strides = [1, 1]} : vector<128x128xf32> to vector<16x128xf32>
    %dot_general3A_40 = arith.constant dense<0.000000e+00> : vector<66x128xf32>
    %dot_general3A_41 = tpu.matmul %get3A_31, %slice3A_39, %dot_general3A_40 {dimension_numbers = #tpu.dot_dimension_numbers<[1], [0], [0], [1], [0, 0, 1, 1], [], []>, transpose_lhs_hint = false} : vector<66x16xf32>, vector<16x128xf32>, vector<66x128xf32> -> vector<66x128xf32>
    %slice3A_42 = vector.extract_strided_slice %get3A_34 {offsets = [48, 0], sizes = [16, 128], strides = [1, 1]} : vector<128x128xf32> to vector<16x128xf32>
    %dot_general3A_43 = arith.constant dense<0.000000e+00> : vector<66x128xf32>
    %dot_general3A_44 = tpu.matmul %get3A_31, %slice3A_42, %dot_general3A_43 {dimension_numbers = #tpu.dot_dimension_numbers<[1], [0], [0], [1], [0, 0, 1, 1], [], []>, transpose_lhs_hint = false} : vector<66x16xf32>, vector<16x128xf32>, vector<66x128xf32> -> vector<66x128xf32>
    %slice3A_45 = vector.extract_strided_slice %get3A_34 {offsets = [64, 0], sizes = [16, 128], strides = [1, 1]} : vector<128x128xf32> to vector<16x128xf32>
    %dot_general3A_46 = arith.constant dense<0.000000e+00> : vector<66x128xf32>
    %dot_general3A_47 = tpu.matmul %get3A_31, %slice3A_45, %dot_general3A_46 {dimension_numbers = #tpu.dot_dimension_numbers<[1], [0], [0], [1], [0, 0, 1, 1], [], []>, transpose_lhs_hint = false} : vector<66x16xf32>, vector<16x128xf32>, vector<66x128xf32> -> vector<66x128xf32>
    %slice3A_48 = vector.extract_strided_slice %get3A_34 {offsets = [80, 0], sizes = [16, 128], strides = [1, 1]} : vector<128x128xf32> to vector<16x128xf32>
    %dot_general3A_49 = arith.constant dense<0.000000e+00> : vector<66x128xf32>
    %dot_general3A_50 = tpu.matmul %get3A_31, %slice3A_48, %dot_general3A_49 {dimension_numbers = #tpu.dot_dimension_numbers<[1], [0], [0], [1], [0, 0, 1, 1], [], []>, transpose_lhs_hint = false} : vector<66x16xf32>, vector<16x128xf32>, vector<66x128xf32> -> vector<66x128xf32>
    %slice3A_51 = vector.extract_strided_slice %get3A_34 {offsets = [96, 0], sizes = [16, 128], strides = [1, 1]} : vector<128x128xf32> to vector<16x128xf32>
    %dot_general3A_52 = arith.constant dense<0.000000e+00> : vector<66x128xf32>
    %dot_general3A_53 = tpu.matmul %get3A_31, %slice3A_51, %dot_general3A_52 {dimension_numbers = #tpu.dot_dimension_numbers<[1], [0], [0], [1], [0, 0, 1, 1], [], []>, transpose_lhs_hint = false} : vector<66x16xf32>, vector<16x128xf32>, vector<66x128xf32> -> vector<66x128xf32>
    %slice3A_54 = vector.extract_strided_slice %get3A_34 {offsets = [112, 0], sizes = [16, 128], strides = [1, 1]} : vector<128x128xf32> to vector<16x128xf32>
    %broadcast_in_dim3A = arith.constant 0.000000e+00 : f32
    %broadcast_in_dim3A_55 = vector.broadcast %broadcast_in_dim3A : f32 to vector<34x128xf32>
    %concatenate3A_56 = tpu.concatenate %dot_general3A_35, %dot_general3A_38, %dot_general3A_41, %dot_general3A_44, %dot_general3A_47, %dot_general3A_50, %dot_general3A_53, %slice3A_54, %broadcast_in_dim3A_55 in 0 : vector<66x128xf32>, vector<66x128xf32>, vector<66x128xf32>, vector<66x128xf32>, vector<66x128xf32>, vector<66x128xf32>, vector<66x128xf32>, vector<16x128xf32>, vector<34x128xf32> -> vector<512x128xf32>
    %slice3A_57 = vector.extract_strided_slice %get3A_34 {offsets = [0, 0], sizes = [16, 128], strides = [1, 1]} : vector<128x128xf32> to vector<16x128xf32>
    %slice3A_58 = vector.extract_strided_slice %get3A_34 {offsets = [16, 0], sizes = [16, 128], strides = [1, 1]} : vector<128x128xf32> to vector<16x128xf32>
    %add3A = arith.addf %slice3A_57, %slice3A_58 : vector<16x128xf32>
    %slice3A_59 = vector.extract_strided_slice %get3A_34 {offsets = [32, 0], sizes = [16, 128], strides = [1, 1]} : vector<128x128xf32> to vector<16x128xf32>
    %add3A_60 = arith.addf %add3A, %slice3A_59 : vector<16x128xf32>
    %slice3A_61 = vector.extract_strided_slice %get3A_34 {offsets = [48, 0], sizes = [16, 128], strides = [1, 1]} : vector<128x128xf32> to vector<16x128xf32>
    %add3A_62 = arith.addf %add3A_60, %slice3A_61 : vector<16x128xf32>
    %slice3A_63 = vector.extract_strided_slice %get3A_34 {offsets = [64, 0], sizes = [16, 128], strides = [1, 1]} : vector<128x128xf32> to vector<16x128xf32>
    %add3A_64 = arith.addf %add3A_62, %slice3A_63 : vector<16x128xf32>
    %slice3A_65 = vector.extract_strided_slice %get3A_34 {offsets = [80, 0], sizes = [16, 128], strides = [1, 1]} : vector<128x128xf32> to vector<16x128xf32>
    %add3A_66 = arith.addf %add3A_64, %slice3A_65 : vector<16x128xf32>
    %slice3A_67 = vector.extract_strided_slice %get3A_34 {offsets = [96, 0], sizes = [16, 128], strides = [1, 1]} : vector<128x128xf32> to vector<16x128xf32>
    %add3A_68 = arith.addf %add3A_66, %slice3A_67 : vector<16x128xf32>
    %get3A_69 = arith.constant 0 : index
    %get3A_70 = arith.constant 0 : index
    %get3A_71 = vector.load %arg10[%get3A_69, %get3A_70] : memref<1x16xf32, #tpu.memory_space<vmem>>, vector<1x16xf32>
    %dot_general3A_72 = arith.constant dense<0.000000e+00> : vector<1x128xf32>
    %dot_general3A_73 = tpu.matmul %get3A_71, %add3A_68, %dot_general3A_72 {dimension_numbers = #tpu.dot_dimension_numbers<[1], [0], [0], [1], [0, 0, 1, 1], [], []>, transpose_lhs_hint = false} : vector<1x16xf32>, vector<16x128xf32>, vector<1x128xf32> -> vector<1x128xf32>
    %iota3A = tpu.iota {dimensions = array<i32: 0>} : vector<512x1xi32>
    %mul3A = arith.constant 512 : i32
    %mul3A_74 = arith.muli %arg1, %mul3A : i32
    %add3A_75 = vector.broadcast %mul3A_74 : i32 to vector<512x1xi32>
    %add3A_76 = arith.addi %iota3A, %add3A_75 : vector<512x1xi32>
    %get3A_77 = arith.constant 0 : index
    %get3A_78 = arith.constant 0 : index
    %get3A_79 = arith.constant 0 : index
    %get3A_80 = vector.load %arg8[%get3A_77, %get3A_78, %get3A_79] : memref<1x512x1xi32, #tpu.memory_space<vmem>>, vector<1x512x1xi32>
    %get3A_81 = vector.shape_cast %get3A_80 : vector<1x512x1xi32> to vector<512x1xi32>
    %iota3A_82 = tpu.iota {dimensions = array<i32: 1>} : vector<512x66xi32>
    %iota3A_83 = tpu.iota {dimensions = array<i32: 1>} : vector<1x16xi32>
    %convert_element_type3A = arith.sitofp %iota3A_83 : vector<1x16xi32> to vector<1x16xf32>
    %mul3A_84 = arith.constant 1.33333337 : f32
    %mul3A_85 = vector.broadcast %mul3A_84 : f32 to vector<1x16xf32>
    %mul3A_86 = arith.mulf %convert_element_type3A, %mul3A_85 : vector<1x16xf32>
    %add3A_87 = arith.constant 2.000000e+00 : f32
    %add3A_88 = vector.broadcast %add3A_87 : f32 to vector<1x16xf32>
    %add3A_89 = arith.addf %add3A_88, %mul3A_86 : vector<1x16xf32>
    %get3A_90 = arith.constant 0 : index
    %get3A_91 = arith.constant 0 : index
    %get3A_92 = vector.load %arg12[%get3A_90, %get3A_91] : memref<1x128xf32, #tpu.memory_space<vmem>>, vector<1x128xf32>
    %get3A_93 = arith.constant 0 : index
    %get3A_94 = arith.constant 0 : index
    %get3A_95 = vector.load %arg13[%get3A_93, %get3A_94] : memref<1x128xf32, #tpu.memory_space<vmem>>, vector<1x128xf32>
    %slice3A_96 = vector.extract_strided_slice %get3A_23 {offsets = [0, 0], sizes = [512, 1], strides = [1, 1]} : vector<512x14xi32> to vector<512x1xi32>
    %eq3A = arith.cmpi eq, %get3A_81, %slice3A_96 : vector<512x1xi32>
    %slice3A_97 = vector.extract_strided_slice %get3A_28 {offsets = [0, 0], sizes = [512, 1], strides = [1, 1]} : vector<512x14xi32> to vector<512x1xi32>
    %sub3A = arith.subi %add3A_76, %slice3A_97 : vector<512x1xi32>
    %add3A_98 = arith.constant 32 : i32
    %add3A_99 = vector.broadcast %add3A_98 : i32 to vector<512x1xi32>
    %add3A_100 = arith.addi %sub3A, %add3A_99 : vector<512x1xi32>
    %jit3A = arith.constant 0 : i32
    %jit3A_101 = arith.constant 64 : i32
    %max3A = vector.broadcast %jit3A : i32 to vector<512x1xi32>
    %max3A_102 = arith.maxsi %max3A, %add3A_100 : vector<512x1xi32>
    %min3A = vector.broadcast %jit3A_101 : i32 to vector<512x1xi32>
    %min3A_103 = arith.minsi %min3A, %max3A_102 : vector<512x1xi32>
    %jit3A_104 = arith.constant 65 : i32
    %broadcast_in_dim3A_105 = vector.broadcast %jit3A_104 : i32 to vector<512x1xi32>
    %select_n3A = arith.select %eq3A, %min3A_103, %broadcast_in_dim3A_105 : vector<512x1xi1>, vector<512x1xi32>
    %eq3A_106 = vector.broadcast %select_n3A : vector<512x1xi32> to vector<512x66xi32>
    %eq3A_107 = arith.cmpi eq, %iota3A_82, %eq3A_106 : vector<512x66xi32>
    %convert_element_type3A_108 = arith.extui %eq3A_107 : vector<512x66xi1> to vector<512x66xi32>
    %convert_element_type3A_109 = arith.sitofp %convert_element_type3A_108 : vector<512x66xi32> to vector<512x66xf32>
    %slice3A_110 = vector.extract_strided_slice %cos3A {offsets = [0, 0], sizes = [512, 1], strides = [1, 1]} : vector<512x42xf32> to vector<512x1xf32>
    %convert_element_type3A_111 = arith.fptosi %slice3A_110 : vector<512x1xf32> to vector<512x1xi32>
    %add3A_112 = arith.constant 32 : i32
    %add3A_113 = vector.broadcast %add3A_112 : i32 to vector<512x1xi32>
    %add3A_114 = arith.addi %convert_element_type3A_111, %add3A_113 : vector<512x1xi32>
    %jit3A_115 = arith.constant 0 : i32
    %jit3A_116 = arith.constant 64 : i32
    %max3A_117 = vector.broadcast %jit3A_115 : i32 to vector<512x1xi32>
    %max3A_118 = arith.maxsi %max3A_117, %add3A_114 : vector<512x1xi32>
    %min3A_119 = vector.broadcast %jit3A_116 : i32 to vector<512x1xi32>
    %min3A_120 = arith.minsi %min3A_119, %max3A_118 : vector<512x1xi32>
    %jit3A_121 = arith.constant 65 : i32
    %broadcast_in_dim3A_122 = vector.broadcast %jit3A_121 : i32 to vector<512x1xi32>
    %select_n3A_123 = arith.select %eq3A, %min3A_120, %broadcast_in_dim3A_122 : vector<512x1xi1>, vector<512x1xi32>
    %eq3A_124 = vector.broadcast %select_n3A_123 : vector<512x1xi32> to vector<512x66xi32>
    %eq3A_125 = arith.cmpi eq, %iota3A_82, %eq3A_124 : vector<512x66xi32>
    %convert_element_type3A_126 = arith.extui %eq3A_125 : vector<512x66xi1> to vector<512x66xi32>
    %convert_element_type3A_127 = arith.sitofp %convert_element_type3A_126 : vector<512x66xi32> to vector<512x66xf32>
    %slice3A_128 = vector.extract_strided_slice %sin3A {offsets = [0, 0], sizes = [512, 1], strides = [1, 1]} : vector<512x42xf32> to vector<512x1xf32>
    %convert_element_type3A_129 = arith.fptosi %slice3A_128 : vector<512x1xf32> to vector<512x1xi32>
    %add3A_130 = arith.constant 32 : i32
    %add3A_131 = vector.broadcast %add3A_130 : i32 to vector<512x1xi32>
    %add3A_132 = arith.addi %convert_element_type3A_129, %add3A_131 : vector<512x1xi32>
    %jit3A_133 = arith.constant 0 : i32
    %jit3A_134 = arith.constant 64 : i32
    %max3A_135 = vector.broadcast %jit3A_133 : i32 to vector<512x1xi32>
    %max3A_136 = arith.maxsi %max3A_135, %add3A_132 : vector<512x1xi32>
    %min3A_137 = vector.broadcast %jit3A_134 : i32 to vector<512x1xi32>
    %min3A_138 = arith.minsi %min3A_137, %max3A_136 : vector<512x1xi32>
    %jit3A_139 = arith.constant 65 : i32
    %broadcast_in_dim3A_140 = vector.broadcast %jit3A_139 : i32 to vector<512x1xi32>
    %select_n3A_141 = arith.select %eq3A, %min3A_138, %broadcast_in_dim3A_140 : vector<512x1xi1>, vector<512x1xi32>
    %eq3A_142 = vector.broadcast %select_n3A_141 : vector<512x1xi32> to vector<512x66xi32>
    %eq3A_143 = arith.cmpi eq, %iota3A_82, %eq3A_142 : vector<512x66xi32>
    %convert_element_type3A_144 = arith.extui %eq3A_143 : vector<512x66xi1> to vector<512x66xi32>
    %convert_element_type3A_145 = arith.sitofp %convert_element_type3A_144 : vector<512x66xi32> to vector<512x66xf32>
    %slice3A_146 = vector.extract_strided_slice %cos3A {offsets = [0, 14], sizes = [512, 1], strides = [1, 1]} : vector<512x42xf32> to vector<512x1xf32>
    %convert_element_type3A_147 = arith.fptosi %slice3A_146 : vector<512x1xf32> to vector<512x1xi32>
    %add3A_148 = arith.constant 32 : i32
    %add3A_149 = vector.broadcast %add3A_148 : i32 to vector<512x1xi32>
    %add3A_150 = arith.addi %convert_element_type3A_147, %add3A_149 : vector<512x1xi32>
    %jit3A_151 = arith.constant 0 : i32
    %jit3A_152 = arith.constant 64 : i32
    %max3A_153 = vector.broadcast %jit3A_151 : i32 to vector<512x1xi32>
    %max3A_154 = arith.maxsi %max3A_153, %add3A_150 : vector<512x1xi32>
    %min3A_155 = vector.broadcast %jit3A_152 : i32 to vector<512x1xi32>
    %min3A_156 = arith.minsi %min3A_155, %max3A_154 : vector<512x1xi32>
    %jit3A_157 = arith.constant 65 : i32
    %broadcast_in_dim3A_158 = vector.broadcast %jit3A_157 : i32 to vector<512x1xi32>
    %select_n3A_159 = arith.select %eq3A, %min3A_156, %broadcast_in_dim3A_158 : vector<512x1xi1>, vector<512x1xi32>
    %eq3A_160 = vector.broadcast %select_n3A_159 : vector<512x1xi32> to vector<512x66xi32>
    %eq3A_161 = arith.cmpi eq, %iota3A_82, %eq3A_160 : vector<512x66xi32>
    %convert_element_type3A_162 = arith.extui %eq3A_161 : vector<512x66xi1> to vector<512x66xi32>
    %convert_element_type3A_163 = arith.sitofp %convert_element_type3A_162 : vector<512x66xi32> to vector<512x66xf32>
    %slice3A_164 = vector.extract_strided_slice %sin3A {offsets = [0, 14], sizes = [512, 1], strides = [1, 1]} : vector<512x42xf32> to vector<512x1xf32>
    %convert_element_type3A_165 = arith.fptosi %slice3A_164 : vector<512x1xf32> to vector<512x1xi32>
    %add3A_166 = arith.constant 32 : i32
    %add3A_167 = vector.broadcast %add3A_166 : i32 to vector<512x1xi32>
    %add3A_168 = arith.addi %convert_element_type3A_165, %add3A_167 : vector<512x1xi32>
    %jit3A_169 = arith.constant 0 : i32
    %jit3A_170 = arith.constant 64 : i32
    %max3A_171 = vector.broadcast %jit3A_169 : i32 to vector<512x1xi32>
    %max3A_172 = arith.maxsi %max3A_171, %add3A_168 : vector<512x1xi32>
    %min3A_173 = vector.broadcast %jit3A_170 : i32 to vector<512x1xi32>
    %min3A_174 = arith.minsi %min3A_173, %max3A_172 : vector<512x1xi32>
    %jit3A_175 = arith.constant 65 : i32
    %broadcast_in_dim3A_176 = vector.broadcast %jit3A_175 : i32 to vector<512x1xi32>
    %select_n3A_177 = arith.select %eq3A, %min3A_174, %broadcast_in_dim3A_176 : vector<512x1xi1>, vector<512x1xi32>
    %eq3A_178 = vector.broadcast %select_n3A_177 : vector<512x1xi32> to vector<512x66xi32>
    %eq3A_179 = arith.cmpi eq, %iota3A_82, %eq3A_178 : vector<512x66xi32>
    %convert_element_type3A_180 = arith.extui %eq3A_179 : vector<512x66xi1> to vector<512x66xi32>
    %convert_element_type3A_181 = arith.sitofp %convert_element_type3A_180 : vector<512x66xi32> to vector<512x66xf32>
    %slice3A_182 = vector.extract_strided_slice %cos3A {offsets = [0, 28], sizes = [512, 1], strides = [1, 1]} : vector<512x42xf32> to vector<512x1xf32>
    %convert_element_type3A_183 = arith.fptosi %slice3A_182 : vector<512x1xf32> to vector<512x1xi32>
    %add3A_184 = arith.constant 32 : i32
    %add3A_185 = vector.broadcast %add3A_184 : i32 to vector<512x1xi32>
    %add3A_186 = arith.addi %convert_element_type3A_183, %add3A_185 : vector<512x1xi32>
    %jit3A_187 = arith.constant 0 : i32
    %jit3A_188 = arith.constant 64 : i32
    %max3A_189 = vector.broadcast %jit3A_187 : i32 to vector<512x1xi32>
    %max3A_190 = arith.maxsi %max3A_189, %add3A_186 : vector<512x1xi32>
    %min3A_191 = vector.broadcast %jit3A_188 : i32 to vector<512x1xi32>
    %min3A_192 = arith.minsi %min3A_191, %max3A_190 : vector<512x1xi32>
    %jit3A_193 = arith.constant 65 : i32
    %broadcast_in_dim3A_194 = vector.broadcast %jit3A_193 : i32 to vector<512x1xi32>
    %select_n3A_195 = arith.select %eq3A, %min3A_192, %broadcast_in_dim3A_194 : vector<512x1xi1>, vector<512x1xi32>
    %eq3A_196 = vector.broadcast %select_n3A_195 : vector<512x1xi32> to vector<512x66xi32>
    %eq3A_197 = arith.cmpi eq, %iota3A_82, %eq3A_196 : vector<512x66xi32>
    %convert_element_type3A_198 = arith.extui %eq3A_197 : vector<512x66xi1> to vector<512x66xi32>
    %convert_element_type3A_199 = arith.sitofp %convert_element_type3A_198 : vector<512x66xi32> to vector<512x66xf32>
    %slice3A_200 = vector.extract_strided_slice %sin3A {offsets = [0, 28], sizes = [512, 1], strides = [1, 1]} : vector<512x42xf32> to vector<512x1xf32>
    %convert_element_type3A_201 = arith.fptosi %slice3A_200 : vector<512x1xf32> to vector<512x1xi32>
    %add3A_202 = arith.constant 32 : i32
    %add3A_203 = vector.broadcast %add3A_202 : i32 to vector<512x1xi32>
    %add3A_204 = arith.addi %convert_element_type3A_201, %add3A_203 : vector<512x1xi32>
    %jit3A_205 = arith.constant 0 : i32
    %jit3A_206 = arith.constant 64 : i32
    %max3A_207 = vector.broadcast %jit3A_205 : i32 to vector<512x1xi32>
    %max3A_208 = arith.maxsi %max3A_207, %add3A_204 : vector<512x1xi32>
    %min3A_209 = vector.broadcast %jit3A_206 : i32 to vector<512x1xi32>
    %min3A_210 = arith.minsi %min3A_209, %max3A_208 : vector<512x1xi32>
    %jit3A_211 = arith.constant 65 : i32
    %broadcast_in_dim3A_212 = vector.broadcast %jit3A_211 : i32 to vector<512x1xi32>
    %select_n3A_213 = arith.select %eq3A, %min3A_210, %broadcast_in_dim3A_212 : vector<512x1xi1>, vector<512x1xi32>
    %eq3A_214 = vector.broadcast %select_n3A_213 : vector<512x1xi32> to vector<512x66xi32>
    %eq3A_215 = arith.cmpi eq, %iota3A_82, %eq3A_214 : vector<512x66xi32>
    %convert_element_type3A_216 = arith.extui %eq3A_215 : vector<512x66xi1> to vector<512x66xi32>
    %convert_element_type3A_217 = arith.sitofp %convert_element_type3A_216 : vector<512x66xi32> to vector<512x66xf32>
    %slice3A_218 = vector.extract_strided_slice %get3A_18 {offsets = [0, 0], sizes = [512, 1], strides = [1, 1]} : vector<512x14xf32> to vector<512x1xf32>
    %sub3A_219 = vector.broadcast %slice3A_218 : vector<512x1xf32> to vector<512x16xf32>
    %sub3A_220 = vector.broadcast %add3A_89 : vector<1x16xf32> to vector<512x16xf32>
    %sub3A_221 = arith.subf %sub3A_219, %sub3A_220 : vector<512x16xf32>
    %div3A = arith.constant 1.250000e+00 : f32
    %div3A_222 = vector.broadcast %div3A : f32 to vector<512x16xf32>
    %div3A_223 = arith.divf %sub3A_221, %div3A_222 : vector<512x16xf32>
    %integer_pow3A = arith.mulf %div3A_223, %div3A_223 : vector<512x16xf32>
    %neg3A = arith.constant 0.000000e+00 : f32
    %neg3A_224 = vector.broadcast %neg3A : f32 to vector<512x16xf32>
    %neg3A_225 = arith.subf %neg3A_224, %integer_pow3A : vector<512x16xf32>
    %exp3A = math.exp %neg3A_225 : vector<512x16xf32>
    %broadcast_in_dim3A_226 = arith.constant 0.000000e+00 : f32
    %broadcast_in_dim3A_227 = vector.broadcast %broadcast_in_dim3A_226 : f32 to vector<512x34xf32>
    %concatenate3A_228 = tpu.concatenate %convert_element_type3A_109, %convert_element_type3A_127, %convert_element_type3A_145, %convert_element_type3A_163, %convert_element_type3A_181, %convert_element_type3A_199, %convert_element_type3A_217, %exp3A, %broadcast_in_dim3A_227 in 1 : vector<512x66xf32>, vector<512x66xf32>, vector<512x66xf32>, vector<512x66xf32>, vector<512x66xf32>, vector<512x66xf32>, vector<512x66xf32>, vector<512x16xf32>, vector<512x34xf32> -> vector<512x512xf32>
    %dot_general3A_229 = arith.constant dense<0.000000e+00> : vector<512x128xf32>
    %dot_general3A_230 = tpu.matmul %concatenate3A_228, %concatenate3A_56, %dot_general3A_229 {dimension_numbers = #tpu.dot_dimension_numbers<[1], [0], [0], [1], [0, 0, 1, 1], [], []>, transpose_lhs_hint = false} : vector<512x512xf32>, vector<512x128xf32>, vector<512x128xf32> -> vector<512x128xf32>
    %add3A_231 = vector.broadcast %dot_general3A_73 : vector<1x128xf32> to vector<512x128xf32>
    %add3A_232 = arith.addf %dot_general3A_230, %add3A_231 : vector<512x128xf32>
    %reduce_sum3A = arith.constant dense<0.000000e+00> : vector<512xf32>
    %reduce_sum3A_233 = vector.multi_reduction <add>, %add3A_232, %reduce_sum3A [1] : vector<512x128xf32> to vector<512xf32>
    %broadcast_in_dim3A_234 = vector.shape_cast %reduce_sum3A_233 : vector<512xf32> to vector<512x1xf32>
    %div3A_235 = arith.constant 1.280000e+02 : f32
    %div3A_236 = vector.broadcast %div3A_235 : f32 to vector<512x1xf32>
    %div3A_237 = arith.divf %broadcast_in_dim3A_234, %div3A_236 : vector<512x1xf32>
    %sub3A_238 = vector.broadcast %div3A_237 : vector<512x1xf32> to vector<512x128xf32>
    %sub3A_239 = arith.subf %add3A_232, %sub3A_238 : vector<512x128xf32>
    %mul3A_240 = arith.mulf %sub3A_239, %sub3A_239 : vector<512x128xf32>
    %reduce_sum3A_241 = arith.constant dense<0.000000e+00> : vector<512xf32>
    %reduce_sum3A_242 = vector.multi_reduction <add>, %mul3A_240, %reduce_sum3A_241 [1] : vector<512x128xf32> to vector<512xf32>
    %broadcast_in_dim3A_243 = vector.shape_cast %reduce_sum3A_242 : vector<512xf32> to vector<512x1xf32>
    %div3A_244 = arith.constant 1.280000e+02 : f32
    %div3A_245 = vector.broadcast %div3A_244 : f32 to vector<512x1xf32>
    %div3A_246 = arith.divf %broadcast_in_dim3A_243, %div3A_245 : vector<512x1xf32>
    %add3A_247 = arith.constant 9.99999974E-6 : f32
    %add3A_248 = vector.broadcast %add3A_247 : f32 to vector<512x1xf32>
    %add3A_249 = arith.addf %div3A_246, %add3A_248 : vector<512x1xf32>
    %rsqrt3A = math.rsqrt %add3A_249 : vector<512x1xf32>
    %mul3A_250 = vector.broadcast %rsqrt3A : vector<512x1xf32> to vector<512x128xf32>
    %mul3A_251 = arith.mulf %sub3A_239, %mul3A_250 : vector<512x128xf32>
    %mul3A_252 = vector.broadcast %get3A_92 : vector<1x128xf32> to vector<512x128xf32>
    %mul3A_253 = arith.mulf %mul3A_251, %mul3A_252 : vector<512x128xf32>
    %add3A_254 = vector.broadcast %get3A_95 : vector<1x128xf32> to vector<512x128xf32>
    %add3A_255 = arith.addf %mul3A_253, %add3A_254 : vector<512x128xf32>
    %swap3A = arith.constant 0 : index
    %swap3A_256 = arith.constant 0 : index
    %swap3A_257 = arith.constant 0 : index
    %swap3A_258 = arith.constant 0 : index
    %swap3A_259 = vector.load %arg14[%swap3A, %swap3A_256, %swap3A_257, %swap3A_258] : memref<1x512x14x128xf32, #tpu.memory_space<vmem>>, vector<1x512x1x128xf32>
    %swap3A_260 = vector.shape_cast %swap3A_259 : vector<1x512x1x128xf32> to vector<512x128xf32>
    %swap3A_261 = vector.shape_cast %add3A_255 : vector<512x128xf32> to vector<1x512x1x128xf32>
    tpu.vector_store %arg14[%swap3A, %swap3A_256, %swap3A_257, %swap3A_258], %swap3A_261 {strides = array<i32>} : memref<1x512x14x128xf32, #tpu.memory_space<vmem>>, vector<1x512x1x128xf32>,
    %slice3A_262 = vector.extract_strided_slice %get3A_23 {offsets = [0, 1], sizes = [512, 1], strides = [1, 1]} : vector<512x14xi32> to vector<512x1xi32>
    %eq3A_263 = arith.cmpi eq, %get3A_81, %slice3A_262 : vector<512x1xi32>
    %slice3A_264 = vector.extract_strided_slice %get3A_28 {offsets = [0, 1], sizes = [512, 1], strides = [1, 1]} : vector<512x14xi32> to vector<512x1xi32>
    %sub3A_265 = arith.subi %add3A_76, %slice3A_264 : vector<512x1xi32>
    %add3A_266 = arith.constant 32 : i32
    %add3A_267 = vector.broadcast %add3A_266 : i32 to vector<512x1xi32>
    %add3A_268 = arith.addi %sub3A_265, %add3A_267 : vector<512x1xi32>
    %jit3A_269 = arith.constant 0 : i32
    %jit3A_270 = arith.constant 64 : i32
    %max3A_271 = vector.broadcast %jit3A_269 : i32 to vector<512x1xi32>
    %max3A_272 = arith.maxsi %max3A_271, %add3A_268 : vector<512x1xi32>
    %min3A_273 = vector.broadcast %jit3A_270 : i32 to vector<512x1xi32>
    %min3A_274 = arith.minsi %min3A_273, %max3A_272 : vector<512x1xi32>
    %jit3A_275 = arith.constant 65 : i32
    %broadcast_in_dim3A_276 = vector.broadcast %jit3A_275 : i32 to vector<512x1xi32>
    %select_n3A_277 = arith.select %eq3A_263, %min3A_274, %broadcast_in_dim3A_276 : vector<512x1xi1>, vector<512x1xi32>
    %eq3A_278 = vector.broadcast %select_n3A_277 : vector<512x1xi32> to vector<512x66xi32>
    %eq3A_279 = arith.cmpi eq, %iota3A_82, %eq3A_278 : vector<512x66xi32>
    %convert_element_type3A_280 = arith.extui %eq3A_279 : vector<512x66xi1> to vector<512x66xi32>
    %convert_element_type3A_281 = arith.sitofp %convert_element_type3A_280 : vector<512x66xi32> to vector<512x66xf32>
    %slice3A_282 = vector.extract_strided_slice %cos3A {offsets = [0, 1], sizes = [512, 1], strides = [1, 1]} : vector<512x42xf32> to vector<512x1xf32>
    %convert_element_type3A_283 = arith.fptosi %slice3A_282 : vector<512x1xf32> to vector<512x1xi32>
    %add3A_284 = arith.constant 32 : i32
    %add3A_285 = vector.broadcast %add3A_284 : i32 to vector<512x1xi32>
    %add3A_286 = arith.addi %convert_element_type3A_283, %add3A_285 : vector<512x1xi32>
    %jit3A_287 = arith.constant 0 : i32
    %jit3A_288 = arith.constant 64 : i32
    %max3A_289 = vector.broadcast %jit3A_287 : i32 to vector<512x1xi32>
    %max3A_290 = arith.maxsi %max3A_289, %add3A_286 : vector<512x1xi32>
    %min3A_291 = vector.broadcast %jit3A_288 : i32 to vector<512x1xi32>
    %min3A_292 = arith.minsi %min3A_291, %max3A_290 : vector<512x1xi32>
    %jit3A_293 = arith.constant 65 : i32
    %broadcast_in_dim3A_294 = vector.broadcast %jit3A_293 : i32 to vector<512x1xi32>
    %select_n3A_295 = arith.select %eq3A_263, %min3A_292, %broadcast_in_dim3A_294 : vector<512x1xi1>, vector<512x1xi32>
    %eq3A_296 = vector.broadcast %select_n3A_295 : vector<512x1xi32> to vector<512x66xi32>
    %eq3A_297 = arith.cmpi eq, %iota3A_82, %eq3A_296 : vector<512x66xi32>
    %convert_element_type3A_298 = arith.extui %eq3A_297 : vector<512x66xi1> to vector<512x66xi32>
    %convert_element_type3A_299 = arith.sitofp %convert_element_type3A_298 : vector<512x66xi32> to vector<512x66xf32>
    %slice3A_300 = vector.extract_strided_slice %sin3A {offsets = [0, 1], sizes = [512, 1], strides = [1, 1]} : vector<512x42xf32> to vector<512x1xf32>
    %convert_element_type3A_301 = arith.fptosi %slice3A_300 : vector<512x1xf32> to vector<512x1xi32>
    %add3A_302 = arith.constant 32 : i32
    %add3A_303 = vector.broadcast %add3A_302 : i32 to vector<512x1xi32>
    %add3A_304 = arith.addi %convert_element_type3A_301, %add3A_303 : vector<512x1xi32>
    %jit3A_305 = arith.constant 0 : i32
    %jit3A_306 = arith.constant 64 : i32
    %max3A_307 = vector.broadcast %jit3A_305 : i32 to vector<512x1xi32>
    %max3A_308 = arith.maxsi %max3A_307, %add3A_304 : vector<512x1xi32>
    %min3A_309 = vector.broadcast %jit3A_306 : i32 to vector<512x1xi32>
    %min3A_310 = arith.minsi %min3A_309, %max3A_308 : vector<512x1xi32>
    %jit3A_311 = arith.constant 65 : i32
    %broadcast_in_dim3A_312 = vector.broadcast %jit3A_311 : i32 to vector<512x1xi32>
    %select_n3A_313 = arith.select %eq3A_263, %min3A_310, %broadcast_in_dim3A_312 : vector<512x1xi1>, vector<512x1xi32>
    %eq3A_314 = vector.broadcast %select_n3A_313 : vector<512x1xi32> to vector<512x66xi32>
    %eq3A_315 = arith.cmpi eq, %iota3A_82, %eq3A_314 : vector<512x66xi32>
    %convert_element_type3A_316 = arith.extui %eq3A_315 : vector<512x66xi1> to vector<512x66xi32>
    %convert_element_type3A_317 = arith.sitofp %convert_element_type3A_316 : vector<512x66xi32> to vector<512x66xf32>
    %slice3A_318 = vector.extract_strided_slice %cos3A {offsets = [0, 15], sizes = [512, 1], strides = [1, 1]} : vector<512x42xf32> to vector<512x1xf32>
    %convert_element_type3A_319 = arith.fptosi %slice3A_318 : vector<512x1xf32> to vector<512x1xi32>
    %add3A_320 = arith.constant 32 : i32
    %add3A_321 = vector.broadcast %add3A_320 : i32 to vector<512x1xi32>
    %add3A_322 = arith.addi %convert_element_type3A_319, %add3A_321 : vector<512x1xi32>
    %jit3A_323 = arith.constant 0 : i32
    %jit3A_324 = arith.constant 64 : i32
    %max3A_325 = vector.broadcast %jit3A_323 : i32 to vector<512x1xi32>
    %max3A_326 = arith.maxsi %max3A_325, %add3A_322 : vector<512x1xi32>
    %min3A_327 = vector.broadcast %jit3A_324 : i32 to vector<512x1xi32>
    %min3A_328 = arith.minsi %min3A_327, %max3A_326 : vector<512x1xi32>
    %jit3A_329 = arith.constant 65 : i32
    %broadcast_in_dim3A_330 = vector.broadcast %jit3A_329 : i32 to vector<512x1xi32>
    %select_n3A_331 = arith.select %eq3A_263, %min3A_328, %broadcast_in_dim3A_330 : vector<512x1xi1>, vector<512x1xi32>
    %eq3A_332 = vector.broadcast %select_n3A_331 : vector<512x1xi32> to vector<512x66xi32>
    %eq3A_333 = arith.cmpi eq, %iota3A_82, %eq3A_332 : vector<512x66xi32>
    %convert_element_type3A_334 = arith.extui %eq3A_333 : vector<512x66xi1> to vector<512x66xi32>
    %convert_element_type3A_335 = arith.sitofp %convert_element_type3A_334 : vector<512x66xi32> to vector<512x66xf32>
    %slice3A_336 = vector.extract_strided_slice %sin3A {offsets = [0, 15], sizes = [512, 1], strides = [1, 1]} : vector<512x42xf32> to vector<512x1xf32>
    %convert_element_type3A_337 = arith.fptosi %slice3A_336 : vector<512x1xf32> to vector<512x1xi32>
    %add3A_338 = arith.constant 32 : i32
    %add3A_339 = vector.broadcast %add3A_338 : i32 to vector<512x1xi32>
    %add3A_340 = arith.addi %convert_element_type3A_337, %add3A_339 : vector<512x1xi32>
    %jit3A_341 = arith.constant 0 : i32
    %jit3A_342 = arith.constant 64 : i32
    %max3A_343 = vector.broadcast %jit3A_341 : i32 to vector<512x1xi32>
    %max3A_344 = arith.maxsi %max3A_343, %add3A_340 : vector<512x1xi32>
    %min3A_345 = vector.broadcast %jit3A_342 : i32 to vector<512x1xi32>
    %min3A_346 = arith.minsi %min3A_345, %max3A_344 : vector<512x1xi32>
    %jit3A_347 = arith.constant 65 : i32
    %broadcast_in_dim3A_348 = vector.broadcast %jit3A_347 : i32 to vector<512x1xi32>
    %select_n3A_349 = arith.select %eq3A_263, %min3A_346, %broadcast_in_dim3A_348 : vector<512x1xi1>, vector<512x1xi32>
    %eq3A_350 = vector.broadcast %select_n3A_349 : vector<512x1xi32> to vector<512x66xi32>
    %eq3A_351 = arith.cmpi eq, %iota3A_82, %eq3A_350 : vector<512x66xi32>
    %convert_element_type3A_352 = arith.extui %eq3A_351 : vector<512x66xi1> to vector<512x66xi32>
    %convert_element_type3A_353 = arith.sitofp %convert_element_type3A_352 : vector<512x66xi32> to vector<512x66xf32>
    %slice3A_354 = vector.extract_strided_slice %cos3A {offsets = [0, 29], sizes = [512, 1], strides = [1, 1]} : vector<512x42xf32> to vector<512x1xf32>
    %convert_element_type3A_355 = arith.fptosi %slice3A_354 : vector<512x1xf32> to vector<512x1xi32>
    %add3A_356 = arith.constant 32 : i32
    %add3A_357 = vector.broadcast %add3A_356 : i32 to vector<512x1xi32>
    %add3A_358 = arith.addi %convert_element_type3A_355, %add3A_357 : vector<512x1xi32>
    %jit3A_359 = arith.constant 0 : i32
    %jit3A_360 = arith.constant 64 : i32
    %max3A_361 = vector.broadcast %jit3A_359 : i32 to vector<512x1xi32>
    %max3A_362 = arith.maxsi %max3A_361, %add3A_358 : vector<512x1xi32>
    %min3A_363 = vector.broadcast %jit3A_360 : i32 to vector<512x1xi32>
    %min3A_364 = arith.minsi %min3A_363, %max3A_362 : vector<512x1xi32>
    %jit3A_365 = arith.constant 65 : i32
    %broadcast_in_dim3A_366 = vector.broadcast %jit3A_365 : i32 to vector<512x1xi32>
    %select_n3A_367 = arith.select %eq3A_263, %min3A_364, %broadcast_in_dim3A_366 : vector<512x1xi1>, vector<512x1xi32>
    %eq3A_368 = vector.broadcast %select_n3A_367 : vector<512x1xi32> to vector<512x66xi32>
    %eq3A_369 = arith.cmpi eq, %iota3A_82, %eq3A_368 : vector<512x66xi32>
    %convert_element_type3A_370 = arith.extui %eq3A_369 : vector<512x66xi1> to vector<512x66xi32>
    %convert_element_type3A_371 = arith.sitofp %convert_element_type3A_370 : vector<512x66xi32> to vector<512x66xf32>
    %slice3A_372 = vector.extract_strided_slice %sin3A {offsets = [0, 29], sizes = [512, 1], strides = [1, 1]} : vector<512x42xf32> to vector<512x1xf32>
    %convert_element_type3A_373 = arith.fptosi %slice3A_372 : vector<512x1xf32> to vector<512x1xi32>
    %add3A_374 = arith.constant 32 : i32
    %add3A_375 = vector.broadcast %add3A_374 : i32 to vector<512x1xi32>
    %add3A_376 = arith.addi %convert_element_type3A_373, %add3A_375 : vector<512x1xi32>
    %jit3A_377 = arith.constant 0 : i32
    %jit3A_378 = arith.constant 64 : i32
    %max3A_379 = vector.broadcast %jit3A_377 : i32 to vector<512x1xi32>
    %max3A_380 = arith.maxsi %max3A_379, %add3A_376 : vector<512x1xi32>
    %min3A_381 = vector.broadcast %jit3A_378 : i32 to vector<512x1xi32>
    %min3A_382 = arith.minsi %min3A_381, %max3A_380 : vector<512x1xi32>
    %jit3A_383 = arith.constant 65 : i32
    %broadcast_in_dim3A_384 = vector.broadcast %jit3A_383 : i32 to vector<512x1xi32>
    %select_n3A_385 = arith.select %eq3A_263, %min3A_382, %broadcast_in_dim3A_384 : vector<512x1xi1>, vector<512x1xi32>
    %eq3A_386 = vector.broadcast %select_n3A_385 : vector<512x1xi32> to vector<512x66xi32>
    %eq3A_387 = arith.cmpi eq, %iota3A_82, %eq3A_386 : vector<512x66xi32>
    %convert_element_type3A_388 = arith.extui %eq3A_387 : vector<512x66xi1> to vector<512x66xi32>
    %convert_element_type3A_389 = arith.sitofp %convert_element_type3A_388 : vector<512x66xi32> to vector<512x66xf32>
    %slice3A_390 = vector.extract_strided_slice %get3A_18 {offsets = [0, 1], sizes = [512, 1], strides = [1, 1]} : vector<512x14xf32> to vector<512x1xf32>
    %sub3A_391 = vector.broadcast %slice3A_390 : vector<512x1xf32> to vector<512x16xf32>
    %sub3A_392 = vector.broadcast %add3A_89 : vector<1x16xf32> to vector<512x16xf32>
    %sub3A_393 = arith.subf %sub3A_391, %sub3A_392 : vector<512x16xf32>
    %div3A_394 = arith.constant 1.250000e+00 : f32
    %div3A_395 = vector.broadcast %div3A_394 : f32 to vector<512x16xf32>
    %div3A_396 = arith.divf %sub3A_393, %div3A_395 : vector<512x16xf32>
    %integer_pow3A_397 = arith.mulf %div3A_396, %div3A_396 : vector<512x16xf32>
    %neg3A_398 = arith.constant 0.000000e+00 : f32
    %neg3A_399 = vector.broadcast %neg3A_398 : f32 to vector<512x16xf32>
    %neg3A_400 = arith.subf %neg3A_399, %integer_pow3A_397 : vector<512x16xf32>
    %exp3A_401 = math.exp %neg3A_400 : vector<512x16xf32>
    %broadcast_in_dim3A_402 = arith.constant 0.000000e+00 : f32
    %broadcast_in_dim3A_403 = vector.broadcast %broadcast_in_dim3A_402 : f32 to vector<512x34xf32>
    %concatenate3A_404 = tpu.concatenate %convert_element_type3A_281, %convert_element_type3A_299, %convert_element_type3A_317, %convert_element_type3A_335, %convert_element_type3A_353, %convert_element_type3A_371, %convert_element_type3A_389, %exp3A_401, %broadcast_in_dim3A_403 in 1 : vector<512x66xf32>, vector<512x66xf32>, vector<512x66xf32>, vector<512x66xf32>, vector<512x66xf32>, vector<512x66xf32>, vector<512x66xf32>, vector<512x16xf32>, vector<512x34xf32> -> vector<512x512xf32>
    %dot_general3A_405 = arith.constant dense<0.000000e+00> : vector<512x128xf32>
    %dot_general3A_406 = tpu.matmul %concatenate3A_404, %concatenate3A_56, %dot_general3A_405 {dimension_numbers = #tpu.dot_dimension_numbers<[1], [0], [0], [1], [0, 0, 1, 1], [], []>, transpose_lhs_hint = false} : vector<512x512xf32>, vector<512x128xf32>, vector<512x128xf32> -> vector<512x128xf32>
    %add3A_407 = vector.broadcast %dot_general3A_73 : vector<1x128xf32> to vector<512x128xf32>
    %add3A_408 = arith.addf %dot_general3A_406, %add3A_407 : vector<512x128xf32>
    %reduce_sum3A_409 = arith.constant dense<0.000000e+00> : vector<512xf32>
    %reduce_sum3A_410 = vector.multi_reduction <add>, %add3A_408, %reduce_sum3A_409 [1] : vector<512x128xf32> to vector<512xf32>
    %broadcast_in_dim3A_411 = vector.shape_cast %reduce_sum3A_410 : vector<512xf32> to vector<512x1xf32>
    %div3A_412 = arith.constant 1.280000e+02 : f32
    %div3A_413 = vector.broadcast %div3A_412 : f32 to vector<512x1xf32>
    %div3A_414 = arith.divf %broadcast_in_dim3A_411, %div3A_413 : vector<512x1xf32>
    %sub3A_415 = vector.broadcast %div3A_414 : vector<512x1xf32> to vector<512x128xf32>
    %sub3A_416 = arith.subf %add3A_408, %sub3A_415 : vector<512x128xf32>
    %mul3A_417 = arith.mulf %sub3A_416, %sub3A_416 : vector<512x128xf32>
    %reduce_sum3A_418 = arith.constant dense<0.000000e+00> : vector<512xf32>
    %reduce_sum3A_419 = vector.multi_reduction <add>, %mul3A_417, %reduce_sum3A_418 [1] : vector<512x128xf32> to vector<512xf32>
    %broadcast_in_dim3A_420 = vector.shape_cast %reduce_sum3A_419 : vector<512xf32> to vector<512x1xf32>
    %div3A_421 = arith.constant 1.280000e+02 : f32
    %div3A_422 = vector.broadcast %div3A_421 : f32 to vector<512x1xf32>
    %div3A_423 = arith.divf %broadcast_in_dim3A_420, %div3A_422 : vector<512x1xf32>
    %add3A_424 = arith.constant 9.99999974E-6 : f32
    %add3A_425 = vector.broadcast %add3A_424 : f32 to vector<512x1xf32>
    %add3A_426 = arith.addf %div3A_423, %add3A_425 : vector<512x1xf32>
    %rsqrt3A_427 = math.rsqrt %add3A_426 : vector<512x1xf32>
    %mul3A_428 = vector.broadcast %rsqrt3A_427 : vector<512x1xf32> to vector<512x128xf32>
    %mul3A_429 = arith.mulf %sub3A_416, %mul3A_428 : vector<512x128xf32>
    %mul3A_430 = vector.broadcast %get3A_92 : vector<1x128xf32> to vector<512x128xf32>
    %mul3A_431 = arith.mulf %mul3A_429, %mul3A_430 : vector<512x128xf32>
    %add3A_432 = vector.broadcast %get3A_95 : vector<1x128xf32> to vector<512x128xf32>
    %add3A_433 = arith.addf %mul3A_431, %add3A_432 : vector<512x128xf32>
    %swap3A_434 = arith.constant 0 : index
    %swap3A_435 = arith.constant 0 : index
    %swap3A_436 = arith.constant 1 : index
    %swap3A_437 = arith.constant 0 : index
    %swap3A_438 = vector.load %arg14[%swap3A_434, %swap3A_435, %swap3A_436, %swap3A_437] : memref<1x512x14x128xf32, #tpu.memory_space<vmem>>, vector<1x512x1x128xf32>
    %swap3A_439 = vector.shape_cast %swap3A_438 : vector<1x512x1x128xf32> to vector<512x128xf32>
    %swap3A_440 = vector.shape_cast %add3A_433 : vector<512x128xf32> to vector<1x512x1x128xf32>
    tpu.vector_store %arg14[%swap3A_434, %swap3A_435, %swap3A_436, %swap3A_437], %swap3A_440 {strides = array<i32>} : memref<1x512x14x128xf32, #tpu.memory_space<vmem>>, vector<1x512x1x128xf32>,
    %slice3A_441 = vector.extract_strided_slice %get3A_23 {offsets = [0, 2], sizes = [512, 1], strides = [1, 1]} : vector<512x14xi32> to vector<512x1xi32>
    %eq3A_442 = arith.cmpi eq, %get3A_81, %slice3A_441 : vector<512x1xi32>
    %slice3A_443 = vector.extract_strided_slice %get3A_28 {offsets = [0, 2], sizes = [512, 1], strides = [1, 1]} : vector<512x14xi32> to vector<512x1xi32>
    %sub3A_444 = arith.subi %add3A_76, %slice3A_443 : vector<512x1xi32>
    %add3A_445 = arith.constant 32 : i32
    %add3A_446 = vector.broadcast %add3A_445 : i32 to vector<512x1xi32>
    %add3A_447 = arith.addi %sub3A_444, %add3A_446 : vector<512x1xi32>
    %jit3A_448 = arith.constant 0 : i32
    %jit3A_449 = arith.constant 64 : i32
    %max3A_450 = vector.broadcast %jit3A_448 : i32 to vector<512x1xi32>
    %max3A_451 = arith.maxsi %max3A_450, %add3A_447 : vector<512x1xi32>
    %min3A_452 = vector.broadcast %jit3A_449 : i32 to vector<512x1xi32>
    %min3A_453 = arith.minsi %min3A_452, %max3A_451 : vector<512x1xi32>
    %jit3A_454 = arith.constant 65 : i32
    %broadcast_in_dim3A_455 = vector.broadcast %jit3A_454 : i32 to vector<512x1xi32>
    %select_n3A_456 = arith.select %eq3A_442, %min3A_453, %broadcast_in_dim3A_455 : vector<512x1xi1>, vector<512x1xi32>
    %eq3A_457 = vector.broadcast %select_n3A_456 : vector<512x1xi32> to vector<512x66xi32>
    %eq3A_458 = arith.cmpi eq, %iota3A_82, %eq3A_457 : vector<512x66xi32>
    %convert_element_type3A_459 = arith.extui %eq3A_458 : vector<512x66xi1> to vector<512x66xi32>
    %convert_element_type3A_460 = arith.sitofp %convert_element_type3A_459 : vector<512x66xi32> to vector<512x66xf32>
    %slice3A_461 = vector.extract_strided_slice %cos3A {offsets = [0, 2], sizes = [512, 1], strides = [1, 1]} : vector<512x42xf32> to vector<512x1xf32>
    %convert_element_type3A_462 = arith.fptosi %slice3A_461 : vector<512x1xf32> to vector<512x1xi32>
    %add3A_463 = arith.constant 32 : i32
    %add3A_464 = vector.broadcast %add3A_463 : i32 to vector<512x1xi32>
    %add3A_465 = arith.addi %convert_element_type3A_462, %add3A_464 : vector<512x1xi32>
    %jit3A_466 = arith.constant 0 : i32
    %jit3A_467 = arith.constant 64 : i32
    %max3A_468 = vector.broadcast %jit3A_466 : i32 to vector<512x1xi32>
    %max3A_469 = arith.maxsi %max3A_468, %add3A_465 : vector<512x1xi32>
    %min3A_470 = vector.broadcast %jit3A_467 : i32 to vector<512x1xi32>
    %min3A_471 = arith.minsi %min3A_470, %max3A_469 : vector<512x1xi32>
    %jit3A_472 = arith.constant 65 : i32
    %broadcast_in_dim3A_473 = vector.broadcast %jit3A_472 : i32 to vector<512x1xi32>
    %select_n3A_474 = arith.select %eq3A_442, %min3A_471, %broadcast_in_dim3A_473 : vector<512x1xi1>, vector<512x1xi32>
    %eq3A_475 = vector.broadcast %select_n3A_474 : vector<512x1xi32> to vector<512x66xi32>
    %eq3A_476 = arith.cmpi eq, %iota3A_82, %eq3A_475 : vector<512x66xi32>
    %convert_element_type3A_477 = arith.extui %eq3A_476 : vector<512x66xi1> to vector<512x66xi32>
    %convert_element_type3A_478 = arith.sitofp %convert_element_type3A_477 : vector<512x66xi32> to vector<512x66xf32>
    %slice3A_479 = vector.extract_strided_slice %sin3A {offsets = [0, 2], sizes = [512, 1], strides = [1, 1]} : vector<512x42xf32> to vector<512x1xf32>
    %convert_element_type3A_480 = arith.fptosi %slice3A_479 : vector<512x1xf32> to vector<512x1xi32>
    %add3A_481 = arith.constant 32 : i32
    %add3A_482 = vector.broadcast %add3A_481 : i32 to vector<512x1xi32>
    %add3A_483 = arith.addi %convert_element_type3A_480, %add3A_482 : vector<512x1xi32>
    %jit3A_484 = arith.constant 0 : i32
    %jit3A_485 = arith.constant 64 : i32
    %max3A_486 = vector.broadcast %jit3A_484 : i32 to vector<512x1xi32>
    %max3A_487 = arith.maxsi %max3A_486, %add3A_483 : vector<512x1xi32>
    %min3A_488 = vector.broadcast %jit3A_485 : i32 to vector<512x1xi32>
    %min3A_489 = arith.minsi %min3A_488, %max3A_487 : vector<512x1xi32>
    %jit3A_490 = arith.constant 65 : i32
    %broadcast_in_dim3A_491 = vector.broadcast %jit3A_490 : i32 to vector<512x1xi32>
    %select_n3A_492 = arith.select %eq3A_442, %min3A_489, %broadcast_in_dim3A_491 : vector<512x1xi1>, vector<512x1xi32>
    %eq3A_493 = vector.broadcast %select_n3A_492 : vector<512x1xi32> to vector<512x66xi32>
    %eq3A_494 = arith.cmpi eq, %iota3A_82, %eq3A_493 : vector<512x66xi32>
    %convert_element_type3A_495 = arith.extui %eq3A_494 : vector<512x66xi1> to vector<512x66xi32>
    %convert_element_type3A_496 = arith.sitofp %convert_element_type3A_495 : vector<512x66xi32> to vector<512x66xf32>
    %slice3A_497 = vector.extract_strided_slice %cos3A {offsets = [0, 16], sizes = [512, 1], strides = [1, 1]} : vector<512x42xf32> to vector<512x1xf32>
    %convert_element_type3A_498 = arith.fptosi %slice3A_497 : vector<512x1xf32> to vector<512x1xi32>
    %add3A_499 = arith.constant 32 : i32
    %add3A_500 = vector.broadcast %add3A_499 : i32 to vector<512x1xi32>
    %add3A_501 = arith.addi %convert_element_type3A_498, %add3A_500 : vector<512x1xi32>
    %jit3A_502 = arith.constant 0 : i32
    %jit3A_503 = arith.constant 64 : i32
    %max3A_504 = vector.broadcast %jit3A_502 : i32 to vector<512x1xi32>
    %max3A_505 = arith.maxsi %max3A_504, %add3A_501 : vector<512x1xi32>
    %min3A_506 = vector.broadcast %jit3A_503 : i32 to vector<512x1xi32>
    %min3A_507 = arith.minsi %min3A_506, %max3A_505 : vector<512x1xi32>
    %jit3A_508 = arith.constant 65 : i32
    %broadcast_in_dim3A_509 = vector.broadcast %jit3A_508 : i32 to vector<512x1xi32>
    %select_n3A_510 = arith.select %eq3A_442, %min3A_507, %broadcast_in_dim3A_509 : vector<512x1xi1>, vector<512x1xi32>
    %eq3A_511 = vector.broadcast %select_n3A_510 : vector<512x1xi32> to vector<512x66xi32>
    %eq3A_512 = arith.cmpi eq, %iota3A_82, %eq3A_511 : vector<512x66xi32>
    %convert_element_type3A_513 = arith.extui %eq3A_512 : vector<512x66xi1> to vector<512x66xi32>
    %convert_element_type3A_514 = arith.sitofp %convert_element_type3A_513 : vector<512x66xi32> to vector<512x66xf32>
    %slice3A_515 = vector.extract_strided_slice %sin3A {offsets = [0, 16], sizes = [512, 1], strides = [1, 1]} : vector<512x42xf32> to vector<512x1xf32>
    %convert_element_type3A_516 = arith.fptosi %slice3A_515 : vector<512x1xf32> to vector<512x1xi32>
    %add3A_517 = arith.constant 32 : i32
    %add3A_518 = vector.broadcast %add3A_517 : i32 to vector<512x1xi32>
    %add3A_519 = arith.addi %convert_element_type3A_516, %add3A_518 : vector<512x1xi32>
    %jit3A_520 = arith.constant 0 : i32
    %jit3A_521 = arith.constant 64 : i32
    %max3A_522 = vector.broadcast %jit3A_520 : i32 to vector<512x1xi32>
    %max3A_523 = arith.maxsi %max3A_522, %add3A_519 : vector<512x1xi32>
    %min3A_524 = vector.broadcast %jit3A_521 : i32 to vector<512x1xi32>
    %min3A_525 = arith.minsi %min3A_524, %max3A_523 : vector<512x1xi32>
    %jit3A_526 = arith.constant 65 : i32
    %broadcast_in_dim3A_527 = vector.broadcast %jit3A_526 : i32 to vector<512x1xi32>
    %select_n3A_528 = arith.select %eq3A_442, %min3A_525, %broadcast_in_dim3A_527 : vector<512x1xi1>, vector<512x1xi32>
    %eq3A_529 = vector.broadcast %select_n3A_528 : vector<512x1xi32> to vector<512x66xi32>
    %eq3A_530 = arith.cmpi eq, %iota3A_82, %eq3A_529 : vector<512x66xi32>
    %convert_element_type3A_531 = arith.extui %eq3A_530 : vector<512x66xi1> to vector<512x66xi32>
    %convert_element_type3A_532 = arith.sitofp %convert_element_type3A_531 : vector<512x66xi32> to vector<512x66xf32>
    %slice3A_533 = vector.extract_strided_slice %cos3A {offsets = [0, 30], sizes = [512, 1], strides = [1, 1]} : vector<512x42xf32> to vector<512x1xf32>
    %convert_element_type3A_534 = arith.fptosi %slice3A_533 : vector<512x1xf32> to vector<512x1xi32>
    %add3A_535 = arith.constant 32 : i32
    %add3A_536 = vector.broadcast %add3A_535 : i32 to vector<512x1xi32>
    %add3A_537 = arith.addi %convert_element_type3A_534, %add3A_536 : vector<512x1xi32>
    %jit3A_538 = arith.constant 0 : i32
    %jit3A_539 = arith.constant 64 : i32
    %max3A_540 = vector.broadcast %jit3A_538 : i32 to vector<512x1xi32>
    %max3A_541 = arith.maxsi %max3A_540, %add3A_537 : vector<512x1xi32>
    %min3A_542 = vector.broadcast %jit3A_539 : i32 to vector<512x1xi32>
    %min3A_543 = arith.minsi %min3A_542, %max3A_541 : vector<512x1xi32>
    %jit3A_544 = arith.constant 65 : i32
    %broadcast_in_dim3A_545 = vector.broadcast %jit3A_544 : i32 to vector<512x1xi32>
    %select_n3A_546 = arith.select %eq3A_442, %min3A_543, %broadcast_in_dim3A_545 : vector<512x1xi1>, vector<512x1xi32>
    %eq3A_547 = vector.broadcast %select_n3A_546 : vector<512x1xi32> to vector<512x66xi32>
    %eq3A_548 = arith.cmpi eq, %iota3A_82, %eq3A_547 : vector<512x66xi32>
    %convert_element_type3A_549 = arith.extui %eq3A_548 : vector<512x66xi1> to vector<512x66xi32>
    %convert_element_type3A_550 = arith.sitofp %convert_element_type3A_549 : vector<512x66xi32> to vector<512x66xf32>
    %slice3A_551 = vector.extract_strided_slice %sin3A {offsets = [0, 30], sizes = [512, 1], strides = [1, 1]} : vector<512x42xf32> to vector<512x1xf32>
    %convert_element_type3A_552 = arith.fptosi %slice3A_551 : vector<512x1xf32> to vector<512x1xi32>
    %add3A_553 = arith.constant 32 : i32
    %add3A_554 = vector.broadcast %add3A_553 : i32 to vector<512x1xi32>
    %add3A_555 = arith.addi %convert_element_type3A_552, %add3A_554 : vector<512x1xi32>
    %jit3A_556 = arith.constant 0 : i32
    %jit3A_557 = arith.constant 64 : i32
    %max3A_558 = vector.broadcast %jit3A_556 : i32 to vector<512x1xi32>
    %max3A_559 = arith.maxsi %max3A_558, %add3A_555 : vector<512x1xi32>
    %min3A_560 = vector.broadcast %jit3A_557 : i32 to vector<512x1xi32>
    %min3A_561 = arith.minsi %min3A_560, %max3A_559 : vector<512x1xi32>
    %jit3A_562 = arith.constant 65 : i32
    %broadcast_in_dim3A_563 = vector.broadcast %jit3A_562 : i32 to vector<512x1xi32>
    %select_n3A_564 = arith.select %eq3A_442, %min3A_561, %broadcast_in_dim3A_563 : vector<512x1xi1>, vector<512x1xi32>
    %eq3A_565 = vector.broadcast %select_n3A_564 : vector<512x1xi32> to vector<512x66xi32>
    %eq3A_566 = arith.cmpi eq, %iota3A_82, %eq3A_565 : vector<512x66xi32>
    %convert_element_type3A_567 = arith.extui %eq3A_566 : vector<512x66xi1> to vector<512x66xi32>
    %convert_element_type3A_568 = arith.sitofp %convert_element_type3A_567 : vector<512x66xi32> to vector<512x66xf32>
    %slice3A_569 = vector.extract_strided_slice %get3A_18 {offsets = [0, 2], sizes = [512, 1], strides = [1, 1]} : vector<512x14xf32> to vector<512x1xf32>
    %sub3A_570 = vector.broadcast %slice3A_569 : vector<512x1xf32> to vector<512x16xf32>
    %sub3A_571 = vector.broadcast %add3A_89 : vector<1x16xf32> to vector<512x16xf32>
    %sub3A_572 = arith.subf %sub3A_570, %sub3A_571 : vector<512x16xf32>
    %div3A_573 = arith.constant 1.250000e+00 : f32
    %div3A_574 = vector.broadcast %div3A_573 : f32 to vector<512x16xf32>
    %div3A_575 = arith.divf %sub3A_572, %div3A_574 : vector<512x16xf32>
    %integer_pow3A_576 = arith.mulf %div3A_575, %div3A_575 : vector<512x16xf32>
    %neg3A_577 = arith.constant 0.000000e+00 : f32
    %neg3A_578 = vector.broadcast %neg3A_577 : f32 to vector<512x16xf32>
    %neg3A_579 = arith.subf %neg3A_578, %integer_pow3A_576 : vector<512x16xf32>
    %exp3A_580 = math.exp %neg3A_579 : vector<512x16xf32>
    %broadcast_in_dim3A_581 = arith.constant 0.000000e+00 : f32
    %broadcast_in_dim3A_582 = vector.broadcast %broadcast_in_dim3A_581 : f32 to vector<512x34xf32>
    %concatenate3A_583 = tpu.concatenate %convert_element_type3A_460, %convert_element_type3A_478, %convert_element_type3A_496, %convert_element_type3A_514, %convert_element_type3A_532, %convert_element_type3A_550, %convert_element_type3A_568, %exp3A_580, %broadcast_in_dim3A_582 in 1 : vector<512x66xf32>, vector<512x66xf32>, vector<512x66xf32>, vector<512x66xf32>, vector<512x66xf32>, vector<512x66xf32>, vector<512x66xf32>, vector<512x16xf32>, vector<512x34xf32> -> vector<512x512xf32>
    %dot_general3A_584 = arith.constant dense<0.000000e+00> : vector<512x128xf32>
    %dot_general3A_585 = tpu.matmul %concatenate3A_583, %concatenate3A_56, %dot_general3A_584 {dimension_numbers = #tpu.dot_dimension_numbers<[1], [0], [0], [1], [0, 0, 1, 1], [], []>, transpose_lhs_hint = false} : vector<512x512xf32>, vector<512x128xf32>, vector<512x128xf32> -> vector<512x128xf32>
    %add3A_586 = vector.broadcast %dot_general3A_73 : vector<1x128xf32> to vector<512x128xf32>
    %add3A_587 = arith.addf %dot_general3A_585, %add3A_586 : vector<512x128xf32>
    %reduce_sum3A_588 = arith.constant dense<0.000000e+00> : vector<512xf32>
    %reduce_sum3A_589 = vector.multi_reduction <add>, %add3A_587, %reduce_sum3A_588 [1] : vector<512x128xf32> to vector<512xf32>
    %broadcast_in_dim3A_590 = vector.shape_cast %reduce_sum3A_589 : vector<512xf32> to vector<512x1xf32>
    %div3A_591 = arith.constant 1.280000e+02 : f32
    %div3A_592 = vector.broadcast %div3A_591 : f32 to vector<512x1xf32>
    %div3A_593 = arith.divf %broadcast_in_dim3A_590, %div3A_592 : vector<512x1xf32>
    %sub3A_594 = vector.broadcast %div3A_593 : vector<512x1xf32> to vector<512x128xf32>
    %sub3A_595 = arith.subf %add3A_587, %sub3A_594 : vector<512x128xf32>
    %mul3A_596 = arith.mulf %sub3A_595, %sub3A_595 : vector<512x128xf32>
    %reduce_sum3A_597 = arith.constant dense<0.000000e+00> : vector<512xf32>
    %reduce_sum3A_598 = vector.multi_reduction <add>, %mul3A_596, %reduce_sum3A_597 [1] : vector<512x128xf32> to vector<512xf32>
    %broadcast_in_dim3A_599 = vector.shape_cast %reduce_sum3A_598 : vector<512xf32> to vector<512x1xf32>
    %div3A_600 = arith.constant 1.280000e+02 : f32
    %div3A_601 = vector.broadcast %div3A_600 : f32 to vector<512x1xf32>
    %div3A_602 = arith.divf %broadcast_in_dim3A_599, %div3A_601 : vector<512x1xf32>
    %add3A_603 = arith.constant 9.99999974E-6 : f32
    %add3A_604 = vector.broadcast %add3A_603 : f32 to vector<512x1xf32>
    %add3A_605 = arith.addf %div3A_602, %add3A_604 : vector<512x1xf32>
    %rsqrt3A_606 = math.rsqrt %add3A_605 : vector<512x1xf32>
    %mul3A_607 = vector.broadcast %rsqrt3A_606 : vector<512x1xf32> to vector<512x128xf32>
    %mul3A_608 = arith.mulf %sub3A_595, %mul3A_607 : vector<512x128xf32>
    %mul3A_609 = vector.broadcast %get3A_92 : vector<1x128xf32> to vector<512x128xf32>
    %mul3A_610 = arith.mulf %mul3A_608, %mul3A_609 : vector<512x128xf32>
    %add3A_611 = vector.broadcast %get3A_95 : vector<1x128xf32> to vector<512x128xf32>
    %add3A_612 = arith.addf %mul3A_610, %add3A_611 : vector<512x128xf32>
    %swap3A_613 = arith.constant 0 : index
    %swap3A_614 = arith.constant 0 : index
    %swap3A_615 = arith.constant 2 : index
    %swap3A_616 = arith.constant 0 : index
    %swap3A_617 = vector.load %arg14[%swap3A_613, %swap3A_614, %swap3A_615, %swap3A_616] : memref<1x512x14x128xf32, #tpu.memory_space<vmem>>, vector<1x512x1x128xf32>
    %swap3A_618 = vector.shape_cast %swap3A_617 : vector<1x512x1x128xf32> to vector<512x128xf32>
    %swap3A_619 = vector.shape_cast %add3A_612 : vector<512x128xf32> to vector<1x512x1x128xf32>
    tpu.vector_store %arg14[%swap3A_613, %swap3A_614, %swap3A_615, %swap3A_616], %swap3A_619 {strides = array<i32>} : memref<1x512x14x128xf32, #tpu.memory_space<vmem>>, vector<1x512x1x128xf32>,
    %slice3A_620 = vector.extract_strided_slice %get3A_23 {offsets = [0, 3], sizes = [512, 1], strides = [1, 1]} : vector<512x14xi32> to vector<512x1xi32>
    %eq3A_621 = arith.cmpi eq, %get3A_81, %slice3A_620 : vector<512x1xi32>
    %slice3A_622 = vector.extract_strided_slice %get3A_28 {offsets = [0, 3], sizes = [512, 1], strides = [1, 1]} : vector<512x14xi32> to vector<512x1xi32>
    %sub3A_623 = arith.subi %add3A_76, %slice3A_622 : vector<512x1xi32>
    %add3A_624 = arith.constant 32 : i32
    %add3A_625 = vector.broadcast %add3A_624 : i32 to vector<512x1xi32>
    %add3A_626 = arith.addi %sub3A_623, %add3A_625 : vector<512x1xi32>
    %jit3A_627 = arith.constant 0 : i32
    %jit3A_628 = arith.constant 64 : i32
    %max3A_629 = vector.broadcast %jit3A_627 : i32 to vector<512x1xi32>
    %max3A_630 = arith.maxsi %max3A_629, %add3A_626 : vector<512x1xi32>
    %min3A_631 = vector.broadcast %jit3A_628 : i32 to vector<512x1xi32>
    %min3A_632 = arith.minsi %min3A_631, %max3A_630 : vector<512x1xi32>
    %jit3A_633 = arith.constant 65 : i32
    %broadcast_in_dim3A_634 = vector.broadcast %jit3A_633 : i32 to vector<512x1xi32>
    %select_n3A_635 = arith.select %eq3A_621, %min3A_632, %broadcast_in_dim3A_634 : vector<512x1xi1>, vector<512x1xi32>
    %eq3A_636 = vector.broadcast %select_n3A_635 : vector<512x1xi32> to vector<512x66xi32>
    %eq3A_637 = arith.cmpi eq, %iota3A_82, %eq3A_636 : vector<512x66xi32>
    %convert_element_type3A_638 = arith.extui %eq3A_637 : vector<512x66xi1> to vector<512x66xi32>
    %convert_element_type3A_639 = arith.sitofp %convert_element_type3A_638 : vector<512x66xi32> to vector<512x66xf32>
    %slice3A_640 = vector.extract_strided_slice %cos3A {offsets = [0, 3], sizes = [512, 1], strides = [1, 1]} : vector<512x42xf32> to vector<512x1xf32>
    %convert_element_type3A_641 = arith.fptosi %slice3A_640 : vector<512x1xf32> to vector<512x1xi32>
    %add3A_642 = arith.constant 32 : i32
    %add3A_643 = vector.broadcast %add3A_642 : i32 to vector<512x1xi32>
    %add3A_644 = arith.addi %convert_element_type3A_641, %add3A_643 : vector<512x1xi32>
    %jit3A_645 = arith.constant 0 : i32
    %jit3A_646 = arith.constant 64 : i32
    %max3A_647 = vector.broadcast %jit3A_645 : i32 to vector<512x1xi32>
    %max3A_648 = arith.maxsi %max3A_647, %add3A_644 : vector<512x1xi32>
    %min3A_649 = vector.broadcast %jit3A_646 : i32 to vector<512x1xi32>
    %min3A_650 = arith.minsi %min3A_649, %max3A_648 : vector<512x1xi32>
    %jit3A_651 = arith.constant 65 : i32
    %broadcast_in_dim3A_652 = vector.broadcast %jit3A_651 : i32 to vector<512x1xi32>
    %select_n3A_653 = arith.select %eq3A_621, %min3A_650, %broadcast_in_dim3A_652 : vector<512x1xi1>, vector<512x1xi32>
    %eq3A_654 = vector.broadcast %select_n3A_653 : vector<512x1xi32> to vector<512x66xi32>
    %eq3A_655 = arith.cmpi eq, %iota3A_82, %eq3A_654 : vector<512x66xi32>
    %convert_element_type3A_656 = arith.extui %eq3A_655 : vector<512x66xi1> to vector<512x66xi32>
    %convert_element_type3A_657 = arith.sitofp %convert_element_type3A_656 : vector<512x66xi32> to vector<512x66xf32>
    %slice3A_658 = vector.extract_strided_slice %sin3A {offsets = [0, 3], sizes = [512, 1], strides = [1, 1]} : vector<512x42xf32> to vector<512x1xf32>
    %convert_element_type3A_659 = arith.fptosi %slice3A_658 : vector<512x1xf32> to vector<512x1xi32>
    %add3A_660 = arith.constant 32 : i32
    %add3A_661 = vector.broadcast %add3A_660 : i32 to vector<512x1xi32>
    %add3A_662 = arith.addi %convert_element_type3A_659, %add3A_661 : vector<512x1xi32>
    %jit3A_663 = arith.constant 0 : i32
    %jit3A_664 = arith.constant 64 : i32
    %max3A_665 = vector.broadcast %jit3A_663 : i32 to vector<512x1xi32>
    %max3A_666 = arith.maxsi %max3A_665, %add3A_662 : vector<512x1xi32>
    %min3A_667 = vector.broadcast %jit3A_664 : i32 to vector<512x1xi32>
    %min3A_668 = arith.minsi %min3A_667, %max3A_666 : vector<512x1xi32>
    %jit3A_669 = arith.constant 65 : i32
    %broadcast_in_dim3A_670 = vector.broadcast %jit3A_669 : i32 to vector<512x1xi32>
    %select_n3A_671 = arith.select %eq3A_621, %min3A_668, %broadcast_in_dim3A_670 : vector<512x1xi1>, vector<512x1xi32>
    %eq3A_672 = vector.broadcast %select_n3A_671 : vector<512x1xi32> to vector<512x66xi32>
    %eq3A_673 = arith.cmpi eq, %iota3A_82, %eq3A_672 : vector<512x66xi32>
    %convert_element_type3A_674 = arith.extui %eq3A_673 : vector<512x66xi1> to vector<512x66xi32>
    %convert_element_type3A_675 = arith.sitofp %convert_element_type3A_674 : vector<512x66xi32> to vector<512x66xf32>
    %slice3A_676 = vector.extract_strided_slice %cos3A {offsets = [0, 17], sizes = [512, 1], strides = [1, 1]} : vector<512x42xf32> to vector<512x1xf32>
    %convert_element_type3A_677 = arith.fptosi %slice3A_676 : vector<512x1xf32> to vector<512x1xi32>
    %add3A_678 = arith.constant 32 : i32
    %add3A_679 = vector.broadcast %add3A_678 : i32 to vector<512x1xi32>
    %add3A_680 = arith.addi %convert_element_type3A_677, %add3A_679 : vector<512x1xi32>
    %jit3A_681 = arith.constant 0 : i32
    %jit3A_682 = arith.constant 64 : i32
    %max3A_683 = vector.broadcast %jit3A_681 : i32 to vector<512x1xi32>
    %max3A_684 = arith.maxsi %max3A_683, %add3A_680 : vector<512x1xi32>
    %min3A_685 = vector.broadcast %jit3A_682 : i32 to vector<512x1xi32>
    %min3A_686 = arith.minsi %min3A_685, %max3A_684 : vector<512x1xi32>
    %jit3A_687 = arith.constant 65 : i32
    %broadcast_in_dim3A_688 = vector.broadcast %jit3A_687 : i32 to vector<512x1xi32>
    %select_n3A_689 = arith.select %eq3A_621, %min3A_686, %broadcast_in_dim3A_688 : vector<512x1xi1>, vector<512x1xi32>
    %eq3A_690 = vector.broadcast %select_n3A_689 : vector<512x1xi32> to vector<512x66xi32>
    %eq3A_691 = arith.cmpi eq, %iota3A_82, %eq3A_690 : vector<512x66xi32>
    %convert_element_type3A_692 = arith.extui %eq3A_691 : vector<512x66xi1> to vector<512x66xi32>
    %convert_element_type3A_693 = arith.sitofp %convert_element_type3A_692 : vector<512x66xi32> to vector<512x66xf32>
    %slice3A_694 = vector.extract_strided_slice %sin3A {offsets = [0, 17], sizes = [512, 1], strides = [1, 1]} : vector<512x42xf32> to vector<512x1xf32>
    %convert_element_type3A_695 = arith.fptosi %slice3A_694 : vector<512x1xf32> to vector<512x1xi32>
    %add3A_696 = arith.constant 32 : i32
    %add3A_697 = vector.broadcast %add3A_696 : i32 to vector<512x1xi32>
    %add3A_698 = arith.addi %convert_element_type3A_695, %add3A_697 : vector<512x1xi32>
    %jit3A_699 = arith.constant 0 : i32
    %jit3A_700 = arith.constant 64 : i32
    %max3A_701 = vector.broadcast %jit3A_699 : i32 to vector<512x1xi32>
    %max3A_702 = arith.maxsi %max3A_701, %add3A_698 : vector<512x1xi32>
    %min3A_703 = vector.broadcast %jit3A_700 : i32 to vector<512x1xi32>
    %min3A_704 = arith.minsi %min3A_703, %max3A_702 : vector<512x1xi32>
    %jit3A_705 = arith.constant 65 : i32
    %broadcast_in_dim3A_706 = vector.broadcast %jit3A_705 : i32 to vector<512x1xi32>
    %select_n3A_707 = arith.select %eq3A_621, %min3A_704, %broadcast_in_dim3A_706 : vector<512x1xi1>, vector<512x1xi32>
    %eq3A_708 = vector.broadcast %select_n3A_707 : vector<512x1xi32> to vector<512x66xi32>
    %eq3A_709 = arith.cmpi eq, %iota3A_82, %eq3A_708 : vector<512x66xi32>
    %convert_element_type3A_710 = arith.extui %eq3A_709 : vector<512x66xi1> to vector<512x66xi32>
    %convert_element_type3A_711 = arith.sitofp %convert_element_type3A_710 : vector<512x66xi32> to vector<512x66xf32>
    %slice3A_712 = vector.extract_strided_slice %cos3A {offsets = [0, 31], sizes = [512, 1], strides = [1, 1]} : vector<512x42xf32> to vector<512x1xf32>
    %convert_element_type3A_713 = arith.fptosi %slice3A_712 : vector<512x1xf32> to vector<512x1xi32>
    %add3A_714 = arith.constant 32 : i32
    %add3A_715 = vector.broadcast %add3A_714 : i32 to vector<512x1xi32>
    %add3A_716 = arith.addi %convert_element_type3A_713, %add3A_715 : vector<512x1xi32>
    %jit3A_717 = arith.constant 0 : i32
    %jit3A_718 = arith.constant 64 : i32
    %max3A_719 = vector.broadcast %jit3A_717 : i32 to vector<512x1xi32>
    %max3A_720 = arith.maxsi %max3A_719, %add3A_716 : vector<512x1xi32>
    %min3A_721 = vector.broadcast %jit3A_718 : i32 to vector<512x1xi32>
    %min3A_722 = arith.minsi %min3A_721, %max3A_720 : vector<512x1xi32>
    %jit3A_723 = arith.constant 65 : i32
    %broadcast_in_dim3A_724 = vector.broadcast %jit3A_723 : i32 to vector<512x1xi32>
    %select_n3A_725 = arith.select %eq3A_621, %min3A_722, %broadcast_in_dim3A_724 : vector<512x1xi1>, vector<512x1xi32>
    %eq3A_726 = vector.broadcast %select_n3A_725 : vector<512x1xi32> to vector<512x66xi32>
    %eq3A_727 = arith.cmpi eq, %iota3A_82, %eq3A_726 : vector<512x66xi32>
    %convert_element_type3A_728 = arith.extui %eq3A_727 : vector<512x66xi1> to vector<512x66xi32>
    %convert_element_type3A_729 = arith.sitofp %convert_element_type3A_728 : vector<512x66xi32> to vector<512x66xf32>
    %slice3A_730 = vector.extract_strided_slice %sin3A {offsets = [0, 31], sizes = [512, 1], strides = [1, 1]} : vector<512x42xf32> to vector<512x1xf32>
    %convert_element_type3A_731 = arith.fptosi %slice3A_730 : vector<512x1xf32> to vector<512x1xi32>
    %add3A_732 = arith.constant 32 : i32
    %add3A_733 = vector.broadcast %add3A_732 : i32 to vector<512x1xi32>
    %add3A_734 = arith.addi %convert_element_type3A_731, %add3A_733 : vector<512x1xi32>
    %jit3A_735 = arith.constant 0 : i32
    %jit3A_736 = arith.constant 64 : i32
    %max3A_737 = vector.broadcast %jit3A_735 : i32 to vector<512x1xi32>
    %max3A_738 = arith.maxsi %max3A_737, %add3A_734 : vector<512x1xi32>
    %min3A_739 = vector.broadcast %jit3A_736 : i32 to vector<512x1xi32>
    %min3A_740 = arith.minsi %min3A_739, %max3A_738 : vector<512x1xi32>
    %jit3A_741 = arith.constant 65 : i32
    %broadcast_in_dim3A_742 = vector.broadcast %jit3A_741 : i32 to vector<512x1xi32>
    %select_n3A_743 = arith.select %eq3A_621, %min3A_740, %broadcast_in_dim3A_742 : vector<512x1xi1>, vector<512x1xi32>
    %eq3A_744 = vector.broadcast %select_n3A_743 : vector<512x1xi32> to vector<512x66xi32>
    %eq3A_745 = arith.cmpi eq, %iota3A_82, %eq3A_744 : vector<512x66xi32>
    %convert_element_type3A_746 = arith.extui %eq3A_745 : vector<512x66xi1> to vector<512x66xi32>
    %convert_element_type3A_747 = arith.sitofp %convert_element_type3A_746 : vector<512x66xi32> to vector<512x66xf32>
    %slice3A_748 = vector.extract_strided_slice %get3A_18 {offsets = [0, 3], sizes = [512, 1], strides = [1, 1]} : vector<512x14xf32> to vector<512x1xf32>
    %sub3A_749 = vector.broadcast %slice3A_748 : vector<512x1xf32> to vector<512x16xf32>
    %sub3A_750 = vector.broadcast %add3A_89 : vector<1x16xf32> to vector<512x16xf32>
    %sub3A_751 = arith.subf %sub3A_749, %sub3A_750 : vector<512x16xf32>
    %div3A_752 = arith.constant 1.250000e+00 : f32
    %div3A_753 = vector.broadcast %div3A_752 : f32 to vector<512x16xf32>
    %div3A_754 = arith.divf %sub3A_751, %div3A_753 : vector<512x16xf32>
    %integer_pow3A_755 = arith.mulf %div3A_754, %div3A_754 : vector<512x16xf32>
    %neg3A_756 = arith.constant 0.000000e+00 : f32
    %neg3A_757 = vector.broadcast %neg3A_756 : f32 to vector<512x16xf32>
    %neg3A_758 = arith.subf %neg3A_757, %integer_pow3A_755 : vector<512x16xf32>
    %exp3A_759 = math.exp %neg3A_758 : vector<512x16xf32>
    %broadcast_in_dim3A_760 = arith.constant 0.000000e+00 : f32
    %broadcast_in_dim3A_761 = vector.broadcast %broadcast_in_dim3A_760 : f32 to vector<512x34xf32>
    %concatenate3A_762 = tpu.concatenate %convert_element_type3A_639, %convert_element_type3A_657, %convert_element_type3A_675, %convert_element_type3A_693, %convert_element_type3A_711, %convert_element_type3A_729, %convert_element_type3A_747, %exp3A_759, %broadcast_in_dim3A_761 in 1 : vector<512x66xf32>, vector<512x66xf32>, vector<512x66xf32>, vector<512x66xf32>, vector<512x66xf32>, vector<512x66xf32>, vector<512x66xf32>, vector<512x16xf32>, vector<512x34xf32> -> vector<512x512xf32>
    %dot_general3A_763 = arith.constant dense<0.000000e+00> : vector<512x128xf32>
    %dot_general3A_764 = tpu.matmul %concatenate3A_762, %concatenate3A_56, %dot_general3A_763 {dimension_numbers = #tpu.dot_dimension_numbers<[1], [0], [0], [1], [0, 0, 1, 1], [], []>, transpose_lhs_hint = false} : vector<512x512xf32>, vector<512x128xf32>, vector<512x128xf32> -> vector<512x128xf32>
    %add3A_765 = vector.broadcast %dot_general3A_73 : vector<1x128xf32> to vector<512x128xf32>
    %add3A_766 = arith.addf %dot_general3A_764, %add3A_765 : vector<512x128xf32>
    %reduce_sum3A_767 = arith.constant dense<0.000000e+00> : vector<512xf32>
    %reduce_sum3A_768 = vector.multi_reduction <add>, %add3A_766, %reduce_sum3A_767 [1] : vector<512x128xf32> to vector<512xf32>
    %broadcast_in_dim3A_769 = vector.shape_cast %reduce_sum3A_768 : vector<512xf32> to vector<512x1xf32>
    %div3A_770 = arith.constant 1.280000e+02 : f32
    %div3A_771 = vector.broadcast %div3A_770 : f32 to vector<512x1xf32>
    %div3A_772 = arith.divf %broadcast_in_dim3A_769, %div3A_771 : vector<512x1xf32>
    %sub3A_773 = vector.broadcast %div3A_772 : vector<512x1xf32> to vector<512x128xf32>
    %sub3A_774 = arith.subf %add3A_766, %sub3A_773 : vector<512x128xf32>
    %mul3A_775 = arith.mulf %sub3A_774, %sub3A_774 : vector<512x128xf32>
    %reduce_sum3A_776 = arith.constant dense<0.000000e+00> : vector<512xf32>
    %reduce_sum3A_777 = vector.multi_reduction <add>, %mul3A_775, %reduce_sum3A_776 [1] : vector<512x128xf32> to vector<512xf32>
    %broadcast_in_dim3A_778 = vector.shape_cast %reduce_sum3A_777 : vector<512xf32> to vector<512x1xf32>
    %div3A_779 = arith.constant 1.280000e+02 : f32
    %div3A_780 = vector.broadcast %div3A_779 : f32 to vector<512x1xf32>
    %div3A_781 = arith.divf %broadcast_in_dim3A_778, %div3A_780 : vector<512x1xf32>
    %add3A_782 = arith.constant 9.99999974E-6 : f32
    %add3A_783 = vector.broadcast %add3A_782 : f32 to vector<512x1xf32>
    %add3A_784 = arith.addf %div3A_781, %add3A_783 : vector<512x1xf32>
    %rsqrt3A_785 = math.rsqrt %add3A_784 : vector<512x1xf32>
    %mul3A_786 = vector.broadcast %rsqrt3A_785 : vector<512x1xf32> to vector<512x128xf32>
    %mul3A_787 = arith.mulf %sub3A_774, %mul3A_786 : vector<512x128xf32>
    %mul3A_788 = vector.broadcast %get3A_92 : vector<1x128xf32> to vector<512x128xf32>
    %mul3A_789 = arith.mulf %mul3A_787, %mul3A_788 : vector<512x128xf32>
    %add3A_790 = vector.broadcast %get3A_95 : vector<1x128xf32> to vector<512x128xf32>
    %add3A_791 = arith.addf %mul3A_789, %add3A_790 : vector<512x128xf32>
    %swap3A_792 = arith.constant 0 : index
    %swap3A_793 = arith.constant 0 : index
    %swap3A_794 = arith.constant 3 : index
    %swap3A_795 = arith.constant 0 : index
    %swap3A_796 = vector.load %arg14[%swap3A_792, %swap3A_793, %swap3A_794, %swap3A_795] : memref<1x512x14x128xf32, #tpu.memory_space<vmem>>, vector<1x512x1x128xf32>
    %swap3A_797 = vector.shape_cast %swap3A_796 : vector<1x512x1x128xf32> to vector<512x128xf32>
    %swap3A_798 = vector.shape_cast %add3A_791 : vector<512x128xf32> to vector<1x512x1x128xf32>
    tpu.vector_store %arg14[%swap3A_792, %swap3A_793, %swap3A_794, %swap3A_795], %swap3A_798 {strides = array<i32>} : memref<1x512x14x128xf32, #tpu.memory_space<vmem>>, vector<1x512x1x128xf32>,
    %slice3A_799 = vector.extract_strided_slice %get3A_23 {offsets = [0, 4], sizes = [512, 1], strides = [1, 1]} : vector<512x14xi32> to vector<512x1xi32>
    %eq3A_800 = arith.cmpi eq, %get3A_81, %slice3A_799 : vector<512x1xi32>
    %slice3A_801 = vector.extract_strided_slice %get3A_28 {offsets = [0, 4], sizes = [512, 1], strides = [1, 1]} : vector<512x14xi32> to vector<512x1xi32>
    %sub3A_802 = arith.subi %add3A_76, %slice3A_801 : vector<512x1xi32>
    %add3A_803 = arith.constant 32 : i32
    %add3A_804 = vector.broadcast %add3A_803 : i32 to vector<512x1xi32>
    %add3A_805 = arith.addi %sub3A_802, %add3A_804 : vector<512x1xi32>
    %jit3A_806 = arith.constant 0 : i32
    %jit3A_807 = arith.constant 64 : i32
    %max3A_808 = vector.broadcast %jit3A_806 : i32 to vector<512x1xi32>
    %max3A_809 = arith.maxsi %max3A_808, %add3A_805 : vector<512x1xi32>
    %min3A_810 = vector.broadcast %jit3A_807 : i32 to vector<512x1xi32>
    %min3A_811 = arith.minsi %min3A_810, %max3A_809 : vector<512x1xi32>
    %jit3A_812 = arith.constant 65 : i32
    %broadcast_in_dim3A_813 = vector.broadcast %jit3A_812 : i32 to vector<512x1xi32>
    %select_n3A_814 = arith.select %eq3A_800, %min3A_811, %broadcast_in_dim3A_813 : vector<512x1xi1>, vector<512x1xi32>
    %eq3A_815 = vector.broadcast %select_n3A_814 : vector<512x1xi32> to vector<512x66xi32>
    %eq3A_816 = arith.cmpi eq, %iota3A_82, %eq3A_815 : vector<512x66xi32>
    %convert_element_type3A_817 = arith.extui %eq3A_816 : vector<512x66xi1> to vector<512x66xi32>
    %convert_element_type3A_818 = arith.sitofp %convert_element_type3A_817 : vector<512x66xi32> to vector<512x66xf32>
    %slice3A_819 = vector.extract_strided_slice %cos3A {offsets = [0, 4], sizes = [512, 1], strides = [1, 1]} : vector<512x42xf32> to vector<512x1xf32>
    %convert_element_type3A_820 = arith.fptosi %slice3A_819 : vector<512x1xf32> to vector<512x1xi32>
    %add3A_821 = arith.constant 32 : i32
    %add3A_822 = vector.broadcast %add3A_821 : i32 to vector<512x1xi32>
    %add3A_823 = arith.addi %convert_element_type3A_820, %add3A_822 : vector<512x1xi32>
    %jit3A_824 = arith.constant 0 : i32
    %jit3A_825 = arith.constant 64 : i32
    %max3A_826 = vector.broadcast %jit3A_824 : i32 to vector<512x1xi32>
    %max3A_827 = arith.maxsi %max3A_826, %add3A_823 : vector<512x1xi32>
    %min3A_828 = vector.broadcast %jit3A_825 : i32 to vector<512x1xi32>
    %min3A_829 = arith.minsi %min3A_828, %max3A_827 : vector<512x1xi32>
    %jit3A_830 = arith.constant 65 : i32
    %broadcast_in_dim3A_831 = vector.broadcast %jit3A_830 : i32 to vector<512x1xi32>
    %select_n3A_832 = arith.select %eq3A_800, %min3A_829, %broadcast_in_dim3A_831 : vector<512x1xi1>, vector<512x1xi32>
    %eq3A_833 = vector.broadcast %select_n3A_832 : vector<512x1xi32> to vector<512x66xi32>
    %eq3A_834 = arith.cmpi eq, %iota3A_82, %eq3A_833 : vector<512x66xi32>
    %convert_element_type3A_835 = arith.extui %eq3A_834 : vector<512x66xi1> to vector<512x66xi32>
    %convert_element_type3A_836 = arith.sitofp %convert_element_type3A_835 : vector<512x66xi32> to vector<512x66xf32>
    %slice3A_837 = vector.extract_strided_slice %sin3A {offsets = [0, 4], sizes = [512, 1], strides = [1, 1]} : vector<512x42xf32> to vector<512x1xf32>
    %convert_element_type3A_838 = arith.fptosi %slice3A_837 : vector<512x1xf32> to vector<512x1xi32>
    %add3A_839 = arith.constant 32 : i32
    %add3A_840 = vector.broadcast %add3A_839 : i32 to vector<512x1xi32>
    %add3A_841 = arith.addi %convert_element_type3A_838, %add3A_840 : vector<512x1xi32>
    %jit3A_842 = arith.constant 0 : i32
    %jit3A_843 = arith.constant 64 : i32
    %max3A_844 = vector.broadcast %jit3A_842 : i32 to vector<512x1xi32>
    %max3A_845 = arith.maxsi %max3A_844, %add3A_841 : vector<512x1xi32>
    %min3A_846 = vector.broadcast %jit3A_843 : i32 to vector<512x1xi32>
    %min3A_847 = arith.minsi %min3A_846, %max3A_845 : vector<512x1xi32>
    %jit3A_848 = arith.constant 65 : i32
    %broadcast_in_dim3A_849 = vector.broadcast %jit3A_848 : i32 to vector<512x1xi32>
    %select_n3A_850 = arith.select %eq3A_800, %min3A_847, %broadcast_in_dim3A_849 : vector<512x1xi1>, vector<512x1xi32>
    %eq3A_851 = vector.broadcast %select_n3A_850 : vector<512x1xi32> to vector<512x66xi32>
    %eq3A_852 = arith.cmpi eq, %iota3A_82, %eq3A_851 : vector<512x66xi32>
    %convert_element_type3A_853 = arith.extui %eq3A_852 : vector<512x66xi1> to vector<512x66xi32>
    %convert_element_type3A_854 = arith.sitofp %convert_element_type3A_853 : vector<512x66xi32> to vector<512x66xf32>
    %slice3A_855 = vector.extract_strided_slice %cos3A {offsets = [0, 18], sizes = [512, 1], strides = [1, 1]} : vector<512x42xf32> to vector<512x1xf32>
    %convert_element_type3A_856 = arith.fptosi %slice3A_855 : vector<512x1xf32> to vector<512x1xi32>
    %add3A_857 = arith.constant 32 : i32
    %add3A_858 = vector.broadcast %add3A_857 : i32 to vector<512x1xi32>
    %add3A_859 = arith.addi %convert_element_type3A_856, %add3A_858 : vector<512x1xi32>
    %jit3A_860 = arith.constant 0 : i32
    %jit3A_861 = arith.constant 64 : i32
    %max3A_862 = vector.broadcast %jit3A_860 : i32 to vector<512x1xi32>
    %max3A_863 = arith.maxsi %max3A_862, %add3A_859 : vector<512x1xi32>
    %min3A_864 = vector.broadcast %jit3A_861 : i32 to vector<512x1xi32>
    %min3A_865 = arith.minsi %min3A_864, %max3A_863 : vector<512x1xi32>
    %jit3A_866 = arith.constant 65 : i32
    %broadcast_in_dim3A_867 = vector.broadcast %jit3A_866 : i32 to vector<512x1xi32>
    %select_n3A_868 = arith.select %eq3A_800, %min3A_865, %broadcast_in_dim3A_867 : vector<512x1xi1>, vector<512x1xi32>
    %eq3A_869 = vector.broadcast %select_n3A_868 : vector<512x1xi32> to vector<512x66xi32>
    %eq3A_870 = arith.cmpi eq, %iota3A_82, %eq3A_869 : vector<512x66xi32>
    %convert_element_type3A_871 = arith.extui %eq3A_870 : vector<512x66xi1> to vector<512x66xi32>
    %convert_element_type3A_872 = arith.sitofp %convert_element_type3A_871 : vector<512x66xi32> to vector<512x66xf32>
    %slice3A_873 = vector.extract_strided_slice %sin3A {offsets = [0, 18], sizes = [512, 1], strides = [1, 1]} : vector<512x42xf32> to vector<512x1xf32>
    %convert_element_type3A_874 = arith.fptosi %slice3A_873 : vector<512x1xf32> to vector<512x1xi32>
    %add3A_875 = arith.constant 32 : i32
    %add3A_876 = vector.broadcast %add3A_875 : i32 to vector<512x1xi32>
    %add3A_877 = arith.addi %convert_element_type3A_874, %add3A_876 : vector<512x1xi32>
    %jit3A_878 = arith.constant 0 : i32
    %jit3A_879 = arith.constant 64 : i32
    %max3A_880 = vector.broadcast %jit3A_878 : i32 to vector<512x1xi32>
    %max3A_881 = arith.maxsi %max3A_880, %add3A_877 : vector<512x1xi32>
    %min3A_882 = vector.broadcast %jit3A_879 : i32 to vector<512x1xi32>
    %min3A_883 = arith.minsi %min3A_882, %max3A_881 : vector<512x1xi32>
    %jit3A_884 = arith.constant 65 : i32
    %broadcast_in_dim3A_885 = vector.broadcast %jit3A_884 : i32 to vector<512x1xi32>
    %select_n3A_886 = arith.select %eq3A_800, %min3A_883, %broadcast_in_dim3A_885 : vector<512x1xi1>, vector<512x1xi32>
    %eq3A_887 = vector.broadcast %select_n3A_886 : vector<512x1xi32> to vector<512x66xi32>
    %eq3A_888 = arith.cmpi eq, %iota3A_82, %eq3A_887 : vector<512x66xi32>
    %convert_element_type3A_889 = arith.extui %eq3A_888 : vector<512x66xi1> to vector<512x66xi32>
    %convert_element_type3A_890 = arith.sitofp %convert_element_type3A_889 : vector<512x66xi32> to vector<512x66xf32>
    %slice3A_891 = vector.extract_strided_slice %cos3A {offsets = [0, 32], sizes = [512, 1], strides = [1, 1]} : vector<512x42xf32> to vector<512x1xf32>
    %convert_element_type3A_892 = arith.fptosi %slice3A_891 : vector<512x1xf32> to vector<512x1xi32>
    %add3A_893 = arith.constant 32 : i32
    %add3A_894 = vector.broadcast %add3A_893 : i32 to vector<512x1xi32>
    %add3A_895 = arith.addi %convert_element_type3A_892, %add3A_894 : vector<512x1xi32>
    %jit3A_896 = arith.constant 0 : i32
    %jit3A_897 = arith.constant 64 : i32
    %max3A_898 = vector.broadcast %jit3A_896 : i32 to vector<512x1xi32>
    %max3A_899 = arith.maxsi %max3A_898, %add3A_895 : vector<512x1xi32>
    %min3A_900 = vector.broadcast %jit3A_897 : i32 to vector<512x1xi32>
    %min3A_901 = arith.minsi %min3A_900, %max3A_899 : vector<512x1xi32>
    %jit3A_902 = arith.constant 65 : i32
    %broadcast_in_dim3A_903 = vector.broadcast %jit3A_902 : i32 to vector<512x1xi32>
    %select_n3A_904 = arith.select %eq3A_800, %min3A_901, %broadcast_in_dim3A_903 : vector<512x1xi1>, vector<512x1xi32>
    %eq3A_905 = vector.broadcast %select_n3A_904 : vector<512x1xi32> to vector<512x66xi32>
    %eq3A_906 = arith.cmpi eq, %iota3A_82, %eq3A_905 : vector<512x66xi32>
    %convert_element_type3A_907 = arith.extui %eq3A_906 : vector<512x66xi1> to vector<512x66xi32>
    %convert_element_type3A_908 = arith.sitofp %convert_element_type3A_907 : vector<512x66xi32> to vector<512x66xf32>
    %slice3A_909 = vector.extract_strided_slice %sin3A {offsets = [0, 32], sizes = [512, 1], strides = [1, 1]} : vector<512x42xf32> to vector<512x1xf32>
    %convert_element_type3A_910 = arith.fptosi %slice3A_909 : vector<512x1xf32> to vector<512x1xi32>
    %add3A_911 = arith.constant 32 : i32
    %add3A_912 = vector.broadcast %add3A_911 : i32 to vector<512x1xi32>
    %add3A_913 = arith.addi %convert_element_type3A_910, %add3A_912 : vector<512x1xi32>
    %jit3A_914 = arith.constant 0 : i32
    %jit3A_915 = arith.constant 64 : i32
    %max3A_916 = vector.broadcast %jit3A_914 : i32 to vector<512x1xi32>
    %max3A_917 = arith.maxsi %max3A_916, %add3A_913 : vector<512x1xi32>
    %min3A_918 = vector.broadcast %jit3A_915 : i32 to vector<512x1xi32>
    %min3A_919 = arith.minsi %min3A_918, %max3A_917 : vector<512x1xi32>
    %jit3A_920 = arith.constant 65 : i32
    %broadcast_in_dim3A_921 = vector.broadcast %jit3A_920 : i32 to vector<512x1xi32>
    %select_n3A_922 = arith.select %eq3A_800, %min3A_919, %broadcast_in_dim3A_921 : vector<512x1xi1>, vector<512x1xi32>
    %eq3A_923 = vector.broadcast %select_n3A_922 : vector<512x1xi32> to vector<512x66xi32>
    %eq3A_924 = arith.cmpi eq, %iota3A_82, %eq3A_923 : vector<512x66xi32>
    %convert_element_type3A_925 = arith.extui %eq3A_924 : vector<512x66xi1> to vector<512x66xi32>
    %convert_element_type3A_926 = arith.sitofp %convert_element_type3A_925 : vector<512x66xi32> to vector<512x66xf32>
    %slice3A_927 = vector.extract_strided_slice %get3A_18 {offsets = [0, 4], sizes = [512, 1], strides = [1, 1]} : vector<512x14xf32> to vector<512x1xf32>
    %sub3A_928 = vector.broadcast %slice3A_927 : vector<512x1xf32> to vector<512x16xf32>
    %sub3A_929 = vector.broadcast %add3A_89 : vector<1x16xf32> to vector<512x16xf32>
    %sub3A_930 = arith.subf %sub3A_928, %sub3A_929 : vector<512x16xf32>
    %div3A_931 = arith.constant 1.250000e+00 : f32
    %div3A_932 = vector.broadcast %div3A_931 : f32 to vector<512x16xf32>
    %div3A_933 = arith.divf %sub3A_930, %div3A_932 : vector<512x16xf32>
    %integer_pow3A_934 = arith.mulf %div3A_933, %div3A_933 : vector<512x16xf32>
    %neg3A_935 = arith.constant 0.000000e+00 : f32
    %neg3A_936 = vector.broadcast %neg3A_935 : f32 to vector<512x16xf32>
    %neg3A_937 = arith.subf %neg3A_936, %integer_pow3A_934 : vector<512x16xf32>
    %exp3A_938 = math.exp %neg3A_937 : vector<512x16xf32>
    %broadcast_in_dim3A_939 = arith.constant 0.000000e+00 : f32
    %broadcast_in_dim3A_940 = vector.broadcast %broadcast_in_dim3A_939 : f32 to vector<512x34xf32>
    %concatenate3A_941 = tpu.concatenate %convert_element_type3A_818, %convert_element_type3A_836, %convert_element_type3A_854, %convert_element_type3A_872, %convert_element_type3A_890, %convert_element_type3A_908, %convert_element_type3A_926, %exp3A_938, %broadcast_in_dim3A_940 in 1 : vector<512x66xf32>, vector<512x66xf32>, vector<512x66xf32>, vector<512x66xf32>, vector<512x66xf32>, vector<512x66xf32>, vector<512x66xf32>, vector<512x16xf32>, vector<512x34xf32> -> vector<512x512xf32>
    %dot_general3A_942 = arith.constant dense<0.000000e+00> : vector<512x128xf32>
    %dot_general3A_943 = tpu.matmul %concatenate3A_941, %concatenate3A_56, %dot_general3A_942 {dimension_numbers = #tpu.dot_dimension_numbers<[1], [0], [0], [1], [0, 0, 1, 1], [], []>, transpose_lhs_hint = false} : vector<512x512xf32>, vector<512x128xf32>, vector<512x128xf32> -> vector<512x128xf32>
    %add3A_944 = vector.broadcast %dot_general3A_73 : vector<1x128xf32> to vector<512x128xf32>
    %add3A_945 = arith.addf %dot_general3A_943, %add3A_944 : vector<512x128xf32>
    %reduce_sum3A_946 = arith.constant dense<0.000000e+00> : vector<512xf32>
    %reduce_sum3A_947 = vector.multi_reduction <add>, %add3A_945, %reduce_sum3A_946 [1] : vector<512x128xf32> to vector<512xf32>
    %broadcast_in_dim3A_948 = vector.shape_cast %reduce_sum3A_947 : vector<512xf32> to vector<512x1xf32>
    %div3A_949 = arith.constant 1.280000e+02 : f32
    %div3A_950 = vector.broadcast %div3A_949 : f32 to vector<512x1xf32>
    %div3A_951 = arith.divf %broadcast_in_dim3A_948, %div3A_950 : vector<512x1xf32>
    %sub3A_952 = vector.broadcast %div3A_951 : vector<512x1xf32> to vector<512x128xf32>
    %sub3A_953 = arith.subf %add3A_945, %sub3A_952 : vector<512x128xf32>
    %mul3A_954 = arith.mulf %sub3A_953, %sub3A_953 : vector<512x128xf32>
    %reduce_sum3A_955 = arith.constant dense<0.000000e+00> : vector<512xf32>
    %reduce_sum3A_956 = vector.multi_reduction <add>, %mul3A_954, %reduce_sum3A_955 [1] : vector<512x128xf32> to vector<512xf32>
    %broadcast_in_dim3A_957 = vector.shape_cast %reduce_sum3A_956 : vector<512xf32> to vector<512x1xf32>
    %div3A_958 = arith.constant 1.280000e+02 : f32
    %div3A_959 = vector.broadcast %div3A_958 : f32 to vector<512x1xf32>
    %div3A_960 = arith.divf %broadcast_in_dim3A_957, %div3A_959 : vector<512x1xf32>
    %add3A_961 = arith.constant 9.99999974E-6 : f32
    %add3A_962 = vector.broadcast %add3A_961 : f32 to vector<512x1xf32>
    %add3A_963 = arith.addf %div3A_960, %add3A_962 : vector<512x1xf32>
    %rsqrt3A_964 = math.rsqrt %add3A_963 : vector<512x1xf32>
    %mul3A_965 = vector.broadcast %rsqrt3A_964 : vector<512x1xf32> to vector<512x128xf32>
    %mul3A_966 = arith.mulf %sub3A_953, %mul3A_965 : vector<512x128xf32>
    %mul3A_967 = vector.broadcast %get3A_92 : vector<1x128xf32> to vector<512x128xf32>
    %mul3A_968 = arith.mulf %mul3A_966, %mul3A_967 : vector<512x128xf32>
    %add3A_969 = vector.broadcast %get3A_95 : vector<1x128xf32> to vector<512x128xf32>
    %add3A_970 = arith.addf %mul3A_968, %add3A_969 : vector<512x128xf32>
    %swap3A_971 = arith.constant 0 : index
    %swap3A_972 = arith.constant 0 : index
    %swap3A_973 = arith.constant 4 : index
    %swap3A_974 = arith.constant 0 : index
    %swap3A_975 = vector.load %arg14[%swap3A_971, %swap3A_972, %swap3A_973, %swap3A_974] : memref<1x512x14x128xf32, #tpu.memory_space<vmem>>, vector<1x512x1x128xf32>
    %swap3A_976 = vector.shape_cast %swap3A_975 : vector<1x512x1x128xf32> to vector<512x128xf32>
    %swap3A_977 = vector.shape_cast %add3A_970 : vector<512x128xf32> to vector<1x512x1x128xf32>
    tpu.vector_store %arg14[%swap3A_971, %swap3A_972, %swap3A_973, %swap3A_974], %swap3A_977 {strides = array<i32>} : memref<1x512x14x128xf32, #tpu.memory_space<vmem>>, vector<1x512x1x128xf32>,
    %slice3A_978 = vector.extract_strided_slice %get3A_23 {offsets = [0, 5], sizes = [512, 1], strides = [1, 1]} : vector<512x14xi32> to vector<512x1xi32>
    %eq3A_979 = arith.cmpi eq, %get3A_81, %slice3A_978 : vector<512x1xi32>
    %slice3A_980 = vector.extract_strided_slice %get3A_28 {offsets = [0, 5], sizes = [512, 1], strides = [1, 1]} : vector<512x14xi32> to vector<512x1xi32>
    %sub3A_981 = arith.subi %add3A_76, %slice3A_980 : vector<512x1xi32>
    %add3A_982 = arith.constant 32 : i32
    %add3A_983 = vector.broadcast %add3A_982 : i32 to vector<512x1xi32>
    %add3A_984 = arith.addi %sub3A_981, %add3A_983 : vector<512x1xi32>
    %jit3A_985 = arith.constant 0 : i32
    %jit3A_986 = arith.constant 64 : i32
    %max3A_987 = vector.broadcast %jit3A_985 : i32 to vector<512x1xi32>
    %max3A_988 = arith.maxsi %max3A_987, %add3A_984 : vector<512x1xi32>
    %min3A_989 = vector.broadcast %jit3A_986 : i32 to vector<512x1xi32>
    %min3A_990 = arith.minsi %min3A_989, %max3A_988 : vector<512x1xi32>
    %jit3A_991 = arith.constant 65 : i32
    %broadcast_in_dim3A_992 = vector.broadcast %jit3A_991 : i32 to vector<512x1xi32>
    %select_n3A_993 = arith.select %eq3A_979, %min3A_990, %broadcast_in_dim3A_992 : vector<512x1xi1>, vector<512x1xi32>
    %eq3A_994 = vector.broadcast %select_n3A_993 : vector<512x1xi32> to vector<512x66xi32>
    %eq3A_995 = arith.cmpi eq, %iota3A_82, %eq3A_994 : vector<512x66xi32>
    %convert_element_type3A_996 = arith.extui %eq3A_995 : vector<512x66xi1> to vector<512x66xi32>
    %convert_element_type3A_997 = arith.sitofp %convert_element_type3A_996 : vector<512x66xi32> to vector<512x66xf32>
    %slice3A_998 = vector.extract_strided_slice %cos3A {offsets = [0, 5], sizes = [512, 1], strides = [1, 1]} : vector<512x42xf32> to vector<512x1xf32>
    %convert_element_type3A_999 = arith.fptosi %slice3A_998 : vector<512x1xf32> to vector<512x1xi32>
    %add3A_1000 = arith.constant 32 : i32
    %add3A_1001 = vector.broadcast %add3A_1000 : i32 to vector<512x1xi32>
    %add3A_1002 = arith.addi %convert_element_type3A_999, %add3A_1001 : vector<512x1xi32>
    %jit3A_1003 = arith.constant 0 : i32
    %jit3A_1004 = arith.constant 64 : i32
    %max3A_1005 = vector.broadcast %jit3A_1003 : i32 to vector<512x1xi32>
    %max3A_1006 = arith.maxsi %max3A_1005, %add3A_1002 : vector<512x1xi32>
    %min3A_1007 = vector.broadcast %jit3A_1004 : i32 to vector<512x1xi32>
    %min3A_1008 = arith.minsi %min3A_1007, %max3A_1006 : vector<512x1xi32>
    %jit3A_1009 = arith.constant 65 : i32
    %broadcast_in_dim3A_1010 = vector.broadcast %jit3A_1009 : i32 to vector<512x1xi32>
    %select_n3A_1011 = arith.select %eq3A_979, %min3A_1008, %broadcast_in_dim3A_1010 : vector<512x1xi1>, vector<512x1xi32>
    %eq3A_1012 = vector.broadcast %select_n3A_1011 : vector<512x1xi32> to vector<512x66xi32>
    %eq3A_1013 = arith.cmpi eq, %iota3A_82, %eq3A_1012 : vector<512x66xi32>
    %convert_element_type3A_1014 = arith.extui %eq3A_1013 : vector<512x66xi1> to vector<512x66xi32>
    %convert_element_type3A_1015 = arith.sitofp %convert_element_type3A_1014 : vector<512x66xi32> to vector<512x66xf32>
    %slice3A_1016 = vector.extract_strided_slice %sin3A {offsets = [0, 5], sizes = [512, 1], strides = [1, 1]} : vector<512x42xf32> to vector<512x1xf32>
    %convert_element_type3A_1017 = arith.fptosi %slice3A_1016 : vector<512x1xf32> to vector<512x1xi32>
    %add3A_1018 = arith.constant 32 : i32
    %add3A_1019 = vector.broadcast %add3A_1018 : i32 to vector<512x1xi32>
    %add3A_1020 = arith.addi %convert_element_type3A_1017, %add3A_1019 : vector<512x1xi32>
    %jit3A_1021 = arith.constant 0 : i32
    %jit3A_1022 = arith.constant 64 : i32
    %max3A_1023 = vector.broadcast %jit3A_1021 : i32 to vector<512x1xi32>
    %max3A_1024 = arith.maxsi %max3A_1023, %add3A_1020 : vector<512x1xi32>
    %min3A_1025 = vector.broadcast %jit3A_1022 : i32 to vector<512x1xi32>
    %min3A_1026 = arith.minsi %min3A_1025, %max3A_1024 : vector<512x1xi32>
    %jit3A_1027 = arith.constant 65 : i32
    %broadcast_in_dim3A_1028 = vector.broadcast %jit3A_1027 : i32 to vector<512x1xi32>
    %select_n3A_1029 = arith.select %eq3A_979, %min3A_1026, %broadcast_in_dim3A_1028 : vector<512x1xi1>, vector<512x1xi32>
    %eq3A_1030 = vector.broadcast %select_n3A_1029 : vector<512x1xi32> to vector<512x66xi32>
    %eq3A_1031 = arith.cmpi eq, %iota3A_82, %eq3A_1030 : vector<512x66xi32>
    %convert_element_type3A_1032 = arith.extui %eq3A_1031 : vector<512x66xi1> to vector<512x66xi32>
    %convert_element_type3A_1033 = arith.sitofp %convert_element_type3A_1032 : vector<512x66xi32> to vector<512x66xf32>
    %slice3A_1034 = vector.extract_strided_slice %cos3A {offsets = [0, 19], sizes = [512, 1], strides = [1, 1]} : vector<512x42xf32> to vector<512x1xf32>
    %convert_element_type3A_1035 = arith.fptosi %slice3A_1034 : vector<512x1xf32> to vector<512x1xi32>
    %add3A_1036 = arith.constant 32 : i32
    %add3A_1037 = vector.broadcast %add3A_1036 : i32 to vector<512x1xi32>
    %add3A_1038 = arith.addi %convert_element_type3A_1035, %add3A_1037 : vector<512x1xi32>
    %jit3A_1039 = arith.constant 0 : i32
    %jit3A_1040 = arith.constant 64 : i32
    %max3A_1041 = vector.broadcast %jit3A_1039 : i32 to vector<512x1xi32>
    %max3A_1042 = arith.maxsi %max3A_1041, %add3A_1038 : vector<512x1xi32>
    %min3A_1043 = vector.broadcast %jit3A_1040 : i32 to vector<512x1xi32>
    %min3A_1044 = arith.minsi %min3A_1043, %max3A_1042 : vector<512x1xi32>
    %jit3A_1045 = arith.constant 65 : i32
    %broadcast_in_dim3A_1046 = vector.broadcast %jit3A_1045 : i32 to vector<512x1xi32>
    %select_n3A_1047 = arith.select %eq3A_979, %min3A_1044, %broadcast_in_dim3A_1046 : vector<512x1xi1>, vector<512x1xi32>
    %eq3A_1048 = vector.broadcast %select_n3A_1047 : vector<512x1xi32> to vector<512x66xi32>
    %eq3A_1049 = arith.cmpi eq, %iota3A_82, %eq3A_1048 : vector<512x66xi32>
    %convert_element_type3A_1050 = arith.extui %eq3A_1049 : vector<512x66xi1> to vector<512x66xi32>
    %convert_element_type3A_1051 = arith.sitofp %convert_element_type3A_1050 : vector<512x66xi32> to vector<512x66xf32>
    %slice3A_1052 = vector.extract_strided_slice %sin3A {offsets = [0, 19], sizes = [512, 1], strides = [1, 1]} : vector<512x42xf32> to vector<512x1xf32>
    %convert_element_type3A_1053 = arith.fptosi %slice3A_1052 : vector<512x1xf32> to vector<512x1xi32>
    %add3A_1054 = arith.constant 32 : i32
    %add3A_1055 = vector.broadcast %add3A_1054 : i32 to vector<512x1xi32>
    %add3A_1056 = arith.addi %convert_element_type3A_1053, %add3A_1055 : vector<512x1xi32>
    %jit3A_1057 = arith.constant 0 : i32
    %jit3A_1058 = arith.constant 64 : i32
    %max3A_1059 = vector.broadcast %jit3A_1057 : i32 to vector<512x1xi32>
    %max3A_1060 = arith.maxsi %max3A_1059, %add3A_1056 : vector<512x1xi32>
    %min3A_1061 = vector.broadcast %jit3A_1058 : i32 to vector<512x1xi32>
    %min3A_1062 = arith.minsi %min3A_1061, %max3A_1060 : vector<512x1xi32>
    %jit3A_1063 = arith.constant 65 : i32
    %broadcast_in_dim3A_1064 = vector.broadcast %jit3A_1063 : i32 to vector<512x1xi32>
    %select_n3A_1065 = arith.select %eq3A_979, %min3A_1062, %broadcast_in_dim3A_1064 : vector<512x1xi1>, vector<512x1xi32>
    %eq3A_1066 = vector.broadcast %select_n3A_1065 : vector<512x1xi32> to vector<512x66xi32>
    %eq3A_1067 = arith.cmpi eq, %iota3A_82, %eq3A_1066 : vector<512x66xi32>
    %convert_element_type3A_1068 = arith.extui %eq3A_1067 : vector<512x66xi1> to vector<512x66xi32>
    %convert_element_type3A_1069 = arith.sitofp %convert_element_type3A_1068 : vector<512x66xi32> to vector<512x66xf32>
    %slice3A_1070 = vector.extract_strided_slice %cos3A {offsets = [0, 33], sizes = [512, 1], strides = [1, 1]} : vector<512x42xf32> to vector<512x1xf32>
    %convert_element_type3A_1071 = arith.fptosi %slice3A_1070 : vector<512x1xf32> to vector<512x1xi32>
    %add3A_1072 = arith.constant 32 : i32
    %add3A_1073 = vector.broadcast %add3A_1072 : i32 to vector<512x1xi32>
    %add3A_1074 = arith.addi %convert_element_type3A_1071, %add3A_1073 : vector<512x1xi32>
    %jit3A_1075 = arith.constant 0 : i32
    %jit3A_1076 = arith.constant 64 : i32
    %max3A_1077 = vector.broadcast %jit3A_1075 : i32 to vector<512x1xi32>
    %max3A_1078 = arith.maxsi %max3A_1077, %add3A_1074 : vector<512x1xi32>
    %min3A_1079 = vector.broadcast %jit3A_1076 : i32 to vector<512x1xi32>
    %min3A_1080 = arith.minsi %min3A_1079, %max3A_1078 : vector<512x1xi32>
    %jit3A_1081 = arith.constant 65 : i32
    %broadcast_in_dim3A_1082 = vector.broadcast %jit3A_1081 : i32 to vector<512x1xi32>
    %select_n3A_1083 = arith.select %eq3A_979, %min3A_1080, %broadcast_in_dim3A_1082 : vector<512x1xi1>, vector<512x1xi32>
    %eq3A_1084 = vector.broadcast %select_n3A_1083 : vector<512x1xi32> to vector<512x66xi32>
    %eq3A_1085 = arith.cmpi eq, %iota3A_82, %eq3A_1084 : vector<512x66xi32>
    %convert_element_type3A_1086 = arith.extui %eq3A_1085 : vector<512x66xi1> to vector<512x66xi32>
    %convert_element_type3A_1087 = arith.sitofp %convert_element_type3A_1086 : vector<512x66xi32> to vector<512x66xf32>
    %slice3A_1088 = vector.extract_strided_slice %sin3A {offsets = [0, 33], sizes = [512, 1], strides = [1, 1]} : vector<512x42xf32> to vector<512x1xf32>
    %convert_element_type3A_1089 = arith.fptosi %slice3A_1088 : vector<512x1xf32> to vector<512x1xi32>
    %add3A_1090 = arith.constant 32 : i32
    %add3A_1091 = vector.broadcast %add3A_1090 : i32 to vector<512x1xi32>
    %add3A_1092 = arith.addi %convert_element_type3A_1089, %add3A_1091 : vector<512x1xi32>
    %jit3A_1093 = arith.constant 0 : i32
    %jit3A_1094 = arith.constant 64 : i32
    %max3A_1095 = vector.broadcast %jit3A_1093 : i32 to vector<512x1xi32>
    %max3A_1096 = arith.maxsi %max3A_1095, %add3A_1092 : vector<512x1xi32>
    %min3A_1097 = vector.broadcast %jit3A_1094 : i32 to vector<512x1xi32>
    %min3A_1098 = arith.minsi %min3A_1097, %max3A_1096 : vector<512x1xi32>
    %jit3A_1099 = arith.constant 65 : i32
    %broadcast_in_dim3A_1100 = vector.broadcast %jit3A_1099 : i32 to vector<512x1xi32>
    %select_n3A_1101 = arith.select %eq3A_979, %min3A_1098, %broadcast_in_dim3A_1100 : vector<512x1xi1>, vector<512x1xi32>
    %eq3A_1102 = vector.broadcast %select_n3A_1101 : vector<512x1xi32> to vector<512x66xi32>
    %eq3A_1103 = arith.cmpi eq, %iota3A_82, %eq3A_1102 : vector<512x66xi32>
    %convert_element_type3A_1104 = arith.extui %eq3A_1103 : vector<512x66xi1> to vector<512x66xi32>
    %convert_element_type3A_1105 = arith.sitofp %convert_element_type3A_1104 : vector<512x66xi32> to vector<512x66xf32>
    %slice3A_1106 = vector.extract_strided_slice %get3A_18 {offsets = [0, 5], sizes = [512, 1], strides = [1, 1]} : vector<512x14xf32> to vector<512x1xf32>
    %sub3A_1107 = vector.broadcast %slice3A_1106 : vector<512x1xf32> to vector<512x16xf32>
    %sub3A_1108 = vector.broadcast %add3A_89 : vector<1x16xf32> to vector<512x16xf32>
    %sub3A_1109 = arith.subf %sub3A_1107, %sub3A_1108 : vector<512x16xf32>
    %div3A_1110 = arith.constant 1.250000e+00 : f32
    %div3A_1111 = vector.broadcast %div3A_1110 : f32 to vector<512x16xf32>
    %div3A_1112 = arith.divf %sub3A_1109, %div3A_1111 : vector<512x16xf32>
    %integer_pow3A_1113 = arith.mulf %div3A_1112, %div3A_1112 : vector<512x16xf32>
    %neg3A_1114 = arith.constant 0.000000e+00 : f32
    %neg3A_1115 = vector.broadcast %neg3A_1114 : f32 to vector<512x16xf32>
    %neg3A_1116 = arith.subf %neg3A_1115, %integer_pow3A_1113 : vector<512x16xf32>
    %exp3A_1117 = math.exp %neg3A_1116 : vector<512x16xf32>
    %broadcast_in_dim3A_1118 = arith.constant 0.000000e+00 : f32
    %broadcast_in_dim3A_1119 = vector.broadcast %broadcast_in_dim3A_1118 : f32 to vector<512x34xf32>
    %concatenate3A_1120 = tpu.concatenate %convert_element_type3A_997, %convert_element_type3A_1015, %convert_element_type3A_1033, %convert_element_type3A_1051, %convert_element_type3A_1069, %convert_element_type3A_1087, %convert_element_type3A_1105, %exp3A_1117, %broadcast_in_dim3A_1119 in 1 : vector<512x66xf32>, vector<512x66xf32>, vector<512x66xf32>, vector<512x66xf32>, vector<512x66xf32>, vector<512x66xf32>, vector<512x66xf32>, vector<512x16xf32>, vector<512x34xf32> -> vector<512x512xf32>
    %dot_general3A_1121 = arith.constant dense<0.000000e+00> : vector<512x128xf32>
    %dot_general3A_1122 = tpu.matmul %concatenate3A_1120, %concatenate3A_56, %dot_general3A_1121 {dimension_numbers = #tpu.dot_dimension_numbers<[1], [0], [0], [1], [0, 0, 1, 1], [], []>, transpose_lhs_hint = false} : vector<512x512xf32>, vector<512x128xf32>, vector<512x128xf32> -> vector<512x128xf32>
    %add3A_1123 = vector.broadcast %dot_general3A_73 : vector<1x128xf32> to vector<512x128xf32>
    %add3A_1124 = arith.addf %dot_general3A_1122, %add3A_1123 : vector<512x128xf32>
    %reduce_sum3A_1125 = arith.constant dense<0.000000e+00> : vector<512xf32>
    %reduce_sum3A_1126 = vector.multi_reduction <add>, %add3A_1124, %reduce_sum3A_1125 [1] : vector<512x128xf32> to vector<512xf32>
    %broadcast_in_dim3A_1127 = vector.shape_cast %reduce_sum3A_1126 : vector<512xf32> to vector<512x1xf32>
    %div3A_1128 = arith.constant 1.280000e+02 : f32
    %div3A_1129 = vector.broadcast %div3A_1128 : f32 to vector<512x1xf32>
    %div3A_1130 = arith.divf %broadcast_in_dim3A_1127, %div3A_1129 : vector<512x1xf32>
    %sub3A_1131 = vector.broadcast %div3A_1130 : vector<512x1xf32> to vector<512x128xf32>
    %sub3A_1132 = arith.subf %add3A_1124, %sub3A_1131 : vector<512x128xf32>
    %mul3A_1133 = arith.mulf %sub3A_1132, %sub3A_1132 : vector<512x128xf32>
    %reduce_sum3A_1134 = arith.constant dense<0.000000e+00> : vector<512xf32>
    %reduce_sum3A_1135 = vector.multi_reduction <add>, %mul3A_1133, %reduce_sum3A_1134 [1] : vector<512x128xf32> to vector<512xf32>
    %broadcast_in_dim3A_1136 = vector.shape_cast %reduce_sum3A_1135 : vector<512xf32> to vector<512x1xf32>
    %div3A_1137 = arith.constant 1.280000e+02 : f32
    %div3A_1138 = vector.broadcast %div3A_1137 : f32 to vector<512x1xf32>
    %div3A_1139 = arith.divf %broadcast_in_dim3A_1136, %div3A_1138 : vector<512x1xf32>
    %add3A_1140 = arith.constant 9.99999974E-6 : f32
    %add3A_1141 = vector.broadcast %add3A_1140 : f32 to vector<512x1xf32>
    %add3A_1142 = arith.addf %div3A_1139, %add3A_1141 : vector<512x1xf32>
    %rsqrt3A_1143 = math.rsqrt %add3A_1142 : vector<512x1xf32>
    %mul3A_1144 = vector.broadcast %rsqrt3A_1143 : vector<512x1xf32> to vector<512x128xf32>
    %mul3A_1145 = arith.mulf %sub3A_1132, %mul3A_1144 : vector<512x128xf32>
    %mul3A_1146 = vector.broadcast %get3A_92 : vector<1x128xf32> to vector<512x128xf32>
    %mul3A_1147 = arith.mulf %mul3A_1145, %mul3A_1146 : vector<512x128xf32>
    %add3A_1148 = vector.broadcast %get3A_95 : vector<1x128xf32> to vector<512x128xf32>
    %add3A_1149 = arith.addf %mul3A_1147, %add3A_1148 : vector<512x128xf32>
    %swap3A_1150 = arith.constant 0 : index
    %swap3A_1151 = arith.constant 0 : index
    %swap3A_1152 = arith.constant 5 : index
    %swap3A_1153 = arith.constant 0 : index
    %swap3A_1154 = vector.load %arg14[%swap3A_1150, %swap3A_1151, %swap3A_1152, %swap3A_1153] : memref<1x512x14x128xf32, #tpu.memory_space<vmem>>, vector<1x512x1x128xf32>
    %swap3A_1155 = vector.shape_cast %swap3A_1154 : vector<1x512x1x128xf32> to vector<512x128xf32>
    %swap3A_1156 = vector.shape_cast %add3A_1149 : vector<512x128xf32> to vector<1x512x1x128xf32>
    tpu.vector_store %arg14[%swap3A_1150, %swap3A_1151, %swap3A_1152, %swap3A_1153], %swap3A_1156 {strides = array<i32>} : memref<1x512x14x128xf32, #tpu.memory_space<vmem>>, vector<1x512x1x128xf32>,
    %slice3A_1157 = vector.extract_strided_slice %get3A_23 {offsets = [0, 6], sizes = [512, 1], strides = [1, 1]} : vector<512x14xi32> to vector<512x1xi32>
    %eq3A_1158 = arith.cmpi eq, %get3A_81, %slice3A_1157 : vector<512x1xi32>
    %slice3A_1159 = vector.extract_strided_slice %get3A_28 {offsets = [0, 6], sizes = [512, 1], strides = [1, 1]} : vector<512x14xi32> to vector<512x1xi32>
    %sub3A_1160 = arith.subi %add3A_76, %slice3A_1159 : vector<512x1xi32>
    %add3A_1161 = arith.constant 32 : i32
    %add3A_1162 = vector.broadcast %add3A_1161 : i32 to vector<512x1xi32>
    %add3A_1163 = arith.addi %sub3A_1160, %add3A_1162 : vector<512x1xi32>
    %jit3A_1164 = arith.constant 0 : i32
    %jit3A_1165 = arith.constant 64 : i32
    %max3A_1166 = vector.broadcast %jit3A_1164 : i32 to vector<512x1xi32>
    %max3A_1167 = arith.maxsi %max3A_1166, %add3A_1163 : vector<512x1xi32>
    %min3A_1168 = vector.broadcast %jit3A_1165 : i32 to vector<512x1xi32>
    %min3A_1169 = arith.minsi %min3A_1168, %max3A_1167 : vector<512x1xi32>
    %jit3A_1170 = arith.constant 65 : i32
    %broadcast_in_dim3A_1171 = vector.broadcast %jit3A_1170 : i32 to vector<512x1xi32>
    %select_n3A_1172 = arith.select %eq3A_1158, %min3A_1169, %broadcast_in_dim3A_1171 : vector<512x1xi1>, vector<512x1xi32>
    %eq3A_1173 = vector.broadcast %select_n3A_1172 : vector<512x1xi32> to vector<512x66xi32>
    %eq3A_1174 = arith.cmpi eq, %iota3A_82, %eq3A_1173 : vector<512x66xi32>
    %convert_element_type3A_1175 = arith.extui %eq3A_1174 : vector<512x66xi1> to vector<512x66xi32>
    %convert_element_type3A_1176 = arith.sitofp %convert_element_type3A_1175 : vector<512x66xi32> to vector<512x66xf32>
    %slice3A_1177 = vector.extract_strided_slice %cos3A {offsets = [0, 6], sizes = [512, 1], strides = [1, 1]} : vector<512x42xf32> to vector<512x1xf32>
    %convert_element_type3A_1178 = arith.fptosi %slice3A_1177 : vector<512x1xf32> to vector<512x1xi32>
    %add3A_1179 = arith.constant 32 : i32
    %add3A_1180 = vector.broadcast %add3A_1179 : i32 to vector<512x1xi32>
    %add3A_1181 = arith.addi %convert_element_type3A_1178, %add3A_1180 : vector<512x1xi32>
    %jit3A_1182 = arith.constant 0 : i32
    %jit3A_1183 = arith.constant 64 : i32
    %max3A_1184 = vector.broadcast %jit3A_1182 : i32 to vector<512x1xi32>
    %max3A_1185 = arith.maxsi %max3A_1184, %add3A_1181 : vector<512x1xi32>
    %min3A_1186 = vector.broadcast %jit3A_1183 : i32 to vector<512x1xi32>
    %min3A_1187 = arith.minsi %min3A_1186, %max3A_1185 : vector<512x1xi32>
    %jit3A_1188 = arith.constant 65 : i32
    %broadcast_in_dim3A_1189 = vector.broadcast %jit3A_1188 : i32 to vector<512x1xi32>
    %select_n3A_1190 = arith.select %eq3A_1158, %min3A_1187, %broadcast_in_dim3A_1189 : vector<512x1xi1>, vector<512x1xi32>
    %eq3A_1191 = vector.broadcast %select_n3A_1190 : vector<512x1xi32> to vector<512x66xi32>
    %eq3A_1192 = arith.cmpi eq, %iota3A_82, %eq3A_1191 : vector<512x66xi32>
    %convert_element_type3A_1193 = arith.extui %eq3A_1192 : vector<512x66xi1> to vector<512x66xi32>
    %convert_element_type3A_1194 = arith.sitofp %convert_element_type3A_1193 : vector<512x66xi32> to vector<512x66xf32>
    %slice3A_1195 = vector.extract_strided_slice %sin3A {offsets = [0, 6], sizes = [512, 1], strides = [1, 1]} : vector<512x42xf32> to vector<512x1xf32>
    %convert_element_type3A_1196 = arith.fptosi %slice3A_1195 : vector<512x1xf32> to vector<512x1xi32>
    %add3A_1197 = arith.constant 32 : i32
    %add3A_1198 = vector.broadcast %add3A_1197 : i32 to vector<512x1xi32>
    %add3A_1199 = arith.addi %convert_element_type3A_1196, %add3A_1198 : vector<512x1xi32>
    %jit3A_1200 = arith.constant 0 : i32
    %jit3A_1201 = arith.constant 64 : i32
    %max3A_1202 = vector.broadcast %jit3A_1200 : i32 to vector<512x1xi32>
    %max3A_1203 = arith.maxsi %max3A_1202, %add3A_1199 : vector<512x1xi32>
    %min3A_1204 = vector.broadcast %jit3A_1201 : i32 to vector<512x1xi32>
    %min3A_1205 = arith.minsi %min3A_1204, %max3A_1203 : vector<512x1xi32>
    %jit3A_1206 = arith.constant 65 : i32
    %broadcast_in_dim3A_1207 = vector.broadcast %jit3A_1206 : i32 to vector<512x1xi32>
    %select_n3A_1208 = arith.select %eq3A_1158, %min3A_1205, %broadcast_in_dim3A_1207 : vector<512x1xi1>, vector<512x1xi32>
    %eq3A_1209 = vector.broadcast %select_n3A_1208 : vector<512x1xi32> to vector<512x66xi32>
    %eq3A_1210 = arith.cmpi eq, %iota3A_82, %eq3A_1209 : vector<512x66xi32>
    %convert_element_type3A_1211 = arith.extui %eq3A_1210 : vector<512x66xi1> to vector<512x66xi32>
    %convert_element_type3A_1212 = arith.sitofp %convert_element_type3A_1211 : vector<512x66xi32> to vector<512x66xf32>
    %slice3A_1213 = vector.extract_strided_slice %cos3A {offsets = [0, 20], sizes = [512, 1], strides = [1, 1]} : vector<512x42xf32> to vector<512x1xf32>
    %convert_element_type3A_1214 = arith.fptosi %slice3A_1213 : vector<512x1xf32> to vector<512x1xi32>
    %add3A_1215 = arith.constant 32 : i32
    %add3A_1216 = vector.broadcast %add3A_1215 : i32 to vector<512x1xi32>
    %add3A_1217 = arith.addi %convert_element_type3A_1214, %add3A_1216 : vector<512x1xi32>
    %jit3A_1218 = arith.constant 0 : i32
    %jit3A_1219 = arith.constant 64 : i32
    %max3A_1220 = vector.broadcast %jit3A_1218 : i32 to vector<512x1xi32>
    %max3A_1221 = arith.maxsi %max3A_1220, %add3A_1217 : vector<512x1xi32>
    %min3A_1222 = vector.broadcast %jit3A_1219 : i32 to vector<512x1xi32>
    %min3A_1223 = arith.minsi %min3A_1222, %max3A_1221 : vector<512x1xi32>
    %jit3A_1224 = arith.constant 65 : i32
    %broadcast_in_dim3A_1225 = vector.broadcast %jit3A_1224 : i32 to vector<512x1xi32>
    %select_n3A_1226 = arith.select %eq3A_1158, %min3A_1223, %broadcast_in_dim3A_1225 : vector<512x1xi1>, vector<512x1xi32>
    %eq3A_1227 = vector.broadcast %select_n3A_1226 : vector<512x1xi32> to vector<512x66xi32>
    %eq3A_1228 = arith.cmpi eq, %iota3A_82, %eq3A_1227 : vector<512x66xi32>
    %convert_element_type3A_1229 = arith.extui %eq3A_1228 : vector<512x66xi1> to vector<512x66xi32>
    %convert_element_type3A_1230 = arith.sitofp %convert_element_type3A_1229 : vector<512x66xi32> to vector<512x66xf32>
    %slice3A_1231 = vector.extract_strided_slice %sin3A {offsets = [0, 20], sizes = [512, 1], strides = [1, 1]} : vector<512x42xf32> to vector<512x1xf32>
    %convert_element_type3A_1232 = arith.fptosi %slice3A_1231 : vector<512x1xf32> to vector<512x1xi32>
    %add3A_1233 = arith.constant 32 : i32
    %add3A_1234 = vector.broadcast %add3A_1233 : i32 to vector<512x1xi32>
    %add3A_1235 = arith.addi %convert_element_type3A_1232, %add3A_1234 : vector<512x1xi32>
    %jit3A_1236 = arith.constant 0 : i32
    %jit3A_1237 = arith.constant 64 : i32
    %max3A_1238 = vector.broadcast %jit3A_1236 : i32 to vector<512x1xi32>
    %max3A_1239 = arith.maxsi %max3A_1238, %add3A_1235 : vector<512x1xi32>
    %min3A_1240 = vector.broadcast %jit3A_1237 : i32 to vector<512x1xi32>
    %min3A_1241 = arith.minsi %min3A_1240, %max3A_1239 : vector<512x1xi32>
    %jit3A_1242 = arith.constant 65 : i32
    %broadcast_in_dim3A_1243 = vector.broadcast %jit3A_1242 : i32 to vector<512x1xi32>
    %select_n3A_1244 = arith.select %eq3A_1158, %min3A_1241, %broadcast_in_dim3A_1243 : vector<512x1xi1>, vector<512x1xi32>
    %eq3A_1245 = vector.broadcast %select_n3A_1244 : vector<512x1xi32> to vector<512x66xi32>
    %eq3A_1246 = arith.cmpi eq, %iota3A_82, %eq3A_1245 : vector<512x66xi32>
    %convert_element_type3A_1247 = arith.extui %eq3A_1246 : vector<512x66xi1> to vector<512x66xi32>
    %convert_element_type3A_1248 = arith.sitofp %convert_element_type3A_1247 : vector<512x66xi32> to vector<512x66xf32>
    %slice3A_1249 = vector.extract_strided_slice %cos3A {offsets = [0, 34], sizes = [512, 1], strides = [1, 1]} : vector<512x42xf32> to vector<512x1xf32>
    %convert_element_type3A_1250 = arith.fptosi %slice3A_1249 : vector<512x1xf32> to vector<512x1xi32>
    %add3A_1251 = arith.constant 32 : i32
    %add3A_1252 = vector.broadcast %add3A_1251 : i32 to vector<512x1xi32>
    %add3A_1253 = arith.addi %convert_element_type3A_1250, %add3A_1252 : vector<512x1xi32>
    %jit3A_1254 = arith.constant 0 : i32
    %jit3A_1255 = arith.constant 64 : i32
    %max3A_1256 = vector.broadcast %jit3A_1254 : i32 to vector<512x1xi32>
    %max3A_1257 = arith.maxsi %max3A_1256, %add3A_1253 : vector<512x1xi32>
    %min3A_1258 = vector.broadcast %jit3A_1255 : i32 to vector<512x1xi32>
    %min3A_1259 = arith.minsi %min3A_1258, %max3A_1257 : vector<512x1xi32>
    %jit3A_1260 = arith.constant 65 : i32
    %broadcast_in_dim3A_1261 = vector.broadcast %jit3A_1260 : i32 to vector<512x1xi32>
    %select_n3A_1262 = arith.select %eq3A_1158, %min3A_1259, %broadcast_in_dim3A_1261 : vector<512x1xi1>, vector<512x1xi32>
    %eq3A_1263 = vector.broadcast %select_n3A_1262 : vector<512x1xi32> to vector<512x66xi32>
    %eq3A_1264 = arith.cmpi eq, %iota3A_82, %eq3A_1263 : vector<512x66xi32>
    %convert_element_type3A_1265 = arith.extui %eq3A_1264 : vector<512x66xi1> to vector<512x66xi32>
    %convert_element_type3A_1266 = arith.sitofp %convert_element_type3A_1265 : vector<512x66xi32> to vector<512x66xf32>
    %slice3A_1267 = vector.extract_strided_slice %sin3A {offsets = [0, 34], sizes = [512, 1], strides = [1, 1]} : vector<512x42xf32> to vector<512x1xf32>
    %convert_element_type3A_1268 = arith.fptosi %slice3A_1267 : vector<512x1xf32> to vector<512x1xi32>
    %add3A_1269 = arith.constant 32 : i32
    %add3A_1270 = vector.broadcast %add3A_1269 : i32 to vector<512x1xi32>
    %add3A_1271 = arith.addi %convert_element_type3A_1268, %add3A_1270 : vector<512x1xi32>
    %jit3A_1272 = arith.constant 0 : i32
    %jit3A_1273 = arith.constant 64 : i32
    %max3A_1274 = vector.broadcast %jit3A_1272 : i32 to vector<512x1xi32>
    %max3A_1275 = arith.maxsi %max3A_1274, %add3A_1271 : vector<512x1xi32>
    %min3A_1276 = vector.broadcast %jit3A_1273 : i32 to vector<512x1xi32>
    %min3A_1277 = arith.minsi %min3A_1276, %max3A_1275 : vector<512x1xi32>
    %jit3A_1278 = arith.constant 65 : i32
    %broadcast_in_dim3A_1279 = vector.broadcast %jit3A_1278 : i32 to vector<512x1xi32>
    %select_n3A_1280 = arith.select %eq3A_1158, %min3A_1277, %broadcast_in_dim3A_1279 : vector<512x1xi1>, vector<512x1xi32>
    %eq3A_1281 = vector.broadcast %select_n3A_1280 : vector<512x1xi32> to vector<512x66xi32>
    %eq3A_1282 = arith.cmpi eq, %iota3A_82, %eq3A_1281 : vector<512x66xi32>
    %convert_element_type3A_1283 = arith.extui %eq3A_1282 : vector<512x66xi1> to vector<512x66xi32>
    %convert_element_type3A_1284 = arith.sitofp %convert_element_type3A_1283 : vector<512x66xi32> to vector<512x66xf32>
    %slice3A_1285 = vector.extract_strided_slice %get3A_18 {offsets = [0, 6], sizes = [512, 1], strides = [1, 1]} : vector<512x14xf32> to vector<512x1xf32>
    %sub3A_1286 = vector.broadcast %slice3A_1285 : vector<512x1xf32> to vector<512x16xf32>
    %sub3A_1287 = vector.broadcast %add3A_89 : vector<1x16xf32> to vector<512x16xf32>
    %sub3A_1288 = arith.subf %sub3A_1286, %sub3A_1287 : vector<512x16xf32>
    %div3A_1289 = arith.constant 1.250000e+00 : f32
    %div3A_1290 = vector.broadcast %div3A_1289 : f32 to vector<512x16xf32>
    %div3A_1291 = arith.divf %sub3A_1288, %div3A_1290 : vector<512x16xf32>
    %integer_pow3A_1292 = arith.mulf %div3A_1291, %div3A_1291 : vector<512x16xf32>
    %neg3A_1293 = arith.constant 0.000000e+00 : f32
    %neg3A_1294 = vector.broadcast %neg3A_1293 : f32 to vector<512x16xf32>
    %neg3A_1295 = arith.subf %neg3A_1294, %integer_pow3A_1292 : vector<512x16xf32>
    %exp3A_1296 = math.exp %neg3A_1295 : vector<512x16xf32>
    %broadcast_in_dim3A_1297 = arith.constant 0.000000e+00 : f32
    %broadcast_in_dim3A_1298 = vector.broadcast %broadcast_in_dim3A_1297 : f32 to vector<512x34xf32>
    %concatenate3A_1299 = tpu.concatenate %convert_element_type3A_1176, %convert_element_type3A_1194, %convert_element_type3A_1212, %convert_element_type3A_1230, %convert_element_type3A_1248, %convert_element_type3A_1266, %convert_element_type3A_1284, %exp3A_1296, %broadcast_in_dim3A_1298 in 1 : vector<512x66xf32>, vector<512x66xf32>, vector<512x66xf32>, vector<512x66xf32>, vector<512x66xf32>, vector<512x66xf32>, vector<512x66xf32>, vector<512x16xf32>, vector<512x34xf32> -> vector<512x512xf32>
    %dot_general3A_1300 = arith.constant dense<0.000000e+00> : vector<512x128xf32>
    %dot_general3A_1301 = tpu.matmul %concatenate3A_1299, %concatenate3A_56, %dot_general3A_1300 {dimension_numbers = #tpu.dot_dimension_numbers<[1], [0], [0], [1], [0, 0, 1, 1], [], []>, transpose_lhs_hint = false} : vector<512x512xf32>, vector<512x128xf32>, vector<512x128xf32> -> vector<512x128xf32>
    %add3A_1302 = vector.broadcast %dot_general3A_73 : vector<1x128xf32> to vector<512x128xf32>
    %add3A_1303 = arith.addf %dot_general3A_1301, %add3A_1302 : vector<512x128xf32>
    %reduce_sum3A_1304 = arith.constant dense<0.000000e+00> : vector<512xf32>
    %reduce_sum3A_1305 = vector.multi_reduction <add>, %add3A_1303, %reduce_sum3A_1304 [1] : vector<512x128xf32> to vector<512xf32>
    %broadcast_in_dim3A_1306 = vector.shape_cast %reduce_sum3A_1305 : vector<512xf32> to vector<512x1xf32>
    %div3A_1307 = arith.constant 1.280000e+02 : f32
    %div3A_1308 = vector.broadcast %div3A_1307 : f32 to vector<512x1xf32>
    %div3A_1309 = arith.divf %broadcast_in_dim3A_1306, %div3A_1308 : vector<512x1xf32>
    %sub3A_1310 = vector.broadcast %div3A_1309 : vector<512x1xf32> to vector<512x128xf32>
    %sub3A_1311 = arith.subf %add3A_1303, %sub3A_1310 : vector<512x128xf32>
    %mul3A_1312 = arith.mulf %sub3A_1311, %sub3A_1311 : vector<512x128xf32>
    %reduce_sum3A_1313 = arith.constant dense<0.000000e+00> : vector<512xf32>
    %reduce_sum3A_1314 = vector.multi_reduction <add>, %mul3A_1312, %reduce_sum3A_1313 [1] : vector<512x128xf32> to vector<512xf32>
    %broadcast_in_dim3A_1315 = vector.shape_cast %reduce_sum3A_1314 : vector<512xf32> to vector<512x1xf32>
    %div3A_1316 = arith.constant 1.280000e+02 : f32
    %div3A_1317 = vector.broadcast %div3A_1316 : f32 to vector<512x1xf32>
    %div3A_1318 = arith.divf %broadcast_in_dim3A_1315, %div3A_1317 : vector<512x1xf32>
    %add3A_1319 = arith.constant 9.99999974E-6 : f32
    %add3A_1320 = vector.broadcast %add3A_1319 : f32 to vector<512x1xf32>
    %add3A_1321 = arith.addf %div3A_1318, %add3A_1320 : vector<512x1xf32>
    %rsqrt3A_1322 = math.rsqrt %add3A_1321 : vector<512x1xf32>
    %mul3A_1323 = vector.broadcast %rsqrt3A_1322 : vector<512x1xf32> to vector<512x128xf32>
    %mul3A_1324 = arith.mulf %sub3A_1311, %mul3A_1323 : vector<512x128xf32>
    %mul3A_1325 = vector.broadcast %get3A_92 : vector<1x128xf32> to vector<512x128xf32>
    %mul3A_1326 = arith.mulf %mul3A_1324, %mul3A_1325 : vector<512x128xf32>
    %add3A_1327 = vector.broadcast %get3A_95 : vector<1x128xf32> to vector<512x128xf32>
    %add3A_1328 = arith.addf %mul3A_1326, %add3A_1327 : vector<512x128xf32>
    %swap3A_1329 = arith.constant 0 : index
    %swap3A_1330 = arith.constant 0 : index
    %swap3A_1331 = arith.constant 6 : index
    %swap3A_1332 = arith.constant 0 : index
    %swap3A_1333 = vector.load %arg14[%swap3A_1329, %swap3A_1330, %swap3A_1331, %swap3A_1332] : memref<1x512x14x128xf32, #tpu.memory_space<vmem>>, vector<1x512x1x128xf32>
    %swap3A_1334 = vector.shape_cast %swap3A_1333 : vector<1x512x1x128xf32> to vector<512x128xf32>
    %swap3A_1335 = vector.shape_cast %add3A_1328 : vector<512x128xf32> to vector<1x512x1x128xf32>
    tpu.vector_store %arg14[%swap3A_1329, %swap3A_1330, %swap3A_1331, %swap3A_1332], %swap3A_1335 {strides = array<i32>} : memref<1x512x14x128xf32, #tpu.memory_space<vmem>>, vector<1x512x1x128xf32>,
    %slice3A_1336 = vector.extract_strided_slice %get3A_23 {offsets = [0, 7], sizes = [512, 1], strides = [1, 1]} : vector<512x14xi32> to vector<512x1xi32>
    %eq3A_1337 = arith.cmpi eq, %get3A_81, %slice3A_1336 : vector<512x1xi32>
    %slice3A_1338 = vector.extract_strided_slice %get3A_28 {offsets = [0, 7], sizes = [512, 1], strides = [1, 1]} : vector<512x14xi32> to vector<512x1xi32>
    %sub3A_1339 = arith.subi %add3A_76, %slice3A_1338 : vector<512x1xi32>
    %add3A_1340 = arith.constant 32 : i32
    %add3A_1341 = vector.broadcast %add3A_1340 : i32 to vector<512x1xi32>
    %add3A_1342 = arith.addi %sub3A_1339, %add3A_1341 : vector<512x1xi32>
    %jit3A_1343 = arith.constant 0 : i32
    %jit3A_1344 = arith.constant 64 : i32
    %max3A_1345 = vector.broadcast %jit3A_1343 : i32 to vector<512x1xi32>
    %max3A_1346 = arith.maxsi %max3A_1345, %add3A_1342 : vector<512x1xi32>
    %min3A_1347 = vector.broadcast %jit3A_1344 : i32 to vector<512x1xi32>
    %min3A_1348 = arith.minsi %min3A_1347, %max3A_1346 : vector<512x1xi32>
    %jit3A_1349 = arith.constant 65 : i32
    %broadcast_in_dim3A_1350 = vector.broadcast %jit3A_1349 : i32 to vector<512x1xi32>
    %select_n3A_1351 = arith.select %eq3A_1337, %min3A_1348, %broadcast_in_dim3A_1350 : vector<512x1xi1>, vector<512x1xi32>
    %eq3A_1352 = vector.broadcast %select_n3A_1351 : vector<512x1xi32> to vector<512x66xi32>
    %eq3A_1353 = arith.cmpi eq, %iota3A_82, %eq3A_1352 : vector<512x66xi32>
    %convert_element_type3A_1354 = arith.extui %eq3A_1353 : vector<512x66xi1> to vector<512x66xi32>
    %convert_element_type3A_1355 = arith.sitofp %convert_element_type3A_1354 : vector<512x66xi32> to vector<512x66xf32>
    %slice3A_1356 = vector.extract_strided_slice %cos3A {offsets = [0, 7], sizes = [512, 1], strides = [1, 1]} : vector<512x42xf32> to vector<512x1xf32>
    %convert_element_type3A_1357 = arith.fptosi %slice3A_1356 : vector<512x1xf32> to vector<512x1xi32>
    %add3A_1358 = arith.constant 32 : i32
    %add3A_1359 = vector.broadcast %add3A_1358 : i32 to vector<512x1xi32>
    %add3A_1360 = arith.addi %convert_element_type3A_1357, %add3A_1359 : vector<512x1xi32>
    %jit3A_1361 = arith.constant 0 : i32
    %jit3A_1362 = arith.constant 64 : i32
    %max3A_1363 = vector.broadcast %jit3A_1361 : i32 to vector<512x1xi32>
    %max3A_1364 = arith.maxsi %max3A_1363, %add3A_1360 : vector<512x1xi32>
    %min3A_1365 = vector.broadcast %jit3A_1362 : i32 to vector<512x1xi32>
    %min3A_1366 = arith.minsi %min3A_1365, %max3A_1364 : vector<512x1xi32>
    %jit3A_1367 = arith.constant 65 : i32
    %broadcast_in_dim3A_1368 = vector.broadcast %jit3A_1367 : i32 to vector<512x1xi32>
    %select_n3A_1369 = arith.select %eq3A_1337, %min3A_1366, %broadcast_in_dim3A_1368 : vector<512x1xi1>, vector<512x1xi32>
    %eq3A_1370 = vector.broadcast %select_n3A_1369 : vector<512x1xi32> to vector<512x66xi32>
    %eq3A_1371 = arith.cmpi eq, %iota3A_82, %eq3A_1370 : vector<512x66xi32>
    %convert_element_type3A_1372 = arith.extui %eq3A_1371 : vector<512x66xi1> to vector<512x66xi32>
    %convert_element_type3A_1373 = arith.sitofp %convert_element_type3A_1372 : vector<512x66xi32> to vector<512x66xf32>
    %slice3A_1374 = vector.extract_strided_slice %sin3A {offsets = [0, 7], sizes = [512, 1], strides = [1, 1]} : vector<512x42xf32> to vector<512x1xf32>
    %convert_element_type3A_1375 = arith.fptosi %slice3A_1374 : vector<512x1xf32> to vector<512x1xi32>
    %add3A_1376 = arith.constant 32 : i32
    %add3A_1377 = vector.broadcast %add3A_1376 : i32 to vector<512x1xi32>
    %add3A_1378 = arith.addi %convert_element_type3A_1375, %add3A_1377 : vector<512x1xi32>
    %jit3A_1379 = arith.constant 0 : i32
    %jit3A_1380 = arith.constant 64 : i32
    %max3A_1381 = vector.broadcast %jit3A_1379 : i32 to vector<512x1xi32>
    %max3A_1382 = arith.maxsi %max3A_1381, %add3A_1378 : vector<512x1xi32>
    %min3A_1383 = vector.broadcast %jit3A_1380 : i32 to vector<512x1xi32>
    %min3A_1384 = arith.minsi %min3A_1383, %max3A_1382 : vector<512x1xi32>
    %jit3A_1385 = arith.constant 65 : i32
    %broadcast_in_dim3A_1386 = vector.broadcast %jit3A_1385 : i32 to vector<512x1xi32>
    %select_n3A_1387 = arith.select %eq3A_1337, %min3A_1384, %broadcast_in_dim3A_1386 : vector<512x1xi1>, vector<512x1xi32>
    %eq3A_1388 = vector.broadcast %select_n3A_1387 : vector<512x1xi32> to vector<512x66xi32>
    %eq3A_1389 = arith.cmpi eq, %iota3A_82, %eq3A_1388 : vector<512x66xi32>
    %convert_element_type3A_1390 = arith.extui %eq3A_1389 : vector<512x66xi1> to vector<512x66xi32>
    %convert_element_type3A_1391 = arith.sitofp %convert_element_type3A_1390 : vector<512x66xi32> to vector<512x66xf32>
    %slice3A_1392 = vector.extract_strided_slice %cos3A {offsets = [0, 21], sizes = [512, 1], strides = [1, 1]} : vector<512x42xf32> to vector<512x1xf32>
    %convert_element_type3A_1393 = arith.fptosi %slice3A_1392 : vector<512x1xf32> to vector<512x1xi32>
    %add3A_1394 = arith.constant 32 : i32
    %add3A_1395 = vector.broadcast %add3A_1394 : i32 to vector<512x1xi32>
    %add3A_1396 = arith.addi %convert_element_type3A_1393, %add3A_1395 : vector<512x1xi32>
    %jit3A_1397 = arith.constant 0 : i32
    %jit3A_1398 = arith.constant 64 : i32
    %max3A_1399 = vector.broadcast %jit3A_1397 : i32 to vector<512x1xi32>
    %max3A_1400 = arith.maxsi %max3A_1399, %add3A_1396 : vector<512x1xi32>
    %min3A_1401 = vector.broadcast %jit3A_1398 : i32 to vector<512x1xi32>
    %min3A_1402 = arith.minsi %min3A_1401, %max3A_1400 : vector<512x1xi32>
    %jit3A_1403 = arith.constant 65 : i32
    %broadcast_in_dim3A_1404 = vector.broadcast %jit3A_1403 : i32 to vector<512x1xi32>
    %select_n3A_1405 = arith.select %eq3A_1337, %min3A_1402, %broadcast_in_dim3A_1404 : vector<512x1xi1>, vector<512x1xi32>
    %eq3A_1406 = vector.broadcast %select_n3A_1405 : vector<512x1xi32> to vector<512x66xi32>
    %eq3A_1407 = arith.cmpi eq, %iota3A_82, %eq3A_1406 : vector<512x66xi32>
    %convert_element_type3A_1408 = arith.extui %eq3A_1407 : vector<512x66xi1> to vector<512x66xi32>
    %convert_element_type3A_1409 = arith.sitofp %convert_element_type3A_1408 : vector<512x66xi32> to vector<512x66xf32>
    %slice3A_1410 = vector.extract_strided_slice %sin3A {offsets = [0, 21], sizes = [512, 1], strides = [1, 1]} : vector<512x42xf32> to vector<512x1xf32>
    %convert_element_type3A_1411 = arith.fptosi %slice3A_1410 : vector<512x1xf32> to vector<512x1xi32>
    %add3A_1412 = arith.constant 32 : i32
    %add3A_1413 = vector.broadcast %add3A_1412 : i32 to vector<512x1xi32>
    %add3A_1414 = arith.addi %convert_element_type3A_1411, %add3A_1413 : vector<512x1xi32>
    %jit3A_1415 = arith.constant 0 : i32
    %jit3A_1416 = arith.constant 64 : i32
    %max3A_1417 = vector.broadcast %jit3A_1415 : i32 to vector<512x1xi32>
    %max3A_1418 = arith.maxsi %max3A_1417, %add3A_1414 : vector<512x1xi32>
    %min3A_1419 = vector.broadcast %jit3A_1416 : i32 to vector<512x1xi32>
    %min3A_1420 = arith.minsi %min3A_1419, %max3A_1418 : vector<512x1xi32>
    %jit3A_1421 = arith.constant 65 : i32
    %broadcast_in_dim3A_1422 = vector.broadcast %jit3A_1421 : i32 to vector<512x1xi32>
    %select_n3A_1423 = arith.select %eq3A_1337, %min3A_1420, %broadcast_in_dim3A_1422 : vector<512x1xi1>, vector<512x1xi32>
    %eq3A_1424 = vector.broadcast %select_n3A_1423 : vector<512x1xi32> to vector<512x66xi32>
    %eq3A_1425 = arith.cmpi eq, %iota3A_82, %eq3A_1424 : vector<512x66xi32>
    %convert_element_type3A_1426 = arith.extui %eq3A_1425 : vector<512x66xi1> to vector<512x66xi32>
    %convert_element_type3A_1427 = arith.sitofp %convert_element_type3A_1426 : vector<512x66xi32> to vector<512x66xf32>
    %slice3A_1428 = vector.extract_strided_slice %cos3A {offsets = [0, 35], sizes = [512, 1], strides = [1, 1]} : vector<512x42xf32> to vector<512x1xf32>
    %convert_element_type3A_1429 = arith.fptosi %slice3A_1428 : vector<512x1xf32> to vector<512x1xi32>
    %add3A_1430 = arith.constant 32 : i32
    %add3A_1431 = vector.broadcast %add3A_1430 : i32 to vector<512x1xi32>
    %add3A_1432 = arith.addi %convert_element_type3A_1429, %add3A_1431 : vector<512x1xi32>
    %jit3A_1433 = arith.constant 0 : i32
    %jit3A_1434 = arith.constant 64 : i32
    %max3A_1435 = vector.broadcast %jit3A_1433 : i32 to vector<512x1xi32>
    %max3A_1436 = arith.maxsi %max3A_1435, %add3A_1432 : vector<512x1xi32>
    %min3A_1437 = vector.broadcast %jit3A_1434 : i32 to vector<512x1xi32>
    %min3A_1438 = arith.minsi %min3A_1437, %max3A_1436 : vector<512x1xi32>
    %jit3A_1439 = arith.constant 65 : i32
    %broadcast_in_dim3A_1440 = vector.broadcast %jit3A_1439 : i32 to vector<512x1xi32>
    %select_n3A_1441 = arith.select %eq3A_1337, %min3A_1438, %broadcast_in_dim3A_1440 : vector<512x1xi1>, vector<512x1xi32>
    %eq3A_1442 = vector.broadcast %select_n3A_1441 : vector<512x1xi32> to vector<512x66xi32>
    %eq3A_1443 = arith.cmpi eq, %iota3A_82, %eq3A_1442 : vector<512x66xi32>
    %convert_element_type3A_1444 = arith.extui %eq3A_1443 : vector<512x66xi1> to vector<512x66xi32>
    %convert_element_type3A_1445 = arith.sitofp %convert_element_type3A_1444 : vector<512x66xi32> to vector<512x66xf32>
    %slice3A_1446 = vector.extract_strided_slice %sin3A {offsets = [0, 35], sizes = [512, 1], strides = [1, 1]} : vector<512x42xf32> to vector<512x1xf32>
    %convert_element_type3A_1447 = arith.fptosi %slice3A_1446 : vector<512x1xf32> to vector<512x1xi32>
    %add3A_1448 = arith.constant 32 : i32
    %add3A_1449 = vector.broadcast %add3A_1448 : i32 to vector<512x1xi32>
    %add3A_1450 = arith.addi %convert_element_type3A_1447, %add3A_1449 : vector<512x1xi32>
    %jit3A_1451 = arith.constant 0 : i32
    %jit3A_1452 = arith.constant 64 : i32
    %max3A_1453 = vector.broadcast %jit3A_1451 : i32 to vector<512x1xi32>
    %max3A_1454 = arith.maxsi %max3A_1453, %add3A_1450 : vector<512x1xi32>
    %min3A_1455 = vector.broadcast %jit3A_1452 : i32 to vector<512x1xi32>
    %min3A_1456 = arith.minsi %min3A_1455, %max3A_1454 : vector<512x1xi32>
    %jit3A_1457 = arith.constant 65 : i32
    %broadcast_in_dim3A_1458 = vector.broadcast %jit3A_1457 : i32 to vector<512x1xi32>
    %select_n3A_1459 = arith.select %eq3A_1337, %min3A_1456, %broadcast_in_dim3A_1458 : vector<512x1xi1>, vector<512x1xi32>
    %eq3A_1460 = vector.broadcast %select_n3A_1459 : vector<512x1xi32> to vector<512x66xi32>
    %eq3A_1461 = arith.cmpi eq, %iota3A_82, %eq3A_1460 : vector<512x66xi32>
    %convert_element_type3A_1462 = arith.extui %eq3A_1461 : vector<512x66xi1> to vector<512x66xi32>
    %convert_element_type3A_1463 = arith.sitofp %convert_element_type3A_1462 : vector<512x66xi32> to vector<512x66xf32>
    %slice3A_1464 = vector.extract_strided_slice %get3A_18 {offsets = [0, 7], sizes = [512, 1], strides = [1, 1]} : vector<512x14xf32> to vector<512x1xf32>
    %sub3A_1465 = vector.broadcast %slice3A_1464 : vector<512x1xf32> to vector<512x16xf32>
    %sub3A_1466 = vector.broadcast %add3A_89 : vector<1x16xf32> to vector<512x16xf32>
    %sub3A_1467 = arith.subf %sub3A_1465, %sub3A_1466 : vector<512x16xf32>
    %div3A_1468 = arith.constant 1.250000e+00 : f32
    %div3A_1469 = vector.broadcast %div3A_1468 : f32 to vector<512x16xf32>
    %div3A_1470 = arith.divf %sub3A_1467, %div3A_1469 : vector<512x16xf32>
    %integer_pow3A_1471 = arith.mulf %div3A_1470, %div3A_1470 : vector<512x16xf32>
    %neg3A_1472 = arith.constant 0.000000e+00 : f32
    %neg3A_1473 = vector.broadcast %neg3A_1472 : f32 to vector<512x16xf32>
    %neg3A_1474 = arith.subf %neg3A_1473, %integer_pow3A_1471 : vector<512x16xf32>
    %exp3A_1475 = math.exp %neg3A_1474 : vector<512x16xf32>
    %broadcast_in_dim3A_1476 = arith.constant 0.000000e+00 : f32
    %broadcast_in_dim3A_1477 = vector.broadcast %broadcast_in_dim3A_1476 : f32 to vector<512x34xf32>
    %concatenate3A_1478 = tpu.concatenate %convert_element_type3A_1355, %convert_element_type3A_1373, %convert_element_type3A_1391, %convert_element_type3A_1409, %convert_element_type3A_1427, %convert_element_type3A_1445, %convert_element_type3A_1463, %exp3A_1475, %broadcast_in_dim3A_1477 in 1 : vector<512x66xf32>, vector<512x66xf32>, vector<512x66xf32>, vector<512x66xf32>, vector<512x66xf32>, vector<512x66xf32>, vector<512x66xf32>, vector<512x16xf32>, vector<512x34xf32> -> vector<512x512xf32>
    %dot_general3A_1479 = arith.constant dense<0.000000e+00> : vector<512x128xf32>
    %dot_general3A_1480 = tpu.matmul %concatenate3A_1478, %concatenate3A_56, %dot_general3A_1479 {dimension_numbers = #tpu.dot_dimension_numbers<[1], [0], [0], [1], [0, 0, 1, 1], [], []>, transpose_lhs_hint = false} : vector<512x512xf32>, vector<512x128xf32>, vector<512x128xf32> -> vector<512x128xf32>
    %add3A_1481 = vector.broadcast %dot_general3A_73 : vector<1x128xf32> to vector<512x128xf32>
    %add3A_1482 = arith.addf %dot_general3A_1480, %add3A_1481 : vector<512x128xf32>
    %reduce_sum3A_1483 = arith.constant dense<0.000000e+00> : vector<512xf32>
    %reduce_sum3A_1484 = vector.multi_reduction <add>, %add3A_1482, %reduce_sum3A_1483 [1] : vector<512x128xf32> to vector<512xf32>
    %broadcast_in_dim3A_1485 = vector.shape_cast %reduce_sum3A_1484 : vector<512xf32> to vector<512x1xf32>
    %div3A_1486 = arith.constant 1.280000e+02 : f32
    %div3A_1487 = vector.broadcast %div3A_1486 : f32 to vector<512x1xf32>
    %div3A_1488 = arith.divf %broadcast_in_dim3A_1485, %div3A_1487 : vector<512x1xf32>
    %sub3A_1489 = vector.broadcast %div3A_1488 : vector<512x1xf32> to vector<512x128xf32>
    %sub3A_1490 = arith.subf %add3A_1482, %sub3A_1489 : vector<512x128xf32>
    %mul3A_1491 = arith.mulf %sub3A_1490, %sub3A_1490 : vector<512x128xf32>
    %reduce_sum3A_1492 = arith.constant dense<0.000000e+00> : vector<512xf32>
    %reduce_sum3A_1493 = vector.multi_reduction <add>, %mul3A_1491, %reduce_sum3A_1492 [1] : vector<512x128xf32> to vector<512xf32>
    %broadcast_in_dim3A_1494 = vector.shape_cast %reduce_sum3A_1493 : vector<512xf32> to vector<512x1xf32>
    %div3A_1495 = arith.constant 1.280000e+02 : f32
    %div3A_1496 = vector.broadcast %div3A_1495 : f32 to vector<512x1xf32>
    %div3A_1497 = arith.divf %broadcast_in_dim3A_1494, %div3A_1496 : vector<512x1xf32>
    %add3A_1498 = arith.constant 9.99999974E-6 : f32
    %add3A_1499 = vector.broadcast %add3A_1498 : f32 to vector<512x1xf32>
    %add3A_1500 = arith.addf %div3A_1497, %add3A_1499 : vector<512x1xf32>
    %rsqrt3A_1501 = math.rsqrt %add3A_1500 : vector<512x1xf32>
    %mul3A_1502 = vector.broadcast %rsqrt3A_1501 : vector<512x1xf32> to vector<512x128xf32>
    %mul3A_1503 = arith.mulf %sub3A_1490, %mul3A_1502 : vector<512x128xf32>
    %mul3A_1504 = vector.broadcast %get3A_92 : vector<1x128xf32> to vector<512x128xf32>
    %mul3A_1505 = arith.mulf %mul3A_1503, %mul3A_1504 : vector<512x128xf32>
    %add3A_1506 = vector.broadcast %get3A_95 : vector<1x128xf32> to vector<512x128xf32>
    %add3A_1507 = arith.addf %mul3A_1505, %add3A_1506 : vector<512x128xf32>
    %swap3A_1508 = arith.constant 0 : index
    %swap3A_1509 = arith.constant 0 : index
    %swap3A_1510 = arith.constant 7 : index
    %swap3A_1511 = arith.constant 0 : index
    %swap3A_1512 = vector.load %arg14[%swap3A_1508, %swap3A_1509, %swap3A_1510, %swap3A_1511] : memref<1x512x14x128xf32, #tpu.memory_space<vmem>>, vector<1x512x1x128xf32>
    %swap3A_1513 = vector.shape_cast %swap3A_1512 : vector<1x512x1x128xf32> to vector<512x128xf32>
    %swap3A_1514 = vector.shape_cast %add3A_1507 : vector<512x128xf32> to vector<1x512x1x128xf32>
    tpu.vector_store %arg14[%swap3A_1508, %swap3A_1509, %swap3A_1510, %swap3A_1511], %swap3A_1514 {strides = array<i32>} : memref<1x512x14x128xf32, #tpu.memory_space<vmem>>, vector<1x512x1x128xf32>,
    %slice3A_1515 = vector.extract_strided_slice %get3A_23 {offsets = [0, 8], sizes = [512, 1], strides = [1, 1]} : vector<512x14xi32> to vector<512x1xi32>
    %eq3A_1516 = arith.cmpi eq, %get3A_81, %slice3A_1515 : vector<512x1xi32>
    %slice3A_1517 = vector.extract_strided_slice %get3A_28 {offsets = [0, 8], sizes = [512, 1], strides = [1, 1]} : vector<512x14xi32> to vector<512x1xi32>
    %sub3A_1518 = arith.subi %add3A_76, %slice3A_1517 : vector<512x1xi32>
    %add3A_1519 = arith.constant 32 : i32
    %add3A_1520 = vector.broadcast %add3A_1519 : i32 to vector<512x1xi32>
    %add3A_1521 = arith.addi %sub3A_1518, %add3A_1520 : vector<512x1xi32>
    %jit3A_1522 = arith.constant 0 : i32
    %jit3A_1523 = arith.constant 64 : i32
    %max3A_1524 = vector.broadcast %jit3A_1522 : i32 to vector<512x1xi32>
    %max3A_1525 = arith.maxsi %max3A_1524, %add3A_1521 : vector<512x1xi32>
    %min3A_1526 = vector.broadcast %jit3A_1523 : i32 to vector<512x1xi32>
    %min3A_1527 = arith.minsi %min3A_1526, %max3A_1525 : vector<512x1xi32>
    %jit3A_1528 = arith.constant 65 : i32
    %broadcast_in_dim3A_1529 = vector.broadcast %jit3A_1528 : i32 to vector<512x1xi32>
    %select_n3A_1530 = arith.select %eq3A_1516, %min3A_1527, %broadcast_in_dim3A_1529 : vector<512x1xi1>, vector<512x1xi32>
    %eq3A_1531 = vector.broadcast %select_n3A_1530 : vector<512x1xi32> to vector<512x66xi32>
    %eq3A_1532 = arith.cmpi eq, %iota3A_82, %eq3A_1531 : vector<512x66xi32>
    %convert_element_type3A_1533 = arith.extui %eq3A_1532 : vector<512x66xi1> to vector<512x66xi32>
    %convert_element_type3A_1534 = arith.sitofp %convert_element_type3A_1533 : vector<512x66xi32> to vector<512x66xf32>
    %slice3A_1535 = vector.extract_strided_slice %cos3A {offsets = [0, 8], sizes = [512, 1], strides = [1, 1]} : vector<512x42xf32> to vector<512x1xf32>
    %convert_element_type3A_1536 = arith.fptosi %slice3A_1535 : vector<512x1xf32> to vector<512x1xi32>
    %add3A_1537 = arith.constant 32 : i32
    %add3A_1538 = vector.broadcast %add3A_1537 : i32 to vector<512x1xi32>
    %add3A_1539 = arith.addi %convert_element_type3A_1536, %add3A_1538 : vector<512x1xi32>
    %jit3A_1540 = arith.constant 0 : i32
    %jit3A_1541 = arith.constant 64 : i32
    %max3A_1542 = vector.broadcast %jit3A_1540 : i32 to vector<512x1xi32>
    %max3A_1543 = arith.maxsi %max3A_1542, %add3A_1539 : vector<512x1xi32>
    %min3A_1544 = vector.broadcast %jit3A_1541 : i32 to vector<512x1xi32>
    %min3A_1545 = arith.minsi %min3A_1544, %max3A_1543 : vector<512x1xi32>
    %jit3A_1546 = arith.constant 65 : i32
    %broadcast_in_dim3A_1547 = vector.broadcast %jit3A_1546 : i32 to vector<512x1xi32>
    %select_n3A_1548 = arith.select %eq3A_1516, %min3A_1545, %broadcast_in_dim3A_1547 : vector<512x1xi1>, vector<512x1xi32>
    %eq3A_1549 = vector.broadcast %select_n3A_1548 : vector<512x1xi32> to vector<512x66xi32>
    %eq3A_1550 = arith.cmpi eq, %iota3A_82, %eq3A_1549 : vector<512x66xi32>
    %convert_element_type3A_1551 = arith.extui %eq3A_1550 : vector<512x66xi1> to vector<512x66xi32>
    %convert_element_type3A_1552 = arith.sitofp %convert_element_type3A_1551 : vector<512x66xi32> to vector<512x66xf32>
    %slice3A_1553 = vector.extract_strided_slice %sin3A {offsets = [0, 8], sizes = [512, 1], strides = [1, 1]} : vector<512x42xf32> to vector<512x1xf32>
    %convert_element_type3A_1554 = arith.fptosi %slice3A_1553 : vector<512x1xf32> to vector<512x1xi32>
    %add3A_1555 = arith.constant 32 : i32
    %add3A_1556 = vector.broadcast %add3A_1555 : i32 to vector<512x1xi32>
    %add3A_1557 = arith.addi %convert_element_type3A_1554, %add3A_1556 : vector<512x1xi32>
    %jit3A_1558 = arith.constant 0 : i32
    %jit3A_1559 = arith.constant 64 : i32
    %max3A_1560 = vector.broadcast %jit3A_1558 : i32 to vector<512x1xi32>
    %max3A_1561 = arith.maxsi %max3A_1560, %add3A_1557 : vector<512x1xi32>
    %min3A_1562 = vector.broadcast %jit3A_1559 : i32 to vector<512x1xi32>
    %min3A_1563 = arith.minsi %min3A_1562, %max3A_1561 : vector<512x1xi32>
    %jit3A_1564 = arith.constant 65 : i32
    %broadcast_in_dim3A_1565 = vector.broadcast %jit3A_1564 : i32 to vector<512x1xi32>
    %select_n3A_1566 = arith.select %eq3A_1516, %min3A_1563, %broadcast_in_dim3A_1565 : vector<512x1xi1>, vector<512x1xi32>
    %eq3A_1567 = vector.broadcast %select_n3A_1566 : vector<512x1xi32> to vector<512x66xi32>
    %eq3A_1568 = arith.cmpi eq, %iota3A_82, %eq3A_1567 : vector<512x66xi32>
    %convert_element_type3A_1569 = arith.extui %eq3A_1568 : vector<512x66xi1> to vector<512x66xi32>
    %convert_element_type3A_1570 = arith.sitofp %convert_element_type3A_1569 : vector<512x66xi32> to vector<512x66xf32>
    %slice3A_1571 = vector.extract_strided_slice %cos3A {offsets = [0, 22], sizes = [512, 1], strides = [1, 1]} : vector<512x42xf32> to vector<512x1xf32>
    %convert_element_type3A_1572 = arith.fptosi %slice3A_1571 : vector<512x1xf32> to vector<512x1xi32>
    %add3A_1573 = arith.constant 32 : i32
    %add3A_1574 = vector.broadcast %add3A_1573 : i32 to vector<512x1xi32>
    %add3A_1575 = arith.addi %convert_element_type3A_1572, %add3A_1574 : vector<512x1xi32>
    %jit3A_1576 = arith.constant 0 : i32
    %jit3A_1577 = arith.constant 64 : i32
    %max3A_1578 = vector.broadcast %jit3A_1576 : i32 to vector<512x1xi32>
    %max3A_1579 = arith.maxsi %max3A_1578, %add3A_1575 : vector<512x1xi32>
    %min3A_1580 = vector.broadcast %jit3A_1577 : i32 to vector<512x1xi32>
    %min3A_1581 = arith.minsi %min3A_1580, %max3A_1579 : vector<512x1xi32>
    %jit3A_1582 = arith.constant 65 : i32
    %broadcast_in_dim3A_1583 = vector.broadcast %jit3A_1582 : i32 to vector<512x1xi32>
    %select_n3A_1584 = arith.select %eq3A_1516, %min3A_1581, %broadcast_in_dim3A_1583 : vector<512x1xi1>, vector<512x1xi32>
    %eq3A_1585 = vector.broadcast %select_n3A_1584 : vector<512x1xi32> to vector<512x66xi32>
    %eq3A_1586 = arith.cmpi eq, %iota3A_82, %eq3A_1585 : vector<512x66xi32>
    %convert_element_type3A_1587 = arith.extui %eq3A_1586 : vector<512x66xi1> to vector<512x66xi32>
    %convert_element_type3A_1588 = arith.sitofp %convert_element_type3A_1587 : vector<512x66xi32> to vector<512x66xf32>
    %slice3A_1589 = vector.extract_strided_slice %sin3A {offsets = [0, 22], sizes = [512, 1], strides = [1, 1]} : vector<512x42xf32> to vector<512x1xf32>
    %convert_element_type3A_1590 = arith.fptosi %slice3A_1589 : vector<512x1xf32> to vector<512x1xi32>
    %add3A_1591 = arith.constant 32 : i32
    %add3A_1592 = vector.broadcast %add3A_1591 : i32 to vector<512x1xi32>
    %add3A_1593 = arith.addi %convert_element_type3A_1590, %add3A_1592 : vector<512x1xi32>
    %jit3A_1594 = arith.constant 0 : i32
    %jit3A_1595 = arith.constant 64 : i32
    %max3A_1596 = vector.broadcast %jit3A_1594 : i32 to vector<512x1xi32>
    %max3A_1597 = arith.maxsi %max3A_1596, %add3A_1593 : vector<512x1xi32>
    %min3A_1598 = vector.broadcast %jit3A_1595 : i32 to vector<512x1xi32>
    %min3A_1599 = arith.minsi %min3A_1598, %max3A_1597 : vector<512x1xi32>
    %jit3A_1600 = arith.constant 65 : i32
    %broadcast_in_dim3A_1601 = vector.broadcast %jit3A_1600 : i32 to vector<512x1xi32>
    %select_n3A_1602 = arith.select %eq3A_1516, %min3A_1599, %broadcast_in_dim3A_1601 : vector<512x1xi1>, vector<512x1xi32>
    %eq3A_1603 = vector.broadcast %select_n3A_1602 : vector<512x1xi32> to vector<512x66xi32>
    %eq3A_1604 = arith.cmpi eq, %iota3A_82, %eq3A_1603 : vector<512x66xi32>
    %convert_element_type3A_1605 = arith.extui %eq3A_1604 : vector<512x66xi1> to vector<512x66xi32>
    %convert_element_type3A_1606 = arith.sitofp %convert_element_type3A_1605 : vector<512x66xi32> to vector<512x66xf32>
    %slice3A_1607 = vector.extract_strided_slice %cos3A {offsets = [0, 36], sizes = [512, 1], strides = [1, 1]} : vector<512x42xf32> to vector<512x1xf32>
    %convert_element_type3A_1608 = arith.fptosi %slice3A_1607 : vector<512x1xf32> to vector<512x1xi32>
    %add3A_1609 = arith.constant 32 : i32
    %add3A_1610 = vector.broadcast %add3A_1609 : i32 to vector<512x1xi32>
    %add3A_1611 = arith.addi %convert_element_type3A_1608, %add3A_1610 : vector<512x1xi32>
    %jit3A_1612 = arith.constant 0 : i32
    %jit3A_1613 = arith.constant 64 : i32
    %max3A_1614 = vector.broadcast %jit3A_1612 : i32 to vector<512x1xi32>
    %max3A_1615 = arith.maxsi %max3A_1614, %add3A_1611 : vector<512x1xi32>
    %min3A_1616 = vector.broadcast %jit3A_1613 : i32 to vector<512x1xi32>
    %min3A_1617 = arith.minsi %min3A_1616, %max3A_1615 : vector<512x1xi32>
    %jit3A_1618 = arith.constant 65 : i32
    %broadcast_in_dim3A_1619 = vector.broadcast %jit3A_1618 : i32 to vector<512x1xi32>
    %select_n3A_1620 = arith.select %eq3A_1516, %min3A_1617, %broadcast_in_dim3A_1619 : vector<512x1xi1>, vector<512x1xi32>
    %eq3A_1621 = vector.broadcast %select_n3A_1620 : vector<512x1xi32> to vector<512x66xi32>
    %eq3A_1622 = arith.cmpi eq, %iota3A_82, %eq3A_1621 : vector<512x66xi32>
    %convert_element_type3A_1623 = arith.extui %eq3A_1622 : vector<512x66xi1> to vector<512x66xi32>
    %convert_element_type3A_1624 = arith.sitofp %convert_element_type3A_1623 : vector<512x66xi32> to vector<512x66xf32>
    %slice3A_1625 = vector.extract_strided_slice %sin3A {offsets = [0, 36], sizes = [512, 1], strides = [1, 1]} : vector<512x42xf32> to vector<512x1xf32>
    %convert_element_type3A_1626 = arith.fptosi %slice3A_1625 : vector<512x1xf32> to vector<512x1xi32>
    %add3A_1627 = arith.constant 32 : i32
    %add3A_1628 = vector.broadcast %add3A_1627 : i32 to vector<512x1xi32>
    %add3A_1629 = arith.addi %convert_element_type3A_1626, %add3A_1628 : vector<512x1xi32>
    %jit3A_1630 = arith.constant 0 : i32
    %jit3A_1631 = arith.constant 64 : i32
    %max3A_1632 = vector.broadcast %jit3A_1630 : i32 to vector<512x1xi32>
    %max3A_1633 = arith.maxsi %max3A_1632, %add3A_1629 : vector<512x1xi32>
    %min3A_1634 = vector.broadcast %jit3A_1631 : i32 to vector<512x1xi32>
    %min3A_1635 = arith.minsi %min3A_1634, %max3A_1633 : vector<512x1xi32>
    %jit3A_1636 = arith.constant 65 : i32
    %broadcast_in_dim3A_1637 = vector.broadcast %jit3A_1636 : i32 to vector<512x1xi32>
    %select_n3A_1638 = arith.select %eq3A_1516, %min3A_1635, %broadcast_in_dim3A_1637 : vector<512x1xi1>, vector<512x1xi32>
    %eq3A_1639 = vector.broadcast %select_n3A_1638 : vector<512x1xi32> to vector<512x66xi32>
    %eq3A_1640 = arith.cmpi eq, %iota3A_82, %eq3A_1639 : vector<512x66xi32>
    %convert_element_type3A_1641 = arith.extui %eq3A_1640 : vector<512x66xi1> to vector<512x66xi32>
    %convert_element_type3A_1642 = arith.sitofp %convert_element_type3A_1641 : vector<512x66xi32> to vector<512x66xf32>
    %slice3A_1643 = vector.extract_strided_slice %get3A_18 {offsets = [0, 8], sizes = [512, 1], strides = [1, 1]} : vector<512x14xf32> to vector<512x1xf32>
    %sub3A_1644 = vector.broadcast %slice3A_1643 : vector<512x1xf32> to vector<512x16xf32>
    %sub3A_1645 = vector.broadcast %add3A_89 : vector<1x16xf32> to vector<512x16xf32>
    %sub3A_1646 = arith.subf %sub3A_1644, %sub3A_1645 : vector<512x16xf32>
    %div3A_1647 = arith.constant 1.250000e+00 : f32
    %div3A_1648 = vector.broadcast %div3A_1647 : f32 to vector<512x16xf32>
    %div3A_1649 = arith.divf %sub3A_1646, %div3A_1648 : vector<512x16xf32>
    %integer_pow3A_1650 = arith.mulf %div3A_1649, %div3A_1649 : vector<512x16xf32>
    %neg3A_1651 = arith.constant 0.000000e+00 : f32
    %neg3A_1652 = vector.broadcast %neg3A_1651 : f32 to vector<512x16xf32>
    %neg3A_1653 = arith.subf %neg3A_1652, %integer_pow3A_1650 : vector<512x16xf32>
    %exp3A_1654 = math.exp %neg3A_1653 : vector<512x16xf32>
    %broadcast_in_dim3A_1655 = arith.constant 0.000000e+00 : f32
    %broadcast_in_dim3A_1656 = vector.broadcast %broadcast_in_dim3A_1655 : f32 to vector<512x34xf32>
    %concatenate3A_1657 = tpu.concatenate %convert_element_type3A_1534, %convert_element_type3A_1552, %convert_element_type3A_1570, %convert_element_type3A_1588, %convert_element_type3A_1606, %convert_element_type3A_1624, %convert_element_type3A_1642, %exp3A_1654, %broadcast_in_dim3A_1656 in 1 : vector<512x66xf32>, vector<512x66xf32>, vector<512x66xf32>, vector<512x66xf32>, vector<512x66xf32>, vector<512x66xf32>, vector<512x66xf32>, vector<512x16xf32>, vector<512x34xf32> -> vector<512x512xf32>
    %dot_general3A_1658 = arith.constant dense<0.000000e+00> : vector<512x128xf32>
    %dot_general3A_1659 = tpu.matmul %concatenate3A_1657, %concatenate3A_56, %dot_general3A_1658 {dimension_numbers = #tpu.dot_dimension_numbers<[1], [0], [0], [1], [0, 0, 1, 1], [], []>, transpose_lhs_hint = false} : vector<512x512xf32>, vector<512x128xf32>, vector<512x128xf32> -> vector<512x128xf32>
    %add3A_1660 = vector.broadcast %dot_general3A_73 : vector<1x128xf32> to vector<512x128xf32>
    %add3A_1661 = arith.addf %dot_general3A_1659, %add3A_1660 : vector<512x128xf32>
    %reduce_sum3A_1662 = arith.constant dense<0.000000e+00> : vector<512xf32>
    %reduce_sum3A_1663 = vector.multi_reduction <add>, %add3A_1661, %reduce_sum3A_1662 [1] : vector<512x128xf32> to vector<512xf32>
    %broadcast_in_dim3A_1664 = vector.shape_cast %reduce_sum3A_1663 : vector<512xf32> to vector<512x1xf32>
    %div3A_1665 = arith.constant 1.280000e+02 : f32
    %div3A_1666 = vector.broadcast %div3A_1665 : f32 to vector<512x1xf32>
    %div3A_1667 = arith.divf %broadcast_in_dim3A_1664, %div3A_1666 : vector<512x1xf32>
    %sub3A_1668 = vector.broadcast %div3A_1667 : vector<512x1xf32> to vector<512x128xf32>
    %sub3A_1669 = arith.subf %add3A_1661, %sub3A_1668 : vector<512x128xf32>
    %mul3A_1670 = arith.mulf %sub3A_1669, %sub3A_1669 : vector<512x128xf32>
    %reduce_sum3A_1671 = arith.constant dense<0.000000e+00> : vector<512xf32>
    %reduce_sum3A_1672 = vector.multi_reduction <add>, %mul3A_1670, %reduce_sum3A_1671 [1] : vector<512x128xf32> to vector<512xf32>
    %broadcast_in_dim3A_1673 = vector.shape_cast %reduce_sum3A_1672 : vector<512xf32> to vector<512x1xf32>
    %div3A_1674 = arith.constant 1.280000e+02 : f32
    %div3A_1675 = vector.broadcast %div3A_1674 : f32 to vector<512x1xf32>
    %div3A_1676 = arith.divf %broadcast_in_dim3A_1673, %div3A_1675 : vector<512x1xf32>
    %add3A_1677 = arith.constant 9.99999974E-6 : f32
    %add3A_1678 = vector.broadcast %add3A_1677 : f32 to vector<512x1xf32>
    %add3A_1679 = arith.addf %div3A_1676, %add3A_1678 : vector<512x1xf32>
    %rsqrt3A_1680 = math.rsqrt %add3A_1679 : vector<512x1xf32>
    %mul3A_1681 = vector.broadcast %rsqrt3A_1680 : vector<512x1xf32> to vector<512x128xf32>
    %mul3A_1682 = arith.mulf %sub3A_1669, %mul3A_1681 : vector<512x128xf32>
    %mul3A_1683 = vector.broadcast %get3A_92 : vector<1x128xf32> to vector<512x128xf32>
    %mul3A_1684 = arith.mulf %mul3A_1682, %mul3A_1683 : vector<512x128xf32>
    %add3A_1685 = vector.broadcast %get3A_95 : vector<1x128xf32> to vector<512x128xf32>
    %add3A_1686 = arith.addf %mul3A_1684, %add3A_1685 : vector<512x128xf32>
    %swap3A_1687 = arith.constant 0 : index
    %swap3A_1688 = arith.constant 0 : index
    %swap3A_1689 = arith.constant 8 : index
    %swap3A_1690 = arith.constant 0 : index
    %swap3A_1691 = vector.load %arg14[%swap3A_1687, %swap3A_1688, %swap3A_1689, %swap3A_1690] : memref<1x512x14x128xf32, #tpu.memory_space<vmem>>, vector<1x512x1x128xf32>
    %swap3A_1692 = vector.shape_cast %swap3A_1691 : vector<1x512x1x128xf32> to vector<512x128xf32>
    %swap3A_1693 = vector.shape_cast %add3A_1686 : vector<512x128xf32> to vector<1x512x1x128xf32>
    tpu.vector_store %arg14[%swap3A_1687, %swap3A_1688, %swap3A_1689, %swap3A_1690], %swap3A_1693 {strides = array<i32>} : memref<1x512x14x128xf32, #tpu.memory_space<vmem>>, vector<1x512x1x128xf32>,
    %slice3A_1694 = vector.extract_strided_slice %get3A_23 {offsets = [0, 9], sizes = [512, 1], strides = [1, 1]} : vector<512x14xi32> to vector<512x1xi32>
    %eq3A_1695 = arith.cmpi eq, %get3A_81, %slice3A_1694 : vector<512x1xi32>
    %slice3A_1696 = vector.extract_strided_slice %get3A_28 {offsets = [0, 9], sizes = [512, 1], strides = [1, 1]} : vector<512x14xi32> to vector<512x1xi32>
    %sub3A_1697 = arith.subi %add3A_76, %slice3A_1696 : vector<512x1xi32>
    %add3A_1698 = arith.constant 32 : i32
    %add3A_1699 = vector.broadcast %add3A_1698 : i32 to vector<512x1xi32>
    %add3A_1700 = arith.addi %sub3A_1697, %add3A_1699 : vector<512x1xi32>
    %jit3A_1701 = arith.constant 0 : i32
    %jit3A_1702 = arith.constant 64 : i32
    %max3A_1703 = vector.broadcast %jit3A_1701 : i32 to vector<512x1xi32>
    %max3A_1704 = arith.maxsi %max3A_1703, %add3A_1700 : vector<512x1xi32>
    %min3A_1705 = vector.broadcast %jit3A_1702 : i32 to vector<512x1xi32>
    %min3A_1706 = arith.minsi %min3A_1705, %max3A_1704 : vector<512x1xi32>
    %jit3A_1707 = arith.constant 65 : i32
    %broadcast_in_dim3A_1708 = vector.broadcast %jit3A_1707 : i32 to vector<512x1xi32>
    %select_n3A_1709 = arith.select %eq3A_1695, %min3A_1706, %broadcast_in_dim3A_1708 : vector<512x1xi1>, vector<512x1xi32>
    %eq3A_1710 = vector.broadcast %select_n3A_1709 : vector<512x1xi32> to vector<512x66xi32>
    %eq3A_1711 = arith.cmpi eq, %iota3A_82, %eq3A_1710 : vector<512x66xi32>
    %convert_element_type3A_1712 = arith.extui %eq3A_1711 : vector<512x66xi1> to vector<512x66xi32>
    %convert_element_type3A_1713 = arith.sitofp %convert_element_type3A_1712 : vector<512x66xi32> to vector<512x66xf32>
    %slice3A_1714 = vector.extract_strided_slice %cos3A {offsets = [0, 9], sizes = [512, 1], strides = [1, 1]} : vector<512x42xf32> to vector<512x1xf32>
    %convert_element_type3A_1715 = arith.fptosi %slice3A_1714 : vector<512x1xf32> to vector<512x1xi32>
    %add3A_1716 = arith.constant 32 : i32
    %add3A_1717 = vector.broadcast %add3A_1716 : i32 to vector<512x1xi32>
    %add3A_1718 = arith.addi %convert_element_type3A_1715, %add3A_1717 : vector<512x1xi32>
    %jit3A_1719 = arith.constant 0 : i32
    %jit3A_1720 = arith.constant 64 : i32
    %max3A_1721 = vector.broadcast %jit3A_1719 : i32 to vector<512x1xi32>
    %max3A_1722 = arith.maxsi %max3A_1721, %add3A_1718 : vector<512x1xi32>
    %min3A_1723 = vector.broadcast %jit3A_1720 : i32 to vector<512x1xi32>
    %min3A_1724 = arith.minsi %min3A_1723, %max3A_1722 : vector<512x1xi32>
    %jit3A_1725 = arith.constant 65 : i32
    %broadcast_in_dim3A_1726 = vector.broadcast %jit3A_1725 : i32 to vector<512x1xi32>
    %select_n3A_1727 = arith.select %eq3A_1695, %min3A_1724, %broadcast_in_dim3A_1726 : vector<512x1xi1>, vector<512x1xi32>
    %eq3A_1728 = vector.broadcast %select_n3A_1727 : vector<512x1xi32> to vector<512x66xi32>
    %eq3A_1729 = arith.cmpi eq, %iota3A_82, %eq3A_1728 : vector<512x66xi32>
    %convert_element_type3A_1730 = arith.extui %eq3A_1729 : vector<512x66xi1> to vector<512x66xi32>
    %convert_element_type3A_1731 = arith.sitofp %convert_element_type3A_1730 : vector<512x66xi32> to vector<512x66xf32>
    %slice3A_1732 = vector.extract_strided_slice %sin3A {offsets = [0, 9], sizes = [512, 1], strides = [1, 1]} : vector<512x42xf32> to vector<512x1xf32>
    %convert_element_type3A_1733 = arith.fptosi %slice3A_1732 : vector<512x1xf32> to vector<512x1xi32>
    %add3A_1734 = arith.constant 32 : i32
    %add3A_1735 = vector.broadcast %add3A_1734 : i32 to vector<512x1xi32>
    %add3A_1736 = arith.addi %convert_element_type3A_1733, %add3A_1735 : vector<512x1xi32>
    %jit3A_1737 = arith.constant 0 : i32
    %jit3A_1738 = arith.constant 64 : i32
    %max3A_1739 = vector.broadcast %jit3A_1737 : i32 to vector<512x1xi32>
    %max3A_1740 = arith.maxsi %max3A_1739, %add3A_1736 : vector<512x1xi32>
    %min3A_1741 = vector.broadcast %jit3A_1738 : i32 to vector<512x1xi32>
    %min3A_1742 = arith.minsi %min3A_1741, %max3A_1740 : vector<512x1xi32>
    %jit3A_1743 = arith.constant 65 : i32
    %broadcast_in_dim3A_1744 = vector.broadcast %jit3A_1743 : i32 to vector<512x1xi32>
    %select_n3A_1745 = arith.select %eq3A_1695, %min3A_1742, %broadcast_in_dim3A_1744 : vector<512x1xi1>, vector<512x1xi32>
    %eq3A_1746 = vector.broadcast %select_n3A_1745 : vector<512x1xi32> to vector<512x66xi32>
    %eq3A_1747 = arith.cmpi eq, %iota3A_82, %eq3A_1746 : vector<512x66xi32>
    %convert_element_type3A_1748 = arith.extui %eq3A_1747 : vector<512x66xi1> to vector<512x66xi32>
    %convert_element_type3A_1749 = arith.sitofp %convert_element_type3A_1748 : vector<512x66xi32> to vector<512x66xf32>
    %slice3A_1750 = vector.extract_strided_slice %cos3A {offsets = [0, 23], sizes = [512, 1], strides = [1, 1]} : vector<512x42xf32> to vector<512x1xf32>
    %convert_element_type3A_1751 = arith.fptosi %slice3A_1750 : vector<512x1xf32> to vector<512x1xi32>
    %add3A_1752 = arith.constant 32 : i32
    %add3A_1753 = vector.broadcast %add3A_1752 : i32 to vector<512x1xi32>
    %add3A_1754 = arith.addi %convert_element_type3A_1751, %add3A_1753 : vector<512x1xi32>
    %jit3A_1755 = arith.constant 0 : i32
    %jit3A_1756 = arith.constant 64 : i32
    %max3A_1757 = vector.broadcast %jit3A_1755 : i32 to vector<512x1xi32>
    %max3A_1758 = arith.maxsi %max3A_1757, %add3A_1754 : vector<512x1xi32>
    %min3A_1759 = vector.broadcast %jit3A_1756 : i32 to vector<512x1xi32>
    %min3A_1760 = arith.minsi %min3A_1759, %max3A_1758 : vector<512x1xi32>
    %jit3A_1761 = arith.constant 65 : i32
    %broadcast_in_dim3A_1762 = vector.broadcast %jit3A_1761 : i32 to vector<512x1xi32>
    %select_n3A_1763 = arith.select %eq3A_1695, %min3A_1760, %broadcast_in_dim3A_1762 : vector<512x1xi1>, vector<512x1xi32>
    %eq3A_1764 = vector.broadcast %select_n3A_1763 : vector<512x1xi32> to vector<512x66xi32>
    %eq3A_1765 = arith.cmpi eq, %iota3A_82, %eq3A_1764 : vector<512x66xi32>
    %convert_element_type3A_1766 = arith.extui %eq3A_1765 : vector<512x66xi1> to vector<512x66xi32>
    %convert_element_type3A_1767 = arith.sitofp %convert_element_type3A_1766 : vector<512x66xi32> to vector<512x66xf32>
    %slice3A_1768 = vector.extract_strided_slice %sin3A {offsets = [0, 23], sizes = [512, 1], strides = [1, 1]} : vector<512x42xf32> to vector<512x1xf32>
    %convert_element_type3A_1769 = arith.fptosi %slice3A_1768 : vector<512x1xf32> to vector<512x1xi32>
    %add3A_1770 = arith.constant 32 : i32
    %add3A_1771 = vector.broadcast %add3A_1770 : i32 to vector<512x1xi32>
    %add3A_1772 = arith.addi %convert_element_type3A_1769, %add3A_1771 : vector<512x1xi32>
    %jit3A_1773 = arith.constant 0 : i32
    %jit3A_1774 = arith.constant 64 : i32
    %max3A_1775 = vector.broadcast %jit3A_1773 : i32 to vector<512x1xi32>
    %max3A_1776 = arith.maxsi %max3A_1775, %add3A_1772 : vector<512x1xi32>
    %min3A_1777 = vector.broadcast %jit3A_1774 : i32 to vector<512x1xi32>
    %min3A_1778 = arith.minsi %min3A_1777, %max3A_1776 : vector<512x1xi32>
    %jit3A_1779 = arith.constant 65 : i32
    %broadcast_in_dim3A_1780 = vector.broadcast %jit3A_1779 : i32 to vector<512x1xi32>
    %select_n3A_1781 = arith.select %eq3A_1695, %min3A_1778, %broadcast_in_dim3A_1780 : vector<512x1xi1>, vector<512x1xi32>
    %eq3A_1782 = vector.broadcast %select_n3A_1781 : vector<512x1xi32> to vector<512x66xi32>
    %eq3A_1783 = arith.cmpi eq, %iota3A_82, %eq3A_1782 : vector<512x66xi32>
    %convert_element_type3A_1784 = arith.extui %eq3A_1783 : vector<512x66xi1> to vector<512x66xi32>
    %convert_element_type3A_1785 = arith.sitofp %convert_element_type3A_1784 : vector<512x66xi32> to vector<512x66xf32>
    %slice3A_1786 = vector.extract_strided_slice %cos3A {offsets = [0, 37], sizes = [512, 1], strides = [1, 1]} : vector<512x42xf32> to vector<512x1xf32>
    %convert_element_type3A_1787 = arith.fptosi %slice3A_1786 : vector<512x1xf32> to vector<512x1xi32>
    %add3A_1788 = arith.constant 32 : i32
    %add3A_1789 = vector.broadcast %add3A_1788 : i32 to vector<512x1xi32>
    %add3A_1790 = arith.addi %convert_element_type3A_1787, %add3A_1789 : vector<512x1xi32>
    %jit3A_1791 = arith.constant 0 : i32
    %jit3A_1792 = arith.constant 64 : i32
    %max3A_1793 = vector.broadcast %jit3A_1791 : i32 to vector<512x1xi32>
    %max3A_1794 = arith.maxsi %max3A_1793, %add3A_1790 : vector<512x1xi32>
    %min3A_1795 = vector.broadcast %jit3A_1792 : i32 to vector<512x1xi32>
    %min3A_1796 = arith.minsi %min3A_1795, %max3A_1794 : vector<512x1xi32>
    %jit3A_1797 = arith.constant 65 : i32
    %broadcast_in_dim3A_1798 = vector.broadcast %jit3A_1797 : i32 to vector<512x1xi32>
    %select_n3A_1799 = arith.select %eq3A_1695, %min3A_1796, %broadcast_in_dim3A_1798 : vector<512x1xi1>, vector<512x1xi32>
    %eq3A_1800 = vector.broadcast %select_n3A_1799 : vector<512x1xi32> to vector<512x66xi32>
    %eq3A_1801 = arith.cmpi eq, %iota3A_82, %eq3A_1800 : vector<512x66xi32>
    %convert_element_type3A_1802 = arith.extui %eq3A_1801 : vector<512x66xi1> to vector<512x66xi32>
    %convert_element_type3A_1803 = arith.sitofp %convert_element_type3A_1802 : vector<512x66xi32> to vector<512x66xf32>
    %slice3A_1804 = vector.extract_strided_slice %sin3A {offsets = [0, 37], sizes = [512, 1], strides = [1, 1]} : vector<512x42xf32> to vector<512x1xf32>
    %convert_element_type3A_1805 = arith.fptosi %slice3A_1804 : vector<512x1xf32> to vector<512x1xi32>
    %add3A_1806 = arith.constant 32 : i32
    %add3A_1807 = vector.broadcast %add3A_1806 : i32 to vector<512x1xi32>
    %add3A_1808 = arith.addi %convert_element_type3A_1805, %add3A_1807 : vector<512x1xi32>
    %jit3A_1809 = arith.constant 0 : i32
    %jit3A_1810 = arith.constant 64 : i32
    %max3A_1811 = vector.broadcast %jit3A_1809 : i32 to vector<512x1xi32>
    %max3A_1812 = arith.maxsi %max3A_1811, %add3A_1808 : vector<512x1xi32>
    %min3A_1813 = vector.broadcast %jit3A_1810 : i32 to vector<512x1xi32>
    %min3A_1814 = arith.minsi %min3A_1813, %max3A_1812 : vector<512x1xi32>
    %jit3A_1815 = arith.constant 65 : i32
    %broadcast_in_dim3A_1816 = vector.broadcast %jit3A_1815 : i32 to vector<512x1xi32>
    %select_n3A_1817 = arith.select %eq3A_1695, %min3A_1814, %broadcast_in_dim3A_1816 : vector<512x1xi1>, vector<512x1xi32>
    %eq3A_1818 = vector.broadcast %select_n3A_1817 : vector<512x1xi32> to vector<512x66xi32>
    %eq3A_1819 = arith.cmpi eq, %iota3A_82, %eq3A_1818 : vector<512x66xi32>
    %convert_element_type3A_1820 = arith.extui %eq3A_1819 : vector<512x66xi1> to vector<512x66xi32>
    %convert_element_type3A_1821 = arith.sitofp %convert_element_type3A_1820 : vector<512x66xi32> to vector<512x66xf32>
    %slice3A_1822 = vector.extract_strided_slice %get3A_18 {offsets = [0, 9], sizes = [512, 1], strides = [1, 1]} : vector<512x14xf32> to vector<512x1xf32>
    %sub3A_1823 = vector.broadcast %slice3A_1822 : vector<512x1xf32> to vector<512x16xf32>
    %sub3A_1824 = vector.broadcast %add3A_89 : vector<1x16xf32> to vector<512x16xf32>
    %sub3A_1825 = arith.subf %sub3A_1823, %sub3A_1824 : vector<512x16xf32>
    %div3A_1826 = arith.constant 1.250000e+00 : f32
    %div3A_1827 = vector.broadcast %div3A_1826 : f32 to vector<512x16xf32>
    %div3A_1828 = arith.divf %sub3A_1825, %div3A_1827 : vector<512x16xf32>
    %integer_pow3A_1829 = arith.mulf %div3A_1828, %div3A_1828 : vector<512x16xf32>
    %neg3A_1830 = arith.constant 0.000000e+00 : f32
    %neg3A_1831 = vector.broadcast %neg3A_1830 : f32 to vector<512x16xf32>
    %neg3A_1832 = arith.subf %neg3A_1831, %integer_pow3A_1829 : vector<512x16xf32>
    %exp3A_1833 = math.exp %neg3A_1832 : vector<512x16xf32>
    %broadcast_in_dim3A_1834 = arith.constant 0.000000e+00 : f32
    %broadcast_in_dim3A_1835 = vector.broadcast %broadcast_in_dim3A_1834 : f32 to vector<512x34xf32>
    %concatenate3A_1836 = tpu.concatenate %convert_element_type3A_1713, %convert_element_type3A_1731, %convert_element_type3A_1749, %convert_element_type3A_1767, %convert_element_type3A_1785, %convert_element_type3A_1803, %convert_element_type3A_1821, %exp3A_1833, %broadcast_in_dim3A_1835 in 1 : vector<512x66xf32>, vector<512x66xf32>, vector<512x66xf32>, vector<512x66xf32>, vector<512x66xf32>, vector<512x66xf32>, vector<512x66xf32>, vector<512x16xf32>, vector<512x34xf32> -> vector<512x512xf32>
    %dot_general3A_1837 = arith.constant dense<0.000000e+00> : vector<512x128xf32>
    %dot_general3A_1838 = tpu.matmul %concatenate3A_1836, %concatenate3A_56, %dot_general3A_1837 {dimension_numbers = #tpu.dot_dimension_numbers<[1], [0], [0], [1], [0, 0, 1, 1], [], []>, transpose_lhs_hint = false} : vector<512x512xf32>, vector<512x128xf32>, vector<512x128xf32> -> vector<512x128xf32>
    %add3A_1839 = vector.broadcast %dot_general3A_73 : vector<1x128xf32> to vector<512x128xf32>
    %add3A_1840 = arith.addf %dot_general3A_1838, %add3A_1839 : vector<512x128xf32>
    %reduce_sum3A_1841 = arith.constant dense<0.000000e+00> : vector<512xf32>
    %reduce_sum3A_1842 = vector.multi_reduction <add>, %add3A_1840, %reduce_sum3A_1841 [1] : vector<512x128xf32> to vector<512xf32>
    %broadcast_in_dim3A_1843 = vector.shape_cast %reduce_sum3A_1842 : vector<512xf32> to vector<512x1xf32>
    %div3A_1844 = arith.constant 1.280000e+02 : f32
    %div3A_1845 = vector.broadcast %div3A_1844 : f32 to vector<512x1xf32>
    %div3A_1846 = arith.divf %broadcast_in_dim3A_1843, %div3A_1845 : vector<512x1xf32>
    %sub3A_1847 = vector.broadcast %div3A_1846 : vector<512x1xf32> to vector<512x128xf32>
    %sub3A_1848 = arith.subf %add3A_1840, %sub3A_1847 : vector<512x128xf32>
    %mul3A_1849 = arith.mulf %sub3A_1848, %sub3A_1848 : vector<512x128xf32>
    %reduce_sum3A_1850 = arith.constant dense<0.000000e+00> : vector<512xf32>
    %reduce_sum3A_1851 = vector.multi_reduction <add>, %mul3A_1849, %reduce_sum3A_1850 [1] : vector<512x128xf32> to vector<512xf32>
    %broadcast_in_dim3A_1852 = vector.shape_cast %reduce_sum3A_1851 : vector<512xf32> to vector<512x1xf32>
    %div3A_1853 = arith.constant 1.280000e+02 : f32
    %div3A_1854 = vector.broadcast %div3A_1853 : f32 to vector<512x1xf32>
    %div3A_1855 = arith.divf %broadcast_in_dim3A_1852, %div3A_1854 : vector<512x1xf32>
    %add3A_1856 = arith.constant 9.99999974E-6 : f32
    %add3A_1857 = vector.broadcast %add3A_1856 : f32 to vector<512x1xf32>
    %add3A_1858 = arith.addf %div3A_1855, %add3A_1857 : vector<512x1xf32>
    %rsqrt3A_1859 = math.rsqrt %add3A_1858 : vector<512x1xf32>
    %mul3A_1860 = vector.broadcast %rsqrt3A_1859 : vector<512x1xf32> to vector<512x128xf32>
    %mul3A_1861 = arith.mulf %sub3A_1848, %mul3A_1860 : vector<512x128xf32>
    %mul3A_1862 = vector.broadcast %get3A_92 : vector<1x128xf32> to vector<512x128xf32>
    %mul3A_1863 = arith.mulf %mul3A_1861, %mul3A_1862 : vector<512x128xf32>
    %add3A_1864 = vector.broadcast %get3A_95 : vector<1x128xf32> to vector<512x128xf32>
    %add3A_1865 = arith.addf %mul3A_1863, %add3A_1864 : vector<512x128xf32>
    %swap3A_1866 = arith.constant 0 : index
    %swap3A_1867 = arith.constant 0 : index
    %swap3A_1868 = arith.constant 9 : index
    %swap3A_1869 = arith.constant 0 : index
    %swap3A_1870 = vector.load %arg14[%swap3A_1866, %swap3A_1867, %swap3A_1868, %swap3A_1869] : memref<1x512x14x128xf32, #tpu.memory_space<vmem>>, vector<1x512x1x128xf32>
    %swap3A_1871 = vector.shape_cast %swap3A_1870 : vector<1x512x1x128xf32> to vector<512x128xf32>
    %swap3A_1872 = vector.shape_cast %add3A_1865 : vector<512x128xf32> to vector<1x512x1x128xf32>
    tpu.vector_store %arg14[%swap3A_1866, %swap3A_1867, %swap3A_1868, %swap3A_1869], %swap3A_1872 {strides = array<i32>} : memref<1x512x14x128xf32, #tpu.memory_space<vmem>>, vector<1x512x1x128xf32>,
    %slice3A_1873 = vector.extract_strided_slice %get3A_23 {offsets = [0, 10], sizes = [512, 1], strides = [1, 1]} : vector<512x14xi32> to vector<512x1xi32>
    %eq3A_1874 = arith.cmpi eq, %get3A_81, %slice3A_1873 : vector<512x1xi32>
    %slice3A_1875 = vector.extract_strided_slice %get3A_28 {offsets = [0, 10], sizes = [512, 1], strides = [1, 1]} : vector<512x14xi32> to vector<512x1xi32>
    %sub3A_1876 = arith.subi %add3A_76, %slice3A_1875 : vector<512x1xi32>
    %add3A_1877 = arith.constant 32 : i32
    %add3A_1878 = vector.broadcast %add3A_1877 : i32 to vector<512x1xi32>
    %add3A_1879 = arith.addi %sub3A_1876, %add3A_1878 : vector<512x1xi32>
    %jit3A_1880 = arith.constant 0 : i32
    %jit3A_1881 = arith.constant 64 : i32
    %max3A_1882 = vector.broadcast %jit3A_1880 : i32 to vector<512x1xi32>
    %max3A_1883 = arith.maxsi %max3A_1882, %add3A_1879 : vector<512x1xi32>
    %min3A_1884 = vector.broadcast %jit3A_1881 : i32 to vector<512x1xi32>
    %min3A_1885 = arith.minsi %min3A_1884, %max3A_1883 : vector<512x1xi32>
    %jit3A_1886 = arith.constant 65 : i32
    %broadcast_in_dim3A_1887 = vector.broadcast %jit3A_1886 : i32 to vector<512x1xi32>
    %select_n3A_1888 = arith.select %eq3A_1874, %min3A_1885, %broadcast_in_dim3A_1887 : vector<512x1xi1>, vector<512x1xi32>
    %eq3A_1889 = vector.broadcast %select_n3A_1888 : vector<512x1xi32> to vector<512x66xi32>
    %eq3A_1890 = arith.cmpi eq, %iota3A_82, %eq3A_1889 : vector<512x66xi32>
    %convert_element_type3A_1891 = arith.extui %eq3A_1890 : vector<512x66xi1> to vector<512x66xi32>
    %convert_element_type3A_1892 = arith.sitofp %convert_element_type3A_1891 : vector<512x66xi32> to vector<512x66xf32>
    %slice3A_1893 = vector.extract_strided_slice %cos3A {offsets = [0, 10], sizes = [512, 1], strides = [1, 1]} : vector<512x42xf32> to vector<512x1xf32>
    %convert_element_type3A_1894 = arith.fptosi %slice3A_1893 : vector<512x1xf32> to vector<512x1xi32>
    %add3A_1895 = arith.constant 32 : i32
    %add3A_1896 = vector.broadcast %add3A_1895 : i32 to vector<512x1xi32>
    %add3A_1897 = arith.addi %convert_element_type3A_1894, %add3A_1896 : vector<512x1xi32>
    %jit3A_1898 = arith.constant 0 : i32
    %jit3A_1899 = arith.constant 64 : i32
    %max3A_1900 = vector.broadcast %jit3A_1898 : i32 to vector<512x1xi32>
    %max3A_1901 = arith.maxsi %max3A_1900, %add3A_1897 : vector<512x1xi32>
    %min3A_1902 = vector.broadcast %jit3A_1899 : i32 to vector<512x1xi32>
    %min3A_1903 = arith.minsi %min3A_1902, %max3A_1901 : vector<512x1xi32>
    %jit3A_1904 = arith.constant 65 : i32
    %broadcast_in_dim3A_1905 = vector.broadcast %jit3A_1904 : i32 to vector<512x1xi32>
    %select_n3A_1906 = arith.select %eq3A_1874, %min3A_1903, %broadcast_in_dim3A_1905 : vector<512x1xi1>, vector<512x1xi32>
    %eq3A_1907 = vector.broadcast %select_n3A_1906 : vector<512x1xi32> to vector<512x66xi32>
    %eq3A_1908 = arith.cmpi eq, %iota3A_82, %eq3A_1907 : vector<512x66xi32>
    %convert_element_type3A_1909 = arith.extui %eq3A_1908 : vector<512x66xi1> to vector<512x66xi32>
    %convert_element_type3A_1910 = arith.sitofp %convert_element_type3A_1909 : vector<512x66xi32> to vector<512x66xf32>
    %slice3A_1911 = vector.extract_strided_slice %sin3A {offsets = [0, 10], sizes = [512, 1], strides = [1, 1]} : vector<512x42xf32> to vector<512x1xf32>
    %convert_element_type3A_1912 = arith.fptosi %slice3A_1911 : vector<512x1xf32> to vector<512x1xi32>
    %add3A_1913 = arith.constant 32 : i32
    %add3A_1914 = vector.broadcast %add3A_1913 : i32 to vector<512x1xi32>
    %add3A_1915 = arith.addi %convert_element_type3A_1912, %add3A_1914 : vector<512x1xi32>
    %jit3A_1916 = arith.constant 0 : i32
    %jit3A_1917 = arith.constant 64 : i32
    %max3A_1918 = vector.broadcast %jit3A_1916 : i32 to vector<512x1xi32>
    %max3A_1919 = arith.maxsi %max3A_1918, %add3A_1915 : vector<512x1xi32>
    %min3A_1920 = vector.broadcast %jit3A_1917 : i32 to vector<512x1xi32>
    %min3A_1921 = arith.minsi %min3A_1920, %max3A_1919 : vector<512x1xi32>
    %jit3A_1922 = arith.constant 65 : i32
    %broadcast_in_dim3A_1923 = vector.broadcast %jit3A_1922 : i32 to vector<512x1xi32>
    %select_n3A_1924 = arith.select %eq3A_1874, %min3A_1921, %broadcast_in_dim3A_1923 : vector<512x1xi1>, vector<512x1xi32>
    %eq3A_1925 = vector.broadcast %select_n3A_1924 : vector<512x1xi32> to vector<512x66xi32>
    %eq3A_1926 = arith.cmpi eq, %iota3A_82, %eq3A_1925 : vector<512x66xi32>
    %convert_element_type3A_1927 = arith.extui %eq3A_1926 : vector<512x66xi1> to vector<512x66xi32>
    %convert_element_type3A_1928 = arith.sitofp %convert_element_type3A_1927 : vector<512x66xi32> to vector<512x66xf32>
    %slice3A_1929 = vector.extract_strided_slice %cos3A {offsets = [0, 24], sizes = [512, 1], strides = [1, 1]} : vector<512x42xf32> to vector<512x1xf32>
    %convert_element_type3A_1930 = arith.fptosi %slice3A_1929 : vector<512x1xf32> to vector<512x1xi32>
    %add3A_1931 = arith.constant 32 : i32
    %add3A_1932 = vector.broadcast %add3A_1931 : i32 to vector<512x1xi32>
    %add3A_1933 = arith.addi %convert_element_type3A_1930, %add3A_1932 : vector<512x1xi32>
    %jit3A_1934 = arith.constant 0 : i32
    %jit3A_1935 = arith.constant 64 : i32
    %max3A_1936 = vector.broadcast %jit3A_1934 : i32 to vector<512x1xi32>
    %max3A_1937 = arith.maxsi %max3A_1936, %add3A_1933 : vector<512x1xi32>
    %min3A_1938 = vector.broadcast %jit3A_1935 : i32 to vector<512x1xi32>
    %min3A_1939 = arith.minsi %min3A_1938, %max3A_1937 : vector<512x1xi32>
    %jit3A_1940 = arith.constant 65 : i32
    %broadcast_in_dim3A_1941 = vector.broadcast %jit3A_1940 : i32 to vector<512x1xi32>
    %select_n3A_1942 = arith.select %eq3A_1874, %min3A_1939, %broadcast_in_dim3A_1941 : vector<512x1xi1>, vector<512x1xi32>
    %eq3A_1943 = vector.broadcast %select_n3A_1942 : vector<512x1xi32> to vector<512x66xi32>
    %eq3A_1944 = arith.cmpi eq, %iota3A_82, %eq3A_1943 : vector<512x66xi32>
    %convert_element_type3A_1945 = arith.extui %eq3A_1944 : vector<512x66xi1> to vector<512x66xi32>
    %convert_element_type3A_1946 = arith.sitofp %convert_element_type3A_1945 : vector<512x66xi32> to vector<512x66xf32>
    %slice3A_1947 = vector.extract_strided_slice %sin3A {offsets = [0, 24], sizes = [512, 1], strides = [1, 1]} : vector<512x42xf32> to vector<512x1xf32>
    %convert_element_type3A_1948 = arith.fptosi %slice3A_1947 : vector<512x1xf32> to vector<512x1xi32>
    %add3A_1949 = arith.constant 32 : i32
    %add3A_1950 = vector.broadcast %add3A_1949 : i32 to vector<512x1xi32>
    %add3A_1951 = arith.addi %convert_element_type3A_1948, %add3A_1950 : vector<512x1xi32>
    %jit3A_1952 = arith.constant 0 : i32
    %jit3A_1953 = arith.constant 64 : i32
    %max3A_1954 = vector.broadcast %jit3A_1952 : i32 to vector<512x1xi32>
    %max3A_1955 = arith.maxsi %max3A_1954, %add3A_1951 : vector<512x1xi32>
    %min3A_1956 = vector.broadcast %jit3A_1953 : i32 to vector<512x1xi32>
    %min3A_1957 = arith.minsi %min3A_1956, %max3A_1955 : vector<512x1xi32>
    %jit3A_1958 = arith.constant 65 : i32
    %broadcast_in_dim3A_1959 = vector.broadcast %jit3A_1958 : i32 to vector<512x1xi32>
    %select_n3A_1960 = arith.select %eq3A_1874, %min3A_1957, %broadcast_in_dim3A_1959 : vector<512x1xi1>, vector<512x1xi32>
    %eq3A_1961 = vector.broadcast %select_n3A_1960 : vector<512x1xi32> to vector<512x66xi32>
    %eq3A_1962 = arith.cmpi eq, %iota3A_82, %eq3A_1961 : vector<512x66xi32>
    %convert_element_type3A_1963 = arith.extui %eq3A_1962 : vector<512x66xi1> to vector<512x66xi32>
    %convert_element_type3A_1964 = arith.sitofp %convert_element_type3A_1963 : vector<512x66xi32> to vector<512x66xf32>
    %slice3A_1965 = vector.extract_strided_slice %cos3A {offsets = [0, 38], sizes = [512, 1], strides = [1, 1]} : vector<512x42xf32> to vector<512x1xf32>
    %convert_element_type3A_1966 = arith.fptosi %slice3A_1965 : vector<512x1xf32> to vector<512x1xi32>
    %add3A_1967 = arith.constant 32 : i32
    %add3A_1968 = vector.broadcast %add3A_1967 : i32 to vector<512x1xi32>
    %add3A_1969 = arith.addi %convert_element_type3A_1966, %add3A_1968 : vector<512x1xi32>
    %jit3A_1970 = arith.constant 0 : i32
    %jit3A_1971 = arith.constant 64 : i32
    %max3A_1972 = vector.broadcast %jit3A_1970 : i32 to vector<512x1xi32>
    %max3A_1973 = arith.maxsi %max3A_1972, %add3A_1969 : vector<512x1xi32>
    %min3A_1974 = vector.broadcast %jit3A_1971 : i32 to vector<512x1xi32>
    %min3A_1975 = arith.minsi %min3A_1974, %max3A_1973 : vector<512x1xi32>
    %jit3A_1976 = arith.constant 65 : i32
    %broadcast_in_dim3A_1977 = vector.broadcast %jit3A_1976 : i32 to vector<512x1xi32>
    %select_n3A_1978 = arith.select %eq3A_1874, %min3A_1975, %broadcast_in_dim3A_1977 : vector<512x1xi1>, vector<512x1xi32>
    %eq3A_1979 = vector.broadcast %select_n3A_1978 : vector<512x1xi32> to vector<512x66xi32>
    %eq3A_1980 = arith.cmpi eq, %iota3A_82, %eq3A_1979 : vector<512x66xi32>
    %convert_element_type3A_1981 = arith.extui %eq3A_1980 : vector<512x66xi1> to vector<512x66xi32>
    %convert_element_type3A_1982 = arith.sitofp %convert_element_type3A_1981 : vector<512x66xi32> to vector<512x66xf32>
    %slice3A_1983 = vector.extract_strided_slice %sin3A {offsets = [0, 38], sizes = [512, 1], strides = [1, 1]} : vector<512x42xf32> to vector<512x1xf32>
    %convert_element_type3A_1984 = arith.fptosi %slice3A_1983 : vector<512x1xf32> to vector<512x1xi32>
    %add3A_1985 = arith.constant 32 : i32
    %add3A_1986 = vector.broadcast %add3A_1985 : i32 to vector<512x1xi32>
    %add3A_1987 = arith.addi %convert_element_type3A_1984, %add3A_1986 : vector<512x1xi32>
    %jit3A_1988 = arith.constant 0 : i32
    %jit3A_1989 = arith.constant 64 : i32
    %max3A_1990 = vector.broadcast %jit3A_1988 : i32 to vector<512x1xi32>
    %max3A_1991 = arith.maxsi %max3A_1990, %add3A_1987 : vector<512x1xi32>
    %min3A_1992 = vector.broadcast %jit3A_1989 : i32 to vector<512x1xi32>
    %min3A_1993 = arith.minsi %min3A_1992, %max3A_1991 : vector<512x1xi32>
    %jit3A_1994 = arith.constant 65 : i32
    %broadcast_in_dim3A_1995 = vector.broadcast %jit3A_1994 : i32 to vector<512x1xi32>
    %select_n3A_1996 = arith.select %eq3A_1874, %min3A_1993, %broadcast_in_dim3A_1995 : vector<512x1xi1>, vector<512x1xi32>
    %eq3A_1997 = vector.broadcast %select_n3A_1996 : vector<512x1xi32> to vector<512x66xi32>
    %eq3A_1998 = arith.cmpi eq, %iota3A_82, %eq3A_1997 : vector<512x66xi32>
    %convert_element_type3A_1999 = arith.extui %eq3A_1998 : vector<512x66xi1> to vector<512x66xi32>
    %convert_element_type3A_2000 = arith.sitofp %convert_element_type3A_1999 : vector<512x66xi32> to vector<512x66xf32>
    %slice3A_2001 = vector.extract_strided_slice %get3A_18 {offsets = [0, 10], sizes = [512, 1], strides = [1, 1]} : vector<512x14xf32> to vector<512x1xf32>
    %sub3A_2002 = vector.broadcast %slice3A_2001 : vector<512x1xf32> to vector<512x16xf32>
    %sub3A_2003 = vector.broadcast %add3A_89 : vector<1x16xf32> to vector<512x16xf32>
    %sub3A_2004 = arith.subf %sub3A_2002, %sub3A_2003 : vector<512x16xf32>
    %div3A_2005 = arith.constant 1.250000e+00 : f32
    %div3A_2006 = vector.broadcast %div3A_2005 : f32 to vector<512x16xf32>
    %div3A_2007 = arith.divf %sub3A_2004, %div3A_2006 : vector<512x16xf32>
    %integer_pow3A_2008 = arith.mulf %div3A_2007, %div3A_2007 : vector<512x16xf32>
    %neg3A_2009 = arith.constant 0.000000e+00 : f32
    %neg3A_2010 = vector.broadcast %neg3A_2009 : f32 to vector<512x16xf32>
    %neg3A_2011 = arith.subf %neg3A_2010, %integer_pow3A_2008 : vector<512x16xf32>
    %exp3A_2012 = math.exp %neg3A_2011 : vector<512x16xf32>
    %broadcast_in_dim3A_2013 = arith.constant 0.000000e+00 : f32
    %broadcast_in_dim3A_2014 = vector.broadcast %broadcast_in_dim3A_2013 : f32 to vector<512x34xf32>
    %concatenate3A_2015 = tpu.concatenate %convert_element_type3A_1892, %convert_element_type3A_1910, %convert_element_type3A_1928, %convert_element_type3A_1946, %convert_element_type3A_1964, %convert_element_type3A_1982, %convert_element_type3A_2000, %exp3A_2012, %broadcast_in_dim3A_2014 in 1 : vector<512x66xf32>, vector<512x66xf32>, vector<512x66xf32>, vector<512x66xf32>, vector<512x66xf32>, vector<512x66xf32>, vector<512x66xf32>, vector<512x16xf32>, vector<512x34xf32> -> vector<512x512xf32>
    %dot_general3A_2016 = arith.constant dense<0.000000e+00> : vector<512x128xf32>
    %dot_general3A_2017 = tpu.matmul %concatenate3A_2015, %concatenate3A_56, %dot_general3A_2016 {dimension_numbers = #tpu.dot_dimension_numbers<[1], [0], [0], [1], [0, 0, 1, 1], [], []>, transpose_lhs_hint = false} : vector<512x512xf32>, vector<512x128xf32>, vector<512x128xf32> -> vector<512x128xf32>
    %add3A_2018 = vector.broadcast %dot_general3A_73 : vector<1x128xf32> to vector<512x128xf32>
    %add3A_2019 = arith.addf %dot_general3A_2017, %add3A_2018 : vector<512x128xf32>
    %reduce_sum3A_2020 = arith.constant dense<0.000000e+00> : vector<512xf32>
    %reduce_sum3A_2021 = vector.multi_reduction <add>, %add3A_2019, %reduce_sum3A_2020 [1] : vector<512x128xf32> to vector<512xf32>
    %broadcast_in_dim3A_2022 = vector.shape_cast %reduce_sum3A_2021 : vector<512xf32> to vector<512x1xf32>
    %div3A_2023 = arith.constant 1.280000e+02 : f32
    %div3A_2024 = vector.broadcast %div3A_2023 : f32 to vector<512x1xf32>
    %div3A_2025 = arith.divf %broadcast_in_dim3A_2022, %div3A_2024 : vector<512x1xf32>
    %sub3A_2026 = vector.broadcast %div3A_2025 : vector<512x1xf32> to vector<512x128xf32>
    %sub3A_2027 = arith.subf %add3A_2019, %sub3A_2026 : vector<512x128xf32>
    %mul3A_2028 = arith.mulf %sub3A_2027, %sub3A_2027 : vector<512x128xf32>
    %reduce_sum3A_2029 = arith.constant dense<0.000000e+00> : vector<512xf32>
    %reduce_sum3A_2030 = vector.multi_reduction <add>, %mul3A_2028, %reduce_sum3A_2029 [1] : vector<512x128xf32> to vector<512xf32>
    %broadcast_in_dim3A_2031 = vector.shape_cast %reduce_sum3A_2030 : vector<512xf32> to vector<512x1xf32>
    %div3A_2032 = arith.constant 1.280000e+02 : f32
    %div3A_2033 = vector.broadcast %div3A_2032 : f32 to vector<512x1xf32>
    %div3A_2034 = arith.divf %broadcast_in_dim3A_2031, %div3A_2033 : vector<512x1xf32>
    %add3A_2035 = arith.constant 9.99999974E-6 : f32
    %add3A_2036 = vector.broadcast %add3A_2035 : f32 to vector<512x1xf32>
    %add3A_2037 = arith.addf %div3A_2034, %add3A_2036 : vector<512x1xf32>
    %rsqrt3A_2038 = math.rsqrt %add3A_2037 : vector<512x1xf32>
    %mul3A_2039 = vector.broadcast %rsqrt3A_2038 : vector<512x1xf32> to vector<512x128xf32>
    %mul3A_2040 = arith.mulf %sub3A_2027, %mul3A_2039 : vector<512x128xf32>
    %mul3A_2041 = vector.broadcast %get3A_92 : vector<1x128xf32> to vector<512x128xf32>
    %mul3A_2042 = arith.mulf %mul3A_2040, %mul3A_2041 : vector<512x128xf32>
    %add3A_2043 = vector.broadcast %get3A_95 : vector<1x128xf32> to vector<512x128xf32>
    %add3A_2044 = arith.addf %mul3A_2042, %add3A_2043 : vector<512x128xf32>
    %swap3A_2045 = arith.constant 0 : index
    %swap3A_2046 = arith.constant 0 : index
    %swap3A_2047 = arith.constant 10 : index
    %swap3A_2048 = arith.constant 0 : index
    %swap3A_2049 = vector.load %arg14[%swap3A_2045, %swap3A_2046, %swap3A_2047, %swap3A_2048] : memref<1x512x14x128xf32, #tpu.memory_space<vmem>>, vector<1x512x1x128xf32>
    %swap3A_2050 = vector.shape_cast %swap3A_2049 : vector<1x512x1x128xf32> to vector<512x128xf32>
    %swap3A_2051 = vector.shape_cast %add3A_2044 : vector<512x128xf32> to vector<1x512x1x128xf32>
    tpu.vector_store %arg14[%swap3A_2045, %swap3A_2046, %swap3A_2047, %swap3A_2048], %swap3A_2051 {strides = array<i32>} : memref<1x512x14x128xf32, #tpu.memory_space<vmem>>, vector<1x512x1x128xf32>,
    %slice3A_2052 = vector.extract_strided_slice %get3A_23 {offsets = [0, 11], sizes = [512, 1], strides = [1, 1]} : vector<512x14xi32> to vector<512x1xi32>
    %eq3A_2053 = arith.cmpi eq, %get3A_81, %slice3A_2052 : vector<512x1xi32>
    %slice3A_2054 = vector.extract_strided_slice %get3A_28 {offsets = [0, 11], sizes = [512, 1], strides = [1, 1]} : vector<512x14xi32> to vector<512x1xi32>
    %sub3A_2055 = arith.subi %add3A_76, %slice3A_2054 : vector<512x1xi32>
    %add3A_2056 = arith.constant 32 : i32
    %add3A_2057 = vector.broadcast %add3A_2056 : i32 to vector<512x1xi32>
    %add3A_2058 = arith.addi %sub3A_2055, %add3A_2057 : vector<512x1xi32>
    %jit3A_2059 = arith.constant 0 : i32
    %jit3A_2060 = arith.constant 64 : i32
    %max3A_2061 = vector.broadcast %jit3A_2059 : i32 to vector<512x1xi32>
    %max3A_2062 = arith.maxsi %max3A_2061, %add3A_2058 : vector<512x1xi32>
    %min3A_2063 = vector.broadcast %jit3A_2060 : i32 to vector<512x1xi32>
    %min3A_2064 = arith.minsi %min3A_2063, %max3A_2062 : vector<512x1xi32>
    %jit3A_2065 = arith.constant 65 : i32
    %broadcast_in_dim3A_2066 = vector.broadcast %jit3A_2065 : i32 to vector<512x1xi32>
    %select_n3A_2067 = arith.select %eq3A_2053, %min3A_2064, %broadcast_in_dim3A_2066 : vector<512x1xi1>, vector<512x1xi32>
    %eq3A_2068 = vector.broadcast %select_n3A_2067 : vector<512x1xi32> to vector<512x66xi32>
    %eq3A_2069 = arith.cmpi eq, %iota3A_82, %eq3A_2068 : vector<512x66xi32>
    %convert_element_type3A_2070 = arith.extui %eq3A_2069 : vector<512x66xi1> to vector<512x66xi32>
    %convert_element_type3A_2071 = arith.sitofp %convert_element_type3A_2070 : vector<512x66xi32> to vector<512x66xf32>
    %slice3A_2072 = vector.extract_strided_slice %cos3A {offsets = [0, 11], sizes = [512, 1], strides = [1, 1]} : vector<512x42xf32> to vector<512x1xf32>
    %convert_element_type3A_2073 = arith.fptosi %slice3A_2072 : vector<512x1xf32> to vector<512x1xi32>
    %add3A_2074 = arith.constant 32 : i32
    %add3A_2075 = vector.broadcast %add3A_2074 : i32 to vector<512x1xi32>
    %add3A_2076 = arith.addi %convert_element_type3A_2073, %add3A_2075 : vector<512x1xi32>
    %jit3A_2077 = arith.constant 0 : i32
    %jit3A_2078 = arith.constant 64 : i32
    %max3A_2079 = vector.broadcast %jit3A_2077 : i32 to vector<512x1xi32>
    %max3A_2080 = arith.maxsi %max3A_2079, %add3A_2076 : vector<512x1xi32>
    %min3A_2081 = vector.broadcast %jit3A_2078 : i32 to vector<512x1xi32>
    %min3A_2082 = arith.minsi %min3A_2081, %max3A_2080 : vector<512x1xi32>
    %jit3A_2083 = arith.constant 65 : i32
    %broadcast_in_dim3A_2084 = vector.broadcast %jit3A_2083 : i32 to vector<512x1xi32>
    %select_n3A_2085 = arith.select %eq3A_2053, %min3A_2082, %broadcast_in_dim3A_2084 : vector<512x1xi1>, vector<512x1xi32>
    %eq3A_2086 = vector.broadcast %select_n3A_2085 : vector<512x1xi32> to vector<512x66xi32>
    %eq3A_2087 = arith.cmpi eq, %iota3A_82, %eq3A_2086 : vector<512x66xi32>
    %convert_element_type3A_2088 = arith.extui %eq3A_2087 : vector<512x66xi1> to vector<512x66xi32>
    %convert_element_type3A_2089 = arith.sitofp %convert_element_type3A_2088 : vector<512x66xi32> to vector<512x66xf32>
    %slice3A_2090 = vector.extract_strided_slice %sin3A {offsets = [0, 11], sizes = [512, 1], strides = [1, 1]} : vector<512x42xf32> to vector<512x1xf32>
    %convert_element_type3A_2091 = arith.fptosi %slice3A_2090 : vector<512x1xf32> to vector<512x1xi32>
    %add3A_2092 = arith.constant 32 : i32
    %add3A_2093 = vector.broadcast %add3A_2092 : i32 to vector<512x1xi32>
    %add3A_2094 = arith.addi %convert_element_type3A_2091, %add3A_2093 : vector<512x1xi32>
    %jit3A_2095 = arith.constant 0 : i32
    %jit3A_2096 = arith.constant 64 : i32
    %max3A_2097 = vector.broadcast %jit3A_2095 : i32 to vector<512x1xi32>
    %max3A_2098 = arith.maxsi %max3A_2097, %add3A_2094 : vector<512x1xi32>
    %min3A_2099 = vector.broadcast %jit3A_2096 : i32 to vector<512x1xi32>
    %min3A_2100 = arith.minsi %min3A_2099, %max3A_2098 : vector<512x1xi32>
    %jit3A_2101 = arith.constant 65 : i32
    %broadcast_in_dim3A_2102 = vector.broadcast %jit3A_2101 : i32 to vector<512x1xi32>
    %select_n3A_2103 = arith.select %eq3A_2053, %min3A_2100, %broadcast_in_dim3A_2102 : vector<512x1xi1>, vector<512x1xi32>
    %eq3A_2104 = vector.broadcast %select_n3A_2103 : vector<512x1xi32> to vector<512x66xi32>
    %eq3A_2105 = arith.cmpi eq, %iota3A_82, %eq3A_2104 : vector<512x66xi32>
    %convert_element_type3A_2106 = arith.extui %eq3A_2105 : vector<512x66xi1> to vector<512x66xi32>
    %convert_element_type3A_2107 = arith.sitofp %convert_element_type3A_2106 : vector<512x66xi32> to vector<512x66xf32>
    %slice3A_2108 = vector.extract_strided_slice %cos3A {offsets = [0, 25], sizes = [512, 1], strides = [1, 1]} : vector<512x42xf32> to vector<512x1xf32>
    %convert_element_type3A_2109 = arith.fptosi %slice3A_2108 : vector<512x1xf32> to vector<512x1xi32>
    %add3A_2110 = arith.constant 32 : i32
    %add3A_2111 = vector.broadcast %add3A_2110 : i32 to vector<512x1xi32>
    %add3A_2112 = arith.addi %convert_element_type3A_2109, %add3A_2111 : vector<512x1xi32>
    %jit3A_2113 = arith.constant 0 : i32
    %jit3A_2114 = arith.constant 64 : i32
    %max3A_2115 = vector.broadcast %jit3A_2113 : i32 to vector<512x1xi32>
    %max3A_2116 = arith.maxsi %max3A_2115, %add3A_2112 : vector<512x1xi32>
    %min3A_2117 = vector.broadcast %jit3A_2114 : i32 to vector<512x1xi32>
    %min3A_2118 = arith.minsi %min3A_2117, %max3A_2116 : vector<512x1xi32>
    %jit3A_2119 = arith.constant 65 : i32
    %broadcast_in_dim3A_2120 = vector.broadcast %jit3A_2119 : i32 to vector<512x1xi32>
    %select_n3A_2121 = arith.select %eq3A_2053, %min3A_2118, %broadcast_in_dim3A_2120 : vector<512x1xi1>, vector<512x1xi32>
    %eq3A_2122 = vector.broadcast %select_n3A_2121 : vector<512x1xi32> to vector<512x66xi32>
    %eq3A_2123 = arith.cmpi eq, %iota3A_82, %eq3A_2122 : vector<512x66xi32>
    %convert_element_type3A_2124 = arith.extui %eq3A_2123 : vector<512x66xi1> to vector<512x66xi32>
    %convert_element_type3A_2125 = arith.sitofp %convert_element_type3A_2124 : vector<512x66xi32> to vector<512x66xf32>
    %slice3A_2126 = vector.extract_strided_slice %sin3A {offsets = [0, 25], sizes = [512, 1], strides = [1, 1]} : vector<512x42xf32> to vector<512x1xf32>
    %convert_element_type3A_2127 = arith.fptosi %slice3A_2126 : vector<512x1xf32> to vector<512x1xi32>
    %add3A_2128 = arith.constant 32 : i32
    %add3A_2129 = vector.broadcast %add3A_2128 : i32 to vector<512x1xi32>
    %add3A_2130 = arith.addi %convert_element_type3A_2127, %add3A_2129 : vector<512x1xi32>
    %jit3A_2131 = arith.constant 0 : i32
    %jit3A_2132 = arith.constant 64 : i32
    %max3A_2133 = vector.broadcast %jit3A_2131 : i32 to vector<512x1xi32>
    %max3A_2134 = arith.maxsi %max3A_2133, %add3A_2130 : vector<512x1xi32>
    %min3A_2135 = vector.broadcast %jit3A_2132 : i32 to vector<512x1xi32>
    %min3A_2136 = arith.minsi %min3A_2135, %max3A_2134 : vector<512x1xi32>
    %jit3A_2137 = arith.constant 65 : i32
    %broadcast_in_dim3A_2138 = vector.broadcast %jit3A_2137 : i32 to vector<512x1xi32>
    %select_n3A_2139 = arith.select %eq3A_2053, %min3A_2136, %broadcast_in_dim3A_2138 : vector<512x1xi1>, vector<512x1xi32>
    %eq3A_2140 = vector.broadcast %select_n3A_2139 : vector<512x1xi32> to vector<512x66xi32>
    %eq3A_2141 = arith.cmpi eq, %iota3A_82, %eq3A_2140 : vector<512x66xi32>
    %convert_element_type3A_2142 = arith.extui %eq3A_2141 : vector<512x66xi1> to vector<512x66xi32>
    %convert_element_type3A_2143 = arith.sitofp %convert_element_type3A_2142 : vector<512x66xi32> to vector<512x66xf32>
    %slice3A_2144 = vector.extract_strided_slice %cos3A {offsets = [0, 39], sizes = [512, 1], strides = [1, 1]} : vector<512x42xf32> to vector<512x1xf32>
    %convert_element_type3A_2145 = arith.fptosi %slice3A_2144 : vector<512x1xf32> to vector<512x1xi32>
    %add3A_2146 = arith.constant 32 : i32
    %add3A_2147 = vector.broadcast %add3A_2146 : i32 to vector<512x1xi32>
    %add3A_2148 = arith.addi %convert_element_type3A_2145, %add3A_2147 : vector<512x1xi32>
    %jit3A_2149 = arith.constant 0 : i32
    %jit3A_2150 = arith.constant 64 : i32
    %max3A_2151 = vector.broadcast %jit3A_2149 : i32 to vector<512x1xi32>
    %max3A_2152 = arith.maxsi %max3A_2151, %add3A_2148 : vector<512x1xi32>
    %min3A_2153 = vector.broadcast %jit3A_2150 : i32 to vector<512x1xi32>
    %min3A_2154 = arith.minsi %min3A_2153, %max3A_2152 : vector<512x1xi32>
    %jit3A_2155 = arith.constant 65 : i32
    %broadcast_in_dim3A_2156 = vector.broadcast %jit3A_2155 : i32 to vector<512x1xi32>
    %select_n3A_2157 = arith.select %eq3A_2053, %min3A_2154, %broadcast_in_dim3A_2156 : vector<512x1xi1>, vector<512x1xi32>
    %eq3A_2158 = vector.broadcast %select_n3A_2157 : vector<512x1xi32> to vector<512x66xi32>
    %eq3A_2159 = arith.cmpi eq, %iota3A_82, %eq3A_2158 : vector<512x66xi32>
    %convert_element_type3A_2160 = arith.extui %eq3A_2159 : vector<512x66xi1> to vector<512x66xi32>
    %convert_element_type3A_2161 = arith.sitofp %convert_element_type3A_2160 : vector<512x66xi32> to vector<512x66xf32>
    %slice3A_2162 = vector.extract_strided_slice %sin3A {offsets = [0, 39], sizes = [512, 1], strides = [1, 1]} : vector<512x42xf32> to vector<512x1xf32>
    %convert_element_type3A_2163 = arith.fptosi %slice3A_2162 : vector<512x1xf32> to vector<512x1xi32>
    %add3A_2164 = arith.constant 32 : i32
    %add3A_2165 = vector.broadcast %add3A_2164 : i32 to vector<512x1xi32>
    %add3A_2166 = arith.addi %convert_element_type3A_2163, %add3A_2165 : vector<512x1xi32>
    %jit3A_2167 = arith.constant 0 : i32
    %jit3A_2168 = arith.constant 64 : i32
    %max3A_2169 = vector.broadcast %jit3A_2167 : i32 to vector<512x1xi32>
    %max3A_2170 = arith.maxsi %max3A_2169, %add3A_2166 : vector<512x1xi32>
    %min3A_2171 = vector.broadcast %jit3A_2168 : i32 to vector<512x1xi32>
    %min3A_2172 = arith.minsi %min3A_2171, %max3A_2170 : vector<512x1xi32>
    %jit3A_2173 = arith.constant 65 : i32
    %broadcast_in_dim3A_2174 = vector.broadcast %jit3A_2173 : i32 to vector<512x1xi32>
    %select_n3A_2175 = arith.select %eq3A_2053, %min3A_2172, %broadcast_in_dim3A_2174 : vector<512x1xi1>, vector<512x1xi32>
    %eq3A_2176 = vector.broadcast %select_n3A_2175 : vector<512x1xi32> to vector<512x66xi32>
    %eq3A_2177 = arith.cmpi eq, %iota3A_82, %eq3A_2176 : vector<512x66xi32>
    %convert_element_type3A_2178 = arith.extui %eq3A_2177 : vector<512x66xi1> to vector<512x66xi32>
    %convert_element_type3A_2179 = arith.sitofp %convert_element_type3A_2178 : vector<512x66xi32> to vector<512x66xf32>
    %slice3A_2180 = vector.extract_strided_slice %get3A_18 {offsets = [0, 11], sizes = [512, 1], strides = [1, 1]} : vector<512x14xf32> to vector<512x1xf32>
    %sub3A_2181 = vector.broadcast %slice3A_2180 : vector<512x1xf32> to vector<512x16xf32>
    %sub3A_2182 = vector.broadcast %add3A_89 : vector<1x16xf32> to vector<512x16xf32>
    %sub3A_2183 = arith.subf %sub3A_2181, %sub3A_2182 : vector<512x16xf32>
    %div3A_2184 = arith.constant 1.250000e+00 : f32
    %div3A_2185 = vector.broadcast %div3A_2184 : f32 to vector<512x16xf32>
    %div3A_2186 = arith.divf %sub3A_2183, %div3A_2185 : vector<512x16xf32>
    %integer_pow3A_2187 = arith.mulf %div3A_2186, %div3A_2186 : vector<512x16xf32>
    %neg3A_2188 = arith.constant 0.000000e+00 : f32
    %neg3A_2189 = vector.broadcast %neg3A_2188 : f32 to vector<512x16xf32>
    %neg3A_2190 = arith.subf %neg3A_2189, %integer_pow3A_2187 : vector<512x16xf32>
    %exp3A_2191 = math.exp %neg3A_2190 : vector<512x16xf32>
    %broadcast_in_dim3A_2192 = arith.constant 0.000000e+00 : f32
    %broadcast_in_dim3A_2193 = vector.broadcast %broadcast_in_dim3A_2192 : f32 to vector<512x34xf32>
    %concatenate3A_2194 = tpu.concatenate %convert_element_type3A_2071, %convert_element_type3A_2089, %convert_element_type3A_2107, %convert_element_type3A_2125, %convert_element_type3A_2143, %convert_element_type3A_2161, %convert_element_type3A_2179, %exp3A_2191, %broadcast_in_dim3A_2193 in 1 : vector<512x66xf32>, vector<512x66xf32>, vector<512x66xf32>, vector<512x66xf32>, vector<512x66xf32>, vector<512x66xf32>, vector<512x66xf32>, vector<512x16xf32>, vector<512x34xf32> -> vector<512x512xf32>
    %dot_general3A_2195 = arith.constant dense<0.000000e+00> : vector<512x128xf32>
    %dot_general3A_2196 = tpu.matmul %concatenate3A_2194, %concatenate3A_56, %dot_general3A_2195 {dimension_numbers = #tpu.dot_dimension_numbers<[1], [0], [0], [1], [0, 0, 1, 1], [], []>, transpose_lhs_hint = false} : vector<512x512xf32>, vector<512x128xf32>, vector<512x128xf32> -> vector<512x128xf32>
    %add3A_2197 = vector.broadcast %dot_general3A_73 : vector<1x128xf32> to vector<512x128xf32>
    %add3A_2198 = arith.addf %dot_general3A_2196, %add3A_2197 : vector<512x128xf32>
    %reduce_sum3A_2199 = arith.constant dense<0.000000e+00> : vector<512xf32>
    %reduce_sum3A_2200 = vector.multi_reduction <add>, %add3A_2198, %reduce_sum3A_2199 [1] : vector<512x128xf32> to vector<512xf32>
    %broadcast_in_dim3A_2201 = vector.shape_cast %reduce_sum3A_2200 : vector<512xf32> to vector<512x1xf32>
    %div3A_2202 = arith.constant 1.280000e+02 : f32
    %div3A_2203 = vector.broadcast %div3A_2202 : f32 to vector<512x1xf32>
    %div3A_2204 = arith.divf %broadcast_in_dim3A_2201, %div3A_2203 : vector<512x1xf32>
    %sub3A_2205 = vector.broadcast %div3A_2204 : vector<512x1xf32> to vector<512x128xf32>
    %sub3A_2206 = arith.subf %add3A_2198, %sub3A_2205 : vector<512x128xf32>
    %mul3A_2207 = arith.mulf %sub3A_2206, %sub3A_2206 : vector<512x128xf32>
    %reduce_sum3A_2208 = arith.constant dense<0.000000e+00> : vector<512xf32>
    %reduce_sum3A_2209 = vector.multi_reduction <add>, %mul3A_2207, %reduce_sum3A_2208 [1] : vector<512x128xf32> to vector<512xf32>
    %broadcast_in_dim3A_2210 = vector.shape_cast %reduce_sum3A_2209 : vector<512xf32> to vector<512x1xf32>
    %div3A_2211 = arith.constant 1.280000e+02 : f32
    %div3A_2212 = vector.broadcast %div3A_2211 : f32 to vector<512x1xf32>
    %div3A_2213 = arith.divf %broadcast_in_dim3A_2210, %div3A_2212 : vector<512x1xf32>
    %add3A_2214 = arith.constant 9.99999974E-6 : f32
    %add3A_2215 = vector.broadcast %add3A_2214 : f32 to vector<512x1xf32>
    %add3A_2216 = arith.addf %div3A_2213, %add3A_2215 : vector<512x1xf32>
    %rsqrt3A_2217 = math.rsqrt %add3A_2216 : vector<512x1xf32>
    %mul3A_2218 = vector.broadcast %rsqrt3A_2217 : vector<512x1xf32> to vector<512x128xf32>
    %mul3A_2219 = arith.mulf %sub3A_2206, %mul3A_2218 : vector<512x128xf32>
    %mul3A_2220 = vector.broadcast %get3A_92 : vector<1x128xf32> to vector<512x128xf32>
    %mul3A_2221 = arith.mulf %mul3A_2219, %mul3A_2220 : vector<512x128xf32>
    %add3A_2222 = vector.broadcast %get3A_95 : vector<1x128xf32> to vector<512x128xf32>
    %add3A_2223 = arith.addf %mul3A_2221, %add3A_2222 : vector<512x128xf32>
    %swap3A_2224 = arith.constant 0 : index
    %swap3A_2225 = arith.constant 0 : index
    %swap3A_2226 = arith.constant 11 : index
    %swap3A_2227 = arith.constant 0 : index
    %swap3A_2228 = vector.load %arg14[%swap3A_2224, %swap3A_2225, %swap3A_2226, %swap3A_2227] : memref<1x512x14x128xf32, #tpu.memory_space<vmem>>, vector<1x512x1x128xf32>
    %swap3A_2229 = vector.shape_cast %swap3A_2228 : vector<1x512x1x128xf32> to vector<512x128xf32>
    %swap3A_2230 = vector.shape_cast %add3A_2223 : vector<512x128xf32> to vector<1x512x1x128xf32>
    tpu.vector_store %arg14[%swap3A_2224, %swap3A_2225, %swap3A_2226, %swap3A_2227], %swap3A_2230 {strides = array<i32>} : memref<1x512x14x128xf32, #tpu.memory_space<vmem>>, vector<1x512x1x128xf32>,
    %slice3A_2231 = vector.extract_strided_slice %get3A_23 {offsets = [0, 12], sizes = [512, 1], strides = [1, 1]} : vector<512x14xi32> to vector<512x1xi32>
    %eq3A_2232 = arith.cmpi eq, %get3A_81, %slice3A_2231 : vector<512x1xi32>
    %slice3A_2233 = vector.extract_strided_slice %get3A_28 {offsets = [0, 12], sizes = [512, 1], strides = [1, 1]} : vector<512x14xi32> to vector<512x1xi32>
    %sub3A_2234 = arith.subi %add3A_76, %slice3A_2233 : vector<512x1xi32>
    %add3A_2235 = arith.constant 32 : i32
    %add3A_2236 = vector.broadcast %add3A_2235 : i32 to vector<512x1xi32>
    %add3A_2237 = arith.addi %sub3A_2234, %add3A_2236 : vector<512x1xi32>
    %jit3A_2238 = arith.constant 0 : i32
    %jit3A_2239 = arith.constant 64 : i32
    %max3A_2240 = vector.broadcast %jit3A_2238 : i32 to vector<512x1xi32>
    %max3A_2241 = arith.maxsi %max3A_2240, %add3A_2237 : vector<512x1xi32>
    %min3A_2242 = vector.broadcast %jit3A_2239 : i32 to vector<512x1xi32>
    %min3A_2243 = arith.minsi %min3A_2242, %max3A_2241 : vector<512x1xi32>
    %jit3A_2244 = arith.constant 65 : i32
    %broadcast_in_dim3A_2245 = vector.broadcast %jit3A_2244 : i32 to vector<512x1xi32>
    %select_n3A_2246 = arith.select %eq3A_2232, %min3A_2243, %broadcast_in_dim3A_2245 : vector<512x1xi1>, vector<512x1xi32>
    %eq3A_2247 = vector.broadcast %select_n3A_2246 : vector<512x1xi32> to vector<512x66xi32>
    %eq3A_2248 = arith.cmpi eq, %iota3A_82, %eq3A_2247 : vector<512x66xi32>
    %convert_element_type3A_2249 = arith.extui %eq3A_2248 : vector<512x66xi1> to vector<512x66xi32>
    %convert_element_type3A_2250 = arith.sitofp %convert_element_type3A_2249 : vector<512x66xi32> to vector<512x66xf32>
    %slice3A_2251 = vector.extract_strided_slice %cos3A {offsets = [0, 12], sizes = [512, 1], strides = [1, 1]} : vector<512x42xf32> to vector<512x1xf32>
    %convert_element_type3A_2252 = arith.fptosi %slice3A_2251 : vector<512x1xf32> to vector<512x1xi32>
    %add3A_2253 = arith.constant 32 : i32
    %add3A_2254 = vector.broadcast %add3A_2253 : i32 to vector<512x1xi32>
    %add3A_2255 = arith.addi %convert_element_type3A_2252, %add3A_2254 : vector<512x1xi32>
    %jit3A_2256 = arith.constant 0 : i32
    %jit3A_2257 = arith.constant 64 : i32
    %max3A_2258 = vector.broadcast %jit3A_2256 : i32 to vector<512x1xi32>
    %max3A_2259 = arith.maxsi %max3A_2258, %add3A_2255 : vector<512x1xi32>
    %min3A_2260 = vector.broadcast %jit3A_2257 : i32 to vector<512x1xi32>
    %min3A_2261 = arith.minsi %min3A_2260, %max3A_2259 : vector<512x1xi32>
    %jit3A_2262 = arith.constant 65 : i32
    %broadcast_in_dim3A_2263 = vector.broadcast %jit3A_2262 : i32 to vector<512x1xi32>
    %select_n3A_2264 = arith.select %eq3A_2232, %min3A_2261, %broadcast_in_dim3A_2263 : vector<512x1xi1>, vector<512x1xi32>
    %eq3A_2265 = vector.broadcast %select_n3A_2264 : vector<512x1xi32> to vector<512x66xi32>
    %eq3A_2266 = arith.cmpi eq, %iota3A_82, %eq3A_2265 : vector<512x66xi32>
    %convert_element_type3A_2267 = arith.extui %eq3A_2266 : vector<512x66xi1> to vector<512x66xi32>
    %convert_element_type3A_2268 = arith.sitofp %convert_element_type3A_2267 : vector<512x66xi32> to vector<512x66xf32>
    %slice3A_2269 = vector.extract_strided_slice %sin3A {offsets = [0, 12], sizes = [512, 1], strides = [1, 1]} : vector<512x42xf32> to vector<512x1xf32>
    %convert_element_type3A_2270 = arith.fptosi %slice3A_2269 : vector<512x1xf32> to vector<512x1xi32>
    %add3A_2271 = arith.constant 32 : i32
    %add3A_2272 = vector.broadcast %add3A_2271 : i32 to vector<512x1xi32>
    %add3A_2273 = arith.addi %convert_element_type3A_2270, %add3A_2272 : vector<512x1xi32>
    %jit3A_2274 = arith.constant 0 : i32
    %jit3A_2275 = arith.constant 64 : i32
    %max3A_2276 = vector.broadcast %jit3A_2274 : i32 to vector<512x1xi32>
    %max3A_2277 = arith.maxsi %max3A_2276, %add3A_2273 : vector<512x1xi32>
    %min3A_2278 = vector.broadcast %jit3A_2275 : i32 to vector<512x1xi32>
    %min3A_2279 = arith.minsi %min3A_2278, %max3A_2277 : vector<512x1xi32>
    %jit3A_2280 = arith.constant 65 : i32
    %broadcast_in_dim3A_2281 = vector.broadcast %jit3A_2280 : i32 to vector<512x1xi32>
    %select_n3A_2282 = arith.select %eq3A_2232, %min3A_2279, %broadcast_in_dim3A_2281 : vector<512x1xi1>, vector<512x1xi32>
    %eq3A_2283 = vector.broadcast %select_n3A_2282 : vector<512x1xi32> to vector<512x66xi32>
    %eq3A_2284 = arith.cmpi eq, %iota3A_82, %eq3A_2283 : vector<512x66xi32>
    %convert_element_type3A_2285 = arith.extui %eq3A_2284 : vector<512x66xi1> to vector<512x66xi32>
    %convert_element_type3A_2286 = arith.sitofp %convert_element_type3A_2285 : vector<512x66xi32> to vector<512x66xf32>
    %slice3A_2287 = vector.extract_strided_slice %cos3A {offsets = [0, 26], sizes = [512, 1], strides = [1, 1]} : vector<512x42xf32> to vector<512x1xf32>
    %convert_element_type3A_2288 = arith.fptosi %slice3A_2287 : vector<512x1xf32> to vector<512x1xi32>
    %add3A_2289 = arith.constant 32 : i32
    %add3A_2290 = vector.broadcast %add3A_2289 : i32 to vector<512x1xi32>
    %add3A_2291 = arith.addi %convert_element_type3A_2288, %add3A_2290 : vector<512x1xi32>
    %jit3A_2292 = arith.constant 0 : i32
    %jit3A_2293 = arith.constant 64 : i32
    %max3A_2294 = vector.broadcast %jit3A_2292 : i32 to vector<512x1xi32>
    %max3A_2295 = arith.maxsi %max3A_2294, %add3A_2291 : vector<512x1xi32>
    %min3A_2296 = vector.broadcast %jit3A_2293 : i32 to vector<512x1xi32>
    %min3A_2297 = arith.minsi %min3A_2296, %max3A_2295 : vector<512x1xi32>
    %jit3A_2298 = arith.constant 65 : i32
    %broadcast_in_dim3A_2299 = vector.broadcast %jit3A_2298 : i32 to vector<512x1xi32>
    %select_n3A_2300 = arith.select %eq3A_2232, %min3A_2297, %broadcast_in_dim3A_2299 : vector<512x1xi1>, vector<512x1xi32>
    %eq3A_2301 = vector.broadcast %select_n3A_2300 : vector<512x1xi32> to vector<512x66xi32>
    %eq3A_2302 = arith.cmpi eq, %iota3A_82, %eq3A_2301 : vector<512x66xi32>
    %convert_element_type3A_2303 = arith.extui %eq3A_2302 : vector<512x66xi1> to vector<512x66xi32>
    %convert_element_type3A_2304 = arith.sitofp %convert_element_type3A_2303 : vector<512x66xi32> to vector<512x66xf32>
    %slice3A_2305 = vector.extract_strided_slice %sin3A {offsets = [0, 26], sizes = [512, 1], strides = [1, 1]} : vector<512x42xf32> to vector<512x1xf32>
    %convert_element_type3A_2306 = arith.fptosi %slice3A_2305 : vector<512x1xf32> to vector<512x1xi32>
    %add3A_2307 = arith.constant 32 : i32
    %add3A_2308 = vector.broadcast %add3A_2307 : i32 to vector<512x1xi32>
    %add3A_2309 = arith.addi %convert_element_type3A_2306, %add3A_2308 : vector<512x1xi32>
    %jit3A_2310 = arith.constant 0 : i32
    %jit3A_2311 = arith.constant 64 : i32
    %max3A_2312 = vector.broadcast %jit3A_2310 : i32 to vector<512x1xi32>
    %max3A_2313 = arith.maxsi %max3A_2312, %add3A_2309 : vector<512x1xi32>
    %min3A_2314 = vector.broadcast %jit3A_2311 : i32 to vector<512x1xi32>
    %min3A_2315 = arith.minsi %min3A_2314, %max3A_2313 : vector<512x1xi32>
    %jit3A_2316 = arith.constant 65 : i32
    %broadcast_in_dim3A_2317 = vector.broadcast %jit3A_2316 : i32 to vector<512x1xi32>
    %select_n3A_2318 = arith.select %eq3A_2232, %min3A_2315, %broadcast_in_dim3A_2317 : vector<512x1xi1>, vector<512x1xi32>
    %eq3A_2319 = vector.broadcast %select_n3A_2318 : vector<512x1xi32> to vector<512x66xi32>
    %eq3A_2320 = arith.cmpi eq, %iota3A_82, %eq3A_2319 : vector<512x66xi32>
    %convert_element_type3A_2321 = arith.extui %eq3A_2320 : vector<512x66xi1> to vector<512x66xi32>
    %convert_element_type3A_2322 = arith.sitofp %convert_element_type3A_2321 : vector<512x66xi32> to vector<512x66xf32>
    %slice3A_2323 = vector.extract_strided_slice %cos3A {offsets = [0, 40], sizes = [512, 1], strides = [1, 1]} : vector<512x42xf32> to vector<512x1xf32>
    %convert_element_type3A_2324 = arith.fptosi %slice3A_2323 : vector<512x1xf32> to vector<512x1xi32>
    %add3A_2325 = arith.constant 32 : i32
    %add3A_2326 = vector.broadcast %add3A_2325 : i32 to vector<512x1xi32>
    %add3A_2327 = arith.addi %convert_element_type3A_2324, %add3A_2326 : vector<512x1xi32>
    %jit3A_2328 = arith.constant 0 : i32
    %jit3A_2329 = arith.constant 64 : i32
    %max3A_2330 = vector.broadcast %jit3A_2328 : i32 to vector<512x1xi32>
    %max3A_2331 = arith.maxsi %max3A_2330, %add3A_2327 : vector<512x1xi32>
    %min3A_2332 = vector.broadcast %jit3A_2329 : i32 to vector<512x1xi32>
    %min3A_2333 = arith.minsi %min3A_2332, %max3A_2331 : vector<512x1xi32>
    %jit3A_2334 = arith.constant 65 : i32
    %broadcast_in_dim3A_2335 = vector.broadcast %jit3A_2334 : i32 to vector<512x1xi32>
    %select_n3A_2336 = arith.select %eq3A_2232, %min3A_2333, %broadcast_in_dim3A_2335 : vector<512x1xi1>, vector<512x1xi32>
    %eq3A_2337 = vector.broadcast %select_n3A_2336 : vector<512x1xi32> to vector<512x66xi32>
    %eq3A_2338 = arith.cmpi eq, %iota3A_82, %eq3A_2337 : vector<512x66xi32>
    %convert_element_type3A_2339 = arith.extui %eq3A_2338 : vector<512x66xi1> to vector<512x66xi32>
    %convert_element_type3A_2340 = arith.sitofp %convert_element_type3A_2339 : vector<512x66xi32> to vector<512x66xf32>
    %slice3A_2341 = vector.extract_strided_slice %sin3A {offsets = [0, 40], sizes = [512, 1], strides = [1, 1]} : vector<512x42xf32> to vector<512x1xf32>
    %convert_element_type3A_2342 = arith.fptosi %slice3A_2341 : vector<512x1xf32> to vector<512x1xi32>
    %add3A_2343 = arith.constant 32 : i32
    %add3A_2344 = vector.broadcast %add3A_2343 : i32 to vector<512x1xi32>
    %add3A_2345 = arith.addi %convert_element_type3A_2342, %add3A_2344 : vector<512x1xi32>
    %jit3A_2346 = arith.constant 0 : i32
    %jit3A_2347 = arith.constant 64 : i32
    %max3A_2348 = vector.broadcast %jit3A_2346 : i32 to vector<512x1xi32>
    %max3A_2349 = arith.maxsi %max3A_2348, %add3A_2345 : vector<512x1xi32>
    %min3A_2350 = vector.broadcast %jit3A_2347 : i32 to vector<512x1xi32>
    %min3A_2351 = arith.minsi %min3A_2350, %max3A_2349 : vector<512x1xi32>
    %jit3A_2352 = arith.constant 65 : i32
    %broadcast_in_dim3A_2353 = vector.broadcast %jit3A_2352 : i32 to vector<512x1xi32>
    %select_n3A_2354 = arith.select %eq3A_2232, %min3A_2351, %broadcast_in_dim3A_2353 : vector<512x1xi1>, vector<512x1xi32>
    %eq3A_2355 = vector.broadcast %select_n3A_2354 : vector<512x1xi32> to vector<512x66xi32>
    %eq3A_2356 = arith.cmpi eq, %iota3A_82, %eq3A_2355 : vector<512x66xi32>
    %convert_element_type3A_2357 = arith.extui %eq3A_2356 : vector<512x66xi1> to vector<512x66xi32>
    %convert_element_type3A_2358 = arith.sitofp %convert_element_type3A_2357 : vector<512x66xi32> to vector<512x66xf32>
    %slice3A_2359 = vector.extract_strided_slice %get3A_18 {offsets = [0, 12], sizes = [512, 1], strides = [1, 1]} : vector<512x14xf32> to vector<512x1xf32>
    %sub3A_2360 = vector.broadcast %slice3A_2359 : vector<512x1xf32> to vector<512x16xf32>
    %sub3A_2361 = vector.broadcast %add3A_89 : vector<1x16xf32> to vector<512x16xf32>
    %sub3A_2362 = arith.subf %sub3A_2360, %sub3A_2361 : vector<512x16xf32>
    %div3A_2363 = arith.constant 1.250000e+00 : f32
    %div3A_2364 = vector.broadcast %div3A_2363 : f32 to vector<512x16xf32>
    %div3A_2365 = arith.divf %sub3A_2362, %div3A_2364 : vector<512x16xf32>
    %integer_pow3A_2366 = arith.mulf %div3A_2365, %div3A_2365 : vector<512x16xf32>
    %neg3A_2367 = arith.constant 0.000000e+00 : f32
    %neg3A_2368 = vector.broadcast %neg3A_2367 : f32 to vector<512x16xf32>
    %neg3A_2369 = arith.subf %neg3A_2368, %integer_pow3A_2366 : vector<512x16xf32>
    %exp3A_2370 = math.exp %neg3A_2369 : vector<512x16xf32>
    %broadcast_in_dim3A_2371 = arith.constant 0.000000e+00 : f32
    %broadcast_in_dim3A_2372 = vector.broadcast %broadcast_in_dim3A_2371 : f32 to vector<512x34xf32>
    %concatenate3A_2373 = tpu.concatenate %convert_element_type3A_2250, %convert_element_type3A_2268, %convert_element_type3A_2286, %convert_element_type3A_2304, %convert_element_type3A_2322, %convert_element_type3A_2340, %convert_element_type3A_2358, %exp3A_2370, %broadcast_in_dim3A_2372 in 1 : vector<512x66xf32>, vector<512x66xf32>, vector<512x66xf32>, vector<512x66xf32>, vector<512x66xf32>, vector<512x66xf32>, vector<512x66xf32>, vector<512x16xf32>, vector<512x34xf32> -> vector<512x512xf32>
    %dot_general3A_2374 = arith.constant dense<0.000000e+00> : vector<512x128xf32>
    %dot_general3A_2375 = tpu.matmul %concatenate3A_2373, %concatenate3A_56, %dot_general3A_2374 {dimension_numbers = #tpu.dot_dimension_numbers<[1], [0], [0], [1], [0, 0, 1, 1], [], []>, transpose_lhs_hint = false} : vector<512x512xf32>, vector<512x128xf32>, vector<512x128xf32> -> vector<512x128xf32>
    %add3A_2376 = vector.broadcast %dot_general3A_73 : vector<1x128xf32> to vector<512x128xf32>
    %add3A_2377 = arith.addf %dot_general3A_2375, %add3A_2376 : vector<512x128xf32>
    %reduce_sum3A_2378 = arith.constant dense<0.000000e+00> : vector<512xf32>
    %reduce_sum3A_2379 = vector.multi_reduction <add>, %add3A_2377, %reduce_sum3A_2378 [1] : vector<512x128xf32> to vector<512xf32>
    %broadcast_in_dim3A_2380 = vector.shape_cast %reduce_sum3A_2379 : vector<512xf32> to vector<512x1xf32>
    %div3A_2381 = arith.constant 1.280000e+02 : f32
    %div3A_2382 = vector.broadcast %div3A_2381 : f32 to vector<512x1xf32>
    %div3A_2383 = arith.divf %broadcast_in_dim3A_2380, %div3A_2382 : vector<512x1xf32>
    %sub3A_2384 = vector.broadcast %div3A_2383 : vector<512x1xf32> to vector<512x128xf32>
    %sub3A_2385 = arith.subf %add3A_2377, %sub3A_2384 : vector<512x128xf32>
    %mul3A_2386 = arith.mulf %sub3A_2385, %sub3A_2385 : vector<512x128xf32>
    %reduce_sum3A_2387 = arith.constant dense<0.000000e+00> : vector<512xf32>
    %reduce_sum3A_2388 = vector.multi_reduction <add>, %mul3A_2386, %reduce_sum3A_2387 [1] : vector<512x128xf32> to vector<512xf32>
    %broadcast_in_dim3A_2389 = vector.shape_cast %reduce_sum3A_2388 : vector<512xf32> to vector<512x1xf32>
    %div3A_2390 = arith.constant 1.280000e+02 : f32
    %div3A_2391 = vector.broadcast %div3A_2390 : f32 to vector<512x1xf32>
    %div3A_2392 = arith.divf %broadcast_in_dim3A_2389, %div3A_2391 : vector<512x1xf32>
    %add3A_2393 = arith.constant 9.99999974E-6 : f32
    %add3A_2394 = vector.broadcast %add3A_2393 : f32 to vector<512x1xf32>
    %add3A_2395 = arith.addf %div3A_2392, %add3A_2394 : vector<512x1xf32>
    %rsqrt3A_2396 = math.rsqrt %add3A_2395 : vector<512x1xf32>
    %mul3A_2397 = vector.broadcast %rsqrt3A_2396 : vector<512x1xf32> to vector<512x128xf32>
    %mul3A_2398 = arith.mulf %sub3A_2385, %mul3A_2397 : vector<512x128xf32>
    %mul3A_2399 = vector.broadcast %get3A_92 : vector<1x128xf32> to vector<512x128xf32>
    %mul3A_2400 = arith.mulf %mul3A_2398, %mul3A_2399 : vector<512x128xf32>
    %add3A_2401 = vector.broadcast %get3A_95 : vector<1x128xf32> to vector<512x128xf32>
    %add3A_2402 = arith.addf %mul3A_2400, %add3A_2401 : vector<512x128xf32>
    %swap3A_2403 = arith.constant 0 : index
    %swap3A_2404 = arith.constant 0 : index
    %swap3A_2405 = arith.constant 12 : index
    %swap3A_2406 = arith.constant 0 : index
    %swap3A_2407 = vector.load %arg14[%swap3A_2403, %swap3A_2404, %swap3A_2405, %swap3A_2406] : memref<1x512x14x128xf32, #tpu.memory_space<vmem>>, vector<1x512x1x128xf32>
    %swap3A_2408 = vector.shape_cast %swap3A_2407 : vector<1x512x1x128xf32> to vector<512x128xf32>
    %swap3A_2409 = vector.shape_cast %add3A_2402 : vector<512x128xf32> to vector<1x512x1x128xf32>
    tpu.vector_store %arg14[%swap3A_2403, %swap3A_2404, %swap3A_2405, %swap3A_2406], %swap3A_2409 {strides = array<i32>} : memref<1x512x14x128xf32, #tpu.memory_space<vmem>>, vector<1x512x1x128xf32>,
    %slice3A_2410 = vector.extract_strided_slice %get3A_23 {offsets = [0, 13], sizes = [512, 1], strides = [1, 1]} : vector<512x14xi32> to vector<512x1xi32>
    %eq3A_2411 = arith.cmpi eq, %get3A_81, %slice3A_2410 : vector<512x1xi32>
    %slice3A_2412 = vector.extract_strided_slice %get3A_28 {offsets = [0, 13], sizes = [512, 1], strides = [1, 1]} : vector<512x14xi32> to vector<512x1xi32>
    %sub3A_2413 = arith.subi %add3A_76, %slice3A_2412 : vector<512x1xi32>
    %add3A_2414 = arith.constant 32 : i32
    %add3A_2415 = vector.broadcast %add3A_2414 : i32 to vector<512x1xi32>
    %add3A_2416 = arith.addi %sub3A_2413, %add3A_2415 : vector<512x1xi32>
    %jit3A_2417 = arith.constant 0 : i32
    %jit3A_2418 = arith.constant 64 : i32
    %max3A_2419 = vector.broadcast %jit3A_2417 : i32 to vector<512x1xi32>
    %max3A_2420 = arith.maxsi %max3A_2419, %add3A_2416 : vector<512x1xi32>
    %min3A_2421 = vector.broadcast %jit3A_2418 : i32 to vector<512x1xi32>
    %min3A_2422 = arith.minsi %min3A_2421, %max3A_2420 : vector<512x1xi32>
    %jit3A_2423 = arith.constant 65 : i32
    %broadcast_in_dim3A_2424 = vector.broadcast %jit3A_2423 : i32 to vector<512x1xi32>
    %select_n3A_2425 = arith.select %eq3A_2411, %min3A_2422, %broadcast_in_dim3A_2424 : vector<512x1xi1>, vector<512x1xi32>
    %eq3A_2426 = vector.broadcast %select_n3A_2425 : vector<512x1xi32> to vector<512x66xi32>
    %eq3A_2427 = arith.cmpi eq, %iota3A_82, %eq3A_2426 : vector<512x66xi32>
    %convert_element_type3A_2428 = arith.extui %eq3A_2427 : vector<512x66xi1> to vector<512x66xi32>
    %convert_element_type3A_2429 = arith.sitofp %convert_element_type3A_2428 : vector<512x66xi32> to vector<512x66xf32>
    %slice3A_2430 = vector.extract_strided_slice %cos3A {offsets = [0, 13], sizes = [512, 1], strides = [1, 1]} : vector<512x42xf32> to vector<512x1xf32>
    %convert_element_type3A_2431 = arith.fptosi %slice3A_2430 : vector<512x1xf32> to vector<512x1xi32>
    %add3A_2432 = arith.constant 32 : i32
    %add3A_2433 = vector.broadcast %add3A_2432 : i32 to vector<512x1xi32>
    %add3A_2434 = arith.addi %convert_element_type3A_2431, %add3A_2433 : vector<512x1xi32>
    %jit3A_2435 = arith.constant 0 : i32
    %jit3A_2436 = arith.constant 64 : i32
    %max3A_2437 = vector.broadcast %jit3A_2435 : i32 to vector<512x1xi32>
    %max3A_2438 = arith.maxsi %max3A_2437, %add3A_2434 : vector<512x1xi32>
    %min3A_2439 = vector.broadcast %jit3A_2436 : i32 to vector<512x1xi32>
    %min3A_2440 = arith.minsi %min3A_2439, %max3A_2438 : vector<512x1xi32>
    %jit3A_2441 = arith.constant 65 : i32
    %broadcast_in_dim3A_2442 = vector.broadcast %jit3A_2441 : i32 to vector<512x1xi32>
    %select_n3A_2443 = arith.select %eq3A_2411, %min3A_2440, %broadcast_in_dim3A_2442 : vector<512x1xi1>, vector<512x1xi32>
    %eq3A_2444 = vector.broadcast %select_n3A_2443 : vector<512x1xi32> to vector<512x66xi32>
    %eq3A_2445 = arith.cmpi eq, %iota3A_82, %eq3A_2444 : vector<512x66xi32>
    %convert_element_type3A_2446 = arith.extui %eq3A_2445 : vector<512x66xi1> to vector<512x66xi32>
    %convert_element_type3A_2447 = arith.sitofp %convert_element_type3A_2446 : vector<512x66xi32> to vector<512x66xf32>
    %slice3A_2448 = vector.extract_strided_slice %sin3A {offsets = [0, 13], sizes = [512, 1], strides = [1, 1]} : vector<512x42xf32> to vector<512x1xf32>
    %convert_element_type3A_2449 = arith.fptosi %slice3A_2448 : vector<512x1xf32> to vector<512x1xi32>
    %add3A_2450 = arith.constant 32 : i32
    %add3A_2451 = vector.broadcast %add3A_2450 : i32 to vector<512x1xi32>
    %add3A_2452 = arith.addi %convert_element_type3A_2449, %add3A_2451 : vector<512x1xi32>
    %jit3A_2453 = arith.constant 0 : i32
    %jit3A_2454 = arith.constant 64 : i32
    %max3A_2455 = vector.broadcast %jit3A_2453 : i32 to vector<512x1xi32>
    %max3A_2456 = arith.maxsi %max3A_2455, %add3A_2452 : vector<512x1xi32>
    %min3A_2457 = vector.broadcast %jit3A_2454 : i32 to vector<512x1xi32>
    %min3A_2458 = arith.minsi %min3A_2457, %max3A_2456 : vector<512x1xi32>
    %jit3A_2459 = arith.constant 65 : i32
    %broadcast_in_dim3A_2460 = vector.broadcast %jit3A_2459 : i32 to vector<512x1xi32>
    %select_n3A_2461 = arith.select %eq3A_2411, %min3A_2458, %broadcast_in_dim3A_2460 : vector<512x1xi1>, vector<512x1xi32>
    %eq3A_2462 = vector.broadcast %select_n3A_2461 : vector<512x1xi32> to vector<512x66xi32>
    %eq3A_2463 = arith.cmpi eq, %iota3A_82, %eq3A_2462 : vector<512x66xi32>
    %convert_element_type3A_2464 = arith.extui %eq3A_2463 : vector<512x66xi1> to vector<512x66xi32>
    %convert_element_type3A_2465 = arith.sitofp %convert_element_type3A_2464 : vector<512x66xi32> to vector<512x66xf32>
    %slice3A_2466 = vector.extract_strided_slice %cos3A {offsets = [0, 27], sizes = [512, 1], strides = [1, 1]} : vector<512x42xf32> to vector<512x1xf32>
    %convert_element_type3A_2467 = arith.fptosi %slice3A_2466 : vector<512x1xf32> to vector<512x1xi32>
    %add3A_2468 = arith.constant 32 : i32
    %add3A_2469 = vector.broadcast %add3A_2468 : i32 to vector<512x1xi32>
    %add3A_2470 = arith.addi %convert_element_type3A_2467, %add3A_2469 : vector<512x1xi32>
    %jit3A_2471 = arith.constant 0 : i32
    %jit3A_2472 = arith.constant 64 : i32
    %max3A_2473 = vector.broadcast %jit3A_2471 : i32 to vector<512x1xi32>
    %max3A_2474 = arith.maxsi %max3A_2473, %add3A_2470 : vector<512x1xi32>
    %min3A_2475 = vector.broadcast %jit3A_2472 : i32 to vector<512x1xi32>
    %min3A_2476 = arith.minsi %min3A_2475, %max3A_2474 : vector<512x1xi32>
    %jit3A_2477 = arith.constant 65 : i32
    %broadcast_in_dim3A_2478 = vector.broadcast %jit3A_2477 : i32 to vector<512x1xi32>
    %select_n3A_2479 = arith.select %eq3A_2411, %min3A_2476, %broadcast_in_dim3A_2478 : vector<512x1xi1>, vector<512x1xi32>
    %eq3A_2480 = vector.broadcast %select_n3A_2479 : vector<512x1xi32> to vector<512x66xi32>
    %eq3A_2481 = arith.cmpi eq, %iota3A_82, %eq3A_2480 : vector<512x66xi32>
    %convert_element_type3A_2482 = arith.extui %eq3A_2481 : vector<512x66xi1> to vector<512x66xi32>
    %convert_element_type3A_2483 = arith.sitofp %convert_element_type3A_2482 : vector<512x66xi32> to vector<512x66xf32>
    %slice3A_2484 = vector.extract_strided_slice %sin3A {offsets = [0, 27], sizes = [512, 1], strides = [1, 1]} : vector<512x42xf32> to vector<512x1xf32>
    %convert_element_type3A_2485 = arith.fptosi %slice3A_2484 : vector<512x1xf32> to vector<512x1xi32>
    %add3A_2486 = arith.constant 32 : i32
    %add3A_2487 = vector.broadcast %add3A_2486 : i32 to vector<512x1xi32>
    %add3A_2488 = arith.addi %convert_element_type3A_2485, %add3A_2487 : vector<512x1xi32>
    %jit3A_2489 = arith.constant 0 : i32
    %jit3A_2490 = arith.constant 64 : i32
    %max3A_2491 = vector.broadcast %jit3A_2489 : i32 to vector<512x1xi32>
    %max3A_2492 = arith.maxsi %max3A_2491, %add3A_2488 : vector<512x1xi32>
    %min3A_2493 = vector.broadcast %jit3A_2490 : i32 to vector<512x1xi32>
    %min3A_2494 = arith.minsi %min3A_2493, %max3A_2492 : vector<512x1xi32>
    %jit3A_2495 = arith.constant 65 : i32
    %broadcast_in_dim3A_2496 = vector.broadcast %jit3A_2495 : i32 to vector<512x1xi32>
    %select_n3A_2497 = arith.select %eq3A_2411, %min3A_2494, %broadcast_in_dim3A_2496 : vector<512x1xi1>, vector<512x1xi32>
    %eq3A_2498 = vector.broadcast %select_n3A_2497 : vector<512x1xi32> to vector<512x66xi32>
    %eq3A_2499 = arith.cmpi eq, %iota3A_82, %eq3A_2498 : vector<512x66xi32>
    %convert_element_type3A_2500 = arith.extui %eq3A_2499 : vector<512x66xi1> to vector<512x66xi32>
    %convert_element_type3A_2501 = arith.sitofp %convert_element_type3A_2500 : vector<512x66xi32> to vector<512x66xf32>
    %slice3A_2502 = vector.extract_strided_slice %cos3A {offsets = [0, 41], sizes = [512, 1], strides = [1, 1]} : vector<512x42xf32> to vector<512x1xf32>
    %convert_element_type3A_2503 = arith.fptosi %slice3A_2502 : vector<512x1xf32> to vector<512x1xi32>
    %add3A_2504 = arith.constant 32 : i32
    %add3A_2505 = vector.broadcast %add3A_2504 : i32 to vector<512x1xi32>
    %add3A_2506 = arith.addi %convert_element_type3A_2503, %add3A_2505 : vector<512x1xi32>
    %jit3A_2507 = arith.constant 0 : i32
    %jit3A_2508 = arith.constant 64 : i32
    %max3A_2509 = vector.broadcast %jit3A_2507 : i32 to vector<512x1xi32>
    %max3A_2510 = arith.maxsi %max3A_2509, %add3A_2506 : vector<512x1xi32>
    %min3A_2511 = vector.broadcast %jit3A_2508 : i32 to vector<512x1xi32>
    %min3A_2512 = arith.minsi %min3A_2511, %max3A_2510 : vector<512x1xi32>
    %jit3A_2513 = arith.constant 65 : i32
    %broadcast_in_dim3A_2514 = vector.broadcast %jit3A_2513 : i32 to vector<512x1xi32>
    %select_n3A_2515 = arith.select %eq3A_2411, %min3A_2512, %broadcast_in_dim3A_2514 : vector<512x1xi1>, vector<512x1xi32>
    %eq3A_2516 = vector.broadcast %select_n3A_2515 : vector<512x1xi32> to vector<512x66xi32>
    %eq3A_2517 = arith.cmpi eq, %iota3A_82, %eq3A_2516 : vector<512x66xi32>
    %convert_element_type3A_2518 = arith.extui %eq3A_2517 : vector<512x66xi1> to vector<512x66xi32>
    %convert_element_type3A_2519 = arith.sitofp %convert_element_type3A_2518 : vector<512x66xi32> to vector<512x66xf32>
    %slice3A_2520 = vector.extract_strided_slice %sin3A {offsets = [0, 41], sizes = [512, 1], strides = [1, 1]} : vector<512x42xf32> to vector<512x1xf32>
    %convert_element_type3A_2521 = arith.fptosi %slice3A_2520 : vector<512x1xf32> to vector<512x1xi32>
    %add3A_2522 = arith.constant 32 : i32
    %add3A_2523 = vector.broadcast %add3A_2522 : i32 to vector<512x1xi32>
    %add3A_2524 = arith.addi %convert_element_type3A_2521, %add3A_2523 : vector<512x1xi32>
    %jit3A_2525 = arith.constant 0 : i32
    %jit3A_2526 = arith.constant 64 : i32
    %max3A_2527 = vector.broadcast %jit3A_2525 : i32 to vector<512x1xi32>
    %max3A_2528 = arith.maxsi %max3A_2527, %add3A_2524 : vector<512x1xi32>
    %min3A_2529 = vector.broadcast %jit3A_2526 : i32 to vector<512x1xi32>
    %min3A_2530 = arith.minsi %min3A_2529, %max3A_2528 : vector<512x1xi32>
    %jit3A_2531 = arith.constant 65 : i32
    %broadcast_in_dim3A_2532 = vector.broadcast %jit3A_2531 : i32 to vector<512x1xi32>
    %select_n3A_2533 = arith.select %eq3A_2411, %min3A_2530, %broadcast_in_dim3A_2532 : vector<512x1xi1>, vector<512x1xi32>
    %eq3A_2534 = vector.broadcast %select_n3A_2533 : vector<512x1xi32> to vector<512x66xi32>
    %eq3A_2535 = arith.cmpi eq, %iota3A_82, %eq3A_2534 : vector<512x66xi32>
    %convert_element_type3A_2536 = arith.extui %eq3A_2535 : vector<512x66xi1> to vector<512x66xi32>
    %convert_element_type3A_2537 = arith.sitofp %convert_element_type3A_2536 : vector<512x66xi32> to vector<512x66xf32>
    %slice3A_2538 = vector.extract_strided_slice %get3A_18 {offsets = [0, 13], sizes = [512, 1], strides = [1, 1]} : vector<512x14xf32> to vector<512x1xf32>
    %sub3A_2539 = vector.broadcast %slice3A_2538 : vector<512x1xf32> to vector<512x16xf32>
    %sub3A_2540 = vector.broadcast %add3A_89 : vector<1x16xf32> to vector<512x16xf32>
    %sub3A_2541 = arith.subf %sub3A_2539, %sub3A_2540 : vector<512x16xf32>
    %div3A_2542 = arith.constant 1.250000e+00 : f32
    %div3A_2543 = vector.broadcast %div3A_2542 : f32 to vector<512x16xf32>
    %div3A_2544 = arith.divf %sub3A_2541, %div3A_2543 : vector<512x16xf32>
    %integer_pow3A_2545 = arith.mulf %div3A_2544, %div3A_2544 : vector<512x16xf32>
    %neg3A_2546 = arith.constant 0.000000e+00 : f32
    %neg3A_2547 = vector.broadcast %neg3A_2546 : f32 to vector<512x16xf32>
    %neg3A_2548 = arith.subf %neg3A_2547, %integer_pow3A_2545 : vector<512x16xf32>
    %exp3A_2549 = math.exp %neg3A_2548 : vector<512x16xf32>
    %broadcast_in_dim3A_2550 = arith.constant 0.000000e+00 : f32
    %broadcast_in_dim3A_2551 = vector.broadcast %broadcast_in_dim3A_2550 : f32 to vector<512x34xf32>
    %concatenate3A_2552 = tpu.concatenate %convert_element_type3A_2429, %convert_element_type3A_2447, %convert_element_type3A_2465, %convert_element_type3A_2483, %convert_element_type3A_2501, %convert_element_type3A_2519, %convert_element_type3A_2537, %exp3A_2549, %broadcast_in_dim3A_2551 in 1 : vector<512x66xf32>, vector<512x66xf32>, vector<512x66xf32>, vector<512x66xf32>, vector<512x66xf32>, vector<512x66xf32>, vector<512x66xf32>, vector<512x16xf32>, vector<512x34xf32> -> vector<512x512xf32>
    %dot_general3A_2553 = arith.constant dense<0.000000e+00> : vector<512x128xf32>
    %dot_general3A_2554 = tpu.matmul %concatenate3A_2552, %concatenate3A_56, %dot_general3A_2553 {dimension_numbers = #tpu.dot_dimension_numbers<[1], [0], [0], [1], [0, 0, 1, 1], [], []>, transpose_lhs_hint = false} : vector<512x512xf32>, vector<512x128xf32>, vector<512x128xf32> -> vector<512x128xf32>
    %add3A_2555 = vector.broadcast %dot_general3A_73 : vector<1x128xf32> to vector<512x128xf32>
    %add3A_2556 = arith.addf %dot_general3A_2554, %add3A_2555 : vector<512x128xf32>
    %reduce_sum3A_2557 = arith.constant dense<0.000000e+00> : vector<512xf32>
    %reduce_sum3A_2558 = vector.multi_reduction <add>, %add3A_2556, %reduce_sum3A_2557 [1] : vector<512x128xf32> to vector<512xf32>
    %broadcast_in_dim3A_2559 = vector.shape_cast %reduce_sum3A_2558 : vector<512xf32> to vector<512x1xf32>
    %div3A_2560 = arith.constant 1.280000e+02 : f32
    %div3A_2561 = vector.broadcast %div3A_2560 : f32 to vector<512x1xf32>
    %div3A_2562 = arith.divf %broadcast_in_dim3A_2559, %div3A_2561 : vector<512x1xf32>
    %sub3A_2563 = vector.broadcast %div3A_2562 : vector<512x1xf32> to vector<512x128xf32>
    %sub3A_2564 = arith.subf %add3A_2556, %sub3A_2563 : vector<512x128xf32>
    %mul3A_2565 = arith.mulf %sub3A_2564, %sub3A_2564 : vector<512x128xf32>
    %reduce_sum3A_2566 = arith.constant dense<0.000000e+00> : vector<512xf32>
    %reduce_sum3A_2567 = vector.multi_reduction <add>, %mul3A_2565, %reduce_sum3A_2566 [1] : vector<512x128xf32> to vector<512xf32>
    %broadcast_in_dim3A_2568 = vector.shape_cast %reduce_sum3A_2567 : vector<512xf32> to vector<512x1xf32>
    %div3A_2569 = arith.constant 1.280000e+02 : f32
    %div3A_2570 = vector.broadcast %div3A_2569 : f32 to vector<512x1xf32>
    %div3A_2571 = arith.divf %broadcast_in_dim3A_2568, %div3A_2570 : vector<512x1xf32>
    %add3A_2572 = arith.constant 9.99999974E-6 : f32
    %add3A_2573 = vector.broadcast %add3A_2572 : f32 to vector<512x1xf32>
    %add3A_2574 = arith.addf %div3A_2571, %add3A_2573 : vector<512x1xf32>
    %rsqrt3A_2575 = math.rsqrt %add3A_2574 : vector<512x1xf32>
    %mul3A_2576 = vector.broadcast %rsqrt3A_2575 : vector<512x1xf32> to vector<512x128xf32>
    %mul3A_2577 = arith.mulf %sub3A_2564, %mul3A_2576 : vector<512x128xf32>
    %mul3A_2578 = vector.broadcast %get3A_92 : vector<1x128xf32> to vector<512x128xf32>
    %mul3A_2579 = arith.mulf %mul3A_2577, %mul3A_2578 : vector<512x128xf32>
    %add3A_2580 = vector.broadcast %get3A_95 : vector<1x128xf32> to vector<512x128xf32>
    %add3A_2581 = arith.addf %mul3A_2579, %add3A_2580 : vector<512x128xf32>
    %swap3A_2582 = arith.constant 0 : index
    %swap3A_2583 = arith.constant 0 : index
    %swap3A_2584 = arith.constant 13 : index
    %swap3A_2585 = arith.constant 0 : index
    %swap3A_2586 = vector.load %arg14[%swap3A_2582, %swap3A_2583, %swap3A_2584, %swap3A_2585] : memref<1x512x14x128xf32, #tpu.memory_space<vmem>>, vector<1x512x1x128xf32>
    %swap3A_2587 = vector.shape_cast %swap3A_2586 : vector<1x512x1x128xf32> to vector<512x128xf32>
    %swap3A_2588 = vector.shape_cast %add3A_2581 : vector<512x128xf32> to vector<1x512x1x128xf32>
    tpu.vector_store %arg14[%swap3A_2582, %swap3A_2583, %swap3A_2584, %swap3A_2585], %swap3A_2588 {strides = array<i32>} : memref<1x512x14x128xf32, #tpu.memory_space<vmem>>, vector<1x512x1x128xf32>,
    return
  }
  func.func @transform_0(%arg0: i32, %arg1: i32) -> (i32, i32, i32) {
    %c0_i32 = arith.constant 0 : i32
    %c0_i32_0 = arith.constant 0 : i32
    return %arg0, %arg1, %c0_i32 : i32, i32, i32
  }
  func.func @transform_1(%arg0: i32, %arg1: i32) -> (i32, i32, i32) {
    %c0_i32 = arith.constant 0 : i32
    %c0_i32_0 = arith.constant 0 : i32
    return %arg0, %arg1, %c0_i32 : i32, i32, i32
  }
  func.func @transform_2(%arg0: i32, %arg1: i32) -> (i32, i32, i32) {
    %c0_i32 = arith.constant 0 : i32
    %c0_i32_0 = arith.constant 0 : i32
    return %arg0, %arg1, %c0_i32 : i32, i32, i32
  }
  func.func @transform_3(%arg0: i32, %arg1: i32) -> (i32, i32, i32) {
    %c0_i32 = arith.constant 0 : i32
    %c0_i32_0 = arith.constant 0 : i32
    return %arg0, %arg1, %c0_i32 : i32, i32, i32
  }
  func.func @transform_4(%arg0: i32, %arg1: i32) -> (i32, i32, i32) {
    %c0_i32 = arith.constant 0 : i32
    %c0_i32_0 = arith.constant 0 : i32
    return %arg0, %arg1, %c0_i32 : i32, i32, i32
  }
  func.func @transform_5(%arg0: i32, %arg1: i32) -> (i32, i32, i32) {
    %c0_i32 = arith.constant 0 : i32
    %c0_i32_0 = arith.constant 0 : i32
    return %arg0, %arg1, %c0_i32 : i32, i32, i32
  }
  func.func @transform_6(%arg0: i32, %arg1: i32) -> (i32, i32, i32) {
    %c0_i32 = arith.constant 0 : i32
    %c0_i32_0 = arith.constant 0 : i32
    return %arg0, %arg1, %c0_i32 : i32, i32, i32
  }
  func.func @transform_7(%arg0: i32, %arg1: i32) -> (i32, i32) {
    %c0_i32 = arith.constant 0 : i32
    %c0_i32_0 = arith.constant 0 : i32
    %c0_i32_1 = arith.constant 0 : i32
    return %c0_i32, %c0_i32_0 : i32, i32
  }
  func.func @transform_8(%arg0: i32, %arg1: i32) -> (i32, i32) {
    %c0_i32 = arith.constant 0 : i32
    %c0_i32_0 = arith.constant 0 : i32
    %c0_i32_1 = arith.constant 0 : i32
    return %c0_i32, %c0_i32_0 : i32, i32
  }
  func.func @transform_9(%arg0: i32, %arg1: i32) -> (i32, i32) {
    %c0_i32 = arith.constant 0 : i32
    %c0_i32_0 = arith.constant 0 : i32
    %c0_i32_1 = arith.constant 0 : i32
    return %c0_i32, %c0_i32_0 : i32, i32
  }
  func.func @transform_10(%arg0: i32, %arg1: i32) -> (i32, i32) {
    %c0_i32 = arith.constant 0 : i32
    %c0_i32_0 = arith.constant 0 : i32
    %c0_i32_1 = arith.constant 0 : i32
    return %c0_i32, %c0_i32_0 : i32, i32
  }
  func.func @transform_11(%arg0: i32, %arg1: i32) -> (i32, i32) {
    %c0_i32 = arith.constant 0 : i32
    %c0_i32_0 = arith.constant 0 : i32
    %c0_i32_1 = arith.constant 0 : i32
    return %c0_i32, %c0_i32_0 : i32, i32
  }
  func.func @transform_12(%arg0: i32, %arg1: i32) -> (i32, i32, i32, i32) {
    %c0_i32 = arith.constant 0 : i32
    %c0_i32_0 = arith.constant 0 : i32
    %c0_i32_1 = arith.constant 0 : i32
    return %arg0, %arg1, %c0_i32, %c0_i32_0 : i32, i32, i32, i32
  }
}

</mosaic_0001>

<sc_bundles>
// kernel: kernel.5.cloned.1.call-start
scs
__scs_entry_jumppad:
0x0: {  	(pc) =	sbr.rel $0x88, $3  }
0x1: {  	(tag) =	ssettag $0x0;
	lr =	simm.s32 $0x1  }
0x2: {  	[smem:$0x3F97] =	sst lr;
	_ =	strace $0xD0000000  }
0x3: {  	_ = 	snop  }
0x4: {  	_ = 	snop  }
0x5: {  	_ = 	snop  }
0x6: {  	_ = 	snop  }
0x7: {  	_ = 	snop  }
__scs_overlays_trampoline_lowered:
0x8: {  	[smem:$0x3FA6] =	sst s0  }
0x9: {  	[smem:$0x3FA7] =	sst s1  }
0xa: {  	[smem:$0x3FA8] =	sst s2  }
0xb: {  	[smem:$0x3FA9] =	sst s3  }
0xc: {  	[smem:$0x3FAA] =	sst s4  }
0xd: {  	[smem:$0x3FAB] =	sst s5  }
0xe: {  	[smem:$0x3FAC] =	sst s6  }
0xf: {  	[smem:$0x3FAD] =	sst s7  }
0x10: {  	[smem:$0x3FAE] =	sst s8  }
0x11: {  	[smem:$0x3FAF] =	sst s9;
	s0 =	simm.s32 @!p0 $0x0  }
0x12: {  	s1 =	sld [smem:$0x3F95];
	s0 =	simm.s32 @p0 $0x1  }
0x13: {  	[smem:$0x3FB0] =	sst s0;
	s0 =	simm.s32 @!p1 $0x0  }
0x14: {  	s2 =	sld [smem:$0x3F94];
	s0 =	simm.s32 @p1 $0x1  }
0x15: {  	[smem:$0x3FB1] =	sst s0;
	s0 =	simm.s32 @!p2 $0x0  }
0x16: {  	s3 =	sld [smem:$0x3FDB];
	s0 =	simm.s32 @p2 $0x1  }
0x17: {  	s4 =	simm.s32 $0x1BF5;
	[smem:$0x3FB3] =	sst s0  }
0x18: {  	s0 =	sld [smem:$0x3F96];
	_ =	swait.ge [sflag:s4], $0x0  }
0x19: {  	s7 =	sld [smem:$0x3F97]  }
0x1a: {  	s8 =	sadd.s32 $0xFFFFE003, lr  }
0x1b: {  	s9 =	sadd.s32 $0xFFFFFEF7, lr;
	s5 =	simm.s32 $0xFFFFFFFF;
	p2 =	slt.u32 s8, $0xFFFFF086  }
0x1c: {  	p1 =	slt.u32 s9, $0xF7A;
	s5 =	simm.s32 @!p2 $0x0  }
0x1d: {  	s5 =	simm.s32 @p1 $0x1;
	p0 =	seq.s32 s7, s2  }
0x1e: {  	s7 =	smul.u32 @!p0 $0xF7A, s2;
	p2 =	seq.s32 @!p0 s5, $0x0  }
0x1f: {  	s9 =	smul.u32 $0xF7A, s1;
	s8 =	simm.s32 @!p0 $0x1BF5;
	p2 =	por !p2, p0  }
0x20: {  	[sflag:s8] =	ssyncset.s32 @!p0 $0xFFFFF086;
	s6 =	sadd.s32 @!p0 s3, s7;
	s7 =	simm.s32 @!p0 $0x108  }
0x21: {  	s3 =	sadd.s32 s3, s9;
	s6 =	sadd.s32 @!p0 $0x88, s6;
	s7 =	simm.s32 @p2 $0x1082  }
0x22: {  	[simem:s7], [sflag:s8] =	dma.local @!p0 [hbm:s6], $0xF7A  }
0x23: {  	s9 =	sor.u32 $0xD0000000, s2;
	s6 =	simm.s32 $0x108;
	_ =	swait.ge @!p0 [sflag:s8], $0x0  }
0x24: {  	s3 =	sadd.s32 $0x88, s3;
	s6 =	simm.s32 @!p1 $0x1082;
	[sflag:s4] =	ssyncset.s32 $0xFFFFF086  }
0x25: {  	[simem:s6], [sflag:s4] =	dma.local [hbm:s3], $0xF7A  }
0x26: {  	[smem:$0x3F97] =	sst s1;
	(tag) =	ssettag s2;
	_ =	strace s9  }
0x27: {  	s1 =	sld [smem:$0x3FA7]  }
0x28: {  	s2 =	sld [smem:$0x3FA8]  }
0x29: {  	s4 =	sld [smem:$0x3FAA]  }
0x2a: {  	p0 =	seq.s32 s5, $0x0;
	s5 =	sld [smem:$0x3FAB]  }
0x2b: {  	s6 =	sld [smem:$0x3FAC]  }
0x2c: {  	s7 =	sld [smem:$0x3FAD]  }
0x2d: {  	s3 =	simm.s32 $0x108;
	s8 =	sld [smem:$0x3FAE]  }
0x2e: {  	s3 =	simm.s32 @!p0 $0x1082;
	s9 =	sld [smem:$0x3FAF]  }
0x2f: {  	lr =	sadd.s32 s0, s3;
	s0 =	sld [smem:$0x3FA6]  }
0x30: {  	s3 =	sld [smem:$0x3FA9]  }
0x31: {  	[smem:$0x3FB2] =	sst s10  }
0x32: {  	s10 =	sld [smem:$0x3FB0];
	_ =	sdelay $0x3  }
0x33: {  	p0 =	seq.s32 s10, $0x1;
	s10 =	sld [smem:$0x3FB2];
	_ =	sdelay $0x3  }
0x34: {  	[smem:$0x3FB2] =	sst s10  }
0x35: {  	s10 =	sld [smem:$0x3FB1];
	_ =	sdelay $0x3  }
0x36: {  	p1 =	seq.s32 s10, $0x1;
	s10 =	sld [smem:$0x3FB2];
	_ =	sdelay $0x3  }
0x37: {  	[smem:$0x3FB2] =	sst s10  }
0x38: {  	s10 =	sld [smem:$0x3FB3]  }
0x39: {  	_ = 	snop;
	(pc) =	sbr.ind lr, $3  }
0x3a: {  	_ = 	snop  }
0x3b: {  	_ = 	snop  }
0x3c: {  	p2 =	seq.s32 s10, $0x1;
	s10 =	sld [smem:$0x3FB2]  }
0x3d: {  	_ =	shalt  }
0x3e: {  	_ =	shalt  }
0x3f: {  	_ =	shalt  }
0x40: {  	_ =	shalt  }
0x41: {  	_ =	shalt  }
0x42: {  	_ =	shalt  }
0x43: {  	_ =	shalt  }
0x44: {  	_ =	shalt  }
0x45: {  	_ =	shalt  }
0x46: {  	_ =	shalt  }
0x47: {  	_ =	shalt  }
0x48: {  	_ =	shalt  }
0x49: {  	_ =	shalt  }
0x4a: {  	_ =	shalt  }
0x4b: {  	_ =	shalt  }
0x4c: {  	_ =	shalt  }
0x4d: {  	_ =	shalt  }
0x4e: {  	_ =	shalt  }
0x4f: {  	_ =	shalt  }
0x50: {  	_ =	shalt  }
0x51: {  	_ =	shalt  }
0x52: {  	_ =	shalt  }
0x53: {  	_ =	shalt  }
0x54: {  	_ =	shalt  }
0x55: {  	_ =	shalt  }
0x56: {  	_ =	shalt  }
0x57: {  	_ =	shalt  }
0x58: {  	_ =	shalt  }
0x59: {  	_ =	shalt  }
0x5a: {  	_ =	shalt  }
0x5b: {  	_ =	shalt  }
0x5c: {  	_ =	shalt  }
0x5d: {  	_ =	shalt  }
0x5e: {  	_ =	shalt  }
0x5f: {  	_ =	shalt  }
0x60: {  	_ =	shalt  }
0x61: {  	_ =	shalt  }
0x62: {  	_ =	shalt  }
0x63: {  	_ =	shalt  }
0x64: {  	_ =	shalt  }
0x65: {  	_ =	shalt  }
0x66: {  	_ =	shalt  }
0x67: {  	_ =	shalt  }
0x68: {  	_ =	shalt  }
0x69: {  	_ =	shalt  }
0x6a: {  	_ =	shalt  }
0x6b: {  	_ =	shalt  }
0x6c: {  	_ =	shalt  }
0x6d: {  	_ =	shalt  }
0x6e: {  	_ =	shalt  }
0x6f: {  	_ =	shalt  }
0x70: {  	_ =	shalt  }
0x71: {  	_ =	shalt  }
0x72: {  	_ =	shalt  }
0x73: {  	_ =	shalt  }
0x74: {  	_ =	shalt  }
0x75: {  	_ =	shalt  }
0x76: {  	_ =	shalt  }
0x77: {  	_ =	shalt  }
0x78: {  	_ =	shalt  }
0x79: {  	_ =	shalt  }
0x7a: {  	_ =	shalt  }
0x7b: {  	_ =	shalt  }
0x7c: {  	_ =	shalt  }
0x7d: {  	_ =	shalt  }
0x7e: {  	_ =	shalt  }
0x7f: {  	_ =	shalt  }
0x80: {  	_ =	shalt  }
0x81: {  	_ =	shalt  }
0x82: {  	_ =	shalt  }
0x83: {  	_ =	shalt  }
0x84: {  	_ =	shalt  }
0x85: {  	_ =	shalt  }
0x86: {  	_ =	shalt  }
0x87: {  	_ =	shalt  }
.Lfunc_end0:
.L_simem_size_0:
called_computation_lowered:
.L_overlay_start_0:
0x88: {  	s2 =	sld [smem:$0x3FD9]  }
0x89: {  	s3 =	sld [smem:$0x3FFE];
	_ =	sdelay $0x1  }
0x8a: {  	s1 =	srdreg.scid  }
0x8b: {  	s0 =	sand.u32 $0x1, s1  }
0x8c: {  	s14 =	sshll.u32 s0, $0xA;
	s2 =	sadd.s32 s3, s2  }
0x8d: {  	s2 =	sadd.s32 s2, s14  }
0x8e: {  	[smem:$0x3FBE] =	sst s2  }
0x8f: {  	_ = 	snop  }
0x90: {  	s2 =	sld [smem:$0x3FD0];
	_ =	sdelay $0x2  }
0x91: {  	s15 =	simm.s32 $0xA;
	s4 =	simm.s32 $0x10  }
0x92: {  	[smem:s4], [sflag:s15] =	dma.local [hbm:s2], $0x1  }
0x93: {  	_ =	swait.eq [sflag:s15], $0x1  }
0x94: {  	[sflag:s15] =	ssyncset.done $0x0  }
0x95: {  	[sflag:s15] =	ssyncadd.s32 $0xFFFFFFFF  }
0x96: {  	s16 =	sld [smem:$0x10];
	(tm) =	ssettm $0x1  }
0x97: {  	s17 =	sld [smem:$0x3FFB];
	_ =	sdelay $0x3  }
0x98: {  	_ =	strace s17  }
0x99: {  	s3 =	sld [smem:$0x3FFC];
	_ =	sdelay $0x3  }
0x9a: {  	_ =	strace s3  }
0x9b: {  	s3 =	sld [smem:$0x3FFD];
	_ =	sdelay $0x3  }
0x9c: {  	_ =	strace s3  }
0x9d: {  	_ =	strace $0x8FFFFFFF  }
0x9e: {  	s18 =	sld [smem:$0x3FDB];
	_ =	sdelay $0x1  }
0x9f: {  	s19 =	simm.s32 $_scs_section_size  }
0xa0: {  	s5 =	simm.s32 $_size__tile_overlayer_lowered;
	s6 =	simm.s32 $_tile_overlayer_lowered  }
0xa1: {  	s22 =	simm.s32 $0x1BFF;
	s21 =	sshll.u32 s6, $0x1;
	s3 =	sadd.s32 s19, s18  }
0xa2: {  	s7 =	simm.s32 $0x0;
	s20 =	sshll.u32 s5, $0x1;
	s5 =	sadd.s32 s21, s3  }
0xa3: {  	[timem:s7], [sflag:s22] =	dma.local [hbm:s5], s20  }
0xa4: {  	_ =	swait.ge [sflag:s22], s20  }
0xa5: {  	s4 =	ssub.s32 $0x0, s20;
	[sflag:s22] =	ssyncset.done $0x0  }
0xa6: {  	[sflag:s22] =	ssyncadd.s32 s4;
	_ =	sdelay $0x1  }
0xa7: {  	s23 =	simm.s32 $0x1B8B  }
0xa8: {  	_ =	swait.ge [sflag:s23], $0x1  }
0xa9: {  	[sflag:s23] =	ssyncset.done $0x0  }
0xaa: {  	s25 =	simm.s32 $0x1B8E;
	s24 =	sld [smem:$0x3FFE];
	[sflag:s23] =	ssyncadd.s32 $0xFFFFFFFF  }
0xab: {  	s26 =	simm.s32 $execute0_lowered;
	[smem:$0x3FD2] =	sst s25  }
0xac: {  	s5 =	sshll.u32 s26, $0x1;
	_ =	strace $0x80000046;
	[dreg:$0x1] =	wrdreg $0xFFFFFFFF  }
0xad: {  	s28 =	simm.s32 $_size_execute0_lowered;
	s3 =	sadd.s32 s3, s5;
	[dreg:$0x0] =	wrdreg $0x0  }
0xae: {  	s5 =	sshll.u32 s28, $0x1;
	[dreg:$0x2] =	wrdreg s3  }
0xaf: {  	[dreg:$0x3] =	wrdreg s5  }
0xb0: {  	[dreg:$0x4] =	wrdreg $0xC0  }
0xb1: {  	_ =	task [dreg:s7], $0x5FFFF  }
0xb2: {  	[dreg:$0x1] =	wrdreg $0xFFFFFFFF  }
0xb3: {  	[dreg:$0x0] =	wrdreg $0x60  }
0xb4: {  	[dreg:$0x2] =	wrdreg s16  }
0xb5: {  	[dreg:$0x3] =	wrdreg s24  }
0xb6: {  	[dreg:$0x4] =	wrdreg $0x9  }
0xb7: {  	_ =	task.clear_ibuf [dreg:s7], $0x5FFFF;
	_ =	strace $0x90000046  }
0xb8: {  	s29 =	simm.s32 $0x9;
	_ =	strace $0x80000048  }
0xb9: {  	_ =	swait.ge [sflag:s29], $0x1  }
0xba: {  	[sflag:s29] =	ssyncadd.s32 $0xFFFFFFFF  }
0xbb: {  	_ =	strace $0x90000048  }
0xbc: {  	_ =	sfence  }
0xbd: {  	s30 =	sld [smem:$0x0];
	_ =	sdelay $0x2  }
0xbe: {  	s31 =	sshll.u32 s1, $0xD;
	s1 =	sshrl.u32 s1, $0x2  }
0xbf: {  	s3 =	sand.u32 $0x4000, s31;
	s1 =	sadd.s32 s1, s30  }
0xc0: {  	s0 =	sor.u32 s3, s0;
	s1 =	sshll.u32 s1, $0x11  }
0xc1: {  	s0 =	sor.u32 s1, s0  }
0xc2: {  	s0 =	sadd.s32 $0x8F2B, s0  }
0xc3: {  	[sflag:s0] =	ssyncadd.remote.s32 $0x1  }
0xc4: {  	_ =	sfence.sel $0xFFFF  }
0xc5: {  	[dreg:$0x0] =	wrdreg $0xFFFFFFFF;
	(pc) =	sbr.abs _section_cstart, $3  }
0xc6: {  	[dreg:$0x1] =	wrdreg $0xFFFFFFFF  }
0xc7: {  	_ =	task.clear_ibuf [dreg:s7], $0x2FFFF;
	_ =	strace $0x9FFFFFFF  }
0xc8: {  	(tm) =	ssettm $0x7FFFFFFF  }
0xc9: {  	_ =	shalt  }
tec
execute0_lowered:
.L_overlay_start_1:
0x0: {  	(tag) =	ssettag $0x1  }
0x1: {  	s1 =	srdreg.scid;
	s0 =	stileid.u32  }
0x2: {  	s18 =	sand.u32 $0x1, s1;
	s31 =	sshll.u32 s0, $0x1  }
0x3: {  	s2 =	rddreg [dreg:$0x0];
	s1 =	sor.u32 s18, s31  }
0x4: {  	s14 =	rddreg [dreg:$0x1];
	s3 =	simm.s32 $0x0;
	s4 =	smul.u32 $0xE0, s1  }
0x5: {  	[smem:$0x7FF] =	sst s3  }
0x6: {  	s1 =	rddreg [dreg:$0x2];
	s19 =	sadd.s32 s4, s14  }
0x7: {  	_ =	strace $0x80000047;
	s4 =	simm.s32 $0x2;
	s5 =	sadd.s32 $0x2A00, s19  }
0x8: {  	[tilespmem:s3], [sflag:$0x2] =	stream.linear.gather [hbm4b:s5+s3], $0x700, $0x38;
	[tilespmem:$0x2A00] =	vst v63  }
0x9: {  	_ =	swait.ge [sflag:s4], $0x700  }
0xa: {  	[sflag:s4] =	ssyncset.done $0x0  }
0xb: {  	s7 =	simm.s32 $0x700;
	s6 =	sadd.s32 $0x4600, s19;
	[sflag:s4] =	ssyncadd.s32 $0xFFFFF900  }
0xc: {  	[tilespmem:s7], [sflag:$0x2] =	stream.linear.gather [hbm4b:s6+s3], $0x700, $0x38;
	[tilespmem:$0x2A00] =	vst v63  }
0xd: {  	_ =	swait.ge [sflag:s4], $0x700  }
0xe: {  	[sflag:s4] =	ssyncset.done $0x0  }
0xf: {  	s8 =	simm.s32 $0xE00;
	s9 =	simm.s32 $0x1;
	[sflag:s4] =	ssyncadd.s32 $0xFFFFF900  }
0x10: {  	[tilespmem:s8], [sflag:$0x1] =	stream.indirect.gather [hbm4b:s2+s7], $0x1, s3, s7, $0xb8;
	[tilespmem:$0x2A00] =	vst v63  }
0x11: {  	_ =	swait.ge [sflag:s9], $0x700  }
0x12: {  	[sflag:s9] =	ssyncset.done $0x0  }
0x13: {  	s11 =	simm.s32 $0x1500;
	s10 =	sadd.s32 $0x6200, s14;
	[sflag:s9] =	ssyncadd.s32 $0xFFFFF900  }
0x14: {  	[tilespmem:s11], [sflag:$0x1] =	stream.indirect.gather [hbm4b:s10+s7], $0x1, s3, s7, $0xb8;
	[tilespmem:$0x2A00] =	vst v63  }
0x15: {  	_ =	swait.ge [sflag:s9], $0x700  }
0x16: {  	[sflag:s9] =	ssyncset.done $0x0  }
0x17: {  	s13 =	simm.s32 $0x1C00;
	s12 =	sadd.s32 $0x86200, s14;
	[sflag:s9] =	ssyncadd.s32 $0xFFFFF900  }
0x18: {  	[tilespmem:s13], [sflag:$0x1] =	stream.indirect.gather [hbm4b:s12+s7], $0x1, s3, s7, $0xb8;
	[tilespmem:$0x2A00] =	vst v63  }
0x19: {  	_ =	swait.ge [sflag:s9], $0x700  }
0x1a: {  	[sflag:s9] =	ssyncset.done $0x0  }
0x1b: {  	s15 =	simm.s32 $0x2300;
	s14 =	sadd.s32 $0x2800, s14;
	[sflag:s9] =	ssyncadd.s32 $0xFFFFF900  }
0x1c: {  	[tilespmem:s15], [sflag:$0x1] =	stream.indirect.gather [hbm4b:s14+s7], $0x1, s7, s7, $0xb8;
	[tilespmem:$0x2A00] =	vst v63  }
0x1d: {  	_ =	swait.ge [sflag:s9], $0x700  }
0x1e: {  	[sflag:s9] =	ssyncset.done $0x0  }
0x1f: {  	s16 =	sadd.s32 $0x106200, s19;
	[sflag:s9] =	ssyncadd.s32 $0xFFFFF900  }
0x20: {  	[hbm4b:s16+s3] =	stream.linear.scatter [tilespmem:s8], [sflag:$0x2], $0x700, $0x38;
	[tilespmem:$0x2A00] =	vst v63  }
0x21: {  	_ =	swait.ge [sflag:s4], $0x700  }
0x22: {  	[sflag:s4] =	ssyncset.done $0x0  }
0x23: {  	s20 =	ssub.s32 $0x2, s18;
	s17 =	sadd.s32 $0x107E00, s19;
	[sflag:s4] =	ssyncadd.s32 $0xFFFFF900  }
0x24: {  	[hbm4b:s17+s3] =	stream.linear.scatter [tilespmem:s11], [sflag:$0x2], $0x700, $0x38;
	[tilespmem:$0x2A00] =	vst v63  }
0x25: {  	s21 =	sshrl.u32 s20, $0x1;
	_ =	swait.ge [sflag:s4], $0x700  }
0x26: {  	s20 =	ssub.s32 s20, s21;
	[sflag:s4] =	ssyncset.done $0x0  }
0x27: {  	s20 =	smax.u32 s20, $0x1;
	s18 =	sadd.s32 $0x109A00, s19;
	[sflag:s4] =	ssyncadd.s32 $0xFFFFF900  }
0x28: {  	[hbm4b:s18+s3] =	stream.linear.scatter [tilespmem:s13], [sflag:$0x2], $0x700, $0x38;
	[tilespmem:$0x2A00] =	vst v63  }
0x29: {  	p0 =	sne.s32 s20, $0x1;
	_ =	swait.ge [sflag:s4], $0x700  }
.Ltmp0:
0x2a: {  	[sflag:s4] =	ssyncset.done $0x0;
	(pc) =	sbr.rel @!p0 .LBB2_2-.Ltmp0, $4  }
0x2b: {  	s19 =	sadd.s32 $0x10B600, s19;
	[sflag:s4] =	ssyncadd.s32 $0xFFFFF900  }
0x2c: {  	[hbm4b:s19+s3] =	stream.linear.scatter [tilespmem:s15], [sflag:$0x2], $0x700, $0x38;
	[tilespmem:$0x2A00] =	vst v63  }
0x2d: {  	_ =	swait.ge [sflag:s4], $0x700  }
0x2e: {  	s20 =	sadd.s32 $0xFFFFFFFF, s20;
	[sflag:s4] =	ssyncset.done $0x0  }
.LBB2_1:
0x2f: {  	p0 =	sne.s32 s20, $0x1;
	s20 =	sadd.s32 $0xFFFFFFFF, s20;
	[sflag:s4] =	ssyncadd.s32 $0xFFFFF900  }
0x30: {  	[tilespmem:s3], [sflag:$0x2] =	stream.linear.gather [hbm4b:s5+s3], $0x700, $0x38;
	[tilespmem:$0x2A00] =	vst v63  }
0x31: {  	_ =	swait.ge [sflag:s4], $0x700  }
0x32: {  	[sflag:s4] =	ssyncset.done $0x0  }
0x33: {  	[sflag:s4] =	ssyncadd.s32 $0xFFFFF900  }
0x34: {  	[tilespmem:s7], [sflag:$0x2] =	stream.linear.gather [hbm4b:s6+s3], $0x700, $0x38;
	[tilespmem:$0x2A00] =	vst v63  }
0x35: {  	_ =	swait.ge [sflag:s4], $0x700  }
0x36: {  	[sflag:s4] =	ssyncset.done $0x0  }
0x37: {  	[sflag:s4] =	ssyncadd.s32 $0xFFFFF900  }
0x38: {  	[tilespmem:s8], [sflag:$0x1] =	stream.indirect.gather [hbm4b:s2+s7], $0x1, s3, s7, $0xb8;
	[tilespmem:$0x2A00] =	vst v63  }
0x39: {  	_ =	swait.ge [sflag:s9], $0x700  }
0x3a: {  	[sflag:s9] =	ssyncset.done $0x0  }
0x3b: {  	[sflag:s9] =	ssyncadd.s32 $0xFFFFF900  }
0x3c: {  	[tilespmem:s11], [sflag:$0x1] =	stream.indirect.gather [hbm4b:s10+s7], $0x1, s3, s7, $0xb8;
	[tilespmem:$0x2A00] =	vst v63  }
0x3d: {  	_ =	swait.ge [sflag:s9], $0x700  }
0x3e: {  	[sflag:s9] =	ssyncset.done $0x0  }
0x3f: {  	[sflag:s9] =	ssyncadd.s32 $0xFFFFF900  }
0x40: {  	[tilespmem:s13], [sflag:$0x1] =	stream.indirect.gather [hbm4b:s12+s7], $0x1, s3, s7, $0xb8;
	[tilespmem:$0x2A00] =	vst v63  }
0x41: {  	_ =	swait.ge [sflag:s9], $0x700  }
0x42: {  	[sflag:s9] =	ssyncset.done $0x0  }
0x43: {  	[sflag:s9] =	ssyncadd.s32 $0xFFFFF900  }
0x44: {  	[tilespmem:s15], [sflag:$0x1] =	stream.indirect.gather [hbm4b:s14+s7], $0x1, s7, s7, $0xb8;
	[tilespmem:$0x2A00] =	vst v63  }
0x45: {  	_ =	swait.ge [sflag:s9], $0x700  }
0x46: {  	[sflag:s9] =	ssyncset.done $0x0  }
0x47: {  	[sflag:s9] =	ssyncadd.s32 $0xFFFFF900  }
0x48: {  	[hbm4b:s16+s3] =	stream.linear.scatter [tilespmem:s8], [sflag:$0x2], $0x700, $0x38;
	[tilespmem:$0x2A00] =	vst v63  }
0x49: {  	_ =	swait.ge [sflag:s4], $0x700  }
0x4a: {  	[sflag:s4] =	ssyncset.done $0x0  }
0x4b: {  	[sflag:s4] =	ssyncadd.s32 $0xFFFFF900  }
0x4c: {  	[hbm4b:s17+s3] =	stream.linear.scatter [tilespmem:s11], [sflag:$0x2], $0x700, $0x38;
	[tilespmem:$0x2A00] =	vst v63  }
0x4d: {  	_ =	swait.ge [sflag:s4], $0x700  }
0x4e: {  	[sflag:s4] =	ssyncset.done $0x0  }
0x4f: {  	[sflag:s4] =	ssyncadd.s32 $0xFFFFF900  }
0x50: {  	[hbm4b:s18+s3] =	stream.linear.scatter [tilespmem:s13], [sflag:$0x2], $0x700, $0x38;
	[tilespmem:$0x2A00] =	vst v63  }
0x51: {  	_ =	swait.ge [sflag:s4], $0x700  }
.Ltmp1:
0x52: {  	[sflag:s4] =	ssyncset.done $0x0;
	(pc) =	sbr.rel @p0 .LBB2_1-.Ltmp1, $4  }
0x53: {  	[sflag:s4] =	ssyncadd.s32 $0xFFFFF900  }
0x54: {  	[hbm4b:s19+s3] =	stream.linear.scatter [tilespmem:s15], [sflag:$0x2], $0x700, $0x38;
	[tilespmem:$0x2A00] =	vst v63  }
0x55: {  	_ =	swait.ge [sflag:s4], $0x700  }
0x56: {  	[sflag:s4] =	ssyncset.done $0x0  }
.LBB2_2:
0x57: {  	[sflag:s4] =	ssyncadd.s32 $0xFFFFF900  }
0x58: {  	_ =	sfence.sel $0x180000  }
0x59: {  	[bflag:$0x0] =	sbarrier.arrive $0xFFFF  }
0x5a: {  	p0 =	sne.s32 s0, $0x0;
	_ =	strace $0x90000047  }
0x5b: {  	s0 =	sadd.s32 @!p0 $0x100000, s1;
	[bflag:$0x2] =	sbarrier.arrive $0xFFFF  }
0x5c: {  	[sflag:s0] =	ssyncadd.tile.s32 @!p0 $0x1;
	_ =	shalt  }
.Lfunc_end2:
_tile_overlayer_lowered:
.L_overlay_start_2:
0x5d: {  	(tag) =	ssettag $0x2  }
0x5e: {  	s0 =	rddreg [dreg:$0x0];
	s2 =	stileid.u32  }
0x5f: {  	s1 =	rddreg [dreg:$0x1];
	p0 =	sne.s32 s2, $0x0  }
0x60: {  	s3 =	rddreg [dreg:$0x2];
	[bflag:$0x3] =	sbarrier.arrive $0xFFFF;
	s2 =	simm.s32 @!p0 $0x1C02  }
0x61: {  	[timem:s3], [sflag:s2] =	dma.local @!p0 [hbm:s0], s1  }
0x62: {  	s0 =	simm.s32 @!p0 $0x2  }
0x63: {  	_ =	swait.ge @!p0 [sflag:s0], s1  }
0x64: {  	s1 =	ssub.s32 @!p0 $0x0, s1;
	[sflag:s0] =	ssyncset.done @!p0 $0x0  }
0x65: {  	[sflag:s0] =	ssyncadd.s32 @!p0 s1  }
0x66: {  	[bflag:$0x3] =	sbarrier.arrive $0xFFFF  }
0x67: {  	_ =	shalt  }

</sc_bundles>
